<compile_context>
chip_gen: v7x
topology: tpu7x:2x2x1
jax: 0.10.2.dev20260603
libtpu: 0.0.44.dev20260713+nightly
codegen_flags: <defaults>
</compile_context>

<pallas_src>
import functools

import jax
import jax.numpy as jnp
from jax import lax
from jax.experimental import pallas as pl
from jax.experimental.pallas import tpu as pltpu
from jax.experimental.pallas import tpu_sc as plsc

N = 10000
NN = 10240
E = 320000
F = 128
FH = F // 2
NCLS = 40
NC = 2
NS = 16
L = 16
CH = 128
PT = E // NS
NCHK = 160
PTP = NCHK * CH
PAD_NODE = N
CPT = NN // NS
K1SPLIT = NCHK // NC
K1BLK = 16
RB = NN // 8
G4 = NN // RB

_MESH = plsc.VectorSubcoreMesh(core_axis_name="c", subcore_axis_name="s")


def _zero_1d_slice(pay, dst_sh, off):
    for k in range(CPT // CH):
        pltpu.sync_copy(pay, dst_sh.at[pl.ds(off + k * CH, CH)])


@functools.partial(
    pl.kernel,
    out_type=jax.ShapeDtypeStruct((NC, 2, 2, NN), jnp.float32),
    mesh=_MESH,
    scratch_types=[
        pltpu.VMEM((K1BLK, CH), jnp.int32),
        pltpu.VMEM((K1BLK, CH), jnp.int32),
        pltpu.VMEM((CH,), jnp.float32),
        pltpu.SemaphoreType.DMA,
        pltpu.SemaphoreType.DMA,
        pltpu.VMEM_SHARED((NN,), jnp.float32),
        pltpu.VMEM_SHARED((NN,), jnp.float32),
        pltpu.VMEM_SHARED((NN,), jnp.float32),
        pltpu.VMEM_SHARED((NN,), jnp.float32),
    ],
)
def _deg_kernel(src_hbm, dst_hbm, out_hbm, sslab, dslab, pay,
                semSA, semSB, houtA, hinA, houtB, hinB):
    c = lax.axis_index("c")
    s = lax.axis_index("s")
    for k in range(CH // L):
        pay[pl.ds(k * L, L)] = jnp.zeros((L,), jnp.float32)
    _zero_1d_slice(pay, houtA, s * CPT)
    _zero_1d_slice(pay, hinA, s * CPT)
    _zero_1d_slice(pay, houtB, s * CPT)
    _zero_1d_slice(pay, hinB, s * CPT)
    plsc.subcore_barrier()
    for k in range(CH // L):
        pay[pl.ds(k * L, L)] = jnp.ones((L,), jnp.float32)
    j00 = K1SPLIT * c

    for st in range(K1SPLIT // K1BLK):
        if st > 0:
            pltpu.make_async_copy(pay, houtA.at[sslab.at[0]], semSA).wait()
            pltpu.make_async_copy(pay, hinA.at[dslab.at[0]], semSA).wait()
            pltpu.make_async_copy(pay, houtB.at[sslab.at[0]], semSB).wait()
            pltpu.make_async_copy(pay, hinB.at[dslab.at[0]], semSB).wait()
        pltpu.sync_copy(src_hbm.at[s].at[pl.ds(j00 + st * K1BLK, K1BLK)],
                        sslab)
        pltpu.sync_copy(dst_hbm.at[s].at[pl.ds(j00 + st * K1BLK, K1BLK)],
                        dslab)

        def inner(m, carry):
            jA = 2 * m
            jB = jA + 1

            @pl.when(m > 0)
            def _():
                pltpu.make_async_copy(pay, houtA.at[sslab.at[0]],
                                      semSA).wait()
                pltpu.make_async_copy(pay, hinA.at[dslab.at[0]],
                                      semSA).wait()

            pltpu.async_copy(pay, houtA.at[sslab.at[jA]], semSA, add=True)
            pltpu.async_copy(pay, hinA.at[dslab.at[jA]], semSA, add=True)

            @pl.when(m > 0)
            def _():
                pltpu.make_async_copy(pay, houtB.at[sslab.at[0]],
                                      semSB).wait()
                pltpu.make_async_copy(pay, hinB.at[dslab.at[0]],
                                      semSB).wait()

            pltpu.async_copy(pay, houtB.at[sslab.at[jB]], semSB, add=True)
            pltpu.async_copy(pay, hinB.at[dslab.at[jB]], semSB, add=True)
            return carry

        lax.fori_loop(0, K1BLK // 2, inner, 0)

    pltpu.make_async_copy(pay, houtA.at[sslab.at[0]], semSA).wait()
    pltpu.make_async_copy(pay, hinA.at[dslab.at[0]], semSA).wait()
    pltpu.make_async_copy(pay, houtB.at[sslab.at[0]], semSB).wait()
    pltpu.make_async_copy(pay, hinB.at[dslab.at[0]], semSB).wait()
    plsc.subcore_barrier()

    @pl.when(s == 0)
    def _():
        pltpu.sync_copy(houtA, out_hbm.at[c, 0, 0])
        pltpu.sync_copy(hinA, out_hbm.at[c, 1, 0])
        pltpu.sync_copy(houtB, out_hbm.at[c, 0, 1])
        pltpu.sync_copy(hinB, out_hbm.at[c, 1, 1])


def _k2_body(x_ref, w1_ref, deg_ref, h_ref, dd_ref):
    dp = deg_ref[...]
    od = dp[:, 0:1] + dp[:, 1:2] + dp[:, 4:5] + dp[:, 5:6]
    idg = dp[:, 2:3] + dp[:, 3:4] + dp[:, 6:7] + dp[:, 7:8]
    so = lax.rsqrt(jnp.maximum(od, 1.0))
    si = lax.rsqrt(jnp.maximum(idg, 1.0))
    xw = jnp.dot(x_ref[...], w1_ref[...], preferred_element_type=jnp.float32)
    hw = (xw * so).astype(jnp.bfloat16)
    h_ref[0] = hw[:, :FH]
    h_ref[1] = hw[:, FH:]
    dd_ref[...] = jnp.concatenate([so, si], axis=1)


def _run_k2(x, W1, deg_nm):
    return pl.pallas_call(
        _k2_body,
        grid=(G4,),
        in_specs=[
            pl.BlockSpec((RB, F), lambda b: (b, 0)),
            pl.BlockSpec((F, F), lambda b: (0, 0)),
            pl.BlockSpec((RB, 8), lambda b: (b, 0)),
        ],
        out_specs=[
            pl.BlockSpec((NC, RB, FH), lambda b: (0, b, 0)),
            pl.BlockSpec((RB, 2), lambda b: (b, 0)),
        ],
        out_shape=[
            jax.ShapeDtypeStruct((NC, NN, FH), jnp.bfloat16),
            jax.ShapeDtypeStruct((NN, 2), jnp.float32),
        ],
    )(x, W1, deg_nm)


@functools.partial(
    pl.kernel,
    out_type=[
        jax.ShapeDtypeStruct((NC, 2, NN, FH), jnp.bfloat16),
        jax.ShapeDtypeStruct((NC, NN), jnp.float32),
    ],
    mesh=_MESH,
    scratch_types=[
        pltpu.VMEM((NCHK, CH), jnp.int32),
        pltpu.VMEM((NCHK, CH), jnp.int32),
        pltpu.VMEM((CH, FH), jnp.bfloat16),
        pltpu.VMEM((CH, FH), jnp.bfloat16),
        pltpu.VMEM((CH, FH), jnp.bfloat16),
        pltpu.VMEM((CH, FH), jnp.bfloat16),
        pltpu.VMEM((CH,), jnp.float32),
        pltpu.VMEM((CH,), jnp.float32),
        pltpu.SemaphoreType.DMA,
        pltpu.SemaphoreType.DMA,
        pltpu.SemaphoreType.DMA,
        pltpu.SemaphoreType.DMA,
        pltpu.SemaphoreType.DMA,
        pltpu.SemaphoreType.DMA,
        pltpu.SemaphoreType.DMA,
        pltpu.SemaphoreType.DMA,
        pltpu.SemaphoreType.DMA,
        pltpu.VMEM_SHARED((NN, FH), jnp.bfloat16),
        pltpu.VMEM_SHARED((NN, FH), jnp.bfloat16),
        pltpu.VMEM_SHARED((NN, FH), jnp.bfloat16),
        pltpu.VMEM_SHARED((NN,), jnp.float32),
    ],
    compiler_params=pltpu.CompilerParams(use_tc_tiling_on_sc=False),
)
def _mp_kernel(src_hbm, dst_hbm, din_hbm, h_hbm, agg_hbm, c_hbm,
               src_v, dst_v, r0, r1, r2, r3, cpayP, cpayQ,
               g0, g1, g2, g3, semA, semB, semcP, semcQ, semx,
               aggA_sh, aggB_sh, h_sh, c_sh):
    c = lax.axis_index("c")
    s = lax.axis_index("s")

    for k in range(CH // L):
        cpayP[pl.ds(k * L, L)] = jnp.zeros((L,), jnp.float32)
    _zero_1d_slice(cpayP, c_sh, s * CPT)

    def zrow(i, carry):
        for k in range(FH // (2 * L)):
            r0[i, pl.ds(k * 2 * L, 2 * L)] = jnp.zeros((2 * L,), jnp.bfloat16)
        return carry

    lax.fori_loop(0, CH, zrow, 0)
    roff = s * CPT
    for k in range(CPT // CH):
        pltpu.sync_copy(r0, aggA_sh.at[pl.ds(roff + k * CH, CH)])
        pltpu.sync_copy(r0, aggB_sh.at[pl.ds(roff + k * CH, CH)])

    pltpu.sync_copy(src_hbm.at[s], src_v)
    pltpu.sync_copy(dst_hbm.at[s], dst_v)
    pltpu.sync_copy(h_hbm.at[c].at[pl.ds(roff, CPT)],
                    h_sh.at[pl.ds(roff, CPT)])
    plsc.subcore_barrier()

    hsl = h_sh
    rbufs = (r0, r1, r2, r3)
    gsems = (g0, g1, g2, g3)

    for k in range(4):
        pltpu.async_copy(hsl.at[src_v.at[k]], rbufs[k], gsems[k])
    pltpu.async_copy(din_hbm.at[dst_v.at[c]], cpayP, semcP)
    pltpu.async_copy(din_hbm.at[dst_v.at[2 + c]], cpayQ, semcQ)

    NI = NCHK // 4

    def body(i, carry):
        j0 = 4 * i
        jc0 = j0 + c
        jc1 = j0 + 2 + c
        pltpu.make_async_copy(hsl.at[src_v.at[j0]], r0, g0).wait()
        pltpu.async_copy(r0, aggA_sh.at[dst_v.at[j0]], semA, add=True)
        pltpu.make_async_copy(hsl.at[src_v.at[j0 + 1]], r1, g1).wait()
        pltpu.async_copy(r1, aggB_sh.at[dst_v.at[j0 + 1]], semB, add=True)

        @pl.when(i >= 1)
        def _():
            pltpu.make_async_copy(cpayQ, c_sh.at[src_v.at[0]], semx).wait()
            pltpu.async_copy(din_hbm.at[dst_v.at[jc1]], cpayQ, semcQ)

        pltpu.make_async_copy(din_hbm.at[dst_v.at[jc0]], cpayP, semcP).wait()
        pltpu.async_copy(cpayP, c_sh.at[src_v.at[jc0]], semx, add=True)

        pltpu.make_async_copy(r0, aggA_sh.at[dst_v.at[j0]], semA).wait()

        @pl.when(i < NI - 1)
        def _():
            pltpu.async_copy(hsl.at[src_v.at[j0 + 4]], r0, g0)

        pltpu.make_async_copy(hsl.at[src_v.at[j0 + 2]], r2, g2).wait()
        pltpu.async_copy(r2, aggA_sh.at[dst_v.at[j0 + 2]], semA, add=True)
        pltpu.make_async_copy(r1, aggB_sh.at[dst_v.at[j0 + 1]], semB).wait()

        @pl.when(i < NI - 1)
        def _():
            pltpu.async_copy(hsl.at[src_v.at[j0 + 5]], r1, g1)

        pltpu.make_async_copy(hsl.at[src_v.at[j0 + 3]], r3, g3).wait()
        pltpu.async_copy(r3, aggB_sh.at[dst_v.at[j0 + 3]], semB, add=True)

        pltpu.make_async_copy(cpayP, c_sh.at[src_v.at[0]], semx).wait()

        @pl.when(i < NI - 1)
        def _():
            pltpu.async_copy(din_hbm.at[dst_v.at[jc0 + 4]], cpayP, semcP)

        pltpu.make_async_copy(din_hbm.at[dst_v.at[jc1]], cpayQ, semcQ).wait()
        pltpu.async_copy(cpayQ, c_sh.at[src_v.at[jc1]], semx, add=True)

        pltpu.make_async_copy(r2, aggA_sh.at[dst_v.at[j0 + 2]], semA).wait()

        @pl.when(i < NI - 1)
        def _():
            pltpu.async_copy(hsl.at[src_v.at[j0 + 6]], r2, g2)

        pltpu.make_async_copy(r3, aggB_sh.at[dst_v.at[j0 + 3]], semB).wait()

        @pl.when(i < NI - 1)
        def _():
            pltpu.async_copy(hsl.at[src_v.at[j0 + 7]], r3, g3)

        return carry

    lax.fori_loop(0, NI, body, 0)
    pltpu.make_async_copy(cpayQ, c_sh.at[src_v.at[0]], semx).wait()

    plsc.subcore_barrier()
    pltpu.sync_copy(aggA_sh.at[pl.ds(roff, CPT)],
                    agg_hbm.at[c, 0].at[pl.ds(roff, CPT)])
    pltpu.sync_copy(aggB_sh.at[pl.ds(roff, CPT)],
                    agg_hbm.at[c, 1].at[pl.ds(roff, CPT)])

    @pl.when(s == 0)
    def _():
        pltpu.sync_copy(c_sh, c_hbm.at[c])


def _k4_body(agg_ref, cp_ref, dd_ref, b1_ref, w2_ref, b2_ref, out_ref, s_acc):
    b = pl.program_id(0)
    dp = dd_ref[...]
    so = dp[:, 0:1]
    si = dp[:, 1:2]
    a0 = (agg_ref[0, 0].astype(jnp.float32)
          + agg_ref[0, 1].astype(jnp.float32))
    a1 = (agg_ref[1, 0].astype(jnp.float32)
          + agg_ref[1, 1].astype(jnp.float32))
    a = jnp.concatenate([a0, a1], axis=1)
    cp = cp_ref[...]
    cw = cp[:, 0:1] + cp[:, 1:2]
    m = jnp.maximum(a * si + b1_ref[...], 0.0)
    w = cw * so
    gid = lax.broadcasted_iota(jnp.int32, (RB, 1), 0) + b * RB
    w = jnp.where(gid < N, w, 0.0)
    m = jnp.where(gid < N, m, 0.0)
    contrib = lax.dot_general(w, m, (((0,), (0,)), ((), ())),
                              preferred_element_type=jnp.float32)

    @pl.when(b == 0)
    def _():
        s_acc[...] = contrib

    @pl.when(b > 0)
    def _():
        s_acc[...] = s_acc[...] + contrib

    @pl.when(b == G4 - 1)
    def _():
        out_ref[...] = (
            jnp.dot(s_acc[...] * (1.0 / N), w2_ref[...],
                    preferred_element_type=jnp.float32) + b2_ref[...]
        )


def _run_k4(agg_parts, cp_nm, dd, b1, W2, b2):
    return pl.pallas_call(
        _k4_body,
        grid=(G4,),
        in_specs=[
            pl.BlockSpec((NC, 2, RB, FH), lambda b: (0, 0, b, 0)),
            pl.BlockSpec((RB, NC), lambda b: (b, 0)),
            pl.BlockSpec((RB, 2), lambda b: (b, 0)),
            pl.BlockSpec((1, F), lambda b: (0, 0)),
            pl.BlockSpec((F, NCLS), lambda b: (0, 0)),
            pl.BlockSpec((1, NCLS), lambda b: (0, 0)),
        ],
        out_specs=pl.BlockSpec((1, NCLS), lambda b: (0, 0)),
        out_shape=jax.ShapeDtypeStruct((1, NCLS), jnp.float32),
        scratch_shapes=[pltpu.VMEM((1, F), jnp.float32)],
    )(agg_parts, cp_nm, dd, b1, W2, b2)


def kernel(in_feat, edge_index, W1, b1, W2, b2):
    ei = edge_index.astype(jnp.int32)
    sd = ei.reshape(2, NS, PT)
    pad = jnp.full((2, NS, PTP - PT), PAD_NODE, jnp.int32)
    sd = jnp.concatenate([sd, pad], axis=2).reshape(2, NS, NCHK, CH)
    src_slabs, dst_slabs = sd[0], sd[1]

    deg = _deg_kernel(src_slabs, dst_slabs)
    deg_nm = jnp.transpose(deg.reshape(NC * 4, NN), (1, 0))

    h3, dd = _run_k2(in_feat, W1, deg_nm)

    din_flat = dd[:, 1]
    agg_parts, c_parts = _mp_kernel(src_slabs, dst_slabs, din_flat, h3)

    cp_nm = jnp.transpose(c_parts, (1, 0))
    return _run_k4(agg_parts, cp_nm, dd,
                   b1.reshape(1, F), W2, b2.reshape(1, NCLS))

# --- scband reference (transcript-rebuilt; emitter-appended) ---
"""Pipeline reference for scband-gcn-81819126989173 (READ-ONLY COPY).

The authoritative reference and input builder live on the scoring server;
editing this copy changes nothing except your own understanding.
"""

import jax, jax.numpy as jnp
import numpy as np

N_NODES = 10000
N_EDGES = 320000
IN_FEATS = 128
H_FEATS = 128
NUM_CLASSES = 40


def setup_inputs(seed: int = 0) -> dict:
    key = jax.random.key(seed)
    k1, k2, k3, k4 = jax.random.split(key, 4)
    in_feat = jax.random.normal(k1, (N_NODES, IN_FEATS), dtype=jnp.float32)
    edge_index = jax.random.randint(k2, (2, N_EDGES), 0, N_NODES, dtype=jnp.int64)
    # GraphConv parameters (glorot-ish scale)
    W1 = jax.random.normal(k3, (IN_FEATS, H_FEATS), dtype=jnp.float32) * 0.05
    b1 = jnp.zeros((H_FEATS,), dtype=jnp.float32)
    W2 = jax.random.normal(k4, (H_FEATS, NUM_CLASSES), dtype=jnp.float32) * 0.05
    b2 = jnp.zeros((NUM_CLASSES,), dtype=jnp.float32)
    return {"in_feat": in_feat, "edge_index": edge_index, "W1": W1, "b1": b1, "W2": W2, "b2": b2}


def _graph_conv(h, W, b, src, dst, n_nodes):
    # DGL GraphConv with norm='both', allow_zero_in_degree=True:
    # h' = D_in^{-1/2} A D_out^{-1/2} h W + b, degrees clamped to >=1
    out_deg = jnp.zeros((n_nodes,), dtype=h.dtype).at[src].add(1.0)
    out_deg = jnp.clip(out_deg, 1.0)
    h = h * (out_deg ** -0.5)[:, None]
    h = h @ W
    # message passing: gather from src, scatter-add to dst
    agg = jnp.zeros((n_nodes, h.shape[1]), dtype=h.dtype).at[dst].add(h[src])
    in_deg = jnp.zeros((n_nodes,), dtype=h.dtype).at[dst].add(1.0)
    in_deg = jnp.clip(in_deg, 1.0)
    return agg * (in_deg ** -0.5)[:, None] + b


def reference(in_feat, edge_index, W1, b1, W2, b2):
    n_nodes = in_feat.shape[0]
    src = edge_index[0]
    dst = edge_index[1]
    h = _graph_conv(in_feat, W1, b1, src, dst, n_nodes)
    h = jax.nn.relu(h)
    h = _graph_conv(h, W2, b2, src, dst, n_nodes)
    # dgl.mean_nodes over a single (batched) graph -> [1, num_classes]
    mean_node = jnp.mean(h, axis=0, keepdims=True)
    return mean_node

if __name__ == "__main__":
    import jax
    _d = setup_inputs()
    print(jax.jit(kernel)(*tuple(_d.values())))

</pallas_src>

<mosaic_0001>
#map = affine_map<(d0, d1) -> (0, 0, 0)>
#map1 = affine_map<(d0, d1) -> (0, 0, 0, 0)>
module attributes {stable_mosaic.version = 14 : i64} {
  func.func @_deg_kernel(%arg0: i32, %arg1: i32, %arg2: memref<16x160x128xi32, #tpu.memory_space<hbm>>, %arg3: memref<16x160x128xi32, #tpu.memory_space<hbm>>, %arg4: memref<2x2x2x10240xf32, #tpu.memory_space<hbm>>, %arg5: memref<16x128xi32, #tpu.memory_space<vmem>>, %arg6: memref<16x128xi32, #tpu.memory_space<vmem>>, %arg7: memref<128xf32, #tpu.memory_space<vmem>>, %arg8: memref<!tpu.dma_semaphore, #tpu.memory_space<semaphore_mem>>, %arg9: memref<!tpu.dma_semaphore, #tpu.memory_space<semaphore_mem>>, %arg10: memref<10240xf32, #tpu.memory_space<vmem_shared>>, %arg11: memref<10240xf32, #tpu.memory_space<vmem_shared>>, %arg12: memref<10240xf32, #tpu.memory_space<vmem_shared>>, %arg13: memref<10240xf32, #tpu.memory_space<vmem_shared>>) attributes {dimension_semantics = [#tpu.dimension_semantics<core_parallel>, #tpu.dimension_semantics<subcore_parallel>], iteration_bounds = array<i64: 2, 16>, scalar_prefetch = 0 : i64, scratch_operands = 9 : i64, tpu.core_type = #tpu.core_type<sc_vector_subcore>, window_params = [{transform_indices = #map}, {transform_indices = #map}, {transform_indices = #map1}]} {
    %broadcast_in_dim3A = arith.constant 0.000000e+00 : f32
    %broadcast_in_dim3A_0 = vector.broadcast %broadcast_in_dim3A : f32 to vector<16xf32>
    %swap3A = arith.constant 0 : index
    %swap3A_1 = tpu.vector_load %arg7[%swap3A] {strides = array<i32>} : memref<128xf32, #tpu.memory_space<vmem>>, vector<16xf32>,
    %swap3A_2 = vector.shape_cast %swap3A_1 : vector<16xf32> to vector<16xf32>
    %swap3A_3 = vector.shape_cast %broadcast_in_dim3A_0 : vector<16xf32> to vector<16xf32>
    tpu.vector_store %arg7[%swap3A], %swap3A_3 {strides = array<i32>} : memref<128xf32, #tpu.memory_space<vmem>>, vector<16xf32>,
    %broadcast_in_dim3A_4 = arith.constant 0.000000e+00 : f32
    %broadcast_in_dim3A_5 = vector.broadcast %broadcast_in_dim3A_4 : f32 to vector<16xf32>
    %swap3A_6 = arith.constant 16 : index
    %swap3A_7 = tpu.vector_load %arg7[%swap3A_6] {strides = array<i32>} : memref<128xf32, #tpu.memory_space<vmem>>, vector<16xf32>,
    %swap3A_8 = vector.shape_cast %swap3A_7 : vector<16xf32> to vector<16xf32>
    %swap3A_9 = vector.shape_cast %broadcast_in_dim3A_5 : vector<16xf32> to vector<16xf32>
    tpu.vector_store %arg7[%swap3A_6], %swap3A_9 {strides = array<i32>} : memref<128xf32, #tpu.memory_space<vmem>>, vector<16xf32>,
    %broadcast_in_dim3A_10 = arith.constant 0.000000e+00 : f32
    %broadcast_in_dim3A_11 = vector.broadcast %broadcast_in_dim3A_10 : f32 to vector<16xf32>
    %swap3A_12 = arith.constant 32 : index
    %swap3A_13 = tpu.vector_load %arg7[%swap3A_12] {strides = array<i32>} : memref<128xf32, #tpu.memory_space<vmem>>, vector<16xf32>,
    %swap3A_14 = vector.shape_cast %swap3A_13 : vector<16xf32> to vector<16xf32>
    %swap3A_15 = vector.shape_cast %broadcast_in_dim3A_11 : vector<16xf32> to vector<16xf32>
    tpu.vector_store %arg7[%swap3A_12], %swap3A_15 {strides = array<i32>} : memref<128xf32, #tpu.memory_space<vmem>>, vector<16xf32>,
    %broadcast_in_dim3A_16 = arith.constant 0.000000e+00 : f32
    %broadcast_in_dim3A_17 = vector.broadcast %broadcast_in_dim3A_16 : f32 to vector<16xf32>
    %swap3A_18 = arith.constant 48 : index
    %swap3A_19 = tpu.vector_load %arg7[%swap3A_18] {strides = array<i32>} : memref<128xf32, #tpu.memory_space<vmem>>, vector<16xf32>,
    %swap3A_20 = vector.shape_cast %swap3A_19 : vector<16xf32> to vector<16xf32>
    %swap3A_21 = vector.shape_cast %broadcast_in_dim3A_17 : vector<16xf32> to vector<16xf32>
    tpu.vector_store %arg7[%swap3A_18], %swap3A_21 {strides = array<i32>} : memref<128xf32, #tpu.memory_space<vmem>>, vector<16xf32>,
    %broadcast_in_dim3A_22 = arith.constant 0.000000e+00 : f32
    %broadcast_in_dim3A_23 = vector.broadcast %broadcast_in_dim3A_22 : f32 to vector<16xf32>
    %swap3A_24 = arith.constant 64 : index
    %swap3A_25 = tpu.vector_load %arg7[%swap3A_24] {strides = array<i32>} : memref<128xf32, #tpu.memory_space<vmem>>, vector<16xf32>,
    %swap3A_26 = vector.shape_cast %swap3A_25 : vector<16xf32> to vector<16xf32>
    %swap3A_27 = vector.shape_cast %broadcast_in_dim3A_23 : vector<16xf32> to vector<16xf32>
    tpu.vector_store %arg7[%swap3A_24], %swap3A_27 {strides = array<i32>} : memref<128xf32, #tpu.memory_space<vmem>>, vector<16xf32>,
    %broadcast_in_dim3A_28 = arith.constant 0.000000e+00 : f32
    %broadcast_in_dim3A_29 = vector.broadcast %broadcast_in_dim3A_28 : f32 to vector<16xf32>
    %swap3A_30 = arith.constant 80 : index
    %swap3A_31 = tpu.vector_load %arg7[%swap3A_30] {strides = array<i32>} : memref<128xf32, #tpu.memory_space<vmem>>, vector<16xf32>,
    %swap3A_32 = vector.shape_cast %swap3A_31 : vector<16xf32> to vector<16xf32>
    %swap3A_33 = vector.shape_cast %broadcast_in_dim3A_29 : vector<16xf32> to vector<16xf32>
    tpu.vector_store %arg7[%swap3A_30], %swap3A_33 {strides = array<i32>} : memref<128xf32, #tpu.memory_space<vmem>>, vector<16xf32>,
    %broadcast_in_dim3A_34 = arith.constant 0.000000e+00 : f32
    %broadcast_in_dim3A_35 = vector.broadcast %broadcast_in_dim3A_34 : f32 to vector<16xf32>
    %swap3A_36 = arith.constant 96 : index
    %swap3A_37 = tpu.vector_load %arg7[%swap3A_36] {strides = array<i32>} : memref<128xf32, #tpu.memory_space<vmem>>, vector<16xf32>,
    %swap3A_38 = vector.shape_cast %swap3A_37 : vector<16xf32> to vector<16xf32>
    %swap3A_39 = vector.shape_cast %broadcast_in_dim3A_35 : vector<16xf32> to vector<16xf32>
    tpu.vector_store %arg7[%swap3A_36], %swap3A_39 {strides = array<i32>} : memref<128xf32, #tpu.memory_space<vmem>>, vector<16xf32>,
    %broadcast_in_dim3A_40 = arith.constant 0.000000e+00 : f32
    %broadcast_in_dim3A_41 = vector.broadcast %broadcast_in_dim3A_40 : f32 to vector<16xf32>
    %swap3A_42 = arith.constant 112 : index
    %swap3A_43 = tpu.vector_load %arg7[%swap3A_42] {strides = array<i32>} : memref<128xf32, #tpu.memory_space<vmem>>, vector<16xf32>,
    %swap3A_44 = vector.shape_cast %swap3A_43 : vector<16xf32> to vector<16xf32>
    %swap3A_45 = vector.shape_cast %broadcast_in_dim3A_41 : vector<16xf32> to vector<16xf32>
    tpu.vector_store %arg7[%swap3A_42], %swap3A_45 {strides = array<i32>} : memref<128xf32, #tpu.memory_space<vmem>>, vector<16xf32>,
    %mul3A = arith.constant 640 : i32
    %mul3A_46 = arith.muli %arg1, %mul3A : i32
    %add3A = arith.constant 0 : i32
    %add3A_47 = arith.addi %mul3A_46, %add3A : i32
    "tpu.region"() ({
      %run_scoped3A = tpu.sem_alloc : memref<!tpu.dma_semaphore, #tpu.memory_space<semaphore_mem>>
      %dma_start3A = tpu.memref_slice %arg10[%add3A_47] : memref<10240xf32, #tpu.memory_space<vmem_shared>> -> memref<128xf32, #tpu.memory_space<vmem_shared>>
      %dma_start3A_313 = tpu.memref_slice %arg10[%add3A_47] : memref<10240xf32, #tpu.memory_space<vmem_shared>> -> memref<128xf32, #tpu.memory_space<vmem_shared>>
      tpu.enqueue_dma source(%arg7 : memref<128xf32, #tpu.memory_space<vmem>>) target(%dma_start3A_313 : memref<128xf32, #tpu.memory_space<vmem_shared>>) target_semaphore(%run_scoped3A : memref<!tpu.dma_semaphore, #tpu.memory_space<semaphore_mem>>)
      %dma_wait3A_314 = tpu.memref_slice %arg10[%add3A_47] : memref<10240xf32, #tpu.memory_space<vmem_shared>> -> memref<128xf32, #tpu.memory_space<vmem_shared>>
      %dma_wait3A_315 = tpu.memref_slice %arg10[%add3A_47] : memref<10240xf32, #tpu.memory_space<vmem_shared>> -> memref<128xf32, #tpu.memory_space<vmem_shared>>
      tpu.wait_dma2 semaphore(%run_scoped3A : memref<!tpu.dma_semaphore, #tpu.memory_space<semaphore_mem>>) src(%arg7 : memref<128xf32, #tpu.memory_space<vmem>>) dst(%dma_wait3A_315 : memref<128xf32, #tpu.memory_space<vmem_shared>>)
      tpu.yield
    }) : () -> ()
    %add3A_48 = arith.constant 128 : i32
    %add3A_49 = arith.addi %mul3A_46, %add3A_48 : i32
    "tpu.region"() ({
      %run_scoped3A = tpu.sem_alloc : memref<!tpu.dma_semaphore, #tpu.memory_space<semaphore_mem>>
      %dma_start3A = tpu.memref_slice %arg10[%add3A_49] : memref<10240xf32, #tpu.memory_space<vmem_shared>> -> memref<128xf32, #tpu.memory_space<vmem_shared>>
      %dma_start3A_313 = tpu.memref_slice %arg10[%add3A_49] : memref<10240xf32, #tpu.memory_space<vmem_shared>> -> memref<128xf32, #tpu.memory_space<vmem_shared>>
      tpu.enqueue_dma source(%arg7 : memref<128xf32, #tpu.memory_space<vmem>>) target(%dma_start3A_313 : memref<128xf32, #tpu.memory_space<vmem_shared>>) target_semaphore(%run_scoped3A : memref<!tpu.dma_semaphore, #tpu.memory_space<semaphore_mem>>)
      %dma_wait3A_314 = tpu.memref_slice %arg10[%add3A_49] : memref<10240xf32, #tpu.memory_space<vmem_shared>> -> memref<128xf32, #tpu.memory_space<vmem_shared>>
      %dma_wait3A_315 = tpu.memref_slice %arg10[%add3A_49] : memref<10240xf32, #tpu.memory_space<vmem_shared>> -> memref<128xf32, #tpu.memory_space<vmem_shared>>
      tpu.wait_dma2 semaphore(%run_scoped3A : memref<!tpu.dma_semaphore, #tpu.memory_space<semaphore_mem>>) src(%arg7 : memref<128xf32, #tpu.memory_space<vmem>>) dst(%dma_wait3A_315 : memref<128xf32, #tpu.memory_space<vmem_shared>>)
      tpu.yield
    }) : () -> ()
    %add3A_50 = arith.constant 256 : i32
    %add3A_51 = arith.addi %mul3A_46, %add3A_50 : i32
    "tpu.region"() ({
      %run_scoped3A = tpu.sem_alloc : memref<!tpu.dma_semaphore, #tpu.memory_space<semaphore_mem>>
      %dma_start3A = tpu.memref_slice %arg10[%add3A_51] : memref<10240xf32, #tpu.memory_space<vmem_shared>> -> memref<128xf32, #tpu.memory_space<vmem_shared>>
      %dma_start3A_313 = tpu.memref_slice %arg10[%add3A_51] : memref<10240xf32, #tpu.memory_space<vmem_shared>> -> memref<128xf32, #tpu.memory_space<vmem_shared>>
      tpu.enqueue_dma source(%arg7 : memref<128xf32, #tpu.memory_space<vmem>>) target(%dma_start3A_313 : memref<128xf32, #tpu.memory_space<vmem_shared>>) target_semaphore(%run_scoped3A : memref<!tpu.dma_semaphore, #tpu.memory_space<semaphore_mem>>)
      %dma_wait3A_314 = tpu.memref_slice %arg10[%add3A_51] : memref<10240xf32, #tpu.memory_space<vmem_shared>> -> memref<128xf32, #tpu.memory_space<vmem_shared>>
      %dma_wait3A_315 = tpu.memref_slice %arg10[%add3A_51] : memref<10240xf32, #tpu.memory_space<vmem_shared>> -> memref<128xf32, #tpu.memory_space<vmem_shared>>
      tpu.wait_dma2 semaphore(%run_scoped3A : memref<!tpu.dma_semaphore, #tpu.memory_space<semaphore_mem>>) src(%arg7 : memref<128xf32, #tpu.memory_space<vmem>>) dst(%dma_wait3A_315 : memref<128xf32, #tpu.memory_space<vmem_shared>>)
      tpu.yield
    }) : () -> ()
    %add3A_52 = arith.constant 384 : i32
    %add3A_53 = arith.addi %mul3A_46, %add3A_52 : i32
    "tpu.region"() ({
      %run_scoped3A = tpu.sem_alloc : memref<!tpu.dma_semaphore, #tpu.memory_space<semaphore_mem>>
      %dma_start3A = tpu.memref_slice %arg10[%add3A_53] : memref<10240xf32, #tpu.memory_space<vmem_shared>> -> memref<128xf32, #tpu.memory_space<vmem_shared>>
      %dma_start3A_313 = tpu.memref_slice %arg10[%add3A_53] : memref<10240xf32, #tpu.memory_space<vmem_shared>> -> memref<128xf32, #tpu.memory_space<vmem_shared>>
      tpu.enqueue_dma source(%arg7 : memref<128xf32, #tpu.memory_space<vmem>>) target(%dma_start3A_313 : memref<128xf32, #tpu.memory_space<vmem_shared>>) target_semaphore(%run_scoped3A : memref<!tpu.dma_semaphore, #tpu.memory_space<semaphore_mem>>)
      %dma_wait3A_314 = tpu.memref_slice %arg10[%add3A_53] : memref<10240xf32, #tpu.memory_space<vmem_shared>> -> memref<128xf32, #tpu.memory_space<vmem_shared>>
      %dma_wait3A_315 = tpu.memref_slice %arg10[%add3A_53] : memref<10240xf32, #tpu.memory_space<vmem_shared>> -> memref<128xf32, #tpu.memory_space<vmem_shared>>
      tpu.wait_dma2 semaphore(%run_scoped3A : memref<!tpu.dma_semaphore, #tpu.memory_space<semaphore_mem>>) src(%arg7 : memref<128xf32, #tpu.memory_space<vmem>>) dst(%dma_wait3A_315 : memref<128xf32, #tpu.memory_space<vmem_shared>>)
      tpu.yield
    }) : () -> ()
    %add3A_54 = arith.constant 512 : i32
    %add3A_55 = arith.addi %mul3A_46, %add3A_54 : i32
    "tpu.region"() ({
      %run_scoped3A = tpu.sem_alloc : memref<!tpu.dma_semaphore, #tpu.memory_space<semaphore_mem>>
      %dma_start3A = tpu.memref_slice %arg10[%add3A_55] : memref<10240xf32, #tpu.memory_space<vmem_shared>> -> memref<128xf32, #tpu.memory_space<vmem_shared>>
      %dma_start3A_313 = tpu.memref_slice %arg10[%add3A_55] : memref<10240xf32, #tpu.memory_space<vmem_shared>> -> memref<128xf32, #tpu.memory_space<vmem_shared>>
      tpu.enqueue_dma source(%arg7 : memref<128xf32, #tpu.memory_space<vmem>>) target(%dma_start3A_313 : memref<128xf32, #tpu.memory_space<vmem_shared>>) target_semaphore(%run_scoped3A : memref<!tpu.dma_semaphore, #tpu.memory_space<semaphore_mem>>)
      %dma_wait3A_314 = tpu.memref_slice %arg10[%add3A_55] : memref<10240xf32, #tpu.memory_space<vmem_shared>> -> memref<128xf32, #tpu.memory_space<vmem_shared>>
      %dma_wait3A_315 = tpu.memref_slice %arg10[%add3A_55] : memref<10240xf32, #tpu.memory_space<vmem_shared>> -> memref<128xf32, #tpu.memory_space<vmem_shared>>
      tpu.wait_dma2 semaphore(%run_scoped3A : memref<!tpu.dma_semaphore, #tpu.memory_space<semaphore_mem>>) src(%arg7 : memref<128xf32, #tpu.memory_space<vmem>>) dst(%dma_wait3A_315 : memref<128xf32, #tpu.memory_space<vmem_shared>>)
      tpu.yield
    }) : () -> ()
    %mul3A_56 = arith.constant 640 : i32
    %mul3A_57 = arith.muli %arg1, %mul3A_56 : i32
    %add3A_58 = arith.constant 0 : i32
    %add3A_59 = arith.addi %mul3A_57, %add3A_58 : i32
    "tpu.region"() ({
      %run_scoped3A = tpu.sem_alloc : memref<!tpu.dma_semaphore, #tpu.memory_space<semaphore_mem>>
      %dma_start3A = tpu.memref_slice %arg11[%add3A_59] : memref<10240xf32, #tpu.memory_space<vmem_shared>> -> memref<128xf32, #tpu.memory_space<vmem_shared>>
      %dma_start3A_313 = tpu.memref_slice %arg11[%add3A_59] : memref<10240xf32, #tpu.memory_space<vmem_shared>> -> memref<128xf32, #tpu.memory_space<vmem_shared>>
      tpu.enqueue_dma source(%arg7 : memref<128xf32, #tpu.memory_space<vmem>>) target(%dma_start3A_313 : memref<128xf32, #tpu.memory_space<vmem_shared>>) target_semaphore(%run_scoped3A : memref<!tpu.dma_semaphore, #tpu.memory_space<semaphore_mem>>)
      %dma_wait3A_314 = tpu.memref_slice %arg11[%add3A_59] : memref<10240xf32, #tpu.memory_space<vmem_shared>> -> memref<128xf32, #tpu.memory_space<vmem_shared>>
      %dma_wait3A_315 = tpu.memref_slice %arg11[%add3A_59] : memref<10240xf32, #tpu.memory_space<vmem_shared>> -> memref<128xf32, #tpu.memory_space<vmem_shared>>
      tpu.wait_dma2 semaphore(%run_scoped3A : memref<!tpu.dma_semaphore, #tpu.memory_space<semaphore_mem>>) src(%arg7 : memref<128xf32, #tpu.memory_space<vmem>>) dst(%dma_wait3A_315 : memref<128xf32, #tpu.memory_space<vmem_shared>>)
      tpu.yield
    }) : () -> ()
    %add3A_60 = arith.constant 128 : i32
    %add3A_61 = arith.addi %mul3A_57, %add3A_60 : i32
    "tpu.region"() ({
      %run_scoped3A = tpu.sem_alloc : memref<!tpu.dma_semaphore, #tpu.memory_space<semaphore_mem>>
      %dma_start3A = tpu.memref_slice %arg11[%add3A_61] : memref<10240xf32, #tpu.memory_space<vmem_shared>> -> memref<128xf32, #tpu.memory_space<vmem_shared>>
      %dma_start3A_313 = tpu.memref_slice %arg11[%add3A_61] : memref<10240xf32, #tpu.memory_space<vmem_shared>> -> memref<128xf32, #tpu.memory_space<vmem_shared>>
      tpu.enqueue_dma source(%arg7 : memref<128xf32, #tpu.memory_space<vmem>>) target(%dma_start3A_313 : memref<128xf32, #tpu.memory_space<vmem_shared>>) target_semaphore(%run_scoped3A : memref<!tpu.dma_semaphore, #tpu.memory_space<semaphore_mem>>)
      %dma_wait3A_314 = tpu.memref_slice %arg11[%add3A_61] : memref<10240xf32, #tpu.memory_space<vmem_shared>> -> memref<128xf32, #tpu.memory_space<vmem_shared>>
      %dma_wait3A_315 = tpu.memref_slice %arg11[%add3A_61] : memref<10240xf32, #tpu.memory_space<vmem_shared>> -> memref<128xf32, #tpu.memory_space<vmem_shared>>
      tpu.wait_dma2 semaphore(%run_scoped3A : memref<!tpu.dma_semaphore, #tpu.memory_space<semaphore_mem>>) src(%arg7 : memref<128xf32, #tpu.memory_space<vmem>>) dst(%dma_wait3A_315 : memref<128xf32, #tpu.memory_space<vmem_shared>>)
      tpu.yield
    }) : () -> ()
    %add3A_62 = arith.constant 256 : i32
    %add3A_63 = arith.addi %mul3A_57, %add3A_62 : i32
    "tpu.region"() ({
      %run_scoped3A = tpu.sem_alloc : memref<!tpu.dma_semaphore, #tpu.memory_space<semaphore_mem>>
      %dma_start3A = tpu.memref_slice %arg11[%add3A_63] : memref<10240xf32, #tpu.memory_space<vmem_shared>> -> memref<128xf32, #tpu.memory_space<vmem_shared>>
      %dma_start3A_313 = tpu.memref_slice %arg11[%add3A_63] : memref<10240xf32, #tpu.memory_space<vmem_shared>> -> memref<128xf32, #tpu.memory_space<vmem_shared>>
      tpu.enqueue_dma source(%arg7 : memref<128xf32, #tpu.memory_space<vmem>>) target(%dma_start3A_313 : memref<128xf32, #tpu.memory_space<vmem_shared>>) target_semaphore(%run_scoped3A : memref<!tpu.dma_semaphore, #tpu.memory_space<semaphore_mem>>)
      %dma_wait3A_314 = tpu.memref_slice %arg11[%add3A_63] : memref<10240xf32, #tpu.memory_space<vmem_shared>> -> memref<128xf32, #tpu.memory_space<vmem_shared>>
      %dma_wait3A_315 = tpu.memref_slice %arg11[%add3A_63] : memref<10240xf32, #tpu.memory_space<vmem_shared>> -> memref<128xf32, #tpu.memory_space<vmem_shared>>
      tpu.wait_dma2 semaphore(%run_scoped3A : memref<!tpu.dma_semaphore, #tpu.memory_space<semaphore_mem>>) src(%arg7 : memref<128xf32, #tpu.memory_space<vmem>>) dst(%dma_wait3A_315 : memref<128xf32, #tpu.memory_space<vmem_shared>>)
      tpu.yield
    }) : () -> ()
    %add3A_64 = arith.constant 384 : i32
    %add3A_65 = arith.addi %mul3A_57, %add3A_64 : i32
    "tpu.region"() ({
      %run_scoped3A = tpu.sem_alloc : memref<!tpu.dma_semaphore, #tpu.memory_space<semaphore_mem>>
      %dma_start3A = tpu.memref_slice %arg11[%add3A_65] : memref<10240xf32, #tpu.memory_space<vmem_shared>> -> memref<128xf32, #tpu.memory_space<vmem_shared>>
      %dma_start3A_313 = tpu.memref_slice %arg11[%add3A_65] : memref<10240xf32, #tpu.memory_space<vmem_shared>> -> memref<128xf32, #tpu.memory_space<vmem_shared>>
      tpu.enqueue_dma source(%arg7 : memref<128xf32, #tpu.memory_space<vmem>>) target(%dma_start3A_313 : memref<128xf32, #tpu.memory_space<vmem_shared>>) target_semaphore(%run_scoped3A : memref<!tpu.dma_semaphore, #tpu.memory_space<semaphore_mem>>)
      %dma_wait3A_314 = tpu.memref_slice %arg11[%add3A_65] : memref<10240xf32, #tpu.memory_space<vmem_shared>> -> memref<128xf32, #tpu.memory_space<vmem_shared>>
      %dma_wait3A_315 = tpu.memref_slice %arg11[%add3A_65] : memref<10240xf32, #tpu.memory_space<vmem_shared>> -> memref<128xf32, #tpu.memory_space<vmem_shared>>
      tpu.wait_dma2 semaphore(%run_scoped3A : memref<!tpu.dma_semaphore, #tpu.memory_space<semaphore_mem>>) src(%arg7 : memref<128xf32, #tpu.memory_space<vmem>>) dst(%dma_wait3A_315 : memref<128xf32, #tpu.memory_space<vmem_shared>>)
      tpu.yield
    }) : () -> ()
    %add3A_66 = arith.constant 512 : i32
    %add3A_67 = arith.addi %mul3A_57, %add3A_66 : i32
    "tpu.region"() ({
      %run_scoped3A = tpu.sem_alloc : memref<!tpu.dma_semaphore, #tpu.memory_space<semaphore_mem>>
      %dma_start3A = tpu.memref_slice %arg11[%add3A_67] : memref<10240xf32, #tpu.memory_space<vmem_shared>> -> memref<128xf32, #tpu.memory_space<vmem_shared>>
      %dma_start3A_313 = tpu.memref_slice %arg11[%add3A_67] : memref<10240xf32, #tpu.memory_space<vmem_shared>> -> memref<128xf32, #tpu.memory_space<vmem_shared>>
      tpu.enqueue_dma source(%arg7 : memref<128xf32, #tpu.memory_space<vmem>>) target(%dma_start3A_313 : memref<128xf32, #tpu.memory_space<vmem_shared>>) target_semaphore(%run_scoped3A : memref<!tpu.dma_semaphore, #tpu.memory_space<semaphore_mem>>)
      %dma_wait3A_314 = tpu.memref_slice %arg11[%add3A_67] : memref<10240xf32, #tpu.memory_space<vmem_shared>> -> memref<128xf32, #tpu.memory_space<vmem_shared>>
      %dma_wait3A_315 = tpu.memref_slice %arg11[%add3A_67] : memref<10240xf32, #tpu.memory_space<vmem_shared>> -> memref<128xf32, #tpu.memory_space<vmem_shared>>
      tpu.wait_dma2 semaphore(%run_scoped3A : memref<!tpu.dma_semaphore, #tpu.memory_space<semaphore_mem>>) src(%arg7 : memref<128xf32, #tpu.memory_space<vmem>>) dst(%dma_wait3A_315 : memref<128xf32, #tpu.memory_space<vmem_shared>>)
      tpu.yield
    }) : () -> ()
    %mul3A_68 = arith.constant 640 : i32
    %mul3A_69 = arith.muli %arg1, %mul3A_68 : i32
    %add3A_70 = arith.constant 0 : i32
    %add3A_71 = arith.addi %mul3A_69, %add3A_70 : i32
    "tpu.region"() ({
      %run_scoped3A = tpu.sem_alloc : memref<!tpu.dma_semaphore, #tpu.memory_space<semaphore_mem>>
      %dma_start3A = tpu.memref_slice %arg12[%add3A_71] : memref<10240xf32, #tpu.memory_space<vmem_shared>> -> memref<128xf32, #tpu.memory_space<vmem_shared>>
      %dma_start3A_313 = tpu.memref_slice %arg12[%add3A_71] : memref<10240xf32, #tpu.memory_space<vmem_shared>> -> memref<128xf32, #tpu.memory_space<vmem_shared>>
      tpu.enqueue_dma source(%arg7 : memref<128xf32, #tpu.memory_space<vmem>>) target(%dma_start3A_313 : memref<128xf32, #tpu.memory_space<vmem_shared>>) target_semaphore(%run_scoped3A : memref<!tpu.dma_semaphore, #tpu.memory_space<semaphore_mem>>)
      %dma_wait3A_314 = tpu.memref_slice %arg12[%add3A_71] : memref<10240xf32, #tpu.memory_space<vmem_shared>> -> memref<128xf32, #tpu.memory_space<vmem_shared>>
      %dma_wait3A_315 = tpu.memref_slice %arg12[%add3A_71] : memref<10240xf32, #tpu.memory_space<vmem_shared>> -> memref<128xf32, #tpu.memory_space<vmem_shared>>
      tpu.wait_dma2 semaphore(%run_scoped3A : memref<!tpu.dma_semaphore, #tpu.memory_space<semaphore_mem>>) src(%arg7 : memref<128xf32, #tpu.memory_space<vmem>>) dst(%dma_wait3A_315 : memref<128xf32, #tpu.memory_space<vmem_shared>>)
      tpu.yield
    }) : () -> ()
    %add3A_72 = arith.constant 128 : i32
    %add3A_73 = arith.addi %mul3A_69, %add3A_72 : i32
    "tpu.region"() ({
      %run_scoped3A = tpu.sem_alloc : memref<!tpu.dma_semaphore, #tpu.memory_space<semaphore_mem>>
      %dma_start3A = tpu.memref_slice %arg12[%add3A_73] : memref<10240xf32, #tpu.memory_space<vmem_shared>> -> memref<128xf32, #tpu.memory_space<vmem_shared>>
      %dma_start3A_313 = tpu.memref_slice %arg12[%add3A_73] : memref<10240xf32, #tpu.memory_space<vmem_shared>> -> memref<128xf32, #tpu.memory_space<vmem_shared>>
      tpu.enqueue_dma source(%arg7 : memref<128xf32, #tpu.memory_space<vmem>>) target(%dma_start3A_313 : memref<128xf32, #tpu.memory_space<vmem_shared>>) target_semaphore(%run_scoped3A : memref<!tpu.dma_semaphore, #tpu.memory_space<semaphore_mem>>)
      %dma_wait3A_314 = tpu.memref_slice %arg12[%add3A_73] : memref<10240xf32, #tpu.memory_space<vmem_shared>> -> memref<128xf32, #tpu.memory_space<vmem_shared>>
      %dma_wait3A_315 = tpu.memref_slice %arg12[%add3A_73] : memref<10240xf32, #tpu.memory_space<vmem_shared>> -> memref<128xf32, #tpu.memory_space<vmem_shared>>
      tpu.wait_dma2 semaphore(%run_scoped3A : memref<!tpu.dma_semaphore, #tpu.memory_space<semaphore_mem>>) src(%arg7 : memref<128xf32, #tpu.memory_space<vmem>>) dst(%dma_wait3A_315 : memref<128xf32, #tpu.memory_space<vmem_shared>>)
      tpu.yield
    }) : () -> ()
    %add3A_74 = arith.constant 256 : i32
    %add3A_75 = arith.addi %mul3A_69, %add3A_74 : i32
    "tpu.region"() ({
      %run_scoped3A = tpu.sem_alloc : memref<!tpu.dma_semaphore, #tpu.memory_space<semaphore_mem>>
      %dma_start3A = tpu.memref_slice %arg12[%add3A_75] : memref<10240xf32, #tpu.memory_space<vmem_shared>> -> memref<128xf32, #tpu.memory_space<vmem_shared>>
      %dma_start3A_313 = tpu.memref_slice %arg12[%add3A_75] : memref<10240xf32, #tpu.memory_space<vmem_shared>> -> memref<128xf32, #tpu.memory_space<vmem_shared>>
      tpu.enqueue_dma source(%arg7 : memref<128xf32, #tpu.memory_space<vmem>>) target(%dma_start3A_313 : memref<128xf32, #tpu.memory_space<vmem_shared>>) target_semaphore(%run_scoped3A : memref<!tpu.dma_semaphore, #tpu.memory_space<semaphore_mem>>)
      %dma_wait3A_314 = tpu.memref_slice %arg12[%add3A_75] : memref<10240xf32, #tpu.memory_space<vmem_shared>> -> memref<128xf32, #tpu.memory_space<vmem_shared>>
      %dma_wait3A_315 = tpu.memref_slice %arg12[%add3A_75] : memref<10240xf32, #tpu.memory_space<vmem_shared>> -> memref<128xf32, #tpu.memory_space<vmem_shared>>
      tpu.wait_dma2 semaphore(%run_scoped3A : memref<!tpu.dma_semaphore, #tpu.memory_space<semaphore_mem>>) src(%arg7 : memref<128xf32, #tpu.memory_space<vmem>>) dst(%dma_wait3A_315 : memref<128xf32, #tpu.memory_space<vmem_shared>>)
      tpu.yield
    }) : () -> ()
    %add3A_76 = arith.constant 384 : i32
    %add3A_77 = arith.addi %mul3A_69, %add3A_76 : i32
    "tpu.region"() ({
      %run_scoped3A = tpu.sem_alloc : memref<!tpu.dma_semaphore, #tpu.memory_space<semaphore_mem>>
      %dma_start3A = tpu.memref_slice %arg12[%add3A_77] : memref<10240xf32, #tpu.memory_space<vmem_shared>> -> memref<128xf32, #tpu.memory_space<vmem_shared>>
      %dma_start3A_313 = tpu.memref_slice %arg12[%add3A_77] : memref<10240xf32, #tpu.memory_space<vmem_shared>> -> memref<128xf32, #tpu.memory_space<vmem_shared>>
      tpu.enqueue_dma source(%arg7 : memref<128xf32, #tpu.memory_space<vmem>>) target(%dma_start3A_313 : memref<128xf32, #tpu.memory_space<vmem_shared>>) target_semaphore(%run_scoped3A : memref<!tpu.dma_semaphore, #tpu.memory_space<semaphore_mem>>)
      %dma_wait3A_314 = tpu.memref_slice %arg12[%add3A_77] : memref<10240xf32, #tpu.memory_space<vmem_shared>> -> memref<128xf32, #tpu.memory_space<vmem_shared>>
      %dma_wait3A_315 = tpu.memref_slice %arg12[%add3A_77] : memref<10240xf32, #tpu.memory_space<vmem_shared>> -> memref<128xf32, #tpu.memory_space<vmem_shared>>
      tpu.wait_dma2 semaphore(%run_scoped3A : memref<!tpu.dma_semaphore, #tpu.memory_space<semaphore_mem>>) src(%arg7 : memref<128xf32, #tpu.memory_space<vmem>>) dst(%dma_wait3A_315 : memref<128xf32, #tpu.memory_space<vmem_shared>>)
      tpu.yield
    }) : () -> ()
    %add3A_78 = arith.constant 512 : i32
    %add3A_79 = arith.addi %mul3A_69, %add3A_78 : i32
    "tpu.region"() ({
      %run_scoped3A = tpu.sem_alloc : memref<!tpu.dma_semaphore, #tpu.memory_space<semaphore_mem>>
      %dma_start3A = tpu.memref_slice %arg12[%add3A_79] : memref<10240xf32, #tpu.memory_space<vmem_shared>> -> memref<128xf32, #tpu.memory_space<vmem_shared>>
      %dma_start3A_313 = tpu.memref_slice %arg12[%add3A_79] : memref<10240xf32, #tpu.memory_space<vmem_shared>> -> memref<128xf32, #tpu.memory_space<vmem_shared>>
      tpu.enqueue_dma source(%arg7 : memref<128xf32, #tpu.memory_space<vmem>>) target(%dma_start3A_313 : memref<128xf32, #tpu.memory_space<vmem_shared>>) target_semaphore(%run_scoped3A : memref<!tpu.dma_semaphore, #tpu.memory_space<semaphore_mem>>)
      %dma_wait3A_314 = tpu.memref_slice %arg12[%add3A_79] : memref<10240xf32, #tpu.memory_space<vmem_shared>> -> memref<128xf32, #tpu.memory_space<vmem_shared>>
      %dma_wait3A_315 = tpu.memref_slice %arg12[%add3A_79] : memref<10240xf32, #tpu.memory_space<vmem_shared>> -> memref<128xf32, #tpu.memory_space<vmem_shared>>
      tpu.wait_dma2 semaphore(%run_scoped3A : memref<!tpu.dma_semaphore, #tpu.memory_space<semaphore_mem>>) src(%arg7 : memref<128xf32, #tpu.memory_space<vmem>>) dst(%dma_wait3A_315 : memref<128xf32, #tpu.memory_space<vmem_shared>>)
      tpu.yield
    }) : () -> ()
    %mul3A_80 = arith.constant 640 : i32
    %mul3A_81 = arith.muli %arg1, %mul3A_80 : i32
    %add3A_82 = arith.constant 0 : i32
    %add3A_83 = arith.addi %mul3A_81, %add3A_82 : i32
    "tpu.region"() ({
      %run_scoped3A = tpu.sem_alloc : memref<!tpu.dma_semaphore, #tpu.memory_space<semaphore_mem>>
      %dma_start3A = tpu.memref_slice %arg13[%add3A_83] : memref<10240xf32, #tpu.memory_space<vmem_shared>> -> memref<128xf32, #tpu.memory_space<vmem_shared>>
      %dma_start3A_313 = tpu.memref_slice %arg13[%add3A_83] : memref<10240xf32, #tpu.memory_space<vmem_shared>> -> memref<128xf32, #tpu.memory_space<vmem_shared>>
      tpu.enqueue_dma source(%arg7 : memref<128xf32, #tpu.memory_space<vmem>>) target(%dma_start3A_313 : memref<128xf32, #tpu.memory_space<vmem_shared>>) target_semaphore(%run_scoped3A : memref<!tpu.dma_semaphore, #tpu.memory_space<semaphore_mem>>)
      %dma_wait3A_314 = tpu.memref_slice %arg13[%add3A_83] : memref<10240xf32, #tpu.memory_space<vmem_shared>> -> memref<128xf32, #tpu.memory_space<vmem_shared>>
      %dma_wait3A_315 = tpu.memref_slice %arg13[%add3A_83] : memref<10240xf32, #tpu.memory_space<vmem_shared>> -> memref<128xf32, #tpu.memory_space<vmem_shared>>
      tpu.wait_dma2 semaphore(%run_scoped3A : memref<!tpu.dma_semaphore, #tpu.memory_space<semaphore_mem>>) src(%arg7 : memref<128xf32, #tpu.memory_space<vmem>>) dst(%dma_wait3A_315 : memref<128xf32, #tpu.memory_space<vmem_shared>>)
      tpu.yield
    }) : () -> ()
    %add3A_84 = arith.constant 128 : i32
    %add3A_85 = arith.addi %mul3A_81, %add3A_84 : i32
    "tpu.region"() ({
      %run_scoped3A = tpu.sem_alloc : memref<!tpu.dma_semaphore, #tpu.memory_space<semaphore_mem>>
      %dma_start3A = tpu.memref_slice %arg13[%add3A_85] : memref<10240xf32, #tpu.memory_space<vmem_shared>> -> memref<128xf32, #tpu.memory_space<vmem_shared>>
      %dma_start3A_313 = tpu.memref_slice %arg13[%add3A_85] : memref<10240xf32, #tpu.memory_space<vmem_shared>> -> memref<128xf32, #tpu.memory_space<vmem_shared>>
      tpu.enqueue_dma source(%arg7 : memref<128xf32, #tpu.memory_space<vmem>>) target(%dma_start3A_313 : memref<128xf32, #tpu.memory_space<vmem_shared>>) target_semaphore(%run_scoped3A : memref<!tpu.dma_semaphore, #tpu.memory_space<semaphore_mem>>)
      %dma_wait3A_314 = tpu.memref_slice %arg13[%add3A_85] : memref<10240xf32, #tpu.memory_space<vmem_shared>> -> memref<128xf32, #tpu.memory_space<vmem_shared>>
      %dma_wait3A_315 = tpu.memref_slice %arg13[%add3A_85] : memref<10240xf32, #tpu.memory_space<vmem_shared>> -> memref<128xf32, #tpu.memory_space<vmem_shared>>
      tpu.wait_dma2 semaphore(%run_scoped3A : memref<!tpu.dma_semaphore, #tpu.memory_space<semaphore_mem>>) src(%arg7 : memref<128xf32, #tpu.memory_space<vmem>>) dst(%dma_wait3A_315 : memref<128xf32, #tpu.memory_space<vmem_shared>>)
      tpu.yield
    }) : () -> ()
    %add3A_86 = arith.constant 256 : i32
    %add3A_87 = arith.addi %mul3A_81, %add3A_86 : i32
    "tpu.region"() ({
      %run_scoped3A = tpu.sem_alloc : memref<!tpu.dma_semaphore, #tpu.memory_space<semaphore_mem>>
      %dma_start3A = tpu.memref_slice %arg13[%add3A_87] : memref<10240xf32, #tpu.memory_space<vmem_shared>> -> memref<128xf32, #tpu.memory_space<vmem_shared>>
      %dma_start3A_313 = tpu.memref_slice %arg13[%add3A_87] : memref<10240xf32, #tpu.memory_space<vmem_shared>> -> memref<128xf32, #tpu.memory_space<vmem_shared>>
      tpu.enqueue_dma source(%arg7 : memref<128xf32, #tpu.memory_space<vmem>>) target(%dma_start3A_313 : memref<128xf32, #tpu.memory_space<vmem_shared>>) target_semaphore(%run_scoped3A : memref<!tpu.dma_semaphore, #tpu.memory_space<semaphore_mem>>)
      %dma_wait3A_314 = tpu.memref_slice %arg13[%add3A_87] : memref<10240xf32, #tpu.memory_space<vmem_shared>> -> memref<128xf32, #tpu.memory_space<vmem_shared>>
      %dma_wait3A_315 = tpu.memref_slice %arg13[%add3A_87] : memref<10240xf32, #tpu.memory_space<vmem_shared>> -> memref<128xf32, #tpu.memory_space<vmem_shared>>
      tpu.wait_dma2 semaphore(%run_scoped3A : memref<!tpu.dma_semaphore, #tpu.memory_space<semaphore_mem>>) src(%arg7 : memref<128xf32, #tpu.memory_space<vmem>>) dst(%dma_wait3A_315 : memref<128xf32, #tpu.memory_space<vmem_shared>>)
      tpu.yield
    }) : () -> ()
    %add3A_88 = arith.constant 384 : i32
    %add3A_89 = arith.addi %mul3A_81, %add3A_88 : i32
    "tpu.region"() ({
      %run_scoped3A = tpu.sem_alloc : memref<!tpu.dma_semaphore, #tpu.memory_space<semaphore_mem>>
      %dma_start3A = tpu.memref_slice %arg13[%add3A_89] : memref<10240xf32, #tpu.memory_space<vmem_shared>> -> memref<128xf32, #tpu.memory_space<vmem_shared>>
      %dma_start3A_313 = tpu.memref_slice %arg13[%add3A_89] : memref<10240xf32, #tpu.memory_space<vmem_shared>> -> memref<128xf32, #tpu.memory_space<vmem_shared>>
      tpu.enqueue_dma source(%arg7 : memref<128xf32, #tpu.memory_space<vmem>>) target(%dma_start3A_313 : memref<128xf32, #tpu.memory_space<vmem_shared>>) target_semaphore(%run_scoped3A : memref<!tpu.dma_semaphore, #tpu.memory_space<semaphore_mem>>)
      %dma_wait3A_314 = tpu.memref_slice %arg13[%add3A_89] : memref<10240xf32, #tpu.memory_space<vmem_shared>> -> memref<128xf32, #tpu.memory_space<vmem_shared>>
      %dma_wait3A_315 = tpu.memref_slice %arg13[%add3A_89] : memref<10240xf32, #tpu.memory_space<vmem_shared>> -> memref<128xf32, #tpu.memory_space<vmem_shared>>
      tpu.wait_dma2 semaphore(%run_scoped3A : memref<!tpu.dma_semaphore, #tpu.memory_space<semaphore_mem>>) src(%arg7 : memref<128xf32, #tpu.memory_space<vmem>>) dst(%dma_wait3A_315 : memref<128xf32, #tpu.memory_space<vmem_shared>>)
      tpu.yield
    }) : () -> ()
    %add3A_90 = arith.constant 512 : i32
    %add3A_91 = arith.addi %mul3A_81, %add3A_90 : i32
    "tpu.region"() ({
      %run_scoped3A = tpu.sem_alloc : memref<!tpu.dma_semaphore, #tpu.memory_space<semaphore_mem>>
      %dma_start3A = tpu.memref_slice %arg13[%add3A_91] : memref<10240xf32, #tpu.memory_space<vmem_shared>> -> memref<128xf32, #tpu.memory_space<vmem_shared>>
      %dma_start3A_313 = tpu.memref_slice %arg13[%add3A_91] : memref<10240xf32, #tpu.memory_space<vmem_shared>> -> memref<128xf32, #tpu.memory_space<vmem_shared>>
      tpu.enqueue_dma source(%arg7 : memref<128xf32, #tpu.memory_space<vmem>>) target(%dma_start3A_313 : memref<128xf32, #tpu.memory_space<vmem_shared>>) target_semaphore(%run_scoped3A : memref<!tpu.dma_semaphore, #tpu.memory_space<semaphore_mem>>)
      %dma_wait3A_314 = tpu.memref_slice %arg13[%add3A_91] : memref<10240xf32, #tpu.memory_space<vmem_shared>> -> memref<128xf32, #tpu.memory_space<vmem_shared>>
      %dma_wait3A_315 = tpu.memref_slice %arg13[%add3A_91] : memref<10240xf32, #tpu.memory_space<vmem_shared>> -> memref<128xf32, #tpu.memory_space<vmem_shared>>
      tpu.wait_dma2 semaphore(%run_scoped3A : memref<!tpu.dma_semaphore, #tpu.memory_space<semaphore_mem>>) src(%arg7 : memref<128xf32, #tpu.memory_space<vmem>>) dst(%dma_wait3A_315 : memref<128xf32, #tpu.memory_space<vmem_shared>>)
      tpu.yield
    }) : () -> ()
    %barrier3A = arith.constant 0 : index
    tpu.barrier barrier_id(%barrier3A)
    %broadcast_in_dim3A_92 = arith.constant 1.000000e+00 : f32
    %broadcast_in_dim3A_93 = vector.broadcast %broadcast_in_dim3A_92 : f32 to vector<16xf32>
    %swap3A_94 = arith.constant 0 : index
    %swap3A_95 = tpu.vector_load %arg7[%swap3A_94] {strides = array<i32>} : memref<128xf32, #tpu.memory_space<vmem>>, vector<16xf32>,
    %swap3A_96 = vector.shape_cast %swap3A_95 : vector<16xf32> to vector<16xf32>
    %swap3A_97 = vector.shape_cast %broadcast_in_dim3A_93 : vector<16xf32> to vector<16xf32>
    tpu.vector_store %arg7[%swap3A_94], %swap3A_97 {strides = array<i32>} : memref<128xf32, #tpu.memory_space<vmem>>, vector<16xf32>,
    %broadcast_in_dim3A_98 = arith.constant 1.000000e+00 : f32
    %broadcast_in_dim3A_99 = vector.broadcast %broadcast_in_dim3A_98 : f32 to vector<16xf32>
    %swap3A_100 = arith.constant 16 : index
    %swap3A_101 = tpu.vector_load %arg7[%swap3A_100] {strides = array<i32>} : memref<128xf32, #tpu.memory_space<vmem>>, vector<16xf32>,
    %swap3A_102 = vector.shape_cast %swap3A_101 : vector<16xf32> to vector<16xf32>
    %swap3A_103 = vector.shape_cast %broadcast_in_dim3A_99 : vector<16xf32> to vector<16xf32>
    tpu.vector_store %arg7[%swap3A_100], %swap3A_103 {strides = array<i32>} : memref<128xf32, #tpu.memory_space<vmem>>, vector<16xf32>,
    %broadcast_in_dim3A_104 = arith.constant 1.000000e+00 : f32
    %broadcast_in_dim3A_105 = vector.broadcast %broadcast_in_dim3A_104 : f32 to vector<16xf32>
    %swap3A_106 = arith.constant 32 : index
    %swap3A_107 = tpu.vector_load %arg7[%swap3A_106] {strides = array<i32>} : memref<128xf32, #tpu.memory_space<vmem>>, vector<16xf32>,
    %swap3A_108 = vector.shape_cast %swap3A_107 : vector<16xf32> to vector<16xf32>
    %swap3A_109 = vector.shape_cast %broadcast_in_dim3A_105 : vector<16xf32> to vector<16xf32>
    tpu.vector_store %arg7[%swap3A_106], %swap3A_109 {strides = array<i32>} : memref<128xf32, #tpu.memory_space<vmem>>, vector<16xf32>,
    %broadcast_in_dim3A_110 = arith.constant 1.000000e+00 : f32
    %broadcast_in_dim3A_111 = vector.broadcast %broadcast_in_dim3A_110 : f32 to vector<16xf32>
    %swap3A_112 = arith.constant 48 : index
    %swap3A_113 = tpu.vector_load %arg7[%swap3A_112] {strides = array<i32>} : memref<128xf32, #tpu.memory_space<vmem>>, vector<16xf32>,
    %swap3A_114 = vector.shape_cast %swap3A_113 : vector<16xf32> to vector<16xf32>
    %swap3A_115 = vector.shape_cast %broadcast_in_dim3A_111 : vector<16xf32> to vector<16xf32>
    tpu.vector_store %arg7[%swap3A_112], %swap3A_115 {strides = array<i32>} : memref<128xf32, #tpu.memory_space<vmem>>, vector<16xf32>,
    %broadcast_in_dim3A_116 = arith.constant 1.000000e+00 : f32
    %broadcast_in_dim3A_117 = vector.broadcast %broadcast_in_dim3A_116 : f32 to vector<16xf32>
    %swap3A_118 = arith.constant 64 : index
    %swap3A_119 = tpu.vector_load %arg7[%swap3A_118] {strides = array<i32>} : memref<128xf32, #tpu.memory_space<vmem>>, vector<16xf32>,
    %swap3A_120 = vector.shape_cast %swap3A_119 : vector<16xf32> to vector<16xf32>
    %swap3A_121 = vector.shape_cast %broadcast_in_dim3A_117 : vector<16xf32> to vector<16xf32>
    tpu.vector_store %arg7[%swap3A_118], %swap3A_121 {strides = array<i32>} : memref<128xf32, #tpu.memory_space<vmem>>, vector<16xf32>,
    %broadcast_in_dim3A_122 = arith.constant 1.000000e+00 : f32
    %broadcast_in_dim3A_123 = vector.broadcast %broadcast_in_dim3A_122 : f32 to vector<16xf32>
    %swap3A_124 = arith.constant 80 : index
    %swap3A_125 = tpu.vector_load %arg7[%swap3A_124] {strides = array<i32>} : memref<128xf32, #tpu.memory_space<vmem>>, vector<16xf32>,
    %swap3A_126 = vector.shape_cast %swap3A_125 : vector<16xf32> to vector<16xf32>
    %swap3A_127 = vector.shape_cast %broadcast_in_dim3A_123 : vector<16xf32> to vector<16xf32>
    tpu.vector_store %arg7[%swap3A_124], %swap3A_127 {strides = array<i32>} : memref<128xf32, #tpu.memory_space<vmem>>, vector<16xf32>,
    %broadcast_in_dim3A_128 = arith.constant 1.000000e+00 : f32
    %broadcast_in_dim3A_129 = vector.broadcast %broadcast_in_dim3A_128 : f32 to vector<16xf32>
    %swap3A_130 = arith.constant 96 : index
    %swap3A_131 = tpu.vector_load %arg7[%swap3A_130] {strides = array<i32>} : memref<128xf32, #tpu.memory_space<vmem>>, vector<16xf32>,
    %swap3A_132 = vector.shape_cast %swap3A_131 : vector<16xf32> to vector<16xf32>
    %swap3A_133 = vector.shape_cast %broadcast_in_dim3A_129 : vector<16xf32> to vector<16xf32>
    tpu.vector_store %arg7[%swap3A_130], %swap3A_133 {strides = array<i32>} : memref<128xf32, #tpu.memory_space<vmem>>, vector<16xf32>,
    %broadcast_in_dim3A_134 = arith.constant 1.000000e+00 : f32
    %broadcast_in_dim3A_135 = vector.broadcast %broadcast_in_dim3A_134 : f32 to vector<16xf32>
    %swap3A_136 = arith.constant 112 : index
    %swap3A_137 = tpu.vector_load %arg7[%swap3A_136] {strides = array<i32>} : memref<128xf32, #tpu.memory_space<vmem>>, vector<16xf32>,
    %swap3A_138 = vector.shape_cast %swap3A_137 : vector<16xf32> to vector<16xf32>
    %swap3A_139 = vector.shape_cast %broadcast_in_dim3A_135 : vector<16xf32> to vector<16xf32>
    tpu.vector_store %arg7[%swap3A_136], %swap3A_139 {strides = array<i32>} : memref<128xf32, #tpu.memory_space<vmem>>, vector<16xf32>,
    %mul3A_140 = arith.constant 80 : i32
    %mul3A_141 = arith.muli %mul3A_140, %arg0 : i32
    %add3A_142 = arith.constant 0 : i32
    %add3A_143 = arith.addi %mul3A_141, %add3A_142 : i32
    "tpu.region"() ({
      %run_scoped3A = tpu.sem_alloc : memref<!tpu.dma_semaphore, #tpu.memory_space<semaphore_mem>>
      %dma_start3A = arith.constant 0 : i32
      %dma_start3A_313 = arith.constant 0 : i32
      %dma_start3A_314 = tpu.memref_slice %arg2[%arg1, %dma_start3A, %dma_start3A_313] : memref<16x160x128xi32, #tpu.memory_space<hbm>> -> memref<1x160x128xi32, #tpu.memory_space<hbm>>
      %dma_start3A_315 = tpu.memref_squeeze %dma_start3A_314 : memref<1x160x128xi32, #tpu.memory_space<hbm>> -> memref<160x128xi32, #tpu.memory_space<hbm>>
      %dma_start3A_316 = arith.constant 0 : i32
      %dma_start3A_317 = tpu.memref_slice %dma_start3A_315[%add3A_143, %dma_start3A_316] : memref<160x128xi32, #tpu.memory_space<hbm>> -> memref<16x128xi32, #tpu.memory_space<hbm>>
      %dma_start3A_318 = arith.constant 0 : i32
      %dma_start3A_319 = arith.constant 0 : i32
      %dma_start3A_320 = tpu.memref_slice %arg2[%arg1, %dma_start3A_318, %dma_start3A_319] : memref<16x160x128xi32, #tpu.memory_space<hbm>> -> memref<1x160x128xi32, #tpu.memory_space<hbm>>
      %dma_start3A_321 = tpu.memref_squeeze %dma_start3A_320 : memref<1x160x128xi32, #tpu.memory_space<hbm>> -> memref<160x128xi32, #tpu.memory_space<hbm>>
      %dma_start3A_322 = arith.constant 0 : i32
      %dma_start3A_323 = tpu.memref_slice %dma_start3A_321[%add3A_143, %dma_start3A_322] : memref<160x128xi32, #tpu.memory_space<hbm>> -> memref<16x128xi32, #tpu.memory_space<hbm>>
      tpu.enqueue_dma source(%dma_start3A_323 : memref<16x128xi32, #tpu.memory_space<hbm>>) target(%arg5 : memref<16x128xi32, #tpu.memory_space<vmem>>) target_semaphore(%run_scoped3A : memref<!tpu.dma_semaphore, #tpu.memory_space<semaphore_mem>>)
      %dma_wait3A_324 = arith.constant 0 : i32
      %dma_wait3A_325 = arith.constant 0 : i32
      %dma_wait3A_326 = tpu.memref_slice %arg2[%arg1, %dma_wait3A_324, %dma_wait3A_325] : memref<16x160x128xi32, #tpu.memory_space<hbm>> -> memref<1x160x128xi32, #tpu.memory_space<hbm>>
      %dma_wait3A_327 = tpu.memref_squeeze %dma_wait3A_326 : memref<1x160x128xi32, #tpu.memory_space<hbm>> -> memref<160x128xi32, #tpu.memory_space<hbm>>
      %dma_wait3A_328 = arith.constant 0 : i32
      %dma_wait3A_329 = tpu.memref_slice %dma_wait3A_327[%add3A_143, %dma_wait3A_328] : memref<160x128xi32, #tpu.memory_space<hbm>> -> memref<16x128xi32, #tpu.memory_space<hbm>>
      %dma_wait3A_330 = arith.constant 0 : i32
      %dma_wait3A_331 = arith.constant 0 : i32
      %dma_wait3A_332 = tpu.memref_slice %arg2[%arg1, %dma_wait3A_330, %dma_wait3A_331] : memref<16x160x128xi32, #tpu.memory_space<hbm>> -> memref<1x160x128xi32, #tpu.memory_space<hbm>>
      %dma_wait3A_333 = tpu.memref_squeeze %dma_wait3A_332 : memref<1x160x128xi32, #tpu.memory_space<hbm>> -> memref<160x128xi32, #tpu.memory_space<hbm>>
      %dma_wait3A_334 = arith.constant 0 : i32
      %dma_wait3A_335 = tpu.memref_slice %dma_wait3A_333[%add3A_143, %dma_wait3A_334] : memref<160x128xi32, #tpu.memory_space<hbm>> -> memref<16x128xi32, #tpu.memory_space<hbm>>
      tpu.wait_dma2 semaphore(%run_scoped3A : memref<!tpu.dma_semaphore, #tpu.memory_space<semaphore_mem>>) src(%dma_wait3A_335 : memref<16x128xi32, #tpu.memory_space<hbm>>) dst(%arg5 : memref<16x128xi32, #tpu.memory_space<vmem>>)
      tpu.yield
    }) : () -> ()
    %add3A_144 = arith.constant 0 : i32
    %add3A_145 = arith.addi %mul3A_141, %add3A_144 : i32
    "tpu.region"() ({
      %run_scoped3A = tpu.sem_alloc : memref<!tpu.dma_semaphore, #tpu.memory_space<semaphore_mem>>
      %dma_start3A = arith.constant 0 : i32
      %dma_start3A_313 = arith.constant 0 : i32
      %dma_start3A_314 = tpu.memref_slice %arg3[%arg1, %dma_start3A, %dma_start3A_313] : memref<16x160x128xi32, #tpu.memory_space<hbm>> -> memref<1x160x128xi32, #tpu.memory_space<hbm>>
      %dma_start3A_315 = tpu.memref_squeeze %dma_start3A_314 : memref<1x160x128xi32, #tpu.memory_space<hbm>> -> memref<160x128xi32, #tpu.memory_space<hbm>>
      %dma_start3A_316 = arith.constant 0 : i32
      %dma_start3A_317 = tpu.memref_slice %dma_start3A_315[%add3A_145, %dma_start3A_316] : memref<160x128xi32, #tpu.memory_space<hbm>> -> memref<16x128xi32, #tpu.memory_space<hbm>>
      %dma_start3A_318 = arith.constant 0 : i32
      %dma_start3A_319 = arith.constant 0 : i32
      %dma_start3A_320 = tpu.memref_slice %arg3[%arg1, %dma_start3A_318, %dma_start3A_319] : memref<16x160x128xi32, #tpu.memory_space<hbm>> -> memref<1x160x128xi32, #tpu.memory_space<hbm>>
      %dma_start3A_321 = tpu.memref_squeeze %dma_start3A_320 : memref<1x160x128xi32, #tpu.memory_space<hbm>> -> memref<160x128xi32, #tpu.memory_space<hbm>>
      %dma_start3A_322 = arith.constant 0 : i32
      %dma_start3A_323 = tpu.memref_slice %dma_start3A_321[%add3A_145, %dma_start3A_322] : memref<160x128xi32, #tpu.memory_space<hbm>> -> memref<16x128xi32, #tpu.memory_space<hbm>>
      tpu.enqueue_dma source(%dma_start3A_323 : memref<16x128xi32, #tpu.memory_space<hbm>>) target(%arg6 : memref<16x128xi32, #tpu.memory_space<vmem>>) target_semaphore(%run_scoped3A : memref<!tpu.dma_semaphore, #tpu.memory_space<semaphore_mem>>)
      %dma_wait3A_324 = arith.constant 0 : i32
      %dma_wait3A_325 = arith.constant 0 : i32
      %dma_wait3A_326 = tpu.memref_slice %arg3[%arg1, %dma_wait3A_324, %dma_wait3A_325] : memref<16x160x128xi32, #tpu.memory_space<hbm>> -> memref<1x160x128xi32, #tpu.memory_space<hbm>>
      %dma_wait3A_327 = tpu.memref_squeeze %dma_wait3A_326 : memref<1x160x128xi32, #tpu.memory_space<hbm>> -> memref<160x128xi32, #tpu.memory_space<hbm>>
      %dma_wait3A_328 = arith.constant 0 : i32
      %dma_wait3A_329 = tpu.memref_slice %dma_wait3A_327[%add3A_145, %dma_wait3A_328] : memref<160x128xi32, #tpu.memory_space<hbm>> -> memref<16x128xi32, #tpu.memory_space<hbm>>
      %dma_wait3A_330 = arith.constant 0 : i32
      %dma_wait3A_331 = arith.constant 0 : i32
      %dma_wait3A_332 = tpu.memref_slice %arg3[%arg1, %dma_wait3A_330, %dma_wait3A_331] : memref<16x160x128xi32, #tpu.memory_space<hbm>> -> memref<1x160x128xi32, #tpu.memory_space<hbm>>
      %dma_wait3A_333 = tpu.memref_squeeze %dma_wait3A_332 : memref<1x160x128xi32, #tpu.memory_space<hbm>> -> memref<160x128xi32, #tpu.memory_space<hbm>>
      %dma_wait3A_334 = arith.constant 0 : i32
      %dma_wait3A_335 = tpu.memref_slice %dma_wait3A_333[%add3A_145, %dma_wait3A_334] : memref<160x128xi32, #tpu.memory_space<hbm>> -> memref<16x128xi32, #tpu.memory_space<hbm>>
      tpu.wait_dma2 semaphore(%run_scoped3A : memref<!tpu.dma_semaphore, #tpu.memory_space<semaphore_mem>>) src(%dma_wait3A_335 : memref<16x128xi32, #tpu.memory_space<hbm>>) dst(%arg6 : memref<16x128xi32, #tpu.memory_space<vmem>>)
      tpu.yield
    }) : () -> ()
    %scan3A = arith.constant 0 : i32
    %scan3A_146 = arith.constant 0 : i32
    %scan3A_147 = arith.constant 8 : i32
    %scan3A_148 = arith.addi %scan3A_146, %scan3A_147 : i32
    %scan3A_149 = arith.constant 1 : i32
    scf.for %scan3A_313 = %scan3A_146 to %scan3A_148 step %scan3A_149  : i32 {
      %mul3A_314 = arith.constant 2 : i32
      %mul3A_315 = arith.muli %mul3A_314, %scan3A_313 : i32
      %add3A_316 = arith.constant 1 : i32
      %add3A_317 = arith.addi %mul3A_315, %add3A_316 : i32
      %gt3A = arith.constant 0 : i32
      %gt3A_318 = arith.cmpi sgt, %scan3A_313, %gt3A : i32
      %convert_element_type3A_319 = arith.extui %gt3A_318 : i1 to i32
      %cond3A_320 = arith.constant 0 : i32
      %cond3A_321 = arith.cmpi ne, %convert_element_type3A_319, %cond3A_320 : i32
      scf.if %cond3A_321 {
        %dma_wait3A_346 = arith.constant 0 : i32
        %dma_wait3A_347 = arith.constant 0 : i32
        %dma_wait3A_348 = tpu.memref_slice %arg5[%dma_wait3A_346, %dma_wait3A_347] : memref<16x128xi32, #tpu.memory_space<vmem>> -> memref<1x128xi32, #tpu.memory_space<vmem>>
        %dma_wait3A_349 = tpu.memref_squeeze %dma_wait3A_348 : memref<1x128xi32, #tpu.memory_space<vmem>> -> memref<128xi32, #tpu.memory_space<vmem>>
        %dma_wait3A_350 = arith.constant 0 : i32
        %dma_wait3A_351 = tpu.memref_slice %arg10[%dma_wait3A_350] : memref<10240xf32, #tpu.memory_space<vmem_shared>> -> memref<10240xf32, #tpu.memory_space<vmem_shared>>
        tpu.wait_indirect_dma semaphore(%arg8 : memref<!tpu.dma_semaphore, #tpu.memory_space<semaphore_mem>>) src(%arg7 : memref<128xf32, #tpu.memory_space<vmem>>) dst(%dma_wait3A_351 : memref<10240xf32, #tpu.memory_space<vmem_shared>>)
        %dma_wait3A_352 = arith.constant 0 : i32
        %dma_wait3A_353 = arith.constant 0 : i32
        %dma_wait3A_354 = tpu.memref_slice %arg6[%dma_wait3A_352, %dma_wait3A_353] : memref<16x128xi32, #tpu.memory_space<vmem>> -> memref<1x128xi32, #tpu.memory_space<vmem>>
        %dma_wait3A_355 = tpu.memref_squeeze %dma_wait3A_354 : memref<1x128xi32, #tpu.memory_space<vmem>> -> memref<128xi32, #tpu.memory_space<vmem>>
        %dma_wait3A_356 = arith.constant 0 : i32
        %dma_wait3A_357 = tpu.memref_slice %arg11[%dma_wait3A_356] : memref<10240xf32, #tpu.memory_space<vmem_shared>> -> memref<10240xf32, #tpu.memory_space<vmem_shared>>
        tpu.wait_indirect_dma semaphore(%arg8 : memref<!tpu.dma_semaphore, #tpu.memory_space<semaphore_mem>>) src(%arg7 : memref<128xf32, #tpu.memory_space<vmem>>) dst(%dma_wait3A_357 : memref<10240xf32, #tpu.memory_space<vmem_shared>>)
      } else {
      }
      %dma_start3A = arith.constant 0 : i32
      %dma_start3A_322 = tpu.memref_slice %arg5[%mul3A_315, %dma_start3A] : memref<16x128xi32, #tpu.memory_space<vmem>> -> memref<1x128xi32, #tpu.memory_space<vmem>>
      %dma_start3A_323 = tpu.memref_squeeze %dma_start3A_322 : memref<1x128xi32, #tpu.memory_space<vmem>> -> memref<128xi32, #tpu.memory_space<vmem>>
      %dma_start3A_324 = arith.constant 0 : i32
      %dma_start3A_325 = tpu.memref_slice %arg10[%dma_start3A_324] : memref<10240xf32, #tpu.memory_space<vmem_shared>> -> memref<10240xf32, #tpu.memory_space<vmem_shared>>
      tpu.enqueue_indirect_dma source(%arg7 : memref<128xf32, #tpu.memory_space<vmem>>) target(%dma_start3A_325 : memref<10240xf32, #tpu.memory_space<vmem_shared>>) offsets(%dma_start3A_323 : memref<128xi32, #tpu.memory_space<vmem>>) semaphore(%arg8 : memref<!tpu.dma_semaphore, #tpu.memory_space<semaphore_mem>>) {add = true}
      %dma_start3A_326 = arith.constant 0 : i32
      %dma_start3A_327 = tpu.memref_slice %arg6[%mul3A_315, %dma_start3A_326] : memref<16x128xi32, #tpu.memory_space<vmem>> -> memref<1x128xi32, #tpu.memory_space<vmem>>
      %dma_start3A_328 = tpu.memref_squeeze %dma_start3A_327 : memref<1x128xi32, #tpu.memory_space<vmem>> -> memref<128xi32, #tpu.memory_space<vmem>>
      %dma_start3A_329 = arith.constant 0 : i32
      %dma_start3A_330 = tpu.memref_slice %arg11[%dma_start3A_329] : memref<10240xf32, #tpu.memory_space<vmem_shared>> -> memref<10240xf32, #tpu.memory_space<vmem_shared>>
      tpu.enqueue_indirect_dma source(%arg7 : memref<128xf32, #tpu.memory_space<vmem>>) target(%dma_start3A_330 : memref<10240xf32, #tpu.memory_space<vmem_shared>>) offsets(%dma_start3A_328 : memref<128xi32, #tpu.memory_space<vmem>>) semaphore(%arg8 : memref<!tpu.dma_semaphore, #tpu.memory_space<semaphore_mem>>) {add = true}
      %gt3A_331 = arith.constant 0 : i32
      %gt3A_332 = arith.cmpi sgt, %scan3A_313, %gt3A_331 : i32
      %convert_element_type3A_333 = arith.extui %gt3A_332 : i1 to i32
      %cond3A_334 = arith.constant 0 : i32
      %cond3A_335 = arith.cmpi ne, %convert_element_type3A_333, %cond3A_334 : i32
      scf.if %cond3A_335 {
        %dma_wait3A_346 = arith.constant 0 : i32
        %dma_wait3A_347 = arith.constant 0 : i32
        %dma_wait3A_348 = tpu.memref_slice %arg5[%dma_wait3A_346, %dma_wait3A_347] : memref<16x128xi32, #tpu.memory_space<vmem>> -> memref<1x128xi32, #tpu.memory_space<vmem>>
        %dma_wait3A_349 = tpu.memref_squeeze %dma_wait3A_348 : memref<1x128xi32, #tpu.memory_space<vmem>> -> memref<128xi32, #tpu.memory_space<vmem>>
        %dma_wait3A_350 = arith.constant 0 : i32
        %dma_wait3A_351 = tpu.memref_slice %arg12[%dma_wait3A_350] : memref<10240xf32, #tpu.memory_space<vmem_shared>> -> memref<10240xf32, #tpu.memory_space<vmem_shared>>
        tpu.wait_indirect_dma semaphore(%arg9 : memref<!tpu.dma_semaphore, #tpu.memory_space<semaphore_mem>>) src(%arg7 : memref<128xf32, #tpu.memory_space<vmem>>) dst(%dma_wait3A_351 : memref<10240xf32, #tpu.memory_space<vmem_shared>>)
        %dma_wait3A_352 = arith.constant 0 : i32
        %dma_wait3A_353 = arith.constant 0 : i32
        %dma_wait3A_354 = tpu.memref_slice %arg6[%dma_wait3A_352, %dma_wait3A_353] : memref<16x128xi32, #tpu.memory_space<vmem>> -> memref<1x128xi32, #tpu.memory_space<vmem>>
        %dma_wait3A_355 = tpu.memref_squeeze %dma_wait3A_354 : memref<1x128xi32, #tpu.memory_space<vmem>> -> memref<128xi32, #tpu.memory_space<vmem>>
        %dma_wait3A_356 = arith.constant 0 : i32
        %dma_wait3A_357 = tpu.memref_slice %arg13[%dma_wait3A_356] : memref<10240xf32, #tpu.memory_space<vmem_shared>> -> memref<10240xf32, #tpu.memory_space<vmem_shared>>
        tpu.wait_indirect_dma semaphore(%arg9 : memref<!tpu.dma_semaphore, #tpu.memory_space<semaphore_mem>>) src(%arg7 : memref<128xf32, #tpu.memory_space<vmem>>) dst(%dma_wait3A_357 : memref<10240xf32, #tpu.memory_space<vmem_shared>>)
      } else {
      }
      %dma_start3A_336 = arith.constant 0 : i32
      %dma_start3A_337 = tpu.memref_slice %arg5[%add3A_317, %dma_start3A_336] : memref<16x128xi32, #tpu.memory_space<vmem>> -> memref<1x128xi32, #tpu.memory_space<vmem>>
      %dma_start3A_338 = tpu.memref_squeeze %dma_start3A_337 : memref<1x128xi32, #tpu.memory_space<vmem>> -> memref<128xi32, #tpu.memory_space<vmem>>
      %dma_start3A_339 = arith.constant 0 : i32
      %dma_start3A_340 = tpu.memref_slice %arg12[%dma_start3A_339] : memref<10240xf32, #tpu.memory_space<vmem_shared>> -> memref<10240xf32, #tpu.memory_space<vmem_shared>>
      tpu.enqueue_indirect_dma source(%arg7 : memref<128xf32, #tpu.memory_space<vmem>>) target(%dma_start3A_340 : memref<10240xf32, #tpu.memory_space<vmem_shared>>) offsets(%dma_start3A_338 : memref<128xi32, #tpu.memory_space<vmem>>) semaphore(%arg9 : memref<!tpu.dma_semaphore, #tpu.memory_space<semaphore_mem>>) {add = true}
      %dma_start3A_341 = arith.constant 0 : i32
      %dma_start3A_342 = tpu.memref_slice %arg6[%add3A_317, %dma_start3A_341] : memref<16x128xi32, #tpu.memory_space<vmem>> -> memref<1x128xi32, #tpu.memory_space<vmem>>
      %dma_start3A_343 = tpu.memref_squeeze %dma_start3A_342 : memref<1x128xi32, #tpu.memory_space<vmem>> -> memref<128xi32, #tpu.memory_space<vmem>>
      %dma_start3A_344 = arith.constant 0 : i32
      %dma_start3A_345 = tpu.memref_slice %arg13[%dma_start3A_344] : memref<10240xf32, #tpu.memory_space<vmem_shared>> -> memref<10240xf32, #tpu.memory_space<vmem_shared>>
      tpu.enqueue_indirect_dma source(%arg7 : memref<128xf32, #tpu.memory_space<vmem>>) target(%dma_start3A_345 : memref<10240xf32, #tpu.memory_space<vmem_shared>>) offsets(%dma_start3A_343 : memref<128xi32, #tpu.memory_space<vmem>>) semaphore(%arg9 : memref<!tpu.dma_semaphore, #tpu.memory_space<semaphore_mem>>) {add = true}
    }
    %scan3A_150 = arith.constant 8 : i32
    %dma_wait3A = arith.constant 0 : i32
    %dma_wait3A_151 = arith.constant 0 : i32
    %dma_wait3A_152 = tpu.memref_slice %arg5[%dma_wait3A, %dma_wait3A_151] : memref<16x128xi32, #tpu.memory_space<vmem>> -> memref<1x128xi32, #tpu.memory_space<vmem>>
    %dma_wait3A_153 = tpu.memref_squeeze %dma_wait3A_152 : memref<1x128xi32, #tpu.memory_space<vmem>> -> memref<128xi32, #tpu.memory_space<vmem>>
    %dma_wait3A_154 = arith.constant 0 : i32
    %dma_wait3A_155 = tpu.memref_slice %arg10[%dma_wait3A_154] : memref<10240xf32, #tpu.memory_space<vmem_shared>> -> memref<10240xf32, #tpu.memory_space<vmem_shared>>
    tpu.wait_indirect_dma semaphore(%arg8 : memref<!tpu.dma_semaphore, #tpu.memory_space<semaphore_mem>>) src(%arg7 : memref<128xf32, #tpu.memory_space<vmem>>) dst(%dma_wait3A_155 : memref<10240xf32, #tpu.memory_space<vmem_shared>>)
    %dma_wait3A_156 = arith.constant 0 : i32
    %dma_wait3A_157 = arith.constant 0 : i32
    %dma_wait3A_158 = tpu.memref_slice %arg6[%dma_wait3A_156, %dma_wait3A_157] : memref<16x128xi32, #tpu.memory_space<vmem>> -> memref<1x128xi32, #tpu.memory_space<vmem>>
    %dma_wait3A_159 = tpu.memref_squeeze %dma_wait3A_158 : memref<1x128xi32, #tpu.memory_space<vmem>> -> memref<128xi32, #tpu.memory_space<vmem>>
    %dma_wait3A_160 = arith.constant 0 : i32
    %dma_wait3A_161 = tpu.memref_slice %arg11[%dma_wait3A_160] : memref<10240xf32, #tpu.memory_space<vmem_shared>> -> memref<10240xf32, #tpu.memory_space<vmem_shared>>
    tpu.wait_indirect_dma semaphore(%arg8 : memref<!tpu.dma_semaphore, #tpu.memory_space<semaphore_mem>>) src(%arg7 : memref<128xf32, #tpu.memory_space<vmem>>) dst(%dma_wait3A_161 : memref<10240xf32, #tpu.memory_space<vmem_shared>>)
    %dma_wait3A_162 = arith.constant 0 : i32
    %dma_wait3A_163 = arith.constant 0 : i32
    %dma_wait3A_164 = tpu.memref_slice %arg5[%dma_wait3A_162, %dma_wait3A_163] : memref<16x128xi32, #tpu.memory_space<vmem>> -> memref<1x128xi32, #tpu.memory_space<vmem>>
    %dma_wait3A_165 = tpu.memref_squeeze %dma_wait3A_164 : memref<1x128xi32, #tpu.memory_space<vmem>> -> memref<128xi32, #tpu.memory_space<vmem>>
    %dma_wait3A_166 = arith.constant 0 : i32
    %dma_wait3A_167 = tpu.memref_slice %arg12[%dma_wait3A_166] : memref<10240xf32, #tpu.memory_space<vmem_shared>> -> memref<10240xf32, #tpu.memory_space<vmem_shared>>
    tpu.wait_indirect_dma semaphore(%arg9 : memref<!tpu.dma_semaphore, #tpu.memory_space<semaphore_mem>>) src(%arg7 : memref<128xf32, #tpu.memory_space<vmem>>) dst(%dma_wait3A_167 : memref<10240xf32, #tpu.memory_space<vmem_shared>>)
    %dma_wait3A_168 = arith.constant 0 : i32
    %dma_wait3A_169 = arith.constant 0 : i32
    %dma_wait3A_170 = tpu.memref_slice %arg6[%dma_wait3A_168, %dma_wait3A_169] : memref<16x128xi32, #tpu.memory_space<vmem>> -> memref<1x128xi32, #tpu.memory_space<vmem>>
    %dma_wait3A_171 = tpu.memref_squeeze %dma_wait3A_170 : memref<1x128xi32, #tpu.memory_space<vmem>> -> memref<128xi32, #tpu.memory_space<vmem>>
    %dma_wait3A_172 = arith.constant 0 : i32
    %dma_wait3A_173 = tpu.memref_slice %arg13[%dma_wait3A_172] : memref<10240xf32, #tpu.memory_space<vmem_shared>> -> memref<10240xf32, #tpu.memory_space<vmem_shared>>
    tpu.wait_indirect_dma semaphore(%arg9 : memref<!tpu.dma_semaphore, #tpu.memory_space<semaphore_mem>>) src(%arg7 : memref<128xf32, #tpu.memory_space<vmem>>) dst(%dma_wait3A_173 : memref<10240xf32, #tpu.memory_space<vmem_shared>>)
    %add3A_174 = arith.constant 16 : i32
    %add3A_175 = arith.addi %mul3A_141, %add3A_174 : i32
    "tpu.region"() ({
      %run_scoped3A = tpu.sem_alloc : memref<!tpu.dma_semaphore, #tpu.memory_space<semaphore_mem>>
      %dma_start3A = arith.constant 0 : i32
      %dma_start3A_313 = arith.constant 0 : i32
      %dma_start3A_314 = tpu.memref_slice %arg2[%arg1, %dma_start3A, %dma_start3A_313] : memref<16x160x128xi32, #tpu.memory_space<hbm>> -> memref<1x160x128xi32, #tpu.memory_space<hbm>>
      %dma_start3A_315 = tpu.memref_squeeze %dma_start3A_314 : memref<1x160x128xi32, #tpu.memory_space<hbm>> -> memref<160x128xi32, #tpu.memory_space<hbm>>
      %dma_start3A_316 = arith.constant 0 : i32
      %dma_start3A_317 = tpu.memref_slice %dma_start3A_315[%add3A_175, %dma_start3A_316] : memref<160x128xi32, #tpu.memory_space<hbm>> -> memref<16x128xi32, #tpu.memory_space<hbm>>
      %dma_start3A_318 = arith.constant 0 : i32
      %dma_start3A_319 = arith.constant 0 : i32
      %dma_start3A_320 = tpu.memref_slice %arg2[%arg1, %dma_start3A_318, %dma_start3A_319] : memref<16x160x128xi32, #tpu.memory_space<hbm>> -> memref<1x160x128xi32, #tpu.memory_space<hbm>>
      %dma_start3A_321 = tpu.memref_squeeze %dma_start3A_320 : memref<1x160x128xi32, #tpu.memory_space<hbm>> -> memref<160x128xi32, #tpu.memory_space<hbm>>
      %dma_start3A_322 = arith.constant 0 : i32
      %dma_start3A_323 = tpu.memref_slice %dma_start3A_321[%add3A_175, %dma_start3A_322] : memref<160x128xi32, #tpu.memory_space<hbm>> -> memref<16x128xi32, #tpu.memory_space<hbm>>
      tpu.enqueue_dma source(%dma_start3A_323 : memref<16x128xi32, #tpu.memory_space<hbm>>) target(%arg5 : memref<16x128xi32, #tpu.memory_space<vmem>>) target_semaphore(%run_scoped3A : memref<!tpu.dma_semaphore, #tpu.memory_space<semaphore_mem>>)
      %dma_wait3A_324 = arith.constant 0 : i32
      %dma_wait3A_325 = arith.constant 0 : i32
      %dma_wait3A_326 = tpu.memref_slice %arg2[%arg1, %dma_wait3A_324, %dma_wait3A_325] : memref<16x160x128xi32, #tpu.memory_space<hbm>> -> memref<1x160x128xi32, #tpu.memory_space<hbm>>
      %dma_wait3A_327 = tpu.memref_squeeze %dma_wait3A_326 : memref<1x160x128xi32, #tpu.memory_space<hbm>> -> memref<160x128xi32, #tpu.memory_space<hbm>>
      %dma_wait3A_328 = arith.constant 0 : i32
      %dma_wait3A_329 = tpu.memref_slice %dma_wait3A_327[%add3A_175, %dma_wait3A_328] : memref<160x128xi32, #tpu.memory_space<hbm>> -> memref<16x128xi32, #tpu.memory_space<hbm>>
      %dma_wait3A_330 = arith.constant 0 : i32
      %dma_wait3A_331 = arith.constant 0 : i32
      %dma_wait3A_332 = tpu.memref_slice %arg2[%arg1, %dma_wait3A_330, %dma_wait3A_331] : memref<16x160x128xi32, #tpu.memory_space<hbm>> -> memref<1x160x128xi32, #tpu.memory_space<hbm>>
      %dma_wait3A_333 = tpu.memref_squeeze %dma_wait3A_332 : memref<1x160x128xi32, #tpu.memory_space<hbm>> -> memref<160x128xi32, #tpu.memory_space<hbm>>
      %dma_wait3A_334 = arith.constant 0 : i32
      %dma_wait3A_335 = tpu.memref_slice %dma_wait3A_333[%add3A_175, %dma_wait3A_334] : memref<160x128xi32, #tpu.memory_space<hbm>> -> memref<16x128xi32, #tpu.memory_space<hbm>>
      tpu.wait_dma2 semaphore(%run_scoped3A : memref<!tpu.dma_semaphore, #tpu.memory_space<semaphore_mem>>) src(%dma_wait3A_335 : memref<16x128xi32, #tpu.memory_space<hbm>>) dst(%arg5 : memref<16x128xi32, #tpu.memory_space<vmem>>)
      tpu.yield
    }) : () -> ()
    %add3A_176 = arith.constant 16 : i32
    %add3A_177 = arith.addi %mul3A_141, %add3A_176 : i32
    "tpu.region"() ({
      %run_scoped3A = tpu.sem_alloc : memref<!tpu.dma_semaphore, #tpu.memory_space<semaphore_mem>>
      %dma_start3A = arith.constant 0 : i32
      %dma_start3A_313 = arith.constant 0 : i32
      %dma_start3A_314 = tpu.memref_slice %arg3[%arg1, %dma_start3A, %dma_start3A_313] : memref<16x160x128xi32, #tpu.memory_space<hbm>> -> memref<1x160x128xi32, #tpu.memory_space<hbm>>
      %dma_start3A_315 = tpu.memref_squeeze %dma_start3A_314 : memref<1x160x128xi32, #tpu.memory_space<hbm>> -> memref<160x128xi32, #tpu.memory_space<hbm>>
      %dma_start3A_316 = arith.constant 0 : i32
      %dma_start3A_317 = tpu.memref_slice %dma_start3A_315[%add3A_177, %dma_start3A_316] : memref<160x128xi32, #tpu.memory_space<hbm>> -> memref<16x128xi32, #tpu.memory_space<hbm>>
      %dma_start3A_318 = arith.constant 0 : i32
      %dma_start3A_319 = arith.constant 0 : i32
      %dma_start3A_320 = tpu.memref_slice %arg3[%arg1, %dma_start3A_318, %dma_start3A_319] : memref<16x160x128xi32, #tpu.memory_space<hbm>> -> memref<1x160x128xi32, #tpu.memory_space<hbm>>
      %dma_start3A_321 = tpu.memref_squeeze %dma_start3A_320 : memref<1x160x128xi32, #tpu.memory_space<hbm>> -> memref<160x128xi32, #tpu.memory_space<hbm>>
      %dma_start3A_322 = arith.constant 0 : i32
      %dma_start3A_323 = tpu.memref_slice %dma_start3A_321[%add3A_177, %dma_start3A_322] : memref<160x128xi32, #tpu.memory_space<hbm>> -> memref<16x128xi32, #tpu.memory_space<hbm>>
      tpu.enqueue_dma source(%dma_start3A_323 : memref<16x128xi32, #tpu.memory_space<hbm>>) target(%arg6 : memref<16x128xi32, #tpu.memory_space<vmem>>) target_semaphore(%run_scoped3A : memref<!tpu.dma_semaphore, #tpu.memory_space<semaphore_mem>>)
      %dma_wait3A_324 = arith.constant 0 : i32
      %dma_wait3A_325 = arith.constant 0 : i32
      %dma_wait3A_326 = tpu.memref_slice %arg3[%arg1, %dma_wait3A_324, %dma_wait3A_325] : memref<16x160x128xi32, #tpu.memory_space<hbm>> -> memref<1x160x128xi32, #tpu.memory_space<hbm>>
      %dma_wait3A_327 = tpu.memref_squeeze %dma_wait3A_326 : memref<1x160x128xi32, #tpu.memory_space<hbm>> -> memref<160x128xi32, #tpu.memory_space<hbm>>
      %dma_wait3A_328 = arith.constant 0 : i32
      %dma_wait3A_329 = tpu.memref_slice %dma_wait3A_327[%add3A_177, %dma_wait3A_328] : memref<160x128xi32, #tpu.memory_space<hbm>> -> memref<16x128xi32, #tpu.memory_space<hbm>>
      %dma_wait3A_330 = arith.constant 0 : i32
      %dma_wait3A_331 = arith.constant 0 : i32
      %dma_wait3A_332 = tpu.memref_slice %arg3[%arg1, %dma_wait3A_330, %dma_wait3A_331] : memref<16x160x128xi32, #tpu.memory_space<hbm>> -> memref<1x160x128xi32, #tpu.memory_space<hbm>>
      %dma_wait3A_333 = tpu.memref_squeeze %dma_wait3A_332 : memref<1x160x128xi32, #tpu.memory_space<hbm>> -> memref<160x128xi32, #tpu.memory_space<hbm>>
      %dma_wait3A_334 = arith.constant 0 : i32
      %dma_wait3A_335 = tpu.memref_slice %dma_wait3A_333[%add3A_177, %dma_wait3A_334] : memref<160x128xi32, #tpu.memory_space<hbm>> -> memref<16x128xi32, #tpu.memory_space<hbm>>
      tpu.wait_dma2 semaphore(%run_scoped3A : memref<!tpu.dma_semaphore, #tpu.memory_space<semaphore_mem>>) src(%dma_wait3A_335 : memref<16x128xi32, #tpu.memory_space<hbm>>) dst(%arg6 : memref<16x128xi32, #tpu.memory_space<vmem>>)
      tpu.yield
    }) : () -> ()
    %scan3A_178 = arith.constant 0 : i32
    %scan3A_179 = arith.constant 0 : i32
    %scan3A_180 = arith.constant 8 : i32
    %scan3A_181 = arith.addi %scan3A_179, %scan3A_180 : i32
    %scan3A_182 = arith.constant 1 : i32
    scf.for %scan3A_313 = %scan3A_179 to %scan3A_181 step %scan3A_182  : i32 {
      %mul3A_314 = arith.constant 2 : i32
      %mul3A_315 = arith.muli %mul3A_314, %scan3A_313 : i32
      %add3A_316 = arith.constant 1 : i32
      %add3A_317 = arith.addi %mul3A_315, %add3A_316 : i32
      %gt3A = arith.constant 0 : i32
      %gt3A_318 = arith.cmpi sgt, %scan3A_313, %gt3A : i32
      %convert_element_type3A_319 = arith.extui %gt3A_318 : i1 to i32
      %cond3A_320 = arith.constant 0 : i32
      %cond3A_321 = arith.cmpi ne, %convert_element_type3A_319, %cond3A_320 : i32
      scf.if %cond3A_321 {
        %dma_wait3A_346 = arith.constant 0 : i32
        %dma_wait3A_347 = arith.constant 0 : i32
        %dma_wait3A_348 = tpu.memref_slice %arg5[%dma_wait3A_346, %dma_wait3A_347] : memref<16x128xi32, #tpu.memory_space<vmem>> -> memref<1x128xi32, #tpu.memory_space<vmem>>
        %dma_wait3A_349 = tpu.memref_squeeze %dma_wait3A_348 : memref<1x128xi32, #tpu.memory_space<vmem>> -> memref<128xi32, #tpu.memory_space<vmem>>
        %dma_wait3A_350 = arith.constant 0 : i32
        %dma_wait3A_351 = tpu.memref_slice %arg10[%dma_wait3A_350] : memref<10240xf32, #tpu.memory_space<vmem_shared>> -> memref<10240xf32, #tpu.memory_space<vmem_shared>>
        tpu.wait_indirect_dma semaphore(%arg8 : memref<!tpu.dma_semaphore, #tpu.memory_space<semaphore_mem>>) src(%arg7 : memref<128xf32, #tpu.memory_space<vmem>>) dst(%dma_wait3A_351 : memref<10240xf32, #tpu.memory_space<vmem_shared>>)
        %dma_wait3A_352 = arith.constant 0 : i32
        %dma_wait3A_353 = arith.constant 0 : i32
        %dma_wait3A_354 = tpu.memref_slice %arg6[%dma_wait3A_352, %dma_wait3A_353] : memref<16x128xi32, #tpu.memory_space<vmem>> -> memref<1x128xi32, #tpu.memory_space<vmem>>
        %dma_wait3A_355 = tpu.memref_squeeze %dma_wait3A_354 : memref<1x128xi32, #tpu.memory_space<vmem>> -> memref<128xi32, #tpu.memory_space<vmem>>
        %dma_wait3A_356 = arith.constant 0 : i32
        %dma_wait3A_357 = tpu.memref_slice %arg11[%dma_wait3A_356] : memref<10240xf32, #tpu.memory_space<vmem_shared>> -> memref<10240xf32, #tpu.memory_space<vmem_shared>>
        tpu.wait_indirect_dma semaphore(%arg8 : memref<!tpu.dma_semaphore, #tpu.memory_space<semaphore_mem>>) src(%arg7 : memref<128xf32, #tpu.memory_space<vmem>>) dst(%dma_wait3A_357 : memref<10240xf32, #tpu.memory_space<vmem_shared>>)
      } else {
      }
      %dma_start3A = arith.constant 0 : i32
      %dma_start3A_322 = tpu.memref_slice %arg5[%mul3A_315, %dma_start3A] : memref<16x128xi32, #tpu.memory_space<vmem>> -> memref<1x128xi32, #tpu.memory_space<vmem>>
      %dma_start3A_323 = tpu.memref_squeeze %dma_start3A_322 : memref<1x128xi32, #tpu.memory_space<vmem>> -> memref<128xi32, #tpu.memory_space<vmem>>
      %dma_start3A_324 = arith.constant 0 : i32
      %dma_start3A_325 = tpu.memref_slice %arg10[%dma_start3A_324] : memref<10240xf32, #tpu.memory_space<vmem_shared>> -> memref<10240xf32, #tpu.memory_space<vmem_shared>>
      tpu.enqueue_indirect_dma source(%arg7 : memref<128xf32, #tpu.memory_space<vmem>>) target(%dma_start3A_325 : memref<10240xf32, #tpu.memory_space<vmem_shared>>) offsets(%dma_start3A_323 : memref<128xi32, #tpu.memory_space<vmem>>) semaphore(%arg8 : memref<!tpu.dma_semaphore, #tpu.memory_space<semaphore_mem>>) {add = true}
      %dma_start3A_326 = arith.constant 0 : i32
      %dma_start3A_327 = tpu.memref_slice %arg6[%mul3A_315, %dma_start3A_326] : memref<16x128xi32, #tpu.memory_space<vmem>> -> memref<1x128xi32, #tpu.memory_space<vmem>>
      %dma_start3A_328 = tpu.memref_squeeze %dma_start3A_327 : memref<1x128xi32, #tpu.memory_space<vmem>> -> memref<128xi32, #tpu.memory_space<vmem>>
      %dma_start3A_329 = arith.constant 0 : i32
      %dma_start3A_330 = tpu.memref_slice %arg11[%dma_start3A_329] : memref<10240xf32, #tpu.memory_space<vmem_shared>> -> memref<10240xf32, #tpu.memory_space<vmem_shared>>
      tpu.enqueue_indirect_dma source(%arg7 : memref<128xf32, #tpu.memory_space<vmem>>) target(%dma_start3A_330 : memref<10240xf32, #tpu.memory_space<vmem_shared>>) offsets(%dma_start3A_328 : memref<128xi32, #tpu.memory_space<vmem>>) semaphore(%arg8 : memref<!tpu.dma_semaphore, #tpu.memory_space<semaphore_mem>>) {add = true}
      %gt3A_331 = arith.constant 0 : i32
      %gt3A_332 = arith.cmpi sgt, %scan3A_313, %gt3A_331 : i32
      %convert_element_type3A_333 = arith.extui %gt3A_332 : i1 to i32
      %cond3A_334 = arith.constant 0 : i32
      %cond3A_335 = arith.cmpi ne, %convert_element_type3A_333, %cond3A_334 : i32
      scf.if %cond3A_335 {
        %dma_wait3A_346 = arith.constant 0 : i32
        %dma_wait3A_347 = arith.constant 0 : i32
        %dma_wait3A_348 = tpu.memref_slice %arg5[%dma_wait3A_346, %dma_wait3A_347] : memref<16x128xi32, #tpu.memory_space<vmem>> -> memref<1x128xi32, #tpu.memory_space<vmem>>
        %dma_wait3A_349 = tpu.memref_squeeze %dma_wait3A_348 : memref<1x128xi32, #tpu.memory_space<vmem>> -> memref<128xi32, #tpu.memory_space<vmem>>
        %dma_wait3A_350 = arith.constant 0 : i32
        %dma_wait3A_351 = tpu.memref_slice %arg12[%dma_wait3A_350] : memref<10240xf32, #tpu.memory_space<vmem_shared>> -> memref<10240xf32, #tpu.memory_space<vmem_shared>>
        tpu.wait_indirect_dma semaphore(%arg9 : memref<!tpu.dma_semaphore, #tpu.memory_space<semaphore_mem>>) src(%arg7 : memref<128xf32, #tpu.memory_space<vmem>>) dst(%dma_wait3A_351 : memref<10240xf32, #tpu.memory_space<vmem_shared>>)
        %dma_wait3A_352 = arith.constant 0 : i32
        %dma_wait3A_353 = arith.constant 0 : i32
        %dma_wait3A_354 = tpu.memref_slice %arg6[%dma_wait3A_352, %dma_wait3A_353] : memref<16x128xi32, #tpu.memory_space<vmem>> -> memref<1x128xi32, #tpu.memory_space<vmem>>
        %dma_wait3A_355 = tpu.memref_squeeze %dma_wait3A_354 : memref<1x128xi32, #tpu.memory_space<vmem>> -> memref<128xi32, #tpu.memory_space<vmem>>
        %dma_wait3A_356 = arith.constant 0 : i32
        %dma_wait3A_357 = tpu.memref_slice %arg13[%dma_wait3A_356] : memref<10240xf32, #tpu.memory_space<vmem_shared>> -> memref<10240xf32, #tpu.memory_space<vmem_shared>>
        tpu.wait_indirect_dma semaphore(%arg9 : memref<!tpu.dma_semaphore, #tpu.memory_space<semaphore_mem>>) src(%arg7 : memref<128xf32, #tpu.memory_space<vmem>>) dst(%dma_wait3A_357 : memref<10240xf32, #tpu.memory_space<vmem_shared>>)
      } else {
      }
      %dma_start3A_336 = arith.constant 0 : i32
      %dma_start3A_337 = tpu.memref_slice %arg5[%add3A_317, %dma_start3A_336] : memref<16x128xi32, #tpu.memory_space<vmem>> -> memref<1x128xi32, #tpu.memory_space<vmem>>
      %dma_start3A_338 = tpu.memref_squeeze %dma_start3A_337 : memref<1x128xi32, #tpu.memory_space<vmem>> -> memref<128xi32, #tpu.memory_space<vmem>>
      %dma_start3A_339 = arith.constant 0 : i32
      %dma_start3A_340 = tpu.memref_slice %arg12[%dma_start3A_339] : memref<10240xf32, #tpu.memory_space<vmem_shared>> -> memref<10240xf32, #tpu.memory_space<vmem_shared>>
      tpu.enqueue_indirect_dma source(%arg7 : memref<128xf32, #tpu.memory_space<vmem>>) target(%dma_start3A_340 : memref<10240xf32, #tpu.memory_space<vmem_shared>>) offsets(%dma_start3A_338 : memref<128xi32, #tpu.memory_space<vmem>>) semaphore(%arg9 : memref<!tpu.dma_semaphore, #tpu.memory_space<semaphore_mem>>) {add = true}
      %dma_start3A_341 = arith.constant 0 : i32
      %dma_start3A_342 = tpu.memref_slice %arg6[%add3A_317, %dma_start3A_341] : memref<16x128xi32, #tpu.memory_space<vmem>> -> memref<1x128xi32, #tpu.memory_space<vmem>>
      %dma_start3A_343 = tpu.memref_squeeze %dma_start3A_342 : memref<1x128xi32, #tpu.memory_space<vmem>> -> memref<128xi32, #tpu.memory_space<vmem>>
      %dma_start3A_344 = arith.constant 0 : i32
      %dma_start3A_345 = tpu.memref_slice %arg13[%dma_start3A_344] : memref<10240xf32, #tpu.memory_space<vmem_shared>> -> memref<10240xf32, #tpu.memory_space<vmem_shared>>
      tpu.enqueue_indirect_dma source(%arg7 : memref<128xf32, #tpu.memory_space<vmem>>) target(%dma_start3A_345 : memref<10240xf32, #tpu.memory_space<vmem_shared>>) offsets(%dma_start3A_343 : memref<128xi32, #tpu.memory_space<vmem>>) semaphore(%arg9 : memref<!tpu.dma_semaphore, #tpu.memory_space<semaphore_mem>>) {add = true}
    }
    %scan3A_183 = arith.constant 8 : i32
    %dma_wait3A_184 = arith.constant 0 : i32
    %dma_wait3A_185 = arith.constant 0 : i32
    %dma_wait3A_186 = tpu.memref_slice %arg5[%dma_wait3A_184, %dma_wait3A_185] : memref<16x128xi32, #tpu.memory_space<vmem>> -> memref<1x128xi32, #tpu.memory_space<vmem>>
    %dma_wait3A_187 = tpu.memref_squeeze %dma_wait3A_186 : memref<1x128xi32, #tpu.memory_space<vmem>> -> memref<128xi32, #tpu.memory_space<vmem>>
    %dma_wait3A_188 = arith.constant 0 : i32
    %dma_wait3A_189 = tpu.memref_slice %arg10[%dma_wait3A_188] : memref<10240xf32, #tpu.memory_space<vmem_shared>> -> memref<10240xf32, #tpu.memory_space<vmem_shared>>
    tpu.wait_indirect_dma semaphore(%arg8 : memref<!tpu.dma_semaphore, #tpu.memory_space<semaphore_mem>>) src(%arg7 : memref<128xf32, #tpu.memory_space<vmem>>) dst(%dma_wait3A_189 : memref<10240xf32, #tpu.memory_space<vmem_shared>>)
    %dma_wait3A_190 = arith.constant 0 : i32
    %dma_wait3A_191 = arith.constant 0 : i32
    %dma_wait3A_192 = tpu.memref_slice %arg6[%dma_wait3A_190, %dma_wait3A_191] : memref<16x128xi32, #tpu.memory_space<vmem>> -> memref<1x128xi32, #tpu.memory_space<vmem>>
    %dma_wait3A_193 = tpu.memref_squeeze %dma_wait3A_192 : memref<1x128xi32, #tpu.memory_space<vmem>> -> memref<128xi32, #tpu.memory_space<vmem>>
    %dma_wait3A_194 = arith.constant 0 : i32
    %dma_wait3A_195 = tpu.memref_slice %arg11[%dma_wait3A_194] : memref<10240xf32, #tpu.memory_space<vmem_shared>> -> memref<10240xf32, #tpu.memory_space<vmem_shared>>
    tpu.wait_indirect_dma semaphore(%arg8 : memref<!tpu.dma_semaphore, #tpu.memory_space<semaphore_mem>>) src(%arg7 : memref<128xf32, #tpu.memory_space<vmem>>) dst(%dma_wait3A_195 : memref<10240xf32, #tpu.memory_space<vmem_shared>>)
    %dma_wait3A_196 = arith.constant 0 : i32
    %dma_wait3A_197 = arith.constant 0 : i32
    %dma_wait3A_198 = tpu.memref_slice %arg5[%dma_wait3A_196, %dma_wait3A_197] : memref<16x128xi32, #tpu.memory_space<vmem>> -> memref<1x128xi32, #tpu.memory_space<vmem>>
    %dma_wait3A_199 = tpu.memref_squeeze %dma_wait3A_198 : memref<1x128xi32, #tpu.memory_space<vmem>> -> memref<128xi32, #tpu.memory_space<vmem>>
    %dma_wait3A_200 = arith.constant 0 : i32
    %dma_wait3A_201 = tpu.memref_slice %arg12[%dma_wait3A_200] : memref<10240xf32, #tpu.memory_space<vmem_shared>> -> memref<10240xf32, #tpu.memory_space<vmem_shared>>
    tpu.wait_indirect_dma semaphore(%arg9 : memref<!tpu.dma_semaphore, #tpu.memory_space<semaphore_mem>>) src(%arg7 : memref<128xf32, #tpu.memory_space<vmem>>) dst(%dma_wait3A_201 : memref<10240xf32, #tpu.memory_space<vmem_shared>>)
    %dma_wait3A_202 = arith.constant 0 : i32
    %dma_wait3A_203 = arith.constant 0 : i32
    %dma_wait3A_204 = tpu.memref_slice %arg6[%dma_wait3A_202, %dma_wait3A_203] : memref<16x128xi32, #tpu.memory_space<vmem>> -> memref<1x128xi32, #tpu.memory_space<vmem>>
    %dma_wait3A_205 = tpu.memref_squeeze %dma_wait3A_204 : memref<1x128xi32, #tpu.memory_space<vmem>> -> memref<128xi32, #tpu.memory_space<vmem>>
    %dma_wait3A_206 = arith.constant 0 : i32
    %dma_wait3A_207 = tpu.memref_slice %arg13[%dma_wait3A_206] : memref<10240xf32, #tpu.memory_space<vmem_shared>> -> memref<10240xf32, #tpu.memory_space<vmem_shared>>
    tpu.wait_indirect_dma semaphore(%arg9 : memref<!tpu.dma_semaphore, #tpu.memory_space<semaphore_mem>>) src(%arg7 : memref<128xf32, #tpu.memory_space<vmem>>) dst(%dma_wait3A_207 : memref<10240xf32, #tpu.memory_space<vmem_shared>>)
    %add3A_208 = arith.constant 32 : i32
    %add3A_209 = arith.addi %mul3A_141, %add3A_208 : i32
    "tpu.region"() ({
      %run_scoped3A = tpu.sem_alloc : memref<!tpu.dma_semaphore, #tpu.memory_space<semaphore_mem>>
      %dma_start3A = arith.constant 0 : i32
      %dma_start3A_313 = arith.constant 0 : i32
      %dma_start3A_314 = tpu.memref_slice %arg2[%arg1, %dma_start3A, %dma_start3A_313] : memref<16x160x128xi32, #tpu.memory_space<hbm>> -> memref<1x160x128xi32, #tpu.memory_space<hbm>>
      %dma_start3A_315 = tpu.memref_squeeze %dma_start3A_314 : memref<1x160x128xi32, #tpu.memory_space<hbm>> -> memref<160x128xi32, #tpu.memory_space<hbm>>
      %dma_start3A_316 = arith.constant 0 : i32
      %dma_start3A_317 = tpu.memref_slice %dma_start3A_315[%add3A_209, %dma_start3A_316] : memref<160x128xi32, #tpu.memory_space<hbm>> -> memref<16x128xi32, #tpu.memory_space<hbm>>
      %dma_start3A_318 = arith.constant 0 : i32
      %dma_start3A_319 = arith.constant 0 : i32
      %dma_start3A_320 = tpu.memref_slice %arg2[%arg1, %dma_start3A_318, %dma_start3A_319] : memref<16x160x128xi32, #tpu.memory_space<hbm>> -> memref<1x160x128xi32, #tpu.memory_space<hbm>>
      %dma_start3A_321 = tpu.memref_squeeze %dma_start3A_320 : memref<1x160x128xi32, #tpu.memory_space<hbm>> -> memref<160x128xi32, #tpu.memory_space<hbm>>
      %dma_start3A_322 = arith.constant 0 : i32
      %dma_start3A_323 = tpu.memref_slice %dma_start3A_321[%add3A_209, %dma_start3A_322] : memref<160x128xi32, #tpu.memory_space<hbm>> -> memref<16x128xi32, #tpu.memory_space<hbm>>
      tpu.enqueue_dma source(%dma_start3A_323 : memref<16x128xi32, #tpu.memory_space<hbm>>) target(%arg5 : memref<16x128xi32, #tpu.memory_space<vmem>>) target_semaphore(%run_scoped3A : memref<!tpu.dma_semaphore, #tpu.memory_space<semaphore_mem>>)
      %dma_wait3A_324 = arith.constant 0 : i32
      %dma_wait3A_325 = arith.constant 0 : i32
      %dma_wait3A_326 = tpu.memref_slice %arg2[%arg1, %dma_wait3A_324, %dma_wait3A_325] : memref<16x160x128xi32, #tpu.memory_space<hbm>> -> memref<1x160x128xi32, #tpu.memory_space<hbm>>
      %dma_wait3A_327 = tpu.memref_squeeze %dma_wait3A_326 : memref<1x160x128xi32, #tpu.memory_space<hbm>> -> memref<160x128xi32, #tpu.memory_space<hbm>>
      %dma_wait3A_328 = arith.constant 0 : i32
      %dma_wait3A_329 = tpu.memref_slice %dma_wait3A_327[%add3A_209, %dma_wait3A_328] : memref<160x128xi32, #tpu.memory_space<hbm>> -> memref<16x128xi32, #tpu.memory_space<hbm>>
      %dma_wait3A_330 = arith.constant 0 : i32
      %dma_wait3A_331 = arith.constant 0 : i32
      %dma_wait3A_332 = tpu.memref_slice %arg2[%arg1, %dma_wait3A_330, %dma_wait3A_331] : memref<16x160x128xi32, #tpu.memory_space<hbm>> -> memref<1x160x128xi32, #tpu.memory_space<hbm>>
      %dma_wait3A_333 = tpu.memref_squeeze %dma_wait3A_332 : memref<1x160x128xi32, #tpu.memory_space<hbm>> -> memref<160x128xi32, #tpu.memory_space<hbm>>
      %dma_wait3A_334 = arith.constant 0 : i32
      %dma_wait3A_335 = tpu.memref_slice %dma_wait3A_333[%add3A_209, %dma_wait3A_334] : memref<160x128xi32, #tpu.memory_space<hbm>> -> memref<16x128xi32, #tpu.memory_space<hbm>>
      tpu.wait_dma2 semaphore(%run_scoped3A : memref<!tpu.dma_semaphore, #tpu.memory_space<semaphore_mem>>) src(%dma_wait3A_335 : memref<16x128xi32, #tpu.memory_space<hbm>>) dst(%arg5 : memref<16x128xi32, #tpu.memory_space<vmem>>)
      tpu.yield
    }) : () -> ()
    %add3A_210 = arith.constant 32 : i32
    %add3A_211 = arith.addi %mul3A_141, %add3A_210 : i32
    "tpu.region"() ({
      %run_scoped3A = tpu.sem_alloc : memref<!tpu.dma_semaphore, #tpu.memory_space<semaphore_mem>>
      %dma_start3A = arith.constant 0 : i32
      %dma_start3A_313 = arith.constant 0 : i32
      %dma_start3A_314 = tpu.memref_slice %arg3[%arg1, %dma_start3A, %dma_start3A_313] : memref<16x160x128xi32, #tpu.memory_space<hbm>> -> memref<1x160x128xi32, #tpu.memory_space<hbm>>
      %dma_start3A_315 = tpu.memref_squeeze %dma_start3A_314 : memref<1x160x128xi32, #tpu.memory_space<hbm>> -> memref<160x128xi32, #tpu.memory_space<hbm>>
      %dma_start3A_316 = arith.constant 0 : i32
      %dma_start3A_317 = tpu.memref_slice %dma_start3A_315[%add3A_211, %dma_start3A_316] : memref<160x128xi32, #tpu.memory_space<hbm>> -> memref<16x128xi32, #tpu.memory_space<hbm>>
      %dma_start3A_318 = arith.constant 0 : i32
      %dma_start3A_319 = arith.constant 0 : i32
      %dma_start3A_320 = tpu.memref_slice %arg3[%arg1, %dma_start3A_318, %dma_start3A_319] : memref<16x160x128xi32, #tpu.memory_space<hbm>> -> memref<1x160x128xi32, #tpu.memory_space<hbm>>
      %dma_start3A_321 = tpu.memref_squeeze %dma_start3A_320 : memref<1x160x128xi32, #tpu.memory_space<hbm>> -> memref<160x128xi32, #tpu.memory_space<hbm>>
      %dma_start3A_322 = arith.constant 0 : i32
      %dma_start3A_323 = tpu.memref_slice %dma_start3A_321[%add3A_211, %dma_start3A_322] : memref<160x128xi32, #tpu.memory_space<hbm>> -> memref<16x128xi32, #tpu.memory_space<hbm>>
      tpu.enqueue_dma source(%dma_start3A_323 : memref<16x128xi32, #tpu.memory_space<hbm>>) target(%arg6 : memref<16x128xi32, #tpu.memory_space<vmem>>) target_semaphore(%run_scoped3A : memref<!tpu.dma_semaphore, #tpu.memory_space<semaphore_mem>>)
      %dma_wait3A_324 = arith.constant 0 : i32
      %dma_wait3A_325 = arith.constant 0 : i32
      %dma_wait3A_326 = tpu.memref_slice %arg3[%arg1, %dma_wait3A_324, %dma_wait3A_325] : memref<16x160x128xi32, #tpu.memory_space<hbm>> -> memref<1x160x128xi32, #tpu.memory_space<hbm>>
      %dma_wait3A_327 = tpu.memref_squeeze %dma_wait3A_326 : memref<1x160x128xi32, #tpu.memory_space<hbm>> -> memref<160x128xi32, #tpu.memory_space<hbm>>
      %dma_wait3A_328 = arith.constant 0 : i32
      %dma_wait3A_329 = tpu.memref_slice %dma_wait3A_327[%add3A_211, %dma_wait3A_328] : memref<160x128xi32, #tpu.memory_space<hbm>> -> memref<16x128xi32, #tpu.memory_space<hbm>>
      %dma_wait3A_330 = arith.constant 0 : i32
      %dma_wait3A_331 = arith.constant 0 : i32
      %dma_wait3A_332 = tpu.memref_slice %arg3[%arg1, %dma_wait3A_330, %dma_wait3A_331] : memref<16x160x128xi32, #tpu.memory_space<hbm>> -> memref<1x160x128xi32, #tpu.memory_space<hbm>>
      %dma_wait3A_333 = tpu.memref_squeeze %dma_wait3A_332 : memref<1x160x128xi32, #tpu.memory_space<hbm>> -> memref<160x128xi32, #tpu.memory_space<hbm>>
      %dma_wait3A_334 = arith.constant 0 : i32
      %dma_wait3A_335 = tpu.memref_slice %dma_wait3A_333[%add3A_211, %dma_wait3A_334] : memref<160x128xi32, #tpu.memory_space<hbm>> -> memref<16x128xi32, #tpu.memory_space<hbm>>
      tpu.wait_dma2 semaphore(%run_scoped3A : memref<!tpu.dma_semaphore, #tpu.memory_space<semaphore_mem>>) src(%dma_wait3A_335 : memref<16x128xi32, #tpu.memory_space<hbm>>) dst(%arg6 : memref<16x128xi32, #tpu.memory_space<vmem>>)
      tpu.yield
    }) : () -> ()
    %scan3A_212 = arith.constant 0 : i32
    %scan3A_213 = arith.constant 0 : i32
    %scan3A_214 = arith.constant 8 : i32
    %scan3A_215 = arith.addi %scan3A_213, %scan3A_214 : i32
    %scan3A_216 = arith.constant 1 : i32
    scf.for %scan3A_313 = %scan3A_213 to %scan3A_215 step %scan3A_216  : i32 {
      %mul3A_314 = arith.constant 2 : i32
      %mul3A_315 = arith.muli %mul3A_314, %scan3A_313 : i32
      %add3A_316 = arith.constant 1 : i32
      %add3A_317 = arith.addi %mul3A_315, %add3A_316 : i32
      %gt3A = arith.constant 0 : i32
      %gt3A_318 = arith.cmpi sgt, %scan3A_313, %gt3A : i32
      %convert_element_type3A_319 = arith.extui %gt3A_318 : i1 to i32
      %cond3A_320 = arith.constant 0 : i32
      %cond3A_321 = arith.cmpi ne, %convert_element_type3A_319, %cond3A_320 : i32
      scf.if %cond3A_321 {
        %dma_wait3A_346 = arith.constant 0 : i32
        %dma_wait3A_347 = arith.constant 0 : i32
        %dma_wait3A_348 = tpu.memref_slice %arg5[%dma_wait3A_346, %dma_wait3A_347] : memref<16x128xi32, #tpu.memory_space<vmem>> -> memref<1x128xi32, #tpu.memory_space<vmem>>
        %dma_wait3A_349 = tpu.memref_squeeze %dma_wait3A_348 : memref<1x128xi32, #tpu.memory_space<vmem>> -> memref<128xi32, #tpu.memory_space<vmem>>
        %dma_wait3A_350 = arith.constant 0 : i32
        %dma_wait3A_351 = tpu.memref_slice %arg10[%dma_wait3A_350] : memref<10240xf32, #tpu.memory_space<vmem_shared>> -> memref<10240xf32, #tpu.memory_space<vmem_shared>>
        tpu.wait_indirect_dma semaphore(%arg8 : memref<!tpu.dma_semaphore, #tpu.memory_space<semaphore_mem>>) src(%arg7 : memref<128xf32, #tpu.memory_space<vmem>>) dst(%dma_wait3A_351 : memref<10240xf32, #tpu.memory_space<vmem_shared>>)
        %dma_wait3A_352 = arith.constant 0 : i32
        %dma_wait3A_353 = arith.constant 0 : i32
        %dma_wait3A_354 = tpu.memref_slice %arg6[%dma_wait3A_352, %dma_wait3A_353] : memref<16x128xi32, #tpu.memory_space<vmem>> -> memref<1x128xi32, #tpu.memory_space<vmem>>
        %dma_wait3A_355 = tpu.memref_squeeze %dma_wait3A_354 : memref<1x128xi32, #tpu.memory_space<vmem>> -> memref<128xi32, #tpu.memory_space<vmem>>
        %dma_wait3A_356 = arith.constant 0 : i32
        %dma_wait3A_357 = tpu.memref_slice %arg11[%dma_wait3A_356] : memref<10240xf32, #tpu.memory_space<vmem_shared>> -> memref<10240xf32, #tpu.memory_space<vmem_shared>>
        tpu.wait_indirect_dma semaphore(%arg8 : memref<!tpu.dma_semaphore, #tpu.memory_space<semaphore_mem>>) src(%arg7 : memref<128xf32, #tpu.memory_space<vmem>>) dst(%dma_wait3A_357 : memref<10240xf32, #tpu.memory_space<vmem_shared>>)
      } else {
      }
      %dma_start3A = arith.constant 0 : i32
      %dma_start3A_322 = tpu.memref_slice %arg5[%mul3A_315, %dma_start3A] : memref<16x128xi32, #tpu.memory_space<vmem>> -> memref<1x128xi32, #tpu.memory_space<vmem>>
      %dma_start3A_323 = tpu.memref_squeeze %dma_start3A_322 : memref<1x128xi32, #tpu.memory_space<vmem>> -> memref<128xi32, #tpu.memory_space<vmem>>
      %dma_start3A_324 = arith.constant 0 : i32
      %dma_start3A_325 = tpu.memref_slice %arg10[%dma_start3A_324] : memref<10240xf32, #tpu.memory_space<vmem_shared>> -> memref<10240xf32, #tpu.memory_space<vmem_shared>>
      tpu.enqueue_indirect_dma source(%arg7 : memref<128xf32, #tpu.memory_space<vmem>>) target(%dma_start3A_325 : memref<10240xf32, #tpu.memory_space<vmem_shared>>) offsets(%dma_start3A_323 : memref<128xi32, #tpu.memory_space<vmem>>) semaphore(%arg8 : memref<!tpu.dma_semaphore, #tpu.memory_space<semaphore_mem>>) {add = true}
      %dma_start3A_326 = arith.constant 0 : i32
      %dma_start3A_327 = tpu.memref_slice %arg6[%mul3A_315, %dma_start3A_326] : memref<16x128xi32, #tpu.memory_space<vmem>> -> memref<1x128xi32, #tpu.memory_space<vmem>>
      %dma_start3A_328 = tpu.memref_squeeze %dma_start3A_327 : memref<1x128xi32, #tpu.memory_space<vmem>> -> memref<128xi32, #tpu.memory_space<vmem>>
      %dma_start3A_329 = arith.constant 0 : i32
      %dma_start3A_330 = tpu.memref_slice %arg11[%dma_start3A_329] : memref<10240xf32, #tpu.memory_space<vmem_shared>> -> memref<10240xf32, #tpu.memory_space<vmem_shared>>
      tpu.enqueue_indirect_dma source(%arg7 : memref<128xf32, #tpu.memory_space<vmem>>) target(%dma_start3A_330 : memref<10240xf32, #tpu.memory_space<vmem_shared>>) offsets(%dma_start3A_328 : memref<128xi32, #tpu.memory_space<vmem>>) semaphore(%arg8 : memref<!tpu.dma_semaphore, #tpu.memory_space<semaphore_mem>>) {add = true}
      %gt3A_331 = arith.constant 0 : i32
      %gt3A_332 = arith.cmpi sgt, %scan3A_313, %gt3A_331 : i32
      %convert_element_type3A_333 = arith.extui %gt3A_332 : i1 to i32
      %cond3A_334 = arith.constant 0 : i32
      %cond3A_335 = arith.cmpi ne, %convert_element_type3A_333, %cond3A_334 : i32
      scf.if %cond3A_335 {
        %dma_wait3A_346 = arith.constant 0 : i32
        %dma_wait3A_347 = arith.constant 0 : i32
        %dma_wait3A_348 = tpu.memref_slice %arg5[%dma_wait3A_346, %dma_wait3A_347] : memref<16x128xi32, #tpu.memory_space<vmem>> -> memref<1x128xi32, #tpu.memory_space<vmem>>
        %dma_wait3A_349 = tpu.memref_squeeze %dma_wait3A_348 : memref<1x128xi32, #tpu.memory_space<vmem>> -> memref<128xi32, #tpu.memory_space<vmem>>
        %dma_wait3A_350 = arith.constant 0 : i32
        %dma_wait3A_351 = tpu.memref_slice %arg12[%dma_wait3A_350] : memref<10240xf32, #tpu.memory_space<vmem_shared>> -> memref<10240xf32, #tpu.memory_space<vmem_shared>>
        tpu.wait_indirect_dma semaphore(%arg9 : memref<!tpu.dma_semaphore, #tpu.memory_space<semaphore_mem>>) src(%arg7 : memref<128xf32, #tpu.memory_space<vmem>>) dst(%dma_wait3A_351 : memref<10240xf32, #tpu.memory_space<vmem_shared>>)
        %dma_wait3A_352 = arith.constant 0 : i32
        %dma_wait3A_353 = arith.constant 0 : i32
        %dma_wait3A_354 = tpu.memref_slice %arg6[%dma_wait3A_352, %dma_wait3A_353] : memref<16x128xi32, #tpu.memory_space<vmem>> -> memref<1x128xi32, #tpu.memory_space<vmem>>
        %dma_wait3A_355 = tpu.memref_squeeze %dma_wait3A_354 : memref<1x128xi32, #tpu.memory_space<vmem>> -> memref<128xi32, #tpu.memory_space<vmem>>
        %dma_wait3A_356 = arith.constant 0 : i32
        %dma_wait3A_357 = tpu.memref_slice %arg13[%dma_wait3A_356] : memref<10240xf32, #tpu.memory_space<vmem_shared>> -> memref<10240xf32, #tpu.memory_space<vmem_shared>>
        tpu.wait_indirect_dma semaphore(%arg9 : memref<!tpu.dma_semaphore, #tpu.memory_space<semaphore_mem>>) src(%arg7 : memref<128xf32, #tpu.memory_space<vmem>>) dst(%dma_wait3A_357 : memref<10240xf32, #tpu.memory_space<vmem_shared>>)
      } else {
      }
      %dma_start3A_336 = arith.constant 0 : i32
      %dma_start3A_337 = tpu.memref_slice %arg5[%add3A_317, %dma_start3A_336] : memref<16x128xi32, #tpu.memory_space<vmem>> -> memref<1x128xi32, #tpu.memory_space<vmem>>
      %dma_start3A_338 = tpu.memref_squeeze %dma_start3A_337 : memref<1x128xi32, #tpu.memory_space<vmem>> -> memref<128xi32, #tpu.memory_space<vmem>>
      %dma_start3A_339 = arith.constant 0 : i32
      %dma_start3A_340 = tpu.memref_slice %arg12[%dma_start3A_339] : memref<10240xf32, #tpu.memory_space<vmem_shared>> -> memref<10240xf32, #tpu.memory_space<vmem_shared>>
      tpu.enqueue_indirect_dma source(%arg7 : memref<128xf32, #tpu.memory_space<vmem>>) target(%dma_start3A_340 : memref<10240xf32, #tpu.memory_space<vmem_shared>>) offsets(%dma_start3A_338 : memref<128xi32, #tpu.memory_space<vmem>>) semaphore(%arg9 : memref<!tpu.dma_semaphore, #tpu.memory_space<semaphore_mem>>) {add = true}
      %dma_start3A_341 = arith.constant 0 : i32
      %dma_start3A_342 = tpu.memref_slice %arg6[%add3A_317, %dma_start3A_341] : memref<16x128xi32, #tpu.memory_space<vmem>> -> memref<1x128xi32, #tpu.memory_space<vmem>>
      %dma_start3A_343 = tpu.memref_squeeze %dma_start3A_342 : memref<1x128xi32, #tpu.memory_space<vmem>> -> memref<128xi32, #tpu.memory_space<vmem>>
      %dma_start3A_344 = arith.constant 0 : i32
      %dma_start3A_345 = tpu.memref_slice %arg13[%dma_start3A_344] : memref<10240xf32, #tpu.memory_space<vmem_shared>> -> memref<10240xf32, #tpu.memory_space<vmem_shared>>
      tpu.enqueue_indirect_dma source(%arg7 : memref<128xf32, #tpu.memory_space<vmem>>) target(%dma_start3A_345 : memref<10240xf32, #tpu.memory_space<vmem_shared>>) offsets(%dma_start3A_343 : memref<128xi32, #tpu.memory_space<vmem>>) semaphore(%arg9 : memref<!tpu.dma_semaphore, #tpu.memory_space<semaphore_mem>>) {add = true}
    }
    %scan3A_217 = arith.constant 8 : i32
    %dma_wait3A_218 = arith.constant 0 : i32
    %dma_wait3A_219 = arith.constant 0 : i32
    %dma_wait3A_220 = tpu.memref_slice %arg5[%dma_wait3A_218, %dma_wait3A_219] : memref<16x128xi32, #tpu.memory_space<vmem>> -> memref<1x128xi32, #tpu.memory_space<vmem>>
    %dma_wait3A_221 = tpu.memref_squeeze %dma_wait3A_220 : memref<1x128xi32, #tpu.memory_space<vmem>> -> memref<128xi32, #tpu.memory_space<vmem>>
    %dma_wait3A_222 = arith.constant 0 : i32
    %dma_wait3A_223 = tpu.memref_slice %arg10[%dma_wait3A_222] : memref<10240xf32, #tpu.memory_space<vmem_shared>> -> memref<10240xf32, #tpu.memory_space<vmem_shared>>
    tpu.wait_indirect_dma semaphore(%arg8 : memref<!tpu.dma_semaphore, #tpu.memory_space<semaphore_mem>>) src(%arg7 : memref<128xf32, #tpu.memory_space<vmem>>) dst(%dma_wait3A_223 : memref<10240xf32, #tpu.memory_space<vmem_shared>>)
    %dma_wait3A_224 = arith.constant 0 : i32
    %dma_wait3A_225 = arith.constant 0 : i32
    %dma_wait3A_226 = tpu.memref_slice %arg6[%dma_wait3A_224, %dma_wait3A_225] : memref<16x128xi32, #tpu.memory_space<vmem>> -> memref<1x128xi32, #tpu.memory_space<vmem>>
    %dma_wait3A_227 = tpu.memref_squeeze %dma_wait3A_226 : memref<1x128xi32, #tpu.memory_space<vmem>> -> memref<128xi32, #tpu.memory_space<vmem>>
    %dma_wait3A_228 = arith.constant 0 : i32
    %dma_wait3A_229 = tpu.memref_slice %arg11[%dma_wait3A_228] : memref<10240xf32, #tpu.memory_space<vmem_shared>> -> memref<10240xf32, #tpu.memory_space<vmem_shared>>
    tpu.wait_indirect_dma semaphore(%arg8 : memref<!tpu.dma_semaphore, #tpu.memory_space<semaphore_mem>>) src(%arg7 : memref<128xf32, #tpu.memory_space<vmem>>) dst(%dma_wait3A_229 : memref<10240xf32, #tpu.memory_space<vmem_shared>>)
    %dma_wait3A_230 = arith.constant 0 : i32
    %dma_wait3A_231 = arith.constant 0 : i32
    %dma_wait3A_232 = tpu.memref_slice %arg5[%dma_wait3A_230, %dma_wait3A_231] : memref<16x128xi32, #tpu.memory_space<vmem>> -> memref<1x128xi32, #tpu.memory_space<vmem>>
    %dma_wait3A_233 = tpu.memref_squeeze %dma_wait3A_232 : memref<1x128xi32, #tpu.memory_space<vmem>> -> memref<128xi32, #tpu.memory_space<vmem>>
    %dma_wait3A_234 = arith.constant 0 : i32
    %dma_wait3A_235 = tpu.memref_slice %arg12[%dma_wait3A_234] : memref<10240xf32, #tpu.memory_space<vmem_shared>> -> memref<10240xf32, #tpu.memory_space<vmem_shared>>
    tpu.wait_indirect_dma semaphore(%arg9 : memref<!tpu.dma_semaphore, #tpu.memory_space<semaphore_mem>>) src(%arg7 : memref<128xf32, #tpu.memory_space<vmem>>) dst(%dma_wait3A_235 : memref<10240xf32, #tpu.memory_space<vmem_shared>>)
    %dma_wait3A_236 = arith.constant 0 : i32
    %dma_wait3A_237 = arith.constant 0 : i32
    %dma_wait3A_238 = tpu.memref_slice %arg6[%dma_wait3A_236, %dma_wait3A_237] : memref<16x128xi32, #tpu.memory_space<vmem>> -> memref<1x128xi32, #tpu.memory_space<vmem>>
    %dma_wait3A_239 = tpu.memref_squeeze %dma_wait3A_238 : memref<1x128xi32, #tpu.memory_space<vmem>> -> memref<128xi32, #tpu.memory_space<vmem>>
    %dma_wait3A_240 = arith.constant 0 : i32
    %dma_wait3A_241 = tpu.memref_slice %arg13[%dma_wait3A_240] : memref<10240xf32, #tpu.memory_space<vmem_shared>> -> memref<10240xf32, #tpu.memory_space<vmem_shared>>
    tpu.wait_indirect_dma semaphore(%arg9 : memref<!tpu.dma_semaphore, #tpu.memory_space<semaphore_mem>>) src(%arg7 : memref<128xf32, #tpu.memory_space<vmem>>) dst(%dma_wait3A_241 : memref<10240xf32, #tpu.memory_space<vmem_shared>>)
    %add3A_242 = arith.constant 48 : i32
    %add3A_243 = arith.addi %mul3A_141, %add3A_242 : i32
    "tpu.region"() ({
      %run_scoped3A = tpu.sem_alloc : memref<!tpu.dma_semaphore, #tpu.memory_space<semaphore_mem>>
      %dma_start3A = arith.constant 0 : i32
      %dma_start3A_313 = arith.constant 0 : i32
      %dma_start3A_314 = tpu.memref_slice %arg2[%arg1, %dma_start3A, %dma_start3A_313] : memref<16x160x128xi32, #tpu.memory_space<hbm>> -> memref<1x160x128xi32, #tpu.memory_space<hbm>>
      %dma_start3A_315 = tpu.memref_squeeze %dma_start3A_314 : memref<1x160x128xi32, #tpu.memory_space<hbm>> -> memref<160x128xi32, #tpu.memory_space<hbm>>
      %dma_start3A_316 = arith.constant 0 : i32
      %dma_start3A_317 = tpu.memref_slice %dma_start3A_315[%add3A_243, %dma_start3A_316] : memref<160x128xi32, #tpu.memory_space<hbm>> -> memref<16x128xi32, #tpu.memory_space<hbm>>
      %dma_start3A_318 = arith.constant 0 : i32
      %dma_start3A_319 = arith.constant 0 : i32
      %dma_start3A_320 = tpu.memref_slice %arg2[%arg1, %dma_start3A_318, %dma_start3A_319] : memref<16x160x128xi32, #tpu.memory_space<hbm>> -> memref<1x160x128xi32, #tpu.memory_space<hbm>>
      %dma_start3A_321 = tpu.memref_squeeze %dma_start3A_320 : memref<1x160x128xi32, #tpu.memory_space<hbm>> -> memref<160x128xi32, #tpu.memory_space<hbm>>
      %dma_start3A_322 = arith.constant 0 : i32
      %dma_start3A_323 = tpu.memref_slice %dma_start3A_321[%add3A_243, %dma_start3A_322] : memref<160x128xi32, #tpu.memory_space<hbm>> -> memref<16x128xi32, #tpu.memory_space<hbm>>
      tpu.enqueue_dma source(%dma_start3A_323 : memref<16x128xi32, #tpu.memory_space<hbm>>) target(%arg5 : memref<16x128xi32, #tpu.memory_space<vmem>>) target_semaphore(%run_scoped3A : memref<!tpu.dma_semaphore, #tpu.memory_space<semaphore_mem>>)
      %dma_wait3A_324 = arith.constant 0 : i32
      %dma_wait3A_325 = arith.constant 0 : i32
      %dma_wait3A_326 = tpu.memref_slice %arg2[%arg1, %dma_wait3A_324, %dma_wait3A_325] : memref<16x160x128xi32, #tpu.memory_space<hbm>> -> memref<1x160x128xi32, #tpu.memory_space<hbm>>
      %dma_wait3A_327 = tpu.memref_squeeze %dma_wait3A_326 : memref<1x160x128xi32, #tpu.memory_space<hbm>> -> memref<160x128xi32, #tpu.memory_space<hbm>>
      %dma_wait3A_328 = arith.constant 0 : i32
      %dma_wait3A_329 = tpu.memref_slice %dma_wait3A_327[%add3A_243, %dma_wait3A_328] : memref<160x128xi32, #tpu.memory_space<hbm>> -> memref<16x128xi32, #tpu.memory_space<hbm>>
      %dma_wait3A_330 = arith.constant 0 : i32
      %dma_wait3A_331 = arith.constant 0 : i32
      %dma_wait3A_332 = tpu.memref_slice %arg2[%arg1, %dma_wait3A_330, %dma_wait3A_331] : memref<16x160x128xi32, #tpu.memory_space<hbm>> -> memref<1x160x128xi32, #tpu.memory_space<hbm>>
      %dma_wait3A_333 = tpu.memref_squeeze %dma_wait3A_332 : memref<1x160x128xi32, #tpu.memory_space<hbm>> -> memref<160x128xi32, #tpu.memory_space<hbm>>
      %dma_wait3A_334 = arith.constant 0 : i32
      %dma_wait3A_335 = tpu.memref_slice %dma_wait3A_333[%add3A_243, %dma_wait3A_334] : memref<160x128xi32, #tpu.memory_space<hbm>> -> memref<16x128xi32, #tpu.memory_space<hbm>>
      tpu.wait_dma2 semaphore(%run_scoped3A : memref<!tpu.dma_semaphore, #tpu.memory_space<semaphore_mem>>) src(%dma_wait3A_335 : memref<16x128xi32, #tpu.memory_space<hbm>>) dst(%arg5 : memref<16x128xi32, #tpu.memory_space<vmem>>)
      tpu.yield
    }) : () -> ()
    %add3A_244 = arith.constant 48 : i32
    %add3A_245 = arith.addi %mul3A_141, %add3A_244 : i32
    "tpu.region"() ({
      %run_scoped3A = tpu.sem_alloc : memref<!tpu.dma_semaphore, #tpu.memory_space<semaphore_mem>>
      %dma_start3A = arith.constant 0 : i32
      %dma_start3A_313 = arith.constant 0 : i32
      %dma_start3A_314 = tpu.memref_slice %arg3[%arg1, %dma_start3A, %dma_start3A_313] : memref<16x160x128xi32, #tpu.memory_space<hbm>> -> memref<1x160x128xi32, #tpu.memory_space<hbm>>
      %dma_start3A_315 = tpu.memref_squeeze %dma_start3A_314 : memref<1x160x128xi32, #tpu.memory_space<hbm>> -> memref<160x128xi32, #tpu.memory_space<hbm>>
      %dma_start3A_316 = arith.constant 0 : i32
      %dma_start3A_317 = tpu.memref_slice %dma_start3A_315[%add3A_245, %dma_start3A_316] : memref<160x128xi32, #tpu.memory_space<hbm>> -> memref<16x128xi32, #tpu.memory_space<hbm>>
      %dma_start3A_318 = arith.constant 0 : i32
      %dma_start3A_319 = arith.constant 0 : i32
      %dma_start3A_320 = tpu.memref_slice %arg3[%arg1, %dma_start3A_318, %dma_start3A_319] : memref<16x160x128xi32, #tpu.memory_space<hbm>> -> memref<1x160x128xi32, #tpu.memory_space<hbm>>
      %dma_start3A_321 = tpu.memref_squeeze %dma_start3A_320 : memref<1x160x128xi32, #tpu.memory_space<hbm>> -> memref<160x128xi32, #tpu.memory_space<hbm>>
      %dma_start3A_322 = arith.constant 0 : i32
      %dma_start3A_323 = tpu.memref_slice %dma_start3A_321[%add3A_245, %dma_start3A_322] : memref<160x128xi32, #tpu.memory_space<hbm>> -> memref<16x128xi32, #tpu.memory_space<hbm>>
      tpu.enqueue_dma source(%dma_start3A_323 : memref<16x128xi32, #tpu.memory_space<hbm>>) target(%arg6 : memref<16x128xi32, #tpu.memory_space<vmem>>) target_semaphore(%run_scoped3A : memref<!tpu.dma_semaphore, #tpu.memory_space<semaphore_mem>>)
      %dma_wait3A_324 = arith.constant 0 : i32
      %dma_wait3A_325 = arith.constant 0 : i32
      %dma_wait3A_326 = tpu.memref_slice %arg3[%arg1, %dma_wait3A_324, %dma_wait3A_325] : memref<16x160x128xi32, #tpu.memory_space<hbm>> -> memref<1x160x128xi32, #tpu.memory_space<hbm>>
      %dma_wait3A_327 = tpu.memref_squeeze %dma_wait3A_326 : memref<1x160x128xi32, #tpu.memory_space<hbm>> -> memref<160x128xi32, #tpu.memory_space<hbm>>
      %dma_wait3A_328 = arith.constant 0 : i32
      %dma_wait3A_329 = tpu.memref_slice %dma_wait3A_327[%add3A_245, %dma_wait3A_328] : memref<160x128xi32, #tpu.memory_space<hbm>> -> memref<16x128xi32, #tpu.memory_space<hbm>>
      %dma_wait3A_330 = arith.constant 0 : i32
      %dma_wait3A_331 = arith.constant 0 : i32
      %dma_wait3A_332 = tpu.memref_slice %arg3[%arg1, %dma_wait3A_330, %dma_wait3A_331] : memref<16x160x128xi32, #tpu.memory_space<hbm>> -> memref<1x160x128xi32, #tpu.memory_space<hbm>>
      %dma_wait3A_333 = tpu.memref_squeeze %dma_wait3A_332 : memref<1x160x128xi32, #tpu.memory_space<hbm>> -> memref<160x128xi32, #tpu.memory_space<hbm>>
      %dma_wait3A_334 = arith.constant 0 : i32
      %dma_wait3A_335 = tpu.memref_slice %dma_wait3A_333[%add3A_245, %dma_wait3A_334] : memref<160x128xi32, #tpu.memory_space<hbm>> -> memref<16x128xi32, #tpu.memory_space<hbm>>
      tpu.wait_dma2 semaphore(%run_scoped3A : memref<!tpu.dma_semaphore, #tpu.memory_space<semaphore_mem>>) src(%dma_wait3A_335 : memref<16x128xi32, #tpu.memory_space<hbm>>) dst(%arg6 : memref<16x128xi32, #tpu.memory_space<vmem>>)
      tpu.yield
    }) : () -> ()
    %scan3A_246 = arith.constant 0 : i32
    %scan3A_247 = arith.constant 0 : i32
    %scan3A_248 = arith.constant 8 : i32
    %scan3A_249 = arith.addi %scan3A_247, %scan3A_248 : i32
    %scan3A_250 = arith.constant 1 : i32
    scf.for %scan3A_313 = %scan3A_247 to %scan3A_249 step %scan3A_250  : i32 {
      %mul3A_314 = arith.constant 2 : i32
      %mul3A_315 = arith.muli %mul3A_314, %scan3A_313 : i32
      %add3A_316 = arith.constant 1 : i32
      %add3A_317 = arith.addi %mul3A_315, %add3A_316 : i32
      %gt3A = arith.constant 0 : i32
      %gt3A_318 = arith.cmpi sgt, %scan3A_313, %gt3A : i32
      %convert_element_type3A_319 = arith.extui %gt3A_318 : i1 to i32
      %cond3A_320 = arith.constant 0 : i32
      %cond3A_321 = arith.cmpi ne, %convert_element_type3A_319, %cond3A_320 : i32
      scf.if %cond3A_321 {
        %dma_wait3A_346 = arith.constant 0 : i32
        %dma_wait3A_347 = arith.constant 0 : i32
        %dma_wait3A_348 = tpu.memref_slice %arg5[%dma_wait3A_346, %dma_wait3A_347] : memref<16x128xi32, #tpu.memory_space<vmem>> -> memref<1x128xi32, #tpu.memory_space<vmem>>
        %dma_wait3A_349 = tpu.memref_squeeze %dma_wait3A_348 : memref<1x128xi32, #tpu.memory_space<vmem>> -> memref<128xi32, #tpu.memory_space<vmem>>
        %dma_wait3A_350 = arith.constant 0 : i32
        %dma_wait3A_351 = tpu.memref_slice %arg10[%dma_wait3A_350] : memref<10240xf32, #tpu.memory_space<vmem_shared>> -> memref<10240xf32, #tpu.memory_space<vmem_shared>>
        tpu.wait_indirect_dma semaphore(%arg8 : memref<!tpu.dma_semaphore, #tpu.memory_space<semaphore_mem>>) src(%arg7 : memref<128xf32, #tpu.memory_space<vmem>>) dst(%dma_wait3A_351 : memref<10240xf32, #tpu.memory_space<vmem_shared>>)
        %dma_wait3A_352 = arith.constant 0 : i32
        %dma_wait3A_353 = arith.constant 0 : i32
        %dma_wait3A_354 = tpu.memref_slice %arg6[%dma_wait3A_352, %dma_wait3A_353] : memref<16x128xi32, #tpu.memory_space<vmem>> -> memref<1x128xi32, #tpu.memory_space<vmem>>
        %dma_wait3A_355 = tpu.memref_squeeze %dma_wait3A_354 : memref<1x128xi32, #tpu.memory_space<vmem>> -> memref<128xi32, #tpu.memory_space<vmem>>
        %dma_wait3A_356 = arith.constant 0 : i32
        %dma_wait3A_357 = tpu.memref_slice %arg11[%dma_wait3A_356] : memref<10240xf32, #tpu.memory_space<vmem_shared>> -> memref<10240xf32, #tpu.memory_space<vmem_shared>>
        tpu.wait_indirect_dma semaphore(%arg8 : memref<!tpu.dma_semaphore, #tpu.memory_space<semaphore_mem>>) src(%arg7 : memref<128xf32, #tpu.memory_space<vmem>>) dst(%dma_wait3A_357 : memref<10240xf32, #tpu.memory_space<vmem_shared>>)
      } else {
      }
      %dma_start3A = arith.constant 0 : i32
      %dma_start3A_322 = tpu.memref_slice %arg5[%mul3A_315, %dma_start3A] : memref<16x128xi32, #tpu.memory_space<vmem>> -> memref<1x128xi32, #tpu.memory_space<vmem>>
      %dma_start3A_323 = tpu.memref_squeeze %dma_start3A_322 : memref<1x128xi32, #tpu.memory_space<vmem>> -> memref<128xi32, #tpu.memory_space<vmem>>
      %dma_start3A_324 = arith.constant 0 : i32
      %dma_start3A_325 = tpu.memref_slice %arg10[%dma_start3A_324] : memref<10240xf32, #tpu.memory_space<vmem_shared>> -> memref<10240xf32, #tpu.memory_space<vmem_shared>>
      tpu.enqueue_indirect_dma source(%arg7 : memref<128xf32, #tpu.memory_space<vmem>>) target(%dma_start3A_325 : memref<10240xf32, #tpu.memory_space<vmem_shared>>) offsets(%dma_start3A_323 : memref<128xi32, #tpu.memory_space<vmem>>) semaphore(%arg8 : memref<!tpu.dma_semaphore, #tpu.memory_space<semaphore_mem>>) {add = true}
      %dma_start3A_326 = arith.constant 0 : i32
      %dma_start3A_327 = tpu.memref_slice %arg6[%mul3A_315, %dma_start3A_326] : memref<16x128xi32, #tpu.memory_space<vmem>> -> memref<1x128xi32, #tpu.memory_space<vmem>>
      %dma_start3A_328 = tpu.memref_squeeze %dma_start3A_327 : memref<1x128xi32, #tpu.memory_space<vmem>> -> memref<128xi32, #tpu.memory_space<vmem>>
      %dma_start3A_329 = arith.constant 0 : i32
      %dma_start3A_330 = tpu.memref_slice %arg11[%dma_start3A_329] : memref<10240xf32, #tpu.memory_space<vmem_shared>> -> memref<10240xf32, #tpu.memory_space<vmem_shared>>
      tpu.enqueue_indirect_dma source(%arg7 : memref<128xf32, #tpu.memory_space<vmem>>) target(%dma_start3A_330 : memref<10240xf32, #tpu.memory_space<vmem_shared>>) offsets(%dma_start3A_328 : memref<128xi32, #tpu.memory_space<vmem>>) semaphore(%arg8 : memref<!tpu.dma_semaphore, #tpu.memory_space<semaphore_mem>>) {add = true}
      %gt3A_331 = arith.constant 0 : i32
      %gt3A_332 = arith.cmpi sgt, %scan3A_313, %gt3A_331 : i32
      %convert_element_type3A_333 = arith.extui %gt3A_332 : i1 to i32
      %cond3A_334 = arith.constant 0 : i32
      %cond3A_335 = arith.cmpi ne, %convert_element_type3A_333, %cond3A_334 : i32
      scf.if %cond3A_335 {
        %dma_wait3A_346 = arith.constant 0 : i32
        %dma_wait3A_347 = arith.constant 0 : i32
        %dma_wait3A_348 = tpu.memref_slice %arg5[%dma_wait3A_346, %dma_wait3A_347] : memref<16x128xi32, #tpu.memory_space<vmem>> -> memref<1x128xi32, #tpu.memory_space<vmem>>
        %dma_wait3A_349 = tpu.memref_squeeze %dma_wait3A_348 : memref<1x128xi32, #tpu.memory_space<vmem>> -> memref<128xi32, #tpu.memory_space<vmem>>
        %dma_wait3A_350 = arith.constant 0 : i32
        %dma_wait3A_351 = tpu.memref_slice %arg12[%dma_wait3A_350] : memref<10240xf32, #tpu.memory_space<vmem_shared>> -> memref<10240xf32, #tpu.memory_space<vmem_shared>>
        tpu.wait_indirect_dma semaphore(%arg9 : memref<!tpu.dma_semaphore, #tpu.memory_space<semaphore_mem>>) src(%arg7 : memref<128xf32, #tpu.memory_space<vmem>>) dst(%dma_wait3A_351 : memref<10240xf32, #tpu.memory_space<vmem_shared>>)
        %dma_wait3A_352 = arith.constant 0 : i32
        %dma_wait3A_353 = arith.constant 0 : i32
        %dma_wait3A_354 = tpu.memref_slice %arg6[%dma_wait3A_352, %dma_wait3A_353] : memref<16x128xi32, #tpu.memory_space<vmem>> -> memref<1x128xi32, #tpu.memory_space<vmem>>
        %dma_wait3A_355 = tpu.memref_squeeze %dma_wait3A_354 : memref<1x128xi32, #tpu.memory_space<vmem>> -> memref<128xi32, #tpu.memory_space<vmem>>
        %dma_wait3A_356 = arith.constant 0 : i32
        %dma_wait3A_357 = tpu.memref_slice %arg13[%dma_wait3A_356] : memref<10240xf32, #tpu.memory_space<vmem_shared>> -> memref<10240xf32, #tpu.memory_space<vmem_shared>>
        tpu.wait_indirect_dma semaphore(%arg9 : memref<!tpu.dma_semaphore, #tpu.memory_space<semaphore_mem>>) src(%arg7 : memref<128xf32, #tpu.memory_space<vmem>>) dst(%dma_wait3A_357 : memref<10240xf32, #tpu.memory_space<vmem_shared>>)
      } else {
      }
      %dma_start3A_336 = arith.constant 0 : i32
      %dma_start3A_337 = tpu.memref_slice %arg5[%add3A_317, %dma_start3A_336] : memref<16x128xi32, #tpu.memory_space<vmem>> -> memref<1x128xi32, #tpu.memory_space<vmem>>
      %dma_start3A_338 = tpu.memref_squeeze %dma_start3A_337 : memref<1x128xi32, #tpu.memory_space<vmem>> -> memref<128xi32, #tpu.memory_space<vmem>>
      %dma_start3A_339 = arith.constant 0 : i32
      %dma_start3A_340 = tpu.memref_slice %arg12[%dma_start3A_339] : memref<10240xf32, #tpu.memory_space<vmem_shared>> -> memref<10240xf32, #tpu.memory_space<vmem_shared>>
      tpu.enqueue_indirect_dma source(%arg7 : memref<128xf32, #tpu.memory_space<vmem>>) target(%dma_start3A_340 : memref<10240xf32, #tpu.memory_space<vmem_shared>>) offsets(%dma_start3A_338 : memref<128xi32, #tpu.memory_space<vmem>>) semaphore(%arg9 : memref<!tpu.dma_semaphore, #tpu.memory_space<semaphore_mem>>) {add = true}
      %dma_start3A_341 = arith.constant 0 : i32
      %dma_start3A_342 = tpu.memref_slice %arg6[%add3A_317, %dma_start3A_341] : memref<16x128xi32, #tpu.memory_space<vmem>> -> memref<1x128xi32, #tpu.memory_space<vmem>>
      %dma_start3A_343 = tpu.memref_squeeze %dma_start3A_342 : memref<1x128xi32, #tpu.memory_space<vmem>> -> memref<128xi32, #tpu.memory_space<vmem>>
      %dma_start3A_344 = arith.constant 0 : i32
      %dma_start3A_345 = tpu.memref_slice %arg13[%dma_start3A_344] : memref<10240xf32, #tpu.memory_space<vmem_shared>> -> memref<10240xf32, #tpu.memory_space<vmem_shared>>
      tpu.enqueue_indirect_dma source(%arg7 : memref<128xf32, #tpu.memory_space<vmem>>) target(%dma_start3A_345 : memref<10240xf32, #tpu.memory_space<vmem_shared>>) offsets(%dma_start3A_343 : memref<128xi32, #tpu.memory_space<vmem>>) semaphore(%arg9 : memref<!tpu.dma_semaphore, #tpu.memory_space<semaphore_mem>>) {add = true}
    }
    %scan3A_251 = arith.constant 8 : i32
    %dma_wait3A_252 = arith.constant 0 : i32
    %dma_wait3A_253 = arith.constant 0 : i32
    %dma_wait3A_254 = tpu.memref_slice %arg5[%dma_wait3A_252, %dma_wait3A_253] : memref<16x128xi32, #tpu.memory_space<vmem>> -> memref<1x128xi32, #tpu.memory_space<vmem>>
    %dma_wait3A_255 = tpu.memref_squeeze %dma_wait3A_254 : memref<1x128xi32, #tpu.memory_space<vmem>> -> memref<128xi32, #tpu.memory_space<vmem>>
    %dma_wait3A_256 = arith.constant 0 : i32
    %dma_wait3A_257 = tpu.memref_slice %arg10[%dma_wait3A_256] : memref<10240xf32, #tpu.memory_space<vmem_shared>> -> memref<10240xf32, #tpu.memory_space<vmem_shared>>
    tpu.wait_indirect_dma semaphore(%arg8 : memref<!tpu.dma_semaphore, #tpu.memory_space<semaphore_mem>>) src(%arg7 : memref<128xf32, #tpu.memory_space<vmem>>) dst(%dma_wait3A_257 : memref<10240xf32, #tpu.memory_space<vmem_shared>>)
    %dma_wait3A_258 = arith.constant 0 : i32
    %dma_wait3A_259 = arith.constant 0 : i32
    %dma_wait3A_260 = tpu.memref_slice %arg6[%dma_wait3A_258, %dma_wait3A_259] : memref<16x128xi32, #tpu.memory_space<vmem>> -> memref<1x128xi32, #tpu.memory_space<vmem>>
    %dma_wait3A_261 = tpu.memref_squeeze %dma_wait3A_260 : memref<1x128xi32, #tpu.memory_space<vmem>> -> memref<128xi32, #tpu.memory_space<vmem>>
    %dma_wait3A_262 = arith.constant 0 : i32
    %dma_wait3A_263 = tpu.memref_slice %arg11[%dma_wait3A_262] : memref<10240xf32, #tpu.memory_space<vmem_shared>> -> memref<10240xf32, #tpu.memory_space<vmem_shared>>
    tpu.wait_indirect_dma semaphore(%arg8 : memref<!tpu.dma_semaphore, #tpu.memory_space<semaphore_mem>>) src(%arg7 : memref<128xf32, #tpu.memory_space<vmem>>) dst(%dma_wait3A_263 : memref<10240xf32, #tpu.memory_space<vmem_shared>>)
    %dma_wait3A_264 = arith.constant 0 : i32
    %dma_wait3A_265 = arith.constant 0 : i32
    %dma_wait3A_266 = tpu.memref_slice %arg5[%dma_wait3A_264, %dma_wait3A_265] : memref<16x128xi32, #tpu.memory_space<vmem>> -> memref<1x128xi32, #tpu.memory_space<vmem>>
    %dma_wait3A_267 = tpu.memref_squeeze %dma_wait3A_266 : memref<1x128xi32, #tpu.memory_space<vmem>> -> memref<128xi32, #tpu.memory_space<vmem>>
    %dma_wait3A_268 = arith.constant 0 : i32
    %dma_wait3A_269 = tpu.memref_slice %arg12[%dma_wait3A_268] : memref<10240xf32, #tpu.memory_space<vmem_shared>> -> memref<10240xf32, #tpu.memory_space<vmem_shared>>
    tpu.wait_indirect_dma semaphore(%arg9 : memref<!tpu.dma_semaphore, #tpu.memory_space<semaphore_mem>>) src(%arg7 : memref<128xf32, #tpu.memory_space<vmem>>) dst(%dma_wait3A_269 : memref<10240xf32, #tpu.memory_space<vmem_shared>>)
    %dma_wait3A_270 = arith.constant 0 : i32
    %dma_wait3A_271 = arith.constant 0 : i32
    %dma_wait3A_272 = tpu.memref_slice %arg6[%dma_wait3A_270, %dma_wait3A_271] : memref<16x128xi32, #tpu.memory_space<vmem>> -> memref<1x128xi32, #tpu.memory_space<vmem>>
    %dma_wait3A_273 = tpu.memref_squeeze %dma_wait3A_272 : memref<1x128xi32, #tpu.memory_space<vmem>> -> memref<128xi32, #tpu.memory_space<vmem>>
    %dma_wait3A_274 = arith.constant 0 : i32
    %dma_wait3A_275 = tpu.memref_slice %arg13[%dma_wait3A_274] : memref<10240xf32, #tpu.memory_space<vmem_shared>> -> memref<10240xf32, #tpu.memory_space<vmem_shared>>
    tpu.wait_indirect_dma semaphore(%arg9 : memref<!tpu.dma_semaphore, #tpu.memory_space<semaphore_mem>>) src(%arg7 : memref<128xf32, #tpu.memory_space<vmem>>) dst(%dma_wait3A_275 : memref<10240xf32, #tpu.memory_space<vmem_shared>>)
    %add3A_276 = arith.constant 64 : i32
    %add3A_277 = arith.addi %mul3A_141, %add3A_276 : i32
    "tpu.region"() ({
      %run_scoped3A = tpu.sem_alloc : memref<!tpu.dma_semaphore, #tpu.memory_space<semaphore_mem>>
      %dma_start3A = arith.constant 0 : i32
      %dma_start3A_313 = arith.constant 0 : i32
      %dma_start3A_314 = tpu.memref_slice %arg2[%arg1, %dma_start3A, %dma_start3A_313] : memref<16x160x128xi32, #tpu.memory_space<hbm>> -> memref<1x160x128xi32, #tpu.memory_space<hbm>>
      %dma_start3A_315 = tpu.memref_squeeze %dma_start3A_314 : memref<1x160x128xi32, #tpu.memory_space<hbm>> -> memref<160x128xi32, #tpu.memory_space<hbm>>
      %dma_start3A_316 = arith.constant 0 : i32
      %dma_start3A_317 = tpu.memref_slice %dma_start3A_315[%add3A_277, %dma_start3A_316] : memref<160x128xi32, #tpu.memory_space<hbm>> -> memref<16x128xi32, #tpu.memory_space<hbm>>
      %dma_start3A_318 = arith.constant 0 : i32
      %dma_start3A_319 = arith.constant 0 : i32
      %dma_start3A_320 = tpu.memref_slice %arg2[%arg1, %dma_start3A_318, %dma_start3A_319] : memref<16x160x128xi32, #tpu.memory_space<hbm>> -> memref<1x160x128xi32, #tpu.memory_space<hbm>>
      %dma_start3A_321 = tpu.memref_squeeze %dma_start3A_320 : memref<1x160x128xi32, #tpu.memory_space<hbm>> -> memref<160x128xi32, #tpu.memory_space<hbm>>
      %dma_start3A_322 = arith.constant 0 : i32
      %dma_start3A_323 = tpu.memref_slice %dma_start3A_321[%add3A_277, %dma_start3A_322] : memref<160x128xi32, #tpu.memory_space<hbm>> -> memref<16x128xi32, #tpu.memory_space<hbm>>
      tpu.enqueue_dma source(%dma_start3A_323 : memref<16x128xi32, #tpu.memory_space<hbm>>) target(%arg5 : memref<16x128xi32, #tpu.memory_space<vmem>>) target_semaphore(%run_scoped3A : memref<!tpu.dma_semaphore, #tpu.memory_space<semaphore_mem>>)
      %dma_wait3A_324 = arith.constant 0 : i32
      %dma_wait3A_325 = arith.constant 0 : i32
      %dma_wait3A_326 = tpu.memref_slice %arg2[%arg1, %dma_wait3A_324, %dma_wait3A_325] : memref<16x160x128xi32, #tpu.memory_space<hbm>> -> memref<1x160x128xi32, #tpu.memory_space<hbm>>
      %dma_wait3A_327 = tpu.memref_squeeze %dma_wait3A_326 : memref<1x160x128xi32, #tpu.memory_space<hbm>> -> memref<160x128xi32, #tpu.memory_space<hbm>>
      %dma_wait3A_328 = arith.constant 0 : i32
      %dma_wait3A_329 = tpu.memref_slice %dma_wait3A_327[%add3A_277, %dma_wait3A_328] : memref<160x128xi32, #tpu.memory_space<hbm>> -> memref<16x128xi32, #tpu.memory_space<hbm>>
      %dma_wait3A_330 = arith.constant 0 : i32
      %dma_wait3A_331 = arith.constant 0 : i32
      %dma_wait3A_332 = tpu.memref_slice %arg2[%arg1, %dma_wait3A_330, %dma_wait3A_331] : memref<16x160x128xi32, #tpu.memory_space<hbm>> -> memref<1x160x128xi32, #tpu.memory_space<hbm>>
      %dma_wait3A_333 = tpu.memref_squeeze %dma_wait3A_332 : memref<1x160x128xi32, #tpu.memory_space<hbm>> -> memref<160x128xi32, #tpu.memory_space<hbm>>
      %dma_wait3A_334 = arith.constant 0 : i32
      %dma_wait3A_335 = tpu.memref_slice %dma_wait3A_333[%add3A_277, %dma_wait3A_334] : memref<160x128xi32, #tpu.memory_space<hbm>> -> memref<16x128xi32, #tpu.memory_space<hbm>>
      tpu.wait_dma2 semaphore(%run_scoped3A : memref<!tpu.dma_semaphore, #tpu.memory_space<semaphore_mem>>) src(%dma_wait3A_335 : memref<16x128xi32, #tpu.memory_space<hbm>>) dst(%arg5 : memref<16x128xi32, #tpu.memory_space<vmem>>)
      tpu.yield
    }) : () -> ()
    %add3A_278 = arith.constant 64 : i32
    %add3A_279 = arith.addi %mul3A_141, %add3A_278 : i32
    "tpu.region"() ({
      %run_scoped3A = tpu.sem_alloc : memref<!tpu.dma_semaphore, #tpu.memory_space<semaphore_mem>>
      %dma_start3A = arith.constant 0 : i32
      %dma_start3A_313 = arith.constant 0 : i32
      %dma_start3A_314 = tpu.memref_slice %arg3[%arg1, %dma_start3A, %dma_start3A_313] : memref<16x160x128xi32, #tpu.memory_space<hbm>> -> memref<1x160x128xi32, #tpu.memory_space<hbm>>
      %dma_start3A_315 = tpu.memref_squeeze %dma_start3A_314 : memref<1x160x128xi32, #tpu.memory_space<hbm>> -> memref<160x128xi32, #tpu.memory_space<hbm>>
      %dma_start3A_316 = arith.constant 0 : i32
      %dma_start3A_317 = tpu.memref_slice %dma_start3A_315[%add3A_279, %dma_start3A_316] : memref<160x128xi32, #tpu.memory_space<hbm>> -> memref<16x128xi32, #tpu.memory_space<hbm>>
      %dma_start3A_318 = arith.constant 0 : i32
      %dma_start3A_319 = arith.constant 0 : i32
      %dma_start3A_320 = tpu.memref_slice %arg3[%arg1, %dma_start3A_318, %dma_start3A_319] : memref<16x160x128xi32, #tpu.memory_space<hbm>> -> memref<1x160x128xi32, #tpu.memory_space<hbm>>
      %dma_start3A_321 = tpu.memref_squeeze %dma_start3A_320 : memref<1x160x128xi32, #tpu.memory_space<hbm>> -> memref<160x128xi32, #tpu.memory_space<hbm>>
      %dma_start3A_322 = arith.constant 0 : i32
      %dma_start3A_323 = tpu.memref_slice %dma_start3A_321[%add3A_279, %dma_start3A_322] : memref<160x128xi32, #tpu.memory_space<hbm>> -> memref<16x128xi32, #tpu.memory_space<hbm>>
      tpu.enqueue_dma source(%dma_start3A_323 : memref<16x128xi32, #tpu.memory_space<hbm>>) target(%arg6 : memref<16x128xi32, #tpu.memory_space<vmem>>) target_semaphore(%run_scoped3A : memref<!tpu.dma_semaphore, #tpu.memory_space<semaphore_mem>>)
      %dma_wait3A_324 = arith.constant 0 : i32
      %dma_wait3A_325 = arith.constant 0 : i32
      %dma_wait3A_326 = tpu.memref_slice %arg3[%arg1, %dma_wait3A_324, %dma_wait3A_325] : memref<16x160x128xi32, #tpu.memory_space<hbm>> -> memref<1x160x128xi32, #tpu.memory_space<hbm>>
      %dma_wait3A_327 = tpu.memref_squeeze %dma_wait3A_326 : memref<1x160x128xi32, #tpu.memory_space<hbm>> -> memref<160x128xi32, #tpu.memory_space<hbm>>
      %dma_wait3A_328 = arith.constant 0 : i32
      %dma_wait3A_329 = tpu.memref_slice %dma_wait3A_327[%add3A_279, %dma_wait3A_328] : memref<160x128xi32, #tpu.memory_space<hbm>> -> memref<16x128xi32, #tpu.memory_space<hbm>>
      %dma_wait3A_330 = arith.constant 0 : i32
      %dma_wait3A_331 = arith.constant 0 : i32
      %dma_wait3A_332 = tpu.memref_slice %arg3[%arg1, %dma_wait3A_330, %dma_wait3A_331] : memref<16x160x128xi32, #tpu.memory_space<hbm>> -> memref<1x160x128xi32, #tpu.memory_space<hbm>>
      %dma_wait3A_333 = tpu.memref_squeeze %dma_wait3A_332 : memref<1x160x128xi32, #tpu.memory_space<hbm>> -> memref<160x128xi32, #tpu.memory_space<hbm>>
      %dma_wait3A_334 = arith.constant 0 : i32
      %dma_wait3A_335 = tpu.memref_slice %dma_wait3A_333[%add3A_279, %dma_wait3A_334] : memref<160x128xi32, #tpu.memory_space<hbm>> -> memref<16x128xi32, #tpu.memory_space<hbm>>
      tpu.wait_dma2 semaphore(%run_scoped3A : memref<!tpu.dma_semaphore, #tpu.memory_space<semaphore_mem>>) src(%dma_wait3A_335 : memref<16x128xi32, #tpu.memory_space<hbm>>) dst(%arg6 : memref<16x128xi32, #tpu.memory_space<vmem>>)
      tpu.yield
    }) : () -> ()
    %scan3A_280 = arith.constant 0 : i32
    %scan3A_281 = arith.constant 0 : i32
    %scan3A_282 = arith.constant 8 : i32
    %scan3A_283 = arith.addi %scan3A_281, %scan3A_282 : i32
    %scan3A_284 = arith.constant 1 : i32
    scf.for %scan3A_313 = %scan3A_281 to %scan3A_283 step %scan3A_284  : i32 {
      %mul3A_314 = arith.constant 2 : i32
      %mul3A_315 = arith.muli %mul3A_314, %scan3A_313 : i32
      %add3A_316 = arith.constant 1 : i32
      %add3A_317 = arith.addi %mul3A_315, %add3A_316 : i32
      %gt3A = arith.constant 0 : i32
      %gt3A_318 = arith.cmpi sgt, %scan3A_313, %gt3A : i32
      %convert_element_type3A_319 = arith.extui %gt3A_318 : i1 to i32
      %cond3A_320 = arith.constant 0 : i32
      %cond3A_321 = arith.cmpi ne, %convert_element_type3A_319, %cond3A_320 : i32
      scf.if %cond3A_321 {
        %dma_wait3A_346 = arith.constant 0 : i32
        %dma_wait3A_347 = arith.constant 0 : i32
        %dma_wait3A_348 = tpu.memref_slice %arg5[%dma_wait3A_346, %dma_wait3A_347] : memref<16x128xi32, #tpu.memory_space<vmem>> -> memref<1x128xi32, #tpu.memory_space<vmem>>
        %dma_wait3A_349 = tpu.memref_squeeze %dma_wait3A_348 : memref<1x128xi32, #tpu.memory_space<vmem>> -> memref<128xi32, #tpu.memory_space<vmem>>
        %dma_wait3A_350 = arith.constant 0 : i32
        %dma_wait3A_351 = tpu.memref_slice %arg10[%dma_wait3A_350] : memref<10240xf32, #tpu.memory_space<vmem_shared>> -> memref<10240xf32, #tpu.memory_space<vmem_shared>>
        tpu.wait_indirect_dma semaphore(%arg8 : memref<!tpu.dma_semaphore, #tpu.memory_space<semaphore_mem>>) src(%arg7 : memref<128xf32, #tpu.memory_space<vmem>>) dst(%dma_wait3A_351 : memref<10240xf32, #tpu.memory_space<vmem_shared>>)
        %dma_wait3A_352 = arith.constant 0 : i32
        %dma_wait3A_353 = arith.constant 0 : i32
        %dma_wait3A_354 = tpu.memref_slice %arg6[%dma_wait3A_352, %dma_wait3A_353] : memref<16x128xi32, #tpu.memory_space<vmem>> -> memref<1x128xi32, #tpu.memory_space<vmem>>
        %dma_wait3A_355 = tpu.memref_squeeze %dma_wait3A_354 : memref<1x128xi32, #tpu.memory_space<vmem>> -> memref<128xi32, #tpu.memory_space<vmem>>
        %dma_wait3A_356 = arith.constant 0 : i32
        %dma_wait3A_357 = tpu.memref_slice %arg11[%dma_wait3A_356] : memref<10240xf32, #tpu.memory_space<vmem_shared>> -> memref<10240xf32, #tpu.memory_space<vmem_shared>>
        tpu.wait_indirect_dma semaphore(%arg8 : memref<!tpu.dma_semaphore, #tpu.memory_space<semaphore_mem>>) src(%arg7 : memref<128xf32, #tpu.memory_space<vmem>>) dst(%dma_wait3A_357 : memref<10240xf32, #tpu.memory_space<vmem_shared>>)
      } else {
      }
      %dma_start3A = arith.constant 0 : i32
      %dma_start3A_322 = tpu.memref_slice %arg5[%mul3A_315, %dma_start3A] : memref<16x128xi32, #tpu.memory_space<vmem>> -> memref<1x128xi32, #tpu.memory_space<vmem>>
      %dma_start3A_323 = tpu.memref_squeeze %dma_start3A_322 : memref<1x128xi32, #tpu.memory_space<vmem>> -> memref<128xi32, #tpu.memory_space<vmem>>
      %dma_start3A_324 = arith.constant 0 : i32
      %dma_start3A_325 = tpu.memref_slice %arg10[%dma_start3A_324] : memref<10240xf32, #tpu.memory_space<vmem_shared>> -> memref<10240xf32, #tpu.memory_space<vmem_shared>>
      tpu.enqueue_indirect_dma source(%arg7 : memref<128xf32, #tpu.memory_space<vmem>>) target(%dma_start3A_325 : memref<10240xf32, #tpu.memory_space<vmem_shared>>) offsets(%dma_start3A_323 : memref<128xi32, #tpu.memory_space<vmem>>) semaphore(%arg8 : memref<!tpu.dma_semaphore, #tpu.memory_space<semaphore_mem>>) {add = true}
      %dma_start3A_326 = arith.constant 0 : i32
      %dma_start3A_327 = tpu.memref_slice %arg6[%mul3A_315, %dma_start3A_326] : memref<16x128xi32, #tpu.memory_space<vmem>> -> memref<1x128xi32, #tpu.memory_space<vmem>>
      %dma_start3A_328 = tpu.memref_squeeze %dma_start3A_327 : memref<1x128xi32, #tpu.memory_space<vmem>> -> memref<128xi32, #tpu.memory_space<vmem>>
      %dma_start3A_329 = arith.constant 0 : i32
      %dma_start3A_330 = tpu.memref_slice %arg11[%dma_start3A_329] : memref<10240xf32, #tpu.memory_space<vmem_shared>> -> memref<10240xf32, #tpu.memory_space<vmem_shared>>
      tpu.enqueue_indirect_dma source(%arg7 : memref<128xf32, #tpu.memory_space<vmem>>) target(%dma_start3A_330 : memref<10240xf32, #tpu.memory_space<vmem_shared>>) offsets(%dma_start3A_328 : memref<128xi32, #tpu.memory_space<vmem>>) semaphore(%arg8 : memref<!tpu.dma_semaphore, #tpu.memory_space<semaphore_mem>>) {add = true}
      %gt3A_331 = arith.constant 0 : i32
      %gt3A_332 = arith.cmpi sgt, %scan3A_313, %gt3A_331 : i32
      %convert_element_type3A_333 = arith.extui %gt3A_332 : i1 to i32
      %cond3A_334 = arith.constant 0 : i32
      %cond3A_335 = arith.cmpi ne, %convert_element_type3A_333, %cond3A_334 : i32
      scf.if %cond3A_335 {
        %dma_wait3A_346 = arith.constant 0 : i32
        %dma_wait3A_347 = arith.constant 0 : i32
        %dma_wait3A_348 = tpu.memref_slice %arg5[%dma_wait3A_346, %dma_wait3A_347] : memref<16x128xi32, #tpu.memory_space<vmem>> -> memref<1x128xi32, #tpu.memory_space<vmem>>
        %dma_wait3A_349 = tpu.memref_squeeze %dma_wait3A_348 : memref<1x128xi32, #tpu.memory_space<vmem>> -> memref<128xi32, #tpu.memory_space<vmem>>
        %dma_wait3A_350 = arith.constant 0 : i32
        %dma_wait3A_351 = tpu.memref_slice %arg12[%dma_wait3A_350] : memref<10240xf32, #tpu.memory_space<vmem_shared>> -> memref<10240xf32, #tpu.memory_space<vmem_shared>>
        tpu.wait_indirect_dma semaphore(%arg9 : memref<!tpu.dma_semaphore, #tpu.memory_space<semaphore_mem>>) src(%arg7 : memref<128xf32, #tpu.memory_space<vmem>>) dst(%dma_wait3A_351 : memref<10240xf32, #tpu.memory_space<vmem_shared>>)
        %dma_wait3A_352 = arith.constant 0 : i32
        %dma_wait3A_353 = arith.constant 0 : i32
        %dma_wait3A_354 = tpu.memref_slice %arg6[%dma_wait3A_352, %dma_wait3A_353] : memref<16x128xi32, #tpu.memory_space<vmem>> -> memref<1x128xi32, #tpu.memory_space<vmem>>
        %dma_wait3A_355 = tpu.memref_squeeze %dma_wait3A_354 : memref<1x128xi32, #tpu.memory_space<vmem>> -> memref<128xi32, #tpu.memory_space<vmem>>
        %dma_wait3A_356 = arith.constant 0 : i32
        %dma_wait3A_357 = tpu.memref_slice %arg13[%dma_wait3A_356] : memref<10240xf32, #tpu.memory_space<vmem_shared>> -> memref<10240xf32, #tpu.memory_space<vmem_shared>>
        tpu.wait_indirect_dma semaphore(%arg9 : memref<!tpu.dma_semaphore, #tpu.memory_space<semaphore_mem>>) src(%arg7 : memref<128xf32, #tpu.memory_space<vmem>>) dst(%dma_wait3A_357 : memref<10240xf32, #tpu.memory_space<vmem_shared>>)
      } else {
      }
      %dma_start3A_336 = arith.constant 0 : i32
      %dma_start3A_337 = tpu.memref_slice %arg5[%add3A_317, %dma_start3A_336] : memref<16x128xi32, #tpu.memory_space<vmem>> -> memref<1x128xi32, #tpu.memory_space<vmem>>
      %dma_start3A_338 = tpu.memref_squeeze %dma_start3A_337 : memref<1x128xi32, #tpu.memory_space<vmem>> -> memref<128xi32, #tpu.memory_space<vmem>>
      %dma_start3A_339 = arith.constant 0 : i32
      %dma_start3A_340 = tpu.memref_slice %arg12[%dma_start3A_339] : memref<10240xf32, #tpu.memory_space<vmem_shared>> -> memref<10240xf32, #tpu.memory_space<vmem_shared>>
      tpu.enqueue_indirect_dma source(%arg7 : memref<128xf32, #tpu.memory_space<vmem>>) target(%dma_start3A_340 : memref<10240xf32, #tpu.memory_space<vmem_shared>>) offsets(%dma_start3A_338 : memref<128xi32, #tpu.memory_space<vmem>>) semaphore(%arg9 : memref<!tpu.dma_semaphore, #tpu.memory_space<semaphore_mem>>) {add = true}
      %dma_start3A_341 = arith.constant 0 : i32
      %dma_start3A_342 = tpu.memref_slice %arg6[%add3A_317, %dma_start3A_341] : memref<16x128xi32, #tpu.memory_space<vmem>> -> memref<1x128xi32, #tpu.memory_space<vmem>>
      %dma_start3A_343 = tpu.memref_squeeze %dma_start3A_342 : memref<1x128xi32, #tpu.memory_space<vmem>> -> memref<128xi32, #tpu.memory_space<vmem>>
      %dma_start3A_344 = arith.constant 0 : i32
      %dma_start3A_345 = tpu.memref_slice %arg13[%dma_start3A_344] : memref<10240xf32, #tpu.memory_space<vmem_shared>> -> memref<10240xf32, #tpu.memory_space<vmem_shared>>
      tpu.enqueue_indirect_dma source(%arg7 : memref<128xf32, #tpu.memory_space<vmem>>) target(%dma_start3A_345 : memref<10240xf32, #tpu.memory_space<vmem_shared>>) offsets(%dma_start3A_343 : memref<128xi32, #tpu.memory_space<vmem>>) semaphore(%arg9 : memref<!tpu.dma_semaphore, #tpu.memory_space<semaphore_mem>>) {add = true}
    }
    %scan3A_285 = arith.constant 8 : i32
    %dma_wait3A_286 = arith.constant 0 : i32
    %dma_wait3A_287 = arith.constant 0 : i32
    %dma_wait3A_288 = tpu.memref_slice %arg5[%dma_wait3A_286, %dma_wait3A_287] : memref<16x128xi32, #tpu.memory_space<vmem>> -> memref<1x128xi32, #tpu.memory_space<vmem>>
    %dma_wait3A_289 = tpu.memref_squeeze %dma_wait3A_288 : memref<1x128xi32, #tpu.memory_space<vmem>> -> memref<128xi32, #tpu.memory_space<vmem>>
    %dma_wait3A_290 = arith.constant 0 : i32
    %dma_wait3A_291 = tpu.memref_slice %arg10[%dma_wait3A_290] : memref<10240xf32, #tpu.memory_space<vmem_shared>> -> memref<10240xf32, #tpu.memory_space<vmem_shared>>
    tpu.wait_indirect_dma semaphore(%arg8 : memref<!tpu.dma_semaphore, #tpu.memory_space<semaphore_mem>>) src(%arg7 : memref<128xf32, #tpu.memory_space<vmem>>) dst(%dma_wait3A_291 : memref<10240xf32, #tpu.memory_space<vmem_shared>>)
    %dma_wait3A_292 = arith.constant 0 : i32
    %dma_wait3A_293 = arith.constant 0 : i32
    %dma_wait3A_294 = tpu.memref_slice %arg6[%dma_wait3A_292, %dma_wait3A_293] : memref<16x128xi32, #tpu.memory_space<vmem>> -> memref<1x128xi32, #tpu.memory_space<vmem>>
    %dma_wait3A_295 = tpu.memref_squeeze %dma_wait3A_294 : memref<1x128xi32, #tpu.memory_space<vmem>> -> memref<128xi32, #tpu.memory_space<vmem>>
    %dma_wait3A_296 = arith.constant 0 : i32
    %dma_wait3A_297 = tpu.memref_slice %arg11[%dma_wait3A_296] : memref<10240xf32, #tpu.memory_space<vmem_shared>> -> memref<10240xf32, #tpu.memory_space<vmem_shared>>
    tpu.wait_indirect_dma semaphore(%arg8 : memref<!tpu.dma_semaphore, #tpu.memory_space<semaphore_mem>>) src(%arg7 : memref<128xf32, #tpu.memory_space<vmem>>) dst(%dma_wait3A_297 : memref<10240xf32, #tpu.memory_space<vmem_shared>>)
    %dma_wait3A_298 = arith.constant 0 : i32
    %dma_wait3A_299 = arith.constant 0 : i32
    %dma_wait3A_300 = tpu.memref_slice %arg5[%dma_wait3A_298, %dma_wait3A_299] : memref<16x128xi32, #tpu.memory_space<vmem>> -> memref<1x128xi32, #tpu.memory_space<vmem>>
    %dma_wait3A_301 = tpu.memref_squeeze %dma_wait3A_300 : memref<1x128xi32, #tpu.memory_space<vmem>> -> memref<128xi32, #tpu.memory_space<vmem>>
    %dma_wait3A_302 = arith.constant 0 : i32
    %dma_wait3A_303 = tpu.memref_slice %arg12[%dma_wait3A_302] : memref<10240xf32, #tpu.memory_space<vmem_shared>> -> memref<10240xf32, #tpu.memory_space<vmem_shared>>
    tpu.wait_indirect_dma semaphore(%arg9 : memref<!tpu.dma_semaphore, #tpu.memory_space<semaphore_mem>>) src(%arg7 : memref<128xf32, #tpu.memory_space<vmem>>) dst(%dma_wait3A_303 : memref<10240xf32, #tpu.memory_space<vmem_shared>>)
    %dma_wait3A_304 = arith.constant 0 : i32
    %dma_wait3A_305 = arith.constant 0 : i32
    %dma_wait3A_306 = tpu.memref_slice %arg6[%dma_wait3A_304, %dma_wait3A_305] : memref<16x128xi32, #tpu.memory_space<vmem>> -> memref<1x128xi32, #tpu.memory_space<vmem>>
    %dma_wait3A_307 = tpu.memref_squeeze %dma_wait3A_306 : memref<1x128xi32, #tpu.memory_space<vmem>> -> memref<128xi32, #tpu.memory_space<vmem>>
    %dma_wait3A_308 = arith.constant 0 : i32
    %dma_wait3A_309 = tpu.memref_slice %arg13[%dma_wait3A_308] : memref<10240xf32, #tpu.memory_space<vmem_shared>> -> memref<10240xf32, #tpu.memory_space<vmem_shared>>
    tpu.wait_indirect_dma semaphore(%arg9 : memref<!tpu.dma_semaphore, #tpu.memory_space<semaphore_mem>>) src(%arg7 : memref<128xf32, #tpu.memory_space<vmem>>) dst(%dma_wait3A_309 : memref<10240xf32, #tpu.memory_space<vmem_shared>>)
    %barrier3A_310 = arith.constant 0 : index
    tpu.barrier barrier_id(%barrier3A_310)
    %eq3A = arith.constant 0 : i32
    %eq3A_311 = arith.cmpi eq, %arg1, %eq3A : i32
    %convert_element_type3A = arith.extui %eq3A_311 : i1 to i32
    %cond3A = arith.constant 0 : i32
    %cond3A_312 = arith.cmpi ne, %convert_element_type3A, %cond3A : i32
    scf.if %cond3A_312 {
      %run_scoped3A = arith.constant 0 : i32
      %run_scoped3A_313 = arith.constant 0 : i32
      "tpu.region"() ({
        %run_scoped3A_320 = tpu.sem_alloc : memref<!tpu.dma_semaphore, #tpu.memory_space<semaphore_mem>>
        %dma_start3A = arith.constant 0 : i32
        %dma_start3A_321 = tpu.memref_slice %arg4[%arg0, %run_scoped3A, %run_scoped3A_313, %dma_start3A] : memref<2x2x2x10240xf32, #tpu.memory_space<hbm>> -> memref<1x1x1x10240xf32, #tpu.memory_space<hbm>>
        %dma_start3A_322 = tpu.memref_squeeze %dma_start3A_321 : memref<1x1x1x10240xf32, #tpu.memory_space<hbm>> -> memref<10240xf32, #tpu.memory_space<hbm>>
        tpu.enqueue_dma source(%arg10 : memref<10240xf32, #tpu.memory_space<vmem_shared>>) target(%dma_start3A_322 : memref<10240xf32, #tpu.memory_space<hbm>>) target_semaphore(%run_scoped3A_320 : memref<!tpu.dma_semaphore, #tpu.memory_space<semaphore_mem>>)
        %dma_wait3A_323 = arith.constant 0 : i32
        %dma_wait3A_324 = tpu.memref_slice %arg4[%arg0, %run_scoped3A, %run_scoped3A_313, %dma_wait3A_323] : memref<2x2x2x10240xf32, #tpu.memory_space<hbm>> -> memref<1x1x1x10240xf32, #tpu.memory_space<hbm>>
        %dma_wait3A_325 = tpu.memref_squeeze %dma_wait3A_324 : memref<1x1x1x10240xf32, #tpu.memory_space<hbm>> -> memref<10240xf32, #tpu.memory_space<hbm>>
        tpu.wait_dma2 semaphore(%run_scoped3A_320 : memref<!tpu.dma_semaphore, #tpu.memory_space<semaphore_mem>>) src(%arg10 : memref<10240xf32, #tpu.memory_space<vmem_shared>>) dst(%dma_wait3A_325 : memref<10240xf32, #tpu.memory_space<hbm>>)
        tpu.yield
      }) : () -> ()
      %run_scoped3A_314 = arith.constant 1 : i32
      %run_scoped3A_315 = arith.constant 0 : i32
      "tpu.region"() ({
        %run_scoped3A_320 = tpu.sem_alloc : memref<!tpu.dma_semaphore, #tpu.memory_space<semaphore_mem>>
        %dma_start3A = arith.constant 0 : i32
        %dma_start3A_321 = tpu.memref_slice %arg4[%arg0, %run_scoped3A_314, %run_scoped3A_315, %dma_start3A] : memref<2x2x2x10240xf32, #tpu.memory_space<hbm>> -> memref<1x1x1x10240xf32, #tpu.memory_space<hbm>>
        %dma_start3A_322 = tpu.memref_squeeze %dma_start3A_321 : memref<1x1x1x10240xf32, #tpu.memory_space<hbm>> -> memref<10240xf32, #tpu.memory_space<hbm>>
        tpu.enqueue_dma source(%arg11 : memref<10240xf32, #tpu.memory_space<vmem_shared>>) target(%dma_start3A_322 : memref<10240xf32, #tpu.memory_space<hbm>>) target_semaphore(%run_scoped3A_320 : memref<!tpu.dma_semaphore, #tpu.memory_space<semaphore_mem>>)
        %dma_wait3A_323 = arith.constant 0 : i32
        %dma_wait3A_324 = tpu.memref_slice %arg4[%arg0, %run_scoped3A_314, %run_scoped3A_315, %dma_wait3A_323] : memref<2x2x2x10240xf32, #tpu.memory_space<hbm>> -> memref<1x1x1x10240xf32, #tpu.memory_space<hbm>>
        %dma_wait3A_325 = tpu.memref_squeeze %dma_wait3A_324 : memref<1x1x1x10240xf32, #tpu.memory_space<hbm>> -> memref<10240xf32, #tpu.memory_space<hbm>>
        tpu.wait_dma2 semaphore(%run_scoped3A_320 : memref<!tpu.dma_semaphore, #tpu.memory_space<semaphore_mem>>) src(%arg11 : memref<10240xf32, #tpu.memory_space<vmem_shared>>) dst(%dma_wait3A_325 : memref<10240xf32, #tpu.memory_space<hbm>>)
        tpu.yield
      }) : () -> ()
      %run_scoped3A_316 = arith.constant 0 : i32
      %run_scoped3A_317 = arith.constant 1 : i32
      "tpu.region"() ({
        %run_scoped3A_320 = tpu.sem_alloc : memref<!tpu.dma_semaphore, #tpu.memory_space<semaphore_mem>>
        %dma_start3A = arith.constant 0 : i32
        %dma_start3A_321 = tpu.memref_slice %arg4[%arg0, %run_scoped3A_316, %run_scoped3A_317, %dma_start3A] : memref<2x2x2x10240xf32, #tpu.memory_space<hbm>> -> memref<1x1x1x10240xf32, #tpu.memory_space<hbm>>
        %dma_start3A_322 = tpu.memref_squeeze %dma_start3A_321 : memref<1x1x1x10240xf32, #tpu.memory_space<hbm>> -> memref<10240xf32, #tpu.memory_space<hbm>>
        tpu.enqueue_dma source(%arg12 : memref<10240xf32, #tpu.memory_space<vmem_shared>>) target(%dma_start3A_322 : memref<10240xf32, #tpu.memory_space<hbm>>) target_semaphore(%run_scoped3A_320 : memref<!tpu.dma_semaphore, #tpu.memory_space<semaphore_mem>>)
        %dma_wait3A_323 = arith.constant 0 : i32
        %dma_wait3A_324 = tpu.memref_slice %arg4[%arg0, %run_scoped3A_316, %run_scoped3A_317, %dma_wait3A_323] : memref<2x2x2x10240xf32, #tpu.memory_space<hbm>> -> memref<1x1x1x10240xf32, #tpu.memory_space<hbm>>
        %dma_wait3A_325 = tpu.memref_squeeze %dma_wait3A_324 : memref<1x1x1x10240xf32, #tpu.memory_space<hbm>> -> memref<10240xf32, #tpu.memory_space<hbm>>
        tpu.wait_dma2 semaphore(%run_scoped3A_320 : memref<!tpu.dma_semaphore, #tpu.memory_space<semaphore_mem>>) src(%arg12 : memref<10240xf32, #tpu.memory_space<vmem_shared>>) dst(%dma_wait3A_325 : memref<10240xf32, #tpu.memory_space<hbm>>)
        tpu.yield
      }) : () -> ()
      %run_scoped3A_318 = arith.constant 1 : i32
      %run_scoped3A_319 = arith.constant 1 : i32
      "tpu.region"() ({
        %run_scoped3A_320 = tpu.sem_alloc : memref<!tpu.dma_semaphore, #tpu.memory_space<semaphore_mem>>
        %dma_start3A = arith.constant 0 : i32
        %dma_start3A_321 = tpu.memref_slice %arg4[%arg0, %run_scoped3A_318, %run_scoped3A_319, %dma_start3A] : memref<2x2x2x10240xf32, #tpu.memory_space<hbm>> -> memref<1x1x1x10240xf32, #tpu.memory_space<hbm>>
        %dma_start3A_322 = tpu.memref_squeeze %dma_start3A_321 : memref<1x1x1x10240xf32, #tpu.memory_space<hbm>> -> memref<10240xf32, #tpu.memory_space<hbm>>
        tpu.enqueue_dma source(%arg13 : memref<10240xf32, #tpu.memory_space<vmem_shared>>) target(%dma_start3A_322 : memref<10240xf32, #tpu.memory_space<hbm>>) target_semaphore(%run_scoped3A_320 : memref<!tpu.dma_semaphore, #tpu.memory_space<semaphore_mem>>)
        %dma_wait3A_323 = arith.constant 0 : i32
        %dma_wait3A_324 = tpu.memref_slice %arg4[%arg0, %run_scoped3A_318, %run_scoped3A_319, %dma_wait3A_323] : memref<2x2x2x10240xf32, #tpu.memory_space<hbm>> -> memref<1x1x1x10240xf32, #tpu.memory_space<hbm>>
        %dma_wait3A_325 = tpu.memref_squeeze %dma_wait3A_324 : memref<1x1x1x10240xf32, #tpu.memory_space<hbm>> -> memref<10240xf32, #tpu.memory_space<hbm>>
        tpu.wait_dma2 semaphore(%run_scoped3A_320 : memref<!tpu.dma_semaphore, #tpu.memory_space<semaphore_mem>>) src(%arg13 : memref<10240xf32, #tpu.memory_space<vmem_shared>>) dst(%dma_wait3A_325 : memref<10240xf32, #tpu.memory_space<hbm>>)
        tpu.yield
      }) : () -> ()
    } else {
    }
    return
  }
}

#map = affine_map<(d0, d1) -> (0, 0, 0)>
#map1 = affine_map<(d0, d1) -> (0)>
#map2 = affine_map<(d0, d1) -> (0, 0, 0, 0)>
#map3 = affine_map<(d0, d1) -> (0, 0)>
module attributes {stable_mosaic.version = 14 : i64} {
  func.func @_mp_kernel(%arg0: i32, %arg1: i32, %arg2: memref<16x160x128xi32, #tpu.memory_space<hbm>>, %arg3: memref<16x160x128xi32, #tpu.memory_space<hbm>>, %arg4: memref<10240xf32, #tpu.memory_space<hbm>>, %arg5: memref<2x10240x64xbf16, #tpu.memory_space<hbm>>, %arg6: memref<2x2x10240x64xbf16, #tpu.memory_space<hbm>>, %arg7: memref<2x10240xf32, #tpu.memory_space<hbm>>, %arg8: memref<160x128xi32, #tpu.memory_space<vmem>>, %arg9: memref<160x128xi32, #tpu.memory_space<vmem>>, %arg10: memref<128x64xbf16, #tpu.memory_space<vmem>>, %arg11: memref<128x64xbf16, #tpu.memory_space<vmem>>, %arg12: memref<128x64xbf16, #tpu.memory_space<vmem>>, %arg13: memref<128x64xbf16, #tpu.memory_space<vmem>>, %arg14: memref<128xf32, #tpu.memory_space<vmem>>, %arg15: memref<128xf32, #tpu.memory_space<vmem>>, %arg16: memref<!tpu.dma_semaphore, #tpu.memory_space<semaphore_mem>>, %arg17: memref<!tpu.dma_semaphore, #tpu.memory_space<semaphore_mem>>, %arg18: memref<!tpu.dma_semaphore, #tpu.memory_space<semaphore_mem>>, %arg19: memref<!tpu.dma_semaphore, #tpu.memory_space<semaphore_mem>>, %arg20: memref<!tpu.dma_semaphore, #tpu.memory_space<semaphore_mem>>, %arg21: memref<!tpu.dma_semaphore, #tpu.memory_space<semaphore_mem>>, %arg22: memref<!tpu.dma_semaphore, #tpu.memory_space<semaphore_mem>>, %arg23: memref<!tpu.dma_semaphore, #tpu.memory_space<semaphore_mem>>, %arg24: memref<!tpu.dma_semaphore, #tpu.memory_space<semaphore_mem>>, %arg25: memref<10240x64xbf16, #tpu.memory_space<vmem_shared>>, %arg26: memref<10240x64xbf16, #tpu.memory_space<vmem_shared>>, %arg27: memref<10240x64xbf16, #tpu.memory_space<vmem_shared>>, %arg28: memref<10240xf32, #tpu.memory_space<vmem_shared>>) attributes {dimension_semantics = [#tpu.dimension_semantics<core_parallel>, #tpu.dimension_semantics<subcore_parallel>], iteration_bounds = array<i64: 2, 16>, scalar_prefetch = 0 : i64, scratch_operands = 21 : i64, tpu.core_type = #tpu.core_type<sc_vector_subcore>, window_params = [{transform_indices = #map}, {transform_indices = #map}, {transform_indices = #map1}, {transform_indices = #map}, {transform_indices = #map2}, {transform_indices = #map3}]} {
    %broadcast_in_dim3A = arith.constant 0.000000e+00 : f32
    %broadcast_in_dim3A_0 = vector.broadcast %broadcast_in_dim3A : f32 to vector<16xf32>
    %swap3A = arith.constant 0 : index
    %swap3A_1 = tpu.vector_load %arg14[%swap3A] {strides = array<i32>} : memref<128xf32, #tpu.memory_space<vmem>>, vector<16xf32>,
    %swap3A_2 = vector.shape_cast %swap3A_1 : vector<16xf32> to vector<16xf32>
    %swap3A_3 = vector.shape_cast %broadcast_in_dim3A_0 : vector<16xf32> to vector<16xf32>
    tpu.vector_store %arg14[%swap3A], %swap3A_3 {strides = array<i32>} : memref<128xf32, #tpu.memory_space<vmem>>, vector<16xf32>,
    %broadcast_in_dim3A_4 = arith.constant 0.000000e+00 : f32
    %broadcast_in_dim3A_5 = vector.broadcast %broadcast_in_dim3A_4 : f32 to vector<16xf32>
    %swap3A_6 = arith.constant 16 : index
    %swap3A_7 = tpu.vector_load %arg14[%swap3A_6] {strides = array<i32>} : memref<128xf32, #tpu.memory_space<vmem>>, vector<16xf32>,
    %swap3A_8 = vector.shape_cast %swap3A_7 : vector<16xf32> to vector<16xf32>
    %swap3A_9 = vector.shape_cast %broadcast_in_dim3A_5 : vector<16xf32> to vector<16xf32>
    tpu.vector_store %arg14[%swap3A_6], %swap3A_9 {strides = array<i32>} : memref<128xf32, #tpu.memory_space<vmem>>, vector<16xf32>,
    %broadcast_in_dim3A_10 = arith.constant 0.000000e+00 : f32
    %broadcast_in_dim3A_11 = vector.broadcast %broadcast_in_dim3A_10 : f32 to vector<16xf32>
    %swap3A_12 = arith.constant 32 : index
    %swap3A_13 = tpu.vector_load %arg14[%swap3A_12] {strides = array<i32>} : memref<128xf32, #tpu.memory_space<vmem>>, vector<16xf32>,
    %swap3A_14 = vector.shape_cast %swap3A_13 : vector<16xf32> to vector<16xf32>
    %swap3A_15 = vector.shape_cast %broadcast_in_dim3A_11 : vector<16xf32> to vector<16xf32>
    tpu.vector_store %arg14[%swap3A_12], %swap3A_15 {strides = array<i32>} : memref<128xf32, #tpu.memory_space<vmem>>, vector<16xf32>,
    %broadcast_in_dim3A_16 = arith.constant 0.000000e+00 : f32
    %broadcast_in_dim3A_17 = vector.broadcast %broadcast_in_dim3A_16 : f32 to vector<16xf32>
    %swap3A_18 = arith.constant 48 : index
    %swap3A_19 = tpu.vector_load %arg14[%swap3A_18] {strides = array<i32>} : memref<128xf32, #tpu.memory_space<vmem>>, vector<16xf32>,
    %swap3A_20 = vector.shape_cast %swap3A_19 : vector<16xf32> to vector<16xf32>
    %swap3A_21 = vector.shape_cast %broadcast_in_dim3A_17 : vector<16xf32> to vector<16xf32>
    tpu.vector_store %arg14[%swap3A_18], %swap3A_21 {strides = array<i32>} : memref<128xf32, #tpu.memory_space<vmem>>, vector<16xf32>,
    %broadcast_in_dim3A_22 = arith.constant 0.000000e+00 : f32
    %broadcast_in_dim3A_23 = vector.broadcast %broadcast_in_dim3A_22 : f32 to vector<16xf32>
    %swap3A_24 = arith.constant 64 : index
    %swap3A_25 = tpu.vector_load %arg14[%swap3A_24] {strides = array<i32>} : memref<128xf32, #tpu.memory_space<vmem>>, vector<16xf32>,
    %swap3A_26 = vector.shape_cast %swap3A_25 : vector<16xf32> to vector<16xf32>
    %swap3A_27 = vector.shape_cast %broadcast_in_dim3A_23 : vector<16xf32> to vector<16xf32>
    tpu.vector_store %arg14[%swap3A_24], %swap3A_27 {strides = array<i32>} : memref<128xf32, #tpu.memory_space<vmem>>, vector<16xf32>,
    %broadcast_in_dim3A_28 = arith.constant 0.000000e+00 : f32
    %broadcast_in_dim3A_29 = vector.broadcast %broadcast_in_dim3A_28 : f32 to vector<16xf32>
    %swap3A_30 = arith.constant 80 : index
    %swap3A_31 = tpu.vector_load %arg14[%swap3A_30] {strides = array<i32>} : memref<128xf32, #tpu.memory_space<vmem>>, vector<16xf32>,
    %swap3A_32 = vector.shape_cast %swap3A_31 : vector<16xf32> to vector<16xf32>
    %swap3A_33 = vector.shape_cast %broadcast_in_dim3A_29 : vector<16xf32> to vector<16xf32>
    tpu.vector_store %arg14[%swap3A_30], %swap3A_33 {strides = array<i32>} : memref<128xf32, #tpu.memory_space<vmem>>, vector<16xf32>,
    %broadcast_in_dim3A_34 = arith.constant 0.000000e+00 : f32
    %broadcast_in_dim3A_35 = vector.broadcast %broadcast_in_dim3A_34 : f32 to vector<16xf32>
    %swap3A_36 = arith.constant 96 : index
    %swap3A_37 = tpu.vector_load %arg14[%swap3A_36] {strides = array<i32>} : memref<128xf32, #tpu.memory_space<vmem>>, vector<16xf32>,
    %swap3A_38 = vector.shape_cast %swap3A_37 : vector<16xf32> to vector<16xf32>
    %swap3A_39 = vector.shape_cast %broadcast_in_dim3A_35 : vector<16xf32> to vector<16xf32>
    tpu.vector_store %arg14[%swap3A_36], %swap3A_39 {strides = array<i32>} : memref<128xf32, #tpu.memory_space<vmem>>, vector<16xf32>,
    %broadcast_in_dim3A_40 = arith.constant 0.000000e+00 : f32
    %broadcast_in_dim3A_41 = vector.broadcast %broadcast_in_dim3A_40 : f32 to vector<16xf32>
    %swap3A_42 = arith.constant 112 : index
    %swap3A_43 = tpu.vector_load %arg14[%swap3A_42] {strides = array<i32>} : memref<128xf32, #tpu.memory_space<vmem>>, vector<16xf32>,
    %swap3A_44 = vector.shape_cast %swap3A_43 : vector<16xf32> to vector<16xf32>
    %swap3A_45 = vector.shape_cast %broadcast_in_dim3A_41 : vector<16xf32> to vector<16xf32>
    tpu.vector_store %arg14[%swap3A_42], %swap3A_45 {strides = array<i32>} : memref<128xf32, #tpu.memory_space<vmem>>, vector<16xf32>,
    %mul3A = arith.constant 640 : i32
    %mul3A_46 = arith.muli %arg1, %mul3A : i32
    %add3A = arith.constant 0 : i32
    %add3A_47 = arith.addi %mul3A_46, %add3A : i32
    "tpu.region"() ({
      %run_scoped3A_137 = tpu.sem_alloc : memref<!tpu.dma_semaphore, #tpu.memory_space<semaphore_mem>>
      %dma_start3A_138 = tpu.memref_slice %arg28[%add3A_47] : memref<10240xf32, #tpu.memory_space<vmem_shared>> -> memref<128xf32, #tpu.memory_space<vmem_shared>>
      %dma_start3A_139 = tpu.memref_slice %arg28[%add3A_47] : memref<10240xf32, #tpu.memory_space<vmem_shared>> -> memref<128xf32, #tpu.memory_space<vmem_shared>>
      tpu.enqueue_dma source(%arg14 : memref<128xf32, #tpu.memory_space<vmem>>) target(%dma_start3A_139 : memref<128xf32, #tpu.memory_space<vmem_shared>>) target_semaphore(%run_scoped3A_137 : memref<!tpu.dma_semaphore, #tpu.memory_space<semaphore_mem>>)
      %dma_wait3A_140 = tpu.memref_slice %arg28[%add3A_47] : memref<10240xf32, #tpu.memory_space<vmem_shared>> -> memref<128xf32, #tpu.memory_space<vmem_shared>>
      %dma_wait3A_141 = tpu.memref_slice %arg28[%add3A_47] : memref<10240xf32, #tpu.memory_space<vmem_shared>> -> memref<128xf32, #tpu.memory_space<vmem_shared>>
      tpu.wait_dma2 semaphore(%run_scoped3A_137 : memref<!tpu.dma_semaphore, #tpu.memory_space<semaphore_mem>>) src(%arg14 : memref<128xf32, #tpu.memory_space<vmem>>) dst(%dma_wait3A_141 : memref<128xf32, #tpu.memory_space<vmem_shared>>)
      tpu.yield
    }) : () -> ()
    %add3A_48 = arith.constant 128 : i32
    %add3A_49 = arith.addi %mul3A_46, %add3A_48 : i32
    "tpu.region"() ({
      %run_scoped3A_137 = tpu.sem_alloc : memref<!tpu.dma_semaphore, #tpu.memory_space<semaphore_mem>>
      %dma_start3A_138 = tpu.memref_slice %arg28[%add3A_49] : memref<10240xf32, #tpu.memory_space<vmem_shared>> -> memref<128xf32, #tpu.memory_space<vmem_shared>>
      %dma_start3A_139 = tpu.memref_slice %arg28[%add3A_49] : memref<10240xf32, #tpu.memory_space<vmem_shared>> -> memref<128xf32, #tpu.memory_space<vmem_shared>>
      tpu.enqueue_dma source(%arg14 : memref<128xf32, #tpu.memory_space<vmem>>) target(%dma_start3A_139 : memref<128xf32, #tpu.memory_space<vmem_shared>>) target_semaphore(%run_scoped3A_137 : memref<!tpu.dma_semaphore, #tpu.memory_space<semaphore_mem>>)
      %dma_wait3A_140 = tpu.memref_slice %arg28[%add3A_49] : memref<10240xf32, #tpu.memory_space<vmem_shared>> -> memref<128xf32, #tpu.memory_space<vmem_shared>>
      %dma_wait3A_141 = tpu.memref_slice %arg28[%add3A_49] : memref<10240xf32, #tpu.memory_space<vmem_shared>> -> memref<128xf32, #tpu.memory_space<vmem_shared>>
      tpu.wait_dma2 semaphore(%run_scoped3A_137 : memref<!tpu.dma_semaphore, #tpu.memory_space<semaphore_mem>>) src(%arg14 : memref<128xf32, #tpu.memory_space<vmem>>) dst(%dma_wait3A_141 : memref<128xf32, #tpu.memory_space<vmem_shared>>)
      tpu.yield
    }) : () -> ()
    %add3A_50 = arith.constant 256 : i32
    %add3A_51 = arith.addi %mul3A_46, %add3A_50 : i32
    "tpu.region"() ({
      %run_scoped3A_137 = tpu.sem_alloc : memref<!tpu.dma_semaphore, #tpu.memory_space<semaphore_mem>>
      %dma_start3A_138 = tpu.memref_slice %arg28[%add3A_51] : memref<10240xf32, #tpu.memory_space<vmem_shared>> -> memref<128xf32, #tpu.memory_space<vmem_shared>>
      %dma_start3A_139 = tpu.memref_slice %arg28[%add3A_51] : memref<10240xf32, #tpu.memory_space<vmem_shared>> -> memref<128xf32, #tpu.memory_space<vmem_shared>>
      tpu.enqueue_dma source(%arg14 : memref<128xf32, #tpu.memory_space<vmem>>) target(%dma_start3A_139 : memref<128xf32, #tpu.memory_space<vmem_shared>>) target_semaphore(%run_scoped3A_137 : memref<!tpu.dma_semaphore, #tpu.memory_space<semaphore_mem>>)
      %dma_wait3A_140 = tpu.memref_slice %arg28[%add3A_51] : memref<10240xf32, #tpu.memory_space<vmem_shared>> -> memref<128xf32, #tpu.memory_space<vmem_shared>>
      %dma_wait3A_141 = tpu.memref_slice %arg28[%add3A_51] : memref<10240xf32, #tpu.memory_space<vmem_shared>> -> memref<128xf32, #tpu.memory_space<vmem_shared>>
      tpu.wait_dma2 semaphore(%run_scoped3A_137 : memref<!tpu.dma_semaphore, #tpu.memory_space<semaphore_mem>>) src(%arg14 : memref<128xf32, #tpu.memory_space<vmem>>) dst(%dma_wait3A_141 : memref<128xf32, #tpu.memory_space<vmem_shared>>)
      tpu.yield
    }) : () -> ()
    %add3A_52 = arith.constant 384 : i32
    %add3A_53 = arith.addi %mul3A_46, %add3A_52 : i32
    "tpu.region"() ({
      %run_scoped3A_137 = tpu.sem_alloc : memref<!tpu.dma_semaphore, #tpu.memory_space<semaphore_mem>>
      %dma_start3A_138 = tpu.memref_slice %arg28[%add3A_53] : memref<10240xf32, #tpu.memory_space<vmem_shared>> -> memref<128xf32, #tpu.memory_space<vmem_shared>>
      %dma_start3A_139 = tpu.memref_slice %arg28[%add3A_53] : memref<10240xf32, #tpu.memory_space<vmem_shared>> -> memref<128xf32, #tpu.memory_space<vmem_shared>>
      tpu.enqueue_dma source(%arg14 : memref<128xf32, #tpu.memory_space<vmem>>) target(%dma_start3A_139 : memref<128xf32, #tpu.memory_space<vmem_shared>>) target_semaphore(%run_scoped3A_137 : memref<!tpu.dma_semaphore, #tpu.memory_space<semaphore_mem>>)
      %dma_wait3A_140 = tpu.memref_slice %arg28[%add3A_53] : memref<10240xf32, #tpu.memory_space<vmem_shared>> -> memref<128xf32, #tpu.memory_space<vmem_shared>>
      %dma_wait3A_141 = tpu.memref_slice %arg28[%add3A_53] : memref<10240xf32, #tpu.memory_space<vmem_shared>> -> memref<128xf32, #tpu.memory_space<vmem_shared>>
      tpu.wait_dma2 semaphore(%run_scoped3A_137 : memref<!tpu.dma_semaphore, #tpu.memory_space<semaphore_mem>>) src(%arg14 : memref<128xf32, #tpu.memory_space<vmem>>) dst(%dma_wait3A_141 : memref<128xf32, #tpu.memory_space<vmem_shared>>)
      tpu.yield
    }) : () -> ()
    %add3A_54 = arith.constant 512 : i32
    %add3A_55 = arith.addi %mul3A_46, %add3A_54 : i32
    "tpu.region"() ({
      %run_scoped3A_137 = tpu.sem_alloc : memref<!tpu.dma_semaphore, #tpu.memory_space<semaphore_mem>>
      %dma_start3A_138 = tpu.memref_slice %arg28[%add3A_55] : memref<10240xf32, #tpu.memory_space<vmem_shared>> -> memref<128xf32, #tpu.memory_space<vmem_shared>>
      %dma_start3A_139 = tpu.memref_slice %arg28[%add3A_55] : memref<10240xf32, #tpu.memory_space<vmem_shared>> -> memref<128xf32, #tpu.memory_space<vmem_shared>>
      tpu.enqueue_dma source(%arg14 : memref<128xf32, #tpu.memory_space<vmem>>) target(%dma_start3A_139 : memref<128xf32, #tpu.memory_space<vmem_shared>>) target_semaphore(%run_scoped3A_137 : memref<!tpu.dma_semaphore, #tpu.memory_space<semaphore_mem>>)
      %dma_wait3A_140 = tpu.memref_slice %arg28[%add3A_55] : memref<10240xf32, #tpu.memory_space<vmem_shared>> -> memref<128xf32, #tpu.memory_space<vmem_shared>>
      %dma_wait3A_141 = tpu.memref_slice %arg28[%add3A_55] : memref<10240xf32, #tpu.memory_space<vmem_shared>> -> memref<128xf32, #tpu.memory_space<vmem_shared>>
      tpu.wait_dma2 semaphore(%run_scoped3A_137 : memref<!tpu.dma_semaphore, #tpu.memory_space<semaphore_mem>>) src(%arg14 : memref<128xf32, #tpu.memory_space<vmem>>) dst(%dma_wait3A_141 : memref<128xf32, #tpu.memory_space<vmem_shared>>)
      tpu.yield
    }) : () -> ()
    %scan3A = arith.constant 0 : i32
    %scan3A_56 = arith.constant 0 : i32
    %scan3A_57 = arith.constant 128 : i32
    %scan3A_58 = arith.addi %scan3A_56, %scan3A_57 : i32
    %scan3A_59 = arith.constant 1 : i32
    scf.for %scan3A_137 = %scan3A_56 to %scan3A_58 step %scan3A_59  : i32 {
      %broadcast_in_dim3A_138 = arith.constant 0.000000e+00 : bf16
      %broadcast_in_dim3A_139 = vector.broadcast %broadcast_in_dim3A_138 : bf16 to vector<32xbf16>
      %swap3A_140 = arith.index_cast %scan3A_137 : i32 to index
      %swap3A_141 = arith.constant 0 : index
      %swap3A_142 = tpu.vector_load %arg10[%swap3A_140, %swap3A_141] {strides = array<i32>} : memref<128x64xbf16, #tpu.memory_space<vmem>>, vector<1x32xbf16>,
      %swap3A_143 = vector.shape_cast %swap3A_142 : vector<1x32xbf16> to vector<32xbf16>
      %swap3A_144 = vector.shape_cast %broadcast_in_dim3A_139 : vector<32xbf16> to vector<1x32xbf16>
      tpu.vector_store %arg10[%swap3A_140, %swap3A_141], %swap3A_144 {strides = array<i32>} : memref<128x64xbf16, #tpu.memory_space<vmem>>, vector<1x32xbf16>,
      %broadcast_in_dim3A_145 = arith.constant 0.000000e+00 : bf16
      %broadcast_in_dim3A_146 = vector.broadcast %broadcast_in_dim3A_145 : bf16 to vector<32xbf16>
      %swap3A_147 = arith.index_cast %scan3A_137 : i32 to index
      %swap3A_148 = arith.constant 32 : index
      %swap3A_149 = tpu.vector_load %arg10[%swap3A_147, %swap3A_148] {strides = array<i32>} : memref<128x64xbf16, #tpu.memory_space<vmem>>, vector<1x32xbf16>,
      %swap3A_150 = vector.shape_cast %swap3A_149 : vector<1x32xbf16> to vector<32xbf16>
      %swap3A_151 = vector.shape_cast %broadcast_in_dim3A_146 : vector<32xbf16> to vector<1x32xbf16>
      tpu.vector_store %arg10[%swap3A_147, %swap3A_148], %swap3A_151 {strides = array<i32>} : memref<128x64xbf16, #tpu.memory_space<vmem>>, vector<1x32xbf16>,
    }
    %scan3A_60 = arith.constant 128 : i32
    %mul3A_61 = arith.constant 640 : i32
    %mul3A_62 = arith.muli %arg1, %mul3A_61 : i32
    %add3A_63 = arith.constant 0 : i32
    %add3A_64 = arith.addi %mul3A_62, %add3A_63 : i32
    "tpu.region"() ({
      %run_scoped3A_137 = tpu.sem_alloc : memref<!tpu.dma_semaphore, #tpu.memory_space<semaphore_mem>>
      %dma_start3A_138 = arith.constant 0 : i32
      %dma_start3A_139 = tpu.memref_slice %arg25[%add3A_64, %dma_start3A_138] : memref<10240x64xbf16, #tpu.memory_space<vmem_shared>> -> memref<128x64xbf16, #tpu.memory_space<vmem_shared>>
      %dma_start3A_140 = arith.constant 0 : i32
      %dma_start3A_141 = tpu.memref_slice %arg25[%add3A_64, %dma_start3A_140] : memref<10240x64xbf16, #tpu.memory_space<vmem_shared>> -> memref<128x64xbf16, #tpu.memory_space<vmem_shared>>
      tpu.enqueue_dma source(%arg10 : memref<128x64xbf16, #tpu.memory_space<vmem>>) target(%dma_start3A_141 : memref<128x64xbf16, #tpu.memory_space<vmem_shared>>) target_semaphore(%run_scoped3A_137 : memref<!tpu.dma_semaphore, #tpu.memory_space<semaphore_mem>>)
      %dma_wait3A_142 = arith.constant 0 : i32
      %dma_wait3A_143 = tpu.memref_slice %arg25[%add3A_64, %dma_wait3A_142] : memref<10240x64xbf16, #tpu.memory_space<vmem_shared>> -> memref<128x64xbf16, #tpu.memory_space<vmem_shared>>
      %dma_wait3A_144 = arith.constant 0 : i32
      %dma_wait3A_145 = tpu.memref_slice %arg25[%add3A_64, %dma_wait3A_144] : memref<10240x64xbf16, #tpu.memory_space<vmem_shared>> -> memref<128x64xbf16, #tpu.memory_space<vmem_shared>>
      tpu.wait_dma2 semaphore(%run_scoped3A_137 : memref<!tpu.dma_semaphore, #tpu.memory_space<semaphore_mem>>) src(%arg10 : memref<128x64xbf16, #tpu.memory_space<vmem>>) dst(%dma_wait3A_145 : memref<128x64xbf16, #tpu.memory_space<vmem_shared>>)
      tpu.yield
    }) : () -> ()
    %add3A_65 = arith.constant 0 : i32
    %add3A_66 = arith.addi %mul3A_62, %add3A_65 : i32
    "tpu.region"() ({
      %run_scoped3A_137 = tpu.sem_alloc : memref<!tpu.dma_semaphore, #tpu.memory_space<semaphore_mem>>
      %dma_start3A_138 = arith.constant 0 : i32
      %dma_start3A_139 = tpu.memref_slice %arg26[%add3A_66, %dma_start3A_138] : memref<10240x64xbf16, #tpu.memory_space<vmem_shared>> -> memref<128x64xbf16, #tpu.memory_space<vmem_shared>>
      %dma_start3A_140 = arith.constant 0 : i32
      %dma_start3A_141 = tpu.memref_slice %arg26[%add3A_66, %dma_start3A_140] : memref<10240x64xbf16, #tpu.memory_space<vmem_shared>> -> memref<128x64xbf16, #tpu.memory_space<vmem_shared>>
      tpu.enqueue_dma source(%arg10 : memref<128x64xbf16, #tpu.memory_space<vmem>>) target(%dma_start3A_141 : memref<128x64xbf16, #tpu.memory_space<vmem_shared>>) target_semaphore(%run_scoped3A_137 : memref<!tpu.dma_semaphore, #tpu.memory_space<semaphore_mem>>)
      %dma_wait3A_142 = arith.constant 0 : i32
      %dma_wait3A_143 = tpu.memref_slice %arg26[%add3A_66, %dma_wait3A_142] : memref<10240x64xbf16, #tpu.memory_space<vmem_shared>> -> memref<128x64xbf16, #tpu.memory_space<vmem_shared>>
      %dma_wait3A_144 = arith.constant 0 : i32
      %dma_wait3A_145 = tpu.memref_slice %arg26[%add3A_66, %dma_wait3A_144] : memref<10240x64xbf16, #tpu.memory_space<vmem_shared>> -> memref<128x64xbf16, #tpu.memory_space<vmem_shared>>
      tpu.wait_dma2 semaphore(%run_scoped3A_137 : memref<!tpu.dma_semaphore, #tpu.memory_space<semaphore_mem>>) src(%arg10 : memref<128x64xbf16, #tpu.memory_space<vmem>>) dst(%dma_wait3A_145 : memref<128x64xbf16, #tpu.memory_space<vmem_shared>>)
      tpu.yield
    }) : () -> ()
    %add3A_67 = arith.constant 128 : i32
    %add3A_68 = arith.addi %mul3A_62, %add3A_67 : i32
    "tpu.region"() ({
      %run_scoped3A_137 = tpu.sem_alloc : memref<!tpu.dma_semaphore, #tpu.memory_space<semaphore_mem>>
      %dma_start3A_138 = arith.constant 0 : i32
      %dma_start3A_139 = tpu.memref_slice %arg25[%add3A_68, %dma_start3A_138] : memref<10240x64xbf16, #tpu.memory_space<vmem_shared>> -> memref<128x64xbf16, #tpu.memory_space<vmem_shared>>
      %dma_start3A_140 = arith.constant 0 : i32
      %dma_start3A_141 = tpu.memref_slice %arg25[%add3A_68, %dma_start3A_140] : memref<10240x64xbf16, #tpu.memory_space<vmem_shared>> -> memref<128x64xbf16, #tpu.memory_space<vmem_shared>>
      tpu.enqueue_dma source(%arg10 : memref<128x64xbf16, #tpu.memory_space<vmem>>) target(%dma_start3A_141 : memref<128x64xbf16, #tpu.memory_space<vmem_shared>>) target_semaphore(%run_scoped3A_137 : memref<!tpu.dma_semaphore, #tpu.memory_space<semaphore_mem>>)
      %dma_wait3A_142 = arith.constant 0 : i32
      %dma_wait3A_143 = tpu.memref_slice %arg25[%add3A_68, %dma_wait3A_142] : memref<10240x64xbf16, #tpu.memory_space<vmem_shared>> -> memref<128x64xbf16, #tpu.memory_space<vmem_shared>>
      %dma_wait3A_144 = arith.constant 0 : i32
      %dma_wait3A_145 = tpu.memref_slice %arg25[%add3A_68, %dma_wait3A_144] : memref<10240x64xbf16, #tpu.memory_space<vmem_shared>> -> memref<128x64xbf16, #tpu.memory_space<vmem_shared>>
      tpu.wait_dma2 semaphore(%run_scoped3A_137 : memref<!tpu.dma_semaphore, #tpu.memory_space<semaphore_mem>>) src(%arg10 : memref<128x64xbf16, #tpu.memory_space<vmem>>) dst(%dma_wait3A_145 : memref<128x64xbf16, #tpu.memory_space<vmem_shared>>)
      tpu.yield
    }) : () -> ()
    %add3A_69 = arith.constant 128 : i32
    %add3A_70 = arith.addi %mul3A_62, %add3A_69 : i32
    "tpu.region"() ({
      %run_scoped3A_137 = tpu.sem_alloc : memref<!tpu.dma_semaphore, #tpu.memory_space<semaphore_mem>>
      %dma_start3A_138 = arith.constant 0 : i32
      %dma_start3A_139 = tpu.memref_slice %arg26[%add3A_70, %dma_start3A_138] : memref<10240x64xbf16, #tpu.memory_space<vmem_shared>> -> memref<128x64xbf16, #tpu.memory_space<vmem_shared>>
      %dma_start3A_140 = arith.constant 0 : i32
      %dma_start3A_141 = tpu.memref_slice %arg26[%add3A_70, %dma_start3A_140] : memref<10240x64xbf16, #tpu.memory_space<vmem_shared>> -> memref<128x64xbf16, #tpu.memory_space<vmem_shared>>
      tpu.enqueue_dma source(%arg10 : memref<128x64xbf16, #tpu.memory_space<vmem>>) target(%dma_start3A_141 : memref<128x64xbf16, #tpu.memory_space<vmem_shared>>) target_semaphore(%run_scoped3A_137 : memref<!tpu.dma_semaphore, #tpu.memory_space<semaphore_mem>>)
      %dma_wait3A_142 = arith.constant 0 : i32
      %dma_wait3A_143 = tpu.memref_slice %arg26[%add3A_70, %dma_wait3A_142] : memref<10240x64xbf16, #tpu.memory_space<vmem_shared>> -> memref<128x64xbf16, #tpu.memory_space<vmem_shared>>
      %dma_wait3A_144 = arith.constant 0 : i32
      %dma_wait3A_145 = tpu.memref_slice %arg26[%add3A_70, %dma_wait3A_144] : memref<10240x64xbf16, #tpu.memory_space<vmem_shared>> -> memref<128x64xbf16, #tpu.memory_space<vmem_shared>>
      tpu.wait_dma2 semaphore(%run_scoped3A_137 : memref<!tpu.dma_semaphore, #tpu.memory_space<semaphore_mem>>) src(%arg10 : memref<128x64xbf16, #tpu.memory_space<vmem>>) dst(%dma_wait3A_145 : memref<128x64xbf16, #tpu.memory_space<vmem_shared>>)
      tpu.yield
    }) : () -> ()
    %add3A_71 = arith.constant 256 : i32
    %add3A_72 = arith.addi %mul3A_62, %add3A_71 : i32
    "tpu.region"() ({
      %run_scoped3A_137 = tpu.sem_alloc : memref<!tpu.dma_semaphore, #tpu.memory_space<semaphore_mem>>
      %dma_start3A_138 = arith.constant 0 : i32
      %dma_start3A_139 = tpu.memref_slice %arg25[%add3A_72, %dma_start3A_138] : memref<10240x64xbf16, #tpu.memory_space<vmem_shared>> -> memref<128x64xbf16, #tpu.memory_space<vmem_shared>>
      %dma_start3A_140 = arith.constant 0 : i32
      %dma_start3A_141 = tpu.memref_slice %arg25[%add3A_72, %dma_start3A_140] : memref<10240x64xbf16, #tpu.memory_space<vmem_shared>> -> memref<128x64xbf16, #tpu.memory_space<vmem_shared>>
      tpu.enqueue_dma source(%arg10 : memref<128x64xbf16, #tpu.memory_space<vmem>>) target(%dma_start3A_141 : memref<128x64xbf16, #tpu.memory_space<vmem_shared>>) target_semaphore(%run_scoped3A_137 : memref<!tpu.dma_semaphore, #tpu.memory_space<semaphore_mem>>)
      %dma_wait3A_142 = arith.constant 0 : i32
      %dma_wait3A_143 = tpu.memref_slice %arg25[%add3A_72, %dma_wait3A_142] : memref<10240x64xbf16, #tpu.memory_space<vmem_shared>> -> memref<128x64xbf16, #tpu.memory_space<vmem_shared>>
      %dma_wait3A_144 = arith.constant 0 : i32
      %dma_wait3A_145 = tpu.memref_slice %arg25[%add3A_72, %dma_wait3A_144] : memref<10240x64xbf16, #tpu.memory_space<vmem_shared>> -> memref<128x64xbf16, #tpu.memory_space<vmem_shared>>
      tpu.wait_dma2 semaphore(%run_scoped3A_137 : memref<!tpu.dma_semaphore, #tpu.memory_space<semaphore_mem>>) src(%arg10 : memref<128x64xbf16, #tpu.memory_space<vmem>>) dst(%dma_wait3A_145 : memref<128x64xbf16, #tpu.memory_space<vmem_shared>>)
      tpu.yield
    }) : () -> ()
    %add3A_73 = arith.constant 256 : i32
    %add3A_74 = arith.addi %mul3A_62, %add3A_73 : i32
    "tpu.region"() ({
      %run_scoped3A_137 = tpu.sem_alloc : memref<!tpu.dma_semaphore, #tpu.memory_space<semaphore_mem>>
      %dma_start3A_138 = arith.constant 0 : i32
      %dma_start3A_139 = tpu.memref_slice %arg26[%add3A_74, %dma_start3A_138] : memref<10240x64xbf16, #tpu.memory_space<vmem_shared>> -> memref<128x64xbf16, #tpu.memory_space<vmem_shared>>
      %dma_start3A_140 = arith.constant 0 : i32
      %dma_start3A_141 = tpu.memref_slice %arg26[%add3A_74, %dma_start3A_140] : memref<10240x64xbf16, #tpu.memory_space<vmem_shared>> -> memref<128x64xbf16, #tpu.memory_space<vmem_shared>>
      tpu.enqueue_dma source(%arg10 : memref<128x64xbf16, #tpu.memory_space<vmem>>) target(%dma_start3A_141 : memref<128x64xbf16, #tpu.memory_space<vmem_shared>>) target_semaphore(%run_scoped3A_137 : memref<!tpu.dma_semaphore, #tpu.memory_space<semaphore_mem>>)
      %dma_wait3A_142 = arith.constant 0 : i32
      %dma_wait3A_143 = tpu.memref_slice %arg26[%add3A_74, %dma_wait3A_142] : memref<10240x64xbf16, #tpu.memory_space<vmem_shared>> -> memref<128x64xbf16, #tpu.memory_space<vmem_shared>>
      %dma_wait3A_144 = arith.constant 0 : i32
      %dma_wait3A_145 = tpu.memref_slice %arg26[%add3A_74, %dma_wait3A_144] : memref<10240x64xbf16, #tpu.memory_space<vmem_shared>> -> memref<128x64xbf16, #tpu.memory_space<vmem_shared>>
      tpu.wait_dma2 semaphore(%run_scoped3A_137 : memref<!tpu.dma_semaphore, #tpu.memory_space<semaphore_mem>>) src(%arg10 : memref<128x64xbf16, #tpu.memory_space<vmem>>) dst(%dma_wait3A_145 : memref<128x64xbf16, #tpu.memory_space<vmem_shared>>)
      tpu.yield
    }) : () -> ()
    %add3A_75 = arith.constant 384 : i32
    %add3A_76 = arith.addi %mul3A_62, %add3A_75 : i32
    "tpu.region"() ({
      %run_scoped3A_137 = tpu.sem_alloc : memref<!tpu.dma_semaphore, #tpu.memory_space<semaphore_mem>>
      %dma_start3A_138 = arith.constant 0 : i32
      %dma_start3A_139 = tpu.memref_slice %arg25[%add3A_76, %dma_start3A_138] : memref<10240x64xbf16, #tpu.memory_space<vmem_shared>> -> memref<128x64xbf16, #tpu.memory_space<vmem_shared>>
      %dma_start3A_140 = arith.constant 0 : i32
      %dma_start3A_141 = tpu.memref_slice %arg25[%add3A_76, %dma_start3A_140] : memref<10240x64xbf16, #tpu.memory_space<vmem_shared>> -> memref<128x64xbf16, #tpu.memory_space<vmem_shared>>
      tpu.enqueue_dma source(%arg10 : memref<128x64xbf16, #tpu.memory_space<vmem>>) target(%dma_start3A_141 : memref<128x64xbf16, #tpu.memory_space<vmem_shared>>) target_semaphore(%run_scoped3A_137 : memref<!tpu.dma_semaphore, #tpu.memory_space<semaphore_mem>>)
      %dma_wait3A_142 = arith.constant 0 : i32
      %dma_wait3A_143 = tpu.memref_slice %arg25[%add3A_76, %dma_wait3A_142] : memref<10240x64xbf16, #tpu.memory_space<vmem_shared>> -> memref<128x64xbf16, #tpu.memory_space<vmem_shared>>
      %dma_wait3A_144 = arith.constant 0 : i32
      %dma_wait3A_145 = tpu.memref_slice %arg25[%add3A_76, %dma_wait3A_144] : memref<10240x64xbf16, #tpu.memory_space<vmem_shared>> -> memref<128x64xbf16, #tpu.memory_space<vmem_shared>>
      tpu.wait_dma2 semaphore(%run_scoped3A_137 : memref<!tpu.dma_semaphore, #tpu.memory_space<semaphore_mem>>) src(%arg10 : memref<128x64xbf16, #tpu.memory_space<vmem>>) dst(%dma_wait3A_145 : memref<128x64xbf16, #tpu.memory_space<vmem_shared>>)
      tpu.yield
    }) : () -> ()
    %add3A_77 = arith.constant 384 : i32
    %add3A_78 = arith.addi %mul3A_62, %add3A_77 : i32
    "tpu.region"() ({
      %run_scoped3A_137 = tpu.sem_alloc : memref<!tpu.dma_semaphore, #tpu.memory_space<semaphore_mem>>
      %dma_start3A_138 = arith.constant 0 : i32
      %dma_start3A_139 = tpu.memref_slice %arg26[%add3A_78, %dma_start3A_138] : memref<10240x64xbf16, #tpu.memory_space<vmem_shared>> -> memref<128x64xbf16, #tpu.memory_space<vmem_shared>>
      %dma_start3A_140 = arith.constant 0 : i32
      %dma_start3A_141 = tpu.memref_slice %arg26[%add3A_78, %dma_start3A_140] : memref<10240x64xbf16, #tpu.memory_space<vmem_shared>> -> memref<128x64xbf16, #tpu.memory_space<vmem_shared>>
      tpu.enqueue_dma source(%arg10 : memref<128x64xbf16, #tpu.memory_space<vmem>>) target(%dma_start3A_141 : memref<128x64xbf16, #tpu.memory_space<vmem_shared>>) target_semaphore(%run_scoped3A_137 : memref<!tpu.dma_semaphore, #tpu.memory_space<semaphore_mem>>)
      %dma_wait3A_142 = arith.constant 0 : i32
      %dma_wait3A_143 = tpu.memref_slice %arg26[%add3A_78, %dma_wait3A_142] : memref<10240x64xbf16, #tpu.memory_space<vmem_shared>> -> memref<128x64xbf16, #tpu.memory_space<vmem_shared>>
      %dma_wait3A_144 = arith.constant 0 : i32
      %dma_wait3A_145 = tpu.memref_slice %arg26[%add3A_78, %dma_wait3A_144] : memref<10240x64xbf16, #tpu.memory_space<vmem_shared>> -> memref<128x64xbf16, #tpu.memory_space<vmem_shared>>
      tpu.wait_dma2 semaphore(%run_scoped3A_137 : memref<!tpu.dma_semaphore, #tpu.memory_space<semaphore_mem>>) src(%arg10 : memref<128x64xbf16, #tpu.memory_space<vmem>>) dst(%dma_wait3A_145 : memref<128x64xbf16, #tpu.memory_space<vmem_shared>>)
      tpu.yield
    }) : () -> ()
    %add3A_79 = arith.constant 512 : i32
    %add3A_80 = arith.addi %mul3A_62, %add3A_79 : i32
    "tpu.region"() ({
      %run_scoped3A_137 = tpu.sem_alloc : memref<!tpu.dma_semaphore, #tpu.memory_space<semaphore_mem>>
      %dma_start3A_138 = arith.constant 0 : i32
      %dma_start3A_139 = tpu.memref_slice %arg25[%add3A_80, %dma_start3A_138] : memref<10240x64xbf16, #tpu.memory_space<vmem_shared>> -> memref<128x64xbf16, #tpu.memory_space<vmem_shared>>
      %dma_start3A_140 = arith.constant 0 : i32
      %dma_start3A_141 = tpu.memref_slice %arg25[%add3A_80, %dma_start3A_140] : memref<10240x64xbf16, #tpu.memory_space<vmem_shared>> -> memref<128x64xbf16, #tpu.memory_space<vmem_shared>>
      tpu.enqueue_dma source(%arg10 : memref<128x64xbf16, #tpu.memory_space<vmem>>) target(%dma_start3A_141 : memref<128x64xbf16, #tpu.memory_space<vmem_shared>>) target_semaphore(%run_scoped3A_137 : memref<!tpu.dma_semaphore, #tpu.memory_space<semaphore_mem>>)
      %dma_wait3A_142 = arith.constant 0 : i32
      %dma_wait3A_143 = tpu.memref_slice %arg25[%add3A_80, %dma_wait3A_142] : memref<10240x64xbf16, #tpu.memory_space<vmem_shared>> -> memref<128x64xbf16, #tpu.memory_space<vmem_shared>>
      %dma_wait3A_144 = arith.constant 0 : i32
      %dma_wait3A_145 = tpu.memref_slice %arg25[%add3A_80, %dma_wait3A_144] : memref<10240x64xbf16, #tpu.memory_space<vmem_shared>> -> memref<128x64xbf16, #tpu.memory_space<vmem_shared>>
      tpu.wait_dma2 semaphore(%run_scoped3A_137 : memref<!tpu.dma_semaphore, #tpu.memory_space<semaphore_mem>>) src(%arg10 : memref<128x64xbf16, #tpu.memory_space<vmem>>) dst(%dma_wait3A_145 : memref<128x64xbf16, #tpu.memory_space<vmem_shared>>)
      tpu.yield
    }) : () -> ()
    %add3A_81 = arith.constant 512 : i32
    %add3A_82 = arith.addi %mul3A_62, %add3A_81 : i32
    "tpu.region"() ({
      %run_scoped3A_137 = tpu.sem_alloc : memref<!tpu.dma_semaphore, #tpu.memory_space<semaphore_mem>>
      %dma_start3A_138 = arith.constant 0 : i32
      %dma_start3A_139 = tpu.memref_slice %arg26[%add3A_82, %dma_start3A_138] : memref<10240x64xbf16, #tpu.memory_space<vmem_shared>> -> memref<128x64xbf16, #tpu.memory_space<vmem_shared>>
      %dma_start3A_140 = arith.constant 0 : i32
      %dma_start3A_141 = tpu.memref_slice %arg26[%add3A_82, %dma_start3A_140] : memref<10240x64xbf16, #tpu.memory_space<vmem_shared>> -> memref<128x64xbf16, #tpu.memory_space<vmem_shared>>
      tpu.enqueue_dma source(%arg10 : memref<128x64xbf16, #tpu.memory_space<vmem>>) target(%dma_start3A_141 : memref<128x64xbf16, #tpu.memory_space<vmem_shared>>) target_semaphore(%run_scoped3A_137 : memref<!tpu.dma_semaphore, #tpu.memory_space<semaphore_mem>>)
      %dma_wait3A_142 = arith.constant 0 : i32
      %dma_wait3A_143 = tpu.memref_slice %arg26[%add3A_82, %dma_wait3A_142] : memref<10240x64xbf16, #tpu.memory_space<vmem_shared>> -> memref<128x64xbf16, #tpu.memory_space<vmem_shared>>
      %dma_wait3A_144 = arith.constant 0 : i32
      %dma_wait3A_145 = tpu.memref_slice %arg26[%add3A_82, %dma_wait3A_144] : memref<10240x64xbf16, #tpu.memory_space<vmem_shared>> -> memref<128x64xbf16, #tpu.memory_space<vmem_shared>>
      tpu.wait_dma2 semaphore(%run_scoped3A_137 : memref<!tpu.dma_semaphore, #tpu.memory_space<semaphore_mem>>) src(%arg10 : memref<128x64xbf16, #tpu.memory_space<vmem>>) dst(%dma_wait3A_145 : memref<128x64xbf16, #tpu.memory_space<vmem_shared>>)
      tpu.yield
    }) : () -> ()
    "tpu.region"() ({
      %run_scoped3A_137 = tpu.sem_alloc : memref<!tpu.dma_semaphore, #tpu.memory_space<semaphore_mem>>
      %dma_start3A_138 = arith.constant 0 : i32
      %dma_start3A_139 = arith.constant 0 : i32
      %dma_start3A_140 = tpu.memref_slice %arg2[%arg1, %dma_start3A_138, %dma_start3A_139] : memref<16x160x128xi32, #tpu.memory_space<hbm>> -> memref<1x160x128xi32, #tpu.memory_space<hbm>>
      %dma_start3A_141 = tpu.memref_squeeze %dma_start3A_140 : memref<1x160x128xi32, #tpu.memory_space<hbm>> -> memref<160x128xi32, #tpu.memory_space<hbm>>
      %dma_start3A_142 = arith.constant 0 : i32
      %dma_start3A_143 = arith.constant 0 : i32
      %dma_start3A_144 = tpu.memref_slice %arg2[%arg1, %dma_start3A_142, %dma_start3A_143] : memref<16x160x128xi32, #tpu.memory_space<hbm>> -> memref<1x160x128xi32, #tpu.memory_space<hbm>>
      %dma_start3A_145 = tpu.memref_squeeze %dma_start3A_144 : memref<1x160x128xi32, #tpu.memory_space<hbm>> -> memref<160x128xi32, #tpu.memory_space<hbm>>
      tpu.enqueue_dma source(%dma_start3A_145 : memref<160x128xi32, #tpu.memory_space<hbm>>) target(%arg8 : memref<160x128xi32, #tpu.memory_space<vmem>>) target_semaphore(%run_scoped3A_137 : memref<!tpu.dma_semaphore, #tpu.memory_space<semaphore_mem>>)
      %dma_wait3A_146 = arith.constant 0 : i32
      %dma_wait3A_147 = arith.constant 0 : i32
      %dma_wait3A_148 = tpu.memref_slice %arg2[%arg1, %dma_wait3A_146, %dma_wait3A_147] : memref<16x160x128xi32, #tpu.memory_space<hbm>> -> memref<1x160x128xi32, #tpu.memory_space<hbm>>
      %dma_wait3A_149 = tpu.memref_squeeze %dma_wait3A_148 : memref<1x160x128xi32, #tpu.memory_space<hbm>> -> memref<160x128xi32, #tpu.memory_space<hbm>>
      %dma_wait3A_150 = arith.constant 0 : i32
      %dma_wait3A_151 = arith.constant 0 : i32
      %dma_wait3A_152 = tpu.memref_slice %arg2[%arg1, %dma_wait3A_150, %dma_wait3A_151] : memref<16x160x128xi32, #tpu.memory_space<hbm>> -> memref<1x160x128xi32, #tpu.memory_space<hbm>>
      %dma_wait3A_153 = tpu.memref_squeeze %dma_wait3A_152 : memref<1x160x128xi32, #tpu.memory_space<hbm>> -> memref<160x128xi32, #tpu.memory_space<hbm>>
      tpu.wait_dma2 semaphore(%run_scoped3A_137 : memref<!tpu.dma_semaphore, #tpu.memory_space<semaphore_mem>>) src(%dma_wait3A_153 : memref<160x128xi32, #tpu.memory_space<hbm>>) dst(%arg8 : memref<160x128xi32, #tpu.memory_space<vmem>>)
      tpu.yield
    }) : () -> ()
    "tpu.region"() ({
      %run_scoped3A_137 = tpu.sem_alloc : memref<!tpu.dma_semaphore, #tpu.memory_space<semaphore_mem>>
      %dma_start3A_138 = arith.constant 0 : i32
      %dma_start3A_139 = arith.constant 0 : i32
      %dma_start3A_140 = tpu.memref_slice %arg3[%arg1, %dma_start3A_138, %dma_start3A_139] : memref<16x160x128xi32, #tpu.memory_space<hbm>> -> memref<1x160x128xi32, #tpu.memory_space<hbm>>
      %dma_start3A_141 = tpu.memref_squeeze %dma_start3A_140 : memref<1x160x128xi32, #tpu.memory_space<hbm>> -> memref<160x128xi32, #tpu.memory_space<hbm>>
      %dma_start3A_142 = arith.constant 0 : i32
      %dma_start3A_143 = arith.constant 0 : i32
      %dma_start3A_144 = tpu.memref_slice %arg3[%arg1, %dma_start3A_142, %dma_start3A_143] : memref<16x160x128xi32, #tpu.memory_space<hbm>> -> memref<1x160x128xi32, #tpu.memory_space<hbm>>
      %dma_start3A_145 = tpu.memref_squeeze %dma_start3A_144 : memref<1x160x128xi32, #tpu.memory_space<hbm>> -> memref<160x128xi32, #tpu.memory_space<hbm>>
      tpu.enqueue_dma source(%dma_start3A_145 : memref<160x128xi32, #tpu.memory_space<hbm>>) target(%arg9 : memref<160x128xi32, #tpu.memory_space<vmem>>) target_semaphore(%run_scoped3A_137 : memref<!tpu.dma_semaphore, #tpu.memory_space<semaphore_mem>>)
      %dma_wait3A_146 = arith.constant 0 : i32
      %dma_wait3A_147 = arith.constant 0 : i32
      %dma_wait3A_148 = tpu.memref_slice %arg3[%arg1, %dma_wait3A_146, %dma_wait3A_147] : memref<16x160x128xi32, #tpu.memory_space<hbm>> -> memref<1x160x128xi32, #tpu.memory_space<hbm>>
      %dma_wait3A_149 = tpu.memref_squeeze %dma_wait3A_148 : memref<1x160x128xi32, #tpu.memory_space<hbm>> -> memref<160x128xi32, #tpu.memory_space<hbm>>
      %dma_wait3A_150 = arith.constant 0 : i32
      %dma_wait3A_151 = arith.constant 0 : i32
      %dma_wait3A_152 = tpu.memref_slice %arg3[%arg1, %dma_wait3A_150, %dma_wait3A_151] : memref<16x160x128xi32, #tpu.memory_space<hbm>> -> memref<1x160x128xi32, #tpu.memory_space<hbm>>
      %dma_wait3A_153 = tpu.memref_squeeze %dma_wait3A_152 : memref<1x160x128xi32, #tpu.memory_space<hbm>> -> memref<160x128xi32, #tpu.memory_space<hbm>>
      tpu.wait_dma2 semaphore(%run_scoped3A_137 : memref<!tpu.dma_semaphore, #tpu.memory_space<semaphore_mem>>) src(%dma_wait3A_153 : memref<160x128xi32, #tpu.memory_space<hbm>>) dst(%arg9 : memref<160x128xi32, #tpu.memory_space<vmem>>)
      tpu.yield
    }) : () -> ()
    "tpu.region"() ({
      %run_scoped3A_137 = tpu.sem_alloc : memref<!tpu.dma_semaphore, #tpu.memory_space<semaphore_mem>>
      %dma_start3A_138 = arith.constant 0 : i32
      %dma_start3A_139 = tpu.memref_slice %arg27[%mul3A_62, %dma_start3A_138] : memref<10240x64xbf16, #tpu.memory_space<vmem_shared>> -> memref<640x64xbf16, #tpu.memory_space<vmem_shared>>
      %dma_start3A_140 = arith.constant 0 : i32
      %dma_start3A_141 = arith.constant 0 : i32
      %dma_start3A_142 = tpu.memref_slice %arg5[%arg0, %dma_start3A_140, %dma_start3A_141] : memref<2x10240x64xbf16, #tpu.memory_space<hbm>> -> memref<1x10240x64xbf16, #tpu.memory_space<hbm>>
      %dma_start3A_143 = tpu.memref_squeeze %dma_start3A_142 : memref<1x10240x64xbf16, #tpu.memory_space<hbm>> -> memref<10240x64xbf16, #tpu.memory_space<hbm>>
      %dma_start3A_144 = arith.constant 0 : i32
      %dma_start3A_145 = tpu.memref_slice %dma_start3A_143[%mul3A_62, %dma_start3A_144] : memref<10240x64xbf16, #tpu.memory_space<hbm>> -> memref<640x64xbf16, #tpu.memory_space<hbm>>
      tpu.enqueue_dma source(%dma_start3A_145 : memref<640x64xbf16, #tpu.memory_space<hbm>>) target(%dma_start3A_139 : memref<640x64xbf16, #tpu.memory_space<vmem_shared>>) target_semaphore(%run_scoped3A_137 : memref<!tpu.dma_semaphore, #tpu.memory_space<semaphore_mem>>)
      %dma_wait3A_146 = arith.constant 0 : i32
      %dma_wait3A_147 = tpu.memref_slice %arg27[%mul3A_62, %dma_wait3A_146] : memref<10240x64xbf16, #tpu.memory_space<vmem_shared>> -> memref<640x64xbf16, #tpu.memory_space<vmem_shared>>
      %dma_wait3A_148 = arith.constant 0 : i32
      %dma_wait3A_149 = arith.constant 0 : i32
      %dma_wait3A_150 = tpu.memref_slice %arg5[%arg0, %dma_wait3A_148, %dma_wait3A_149] : memref<2x10240x64xbf16, #tpu.memory_space<hbm>> -> memref<1x10240x64xbf16, #tpu.memory_space<hbm>>
      %dma_wait3A_151 = tpu.memref_squeeze %dma_wait3A_150 : memref<1x10240x64xbf16, #tpu.memory_space<hbm>> -> memref<10240x64xbf16, #tpu.memory_space<hbm>>
      %dma_wait3A_152 = arith.constant 0 : i32
      %dma_wait3A_153 = tpu.memref_slice %dma_wait3A_151[%mul3A_62, %dma_wait3A_152] : memref<10240x64xbf16, #tpu.memory_space<hbm>> -> memref<640x64xbf16, #tpu.memory_space<hbm>>
      tpu.wait_dma2 semaphore(%run_scoped3A_137 : memref<!tpu.dma_semaphore, #tpu.memory_space<semaphore_mem>>) src(%dma_wait3A_153 : memref<640x64xbf16, #tpu.memory_space<hbm>>) dst(%dma_wait3A_147 : memref<640x64xbf16, #tpu.memory_space<vmem_shared>>)
      tpu.yield
    }) : () -> ()
    %barrier3A = arith.constant 0 : index
    tpu.barrier barrier_id(%barrier3A)
    %dma_start3A = arith.constant 0 : i32
    %dma_start3A_83 = arith.constant 0 : i32
    %dma_start3A_84 = tpu.memref_slice %arg8[%dma_start3A, %dma_start3A_83] : memref<160x128xi32, #tpu.memory_space<vmem>> -> memref<1x128xi32, #tpu.memory_space<vmem>>
    %dma_start3A_85 = tpu.memref_squeeze %dma_start3A_84 : memref<1x128xi32, #tpu.memory_space<vmem>> -> memref<128xi32, #tpu.memory_space<vmem>>
    %dma_start3A_86 = arith.constant 0 : i32
    %dma_start3A_87 = arith.constant 0 : i32
    %dma_start3A_88 = tpu.memref_slice %arg27[%dma_start3A_86, %dma_start3A_87] : memref<10240x64xbf16, #tpu.memory_space<vmem_shared>> -> memref<10240x64xbf16, #tpu.memory_space<vmem_shared>>
    tpu.enqueue_indirect_dma source(%dma_start3A_88 : memref<10240x64xbf16, #tpu.memory_space<vmem_shared>>) target(%arg10 : memref<128x64xbf16, #tpu.memory_space<vmem>>) offsets(%dma_start3A_85 : memref<128xi32, #tpu.memory_space<vmem>>) semaphore(%arg16 : memref<!tpu.dma_semaphore, #tpu.memory_space<semaphore_mem>>)
    %dma_start3A_89 = arith.constant 1 : i32
    %dma_start3A_90 = arith.constant 0 : i32
    %dma_start3A_91 = tpu.memref_slice %arg8[%dma_start3A_89, %dma_start3A_90] : memref<160x128xi32, #tpu.memory_space<vmem>> -> memref<1x128xi32, #tpu.memory_space<vmem>>
    %dma_start3A_92 = tpu.memref_squeeze %dma_start3A_91 : memref<1x128xi32, #tpu.memory_space<vmem>> -> memref<128xi32, #tpu.memory_space<vmem>>
    %dma_start3A_93 = arith.constant 0 : i32
    %dma_start3A_94 = arith.constant 0 : i32
    %dma_start3A_95 = tpu.memref_slice %arg27[%dma_start3A_93, %dma_start3A_94] : memref<10240x64xbf16, #tpu.memory_space<vmem_shared>> -> memref<10240x64xbf16, #tpu.memory_space<vmem_shared>>
    tpu.enqueue_indirect_dma source(%dma_start3A_95 : memref<10240x64xbf16, #tpu.memory_space<vmem_shared>>) target(%arg11 : memref<128x64xbf16, #tpu.memory_space<vmem>>) offsets(%dma_start3A_92 : memref<128xi32, #tpu.memory_space<vmem>>) semaphore(%arg17 : memref<!tpu.dma_semaphore, #tpu.memory_space<semaphore_mem>>)
    %dma_start3A_96 = arith.constant 2 : i32
    %dma_start3A_97 = arith.constant 0 : i32
    %dma_start3A_98 = tpu.memref_slice %arg8[%dma_start3A_96, %dma_start3A_97] : memref<160x128xi32, #tpu.memory_space<vmem>> -> memref<1x128xi32, #tpu.memory_space<vmem>>
    %dma_start3A_99 = tpu.memref_squeeze %dma_start3A_98 : memref<1x128xi32, #tpu.memory_space<vmem>> -> memref<128xi32, #tpu.memory_space<vmem>>
    %dma_start3A_100 = arith.constant 0 : i32
    %dma_start3A_101 = arith.constant 0 : i32
    %dma_start3A_102 = tpu.memref_slice %arg27[%dma_start3A_100, %dma_start3A_101] : memref<10240x64xbf16, #tpu.memory_space<vmem_shared>> -> memref<10240x64xbf16, #tpu.memory_space<vmem_shared>>
    tpu.enqueue_indirect_dma source(%dma_start3A_102 : memref<10240x64xbf16, #tpu.memory_space<vmem_shared>>) target(%arg12 : memref<128x64xbf16, #tpu.memory_space<vmem>>) offsets(%dma_start3A_99 : memref<128xi32, #tpu.memory_space<vmem>>) semaphore(%arg18 : memref<!tpu.dma_semaphore, #tpu.memory_space<semaphore_mem>>)
    %dma_start3A_103 = arith.constant 3 : i32
    %dma_start3A_104 = arith.constant 0 : i32
    %dma_start3A_105 = tpu.memref_slice %arg8[%dma_start3A_103, %dma_start3A_104] : memref<160x128xi32, #tpu.memory_space<vmem>> -> memref<1x128xi32, #tpu.memory_space<vmem>>
    %dma_start3A_106 = tpu.memref_squeeze %dma_start3A_105 : memref<1x128xi32, #tpu.memory_space<vmem>> -> memref<128xi32, #tpu.memory_space<vmem>>
    %dma_start3A_107 = arith.constant 0 : i32
    %dma_start3A_108 = arith.constant 0 : i32
    %dma_start3A_109 = tpu.memref_slice %arg27[%dma_start3A_107, %dma_start3A_108] : memref<10240x64xbf16, #tpu.memory_space<vmem_shared>> -> memref<10240x64xbf16, #tpu.memory_space<vmem_shared>>
    tpu.enqueue_indirect_dma source(%dma_start3A_109 : memref<10240x64xbf16, #tpu.memory_space<vmem_shared>>) target(%arg13 : memref<128x64xbf16, #tpu.memory_space<vmem>>) offsets(%dma_start3A_106 : memref<128xi32, #tpu.memory_space<vmem>>) semaphore(%arg19 : memref<!tpu.dma_semaphore, #tpu.memory_space<semaphore_mem>>)
    %dma_start3A_110 = arith.constant 0 : i32
    %dma_start3A_111 = tpu.memref_slice %arg9[%arg0, %dma_start3A_110] : memref<160x128xi32, #tpu.memory_space<vmem>> -> memref<1x128xi32, #tpu.memory_space<vmem>>
    %dma_start3A_112 = tpu.memref_squeeze %dma_start3A_111 : memref<1x128xi32, #tpu.memory_space<vmem>> -> memref<128xi32, #tpu.memory_space<vmem>>
    %dma_start3A_113 = arith.constant 0 : i32
    %dma_start3A_114 = tpu.memref_slice %arg4[%dma_start3A_113] : memref<10240xf32, #tpu.memory_space<hbm>> -> memref<10240xf32, #tpu.memory_space<hbm>>
    tpu.enqueue_indirect_dma source(%dma_start3A_114 : memref<10240xf32, #tpu.memory_space<hbm>>) target(%arg14 : memref<128xf32, #tpu.memory_space<vmem>>) offsets(%dma_start3A_112 : memref<128xi32, #tpu.memory_space<vmem>>) semaphore(%arg22 : memref<!tpu.dma_semaphore, #tpu.memory_space<semaphore_mem>>)
    %add3A_115 = arith.constant 2 : i32
    %add3A_116 = arith.addi %add3A_115, %arg0 : i32
    %dma_start3A_117 = arith.constant 0 : i32
    %dma_start3A_118 = tpu.memref_slice %arg9[%add3A_116, %dma_start3A_117] : memref<160x128xi32, #tpu.memory_space<vmem>> -> memref<1x128xi32, #tpu.memory_space<vmem>>
    %dma_start3A_119 = tpu.memref_squeeze %dma_start3A_118 : memref<1x128xi32, #tpu.memory_space<vmem>> -> memref<128xi32, #tpu.memory_space<vmem>>
    %dma_start3A_120 = arith.constant 0 : i32
    %dma_start3A_121 = tpu.memref_slice %arg4[%dma_start3A_120] : memref<10240xf32, #tpu.memory_space<hbm>> -> memref<10240xf32, #tpu.memory_space<hbm>>
    tpu.enqueue_indirect_dma source(%dma_start3A_121 : memref<10240xf32, #tpu.memory_space<hbm>>) target(%arg15 : memref<128xf32, #tpu.memory_space<vmem>>) offsets(%dma_start3A_119 : memref<128xi32, #tpu.memory_space<vmem>>) semaphore(%arg23 : memref<!tpu.dma_semaphore, #tpu.memory_space<semaphore_mem>>)
    %scan3A_122 = arith.constant 0 : i32
    %scan3A_123 = arith.constant 0 : i32
    %scan3A_124 = arith.constant 40 : i32
    %scan3A_125 = arith.addi %scan3A_123, %scan3A_124 : i32
    %scan3A_126 = arith.constant 1 : i32
    scf.for %scan3A_137 = %scan3A_123 to %scan3A_125 step %scan3A_126  : i32 {
      %mul3A_138 = arith.constant 4 : i32
      %mul3A_139 = arith.muli %mul3A_138, %scan3A_137 : i32
      %add3A_140 = arith.addi %mul3A_139, %arg0 : i32
      %add3A_141 = arith.constant 2 : i32
      %add3A_142 = arith.addi %mul3A_139, %add3A_141 : i32
      %add3A_143 = arith.addi %add3A_142, %arg0 : i32
      %dma_wait3A_144 = arith.constant 0 : i32
      %dma_wait3A_145 = tpu.memref_slice %arg8[%mul3A_139, %dma_wait3A_144] : memref<160x128xi32, #tpu.memory_space<vmem>> -> memref<1x128xi32, #tpu.memory_space<vmem>>
      %dma_wait3A_146 = tpu.memref_squeeze %dma_wait3A_145 : memref<1x128xi32, #tpu.memory_space<vmem>> -> memref<128xi32, #tpu.memory_space<vmem>>
      %dma_wait3A_147 = arith.constant 0 : i32
      %dma_wait3A_148 = arith.constant 0 : i32
      %dma_wait3A_149 = tpu.memref_slice %arg27[%dma_wait3A_147, %dma_wait3A_148] : memref<10240x64xbf16, #tpu.memory_space<vmem_shared>> -> memref<10240x64xbf16, #tpu.memory_space<vmem_shared>>
      tpu.wait_indirect_dma semaphore(%arg16 : memref<!tpu.dma_semaphore, #tpu.memory_space<semaphore_mem>>) src(%dma_wait3A_149 : memref<10240x64xbf16, #tpu.memory_space<vmem_shared>>) dst(%arg10 : memref<128x64xbf16, #tpu.memory_space<vmem>>)
      %dma_start3A_150 = arith.constant 0 : i32
      %dma_start3A_151 = tpu.memref_slice %arg9[%mul3A_139, %dma_start3A_150] : memref<160x128xi32, #tpu.memory_space<vmem>> -> memref<1x128xi32, #tpu.memory_space<vmem>>
      %dma_start3A_152 = tpu.memref_squeeze %dma_start3A_151 : memref<1x128xi32, #tpu.memory_space<vmem>> -> memref<128xi32, #tpu.memory_space<vmem>>
      %dma_start3A_153 = arith.constant 0 : i32
      %dma_start3A_154 = arith.constant 0 : i32
      %dma_start3A_155 = tpu.memref_slice %arg25[%dma_start3A_153, %dma_start3A_154] : memref<10240x64xbf16, #tpu.memory_space<vmem_shared>> -> memref<10240x64xbf16, #tpu.memory_space<vmem_shared>>
      tpu.enqueue_indirect_dma source(%arg10 : memref<128x64xbf16, #tpu.memory_space<vmem>>) target(%dma_start3A_155 : memref<10240x64xbf16, #tpu.memory_space<vmem_shared>>) offsets(%dma_start3A_152 : memref<128xi32, #tpu.memory_space<vmem>>) semaphore(%arg20 : memref<!tpu.dma_semaphore, #tpu.memory_space<semaphore_mem>>) {add = true}
      %add3A_156 = arith.constant 1 : i32
      %add3A_157 = arith.addi %mul3A_139, %add3A_156 : i32
      %dma_wait3A_158 = arith.constant 0 : i32
      %dma_wait3A_159 = tpu.memref_slice %arg8[%add3A_157, %dma_wait3A_158] : memref<160x128xi32, #tpu.memory_space<vmem>> -> memref<1x128xi32, #tpu.memory_space<vmem>>
      %dma_wait3A_160 = tpu.memref_squeeze %dma_wait3A_159 : memref<1x128xi32, #tpu.memory_space<vmem>> -> memref<128xi32, #tpu.memory_space<vmem>>
      %dma_wait3A_161 = arith.constant 0 : i32
      %dma_wait3A_162 = arith.constant 0 : i32
      %dma_wait3A_163 = tpu.memref_slice %arg27[%dma_wait3A_161, %dma_wait3A_162] : memref<10240x64xbf16, #tpu.memory_space<vmem_shared>> -> memref<10240x64xbf16, #tpu.memory_space<vmem_shared>>
      tpu.wait_indirect_dma semaphore(%arg17 : memref<!tpu.dma_semaphore, #tpu.memory_space<semaphore_mem>>) src(%dma_wait3A_163 : memref<10240x64xbf16, #tpu.memory_space<vmem_shared>>) dst(%arg11 : memref<128x64xbf16, #tpu.memory_space<vmem>>)
      %add3A_164 = arith.constant 1 : i32
      %add3A_165 = arith.addi %mul3A_139, %add3A_164 : i32
      %dma_start3A_166 = arith.constant 0 : i32
      %dma_start3A_167 = tpu.memref_slice %arg9[%add3A_165, %dma_start3A_166] : memref<160x128xi32, #tpu.memory_space<vmem>> -> memref<1x128xi32, #tpu.memory_space<vmem>>
      %dma_start3A_168 = tpu.memref_squeeze %dma_start3A_167 : memref<1x128xi32, #tpu.memory_space<vmem>> -> memref<128xi32, #tpu.memory_space<vmem>>
      %dma_start3A_169 = arith.constant 0 : i32
      %dma_start3A_170 = arith.constant 0 : i32
      %dma_start3A_171 = tpu.memref_slice %arg26[%dma_start3A_169, %dma_start3A_170] : memref<10240x64xbf16, #tpu.memory_space<vmem_shared>> -> memref<10240x64xbf16, #tpu.memory_space<vmem_shared>>
      tpu.enqueue_indirect_dma source(%arg11 : memref<128x64xbf16, #tpu.memory_space<vmem>>) target(%dma_start3A_171 : memref<10240x64xbf16, #tpu.memory_space<vmem_shared>>) offsets(%dma_start3A_168 : memref<128xi32, #tpu.memory_space<vmem>>) semaphore(%arg21 : memref<!tpu.dma_semaphore, #tpu.memory_space<semaphore_mem>>) {add = true}
      %ge3A = arith.constant 1 : i32
      %ge3A_172 = arith.cmpi sge, %scan3A_137, %ge3A : i32
      %convert_element_type3A_173 = arith.extui %ge3A_172 : i1 to i32
      %cond3A_174 = arith.constant 0 : i32
      %cond3A_175 = arith.cmpi ne, %convert_element_type3A_173, %cond3A_174 : i32
      scf.if %cond3A_175 {
        %dma_wait3A_288 = arith.constant 0 : i32
        %dma_wait3A_289 = arith.constant 0 : i32
        %dma_wait3A_290 = tpu.memref_slice %arg8[%dma_wait3A_288, %dma_wait3A_289] : memref<160x128xi32, #tpu.memory_space<vmem>> -> memref<1x128xi32, #tpu.memory_space<vmem>>
        %dma_wait3A_291 = tpu.memref_squeeze %dma_wait3A_290 : memref<1x128xi32, #tpu.memory_space<vmem>> -> memref<128xi32, #tpu.memory_space<vmem>>
        %dma_wait3A_292 = arith.constant 0 : i32
        %dma_wait3A_293 = tpu.memref_slice %arg28[%dma_wait3A_292] : memref<10240xf32, #tpu.memory_space<vmem_shared>> -> memref<10240xf32, #tpu.memory_space<vmem_shared>>
        tpu.wait_indirect_dma semaphore(%arg24 : memref<!tpu.dma_semaphore, #tpu.memory_space<semaphore_mem>>) src(%arg15 : memref<128xf32, #tpu.memory_space<vmem>>) dst(%dma_wait3A_293 : memref<10240xf32, #tpu.memory_space<vmem_shared>>)
        %dma_start3A_294 = arith.constant 0 : i32
        %dma_start3A_295 = tpu.memref_slice %arg9[%add3A_143, %dma_start3A_294] : memref<160x128xi32, #tpu.memory_space<vmem>> -> memref<1x128xi32, #tpu.memory_space<vmem>>
        %dma_start3A_296 = tpu.memref_squeeze %dma_start3A_295 : memref<1x128xi32, #tpu.memory_space<vmem>> -> memref<128xi32, #tpu.memory_space<vmem>>
        %dma_start3A_297 = arith.constant 0 : i32
        %dma_start3A_298 = tpu.memref_slice %arg4[%dma_start3A_297] : memref<10240xf32, #tpu.memory_space<hbm>> -> memref<10240xf32, #tpu.memory_space<hbm>>
        tpu.enqueue_indirect_dma source(%dma_start3A_298 : memref<10240xf32, #tpu.memory_space<hbm>>) target(%arg15 : memref<128xf32, #tpu.memory_space<vmem>>) offsets(%dma_start3A_296 : memref<128xi32, #tpu.memory_space<vmem>>) semaphore(%arg23 : memref<!tpu.dma_semaphore, #tpu.memory_space<semaphore_mem>>)
      } else {
      }
      %dma_wait3A_176 = arith.constant 0 : i32
      %dma_wait3A_177 = tpu.memref_slice %arg9[%add3A_140, %dma_wait3A_176] : memref<160x128xi32, #tpu.memory_space<vmem>> -> memref<1x128xi32, #tpu.memory_space<vmem>>
      %dma_wait3A_178 = tpu.memref_squeeze %dma_wait3A_177 : memref<1x128xi32, #tpu.memory_space<vmem>> -> memref<128xi32, #tpu.memory_space<vmem>>
      %dma_wait3A_179 = arith.constant 0 : i32
      %dma_wait3A_180 = tpu.memref_slice %arg4[%dma_wait3A_179] : memref<10240xf32, #tpu.memory_space<hbm>> -> memref<10240xf32, #tpu.memory_space<hbm>>
      tpu.wait_indirect_dma semaphore(%arg22 : memref<!tpu.dma_semaphore, #tpu.memory_space<semaphore_mem>>) src(%dma_wait3A_180 : memref<10240xf32, #tpu.memory_space<hbm>>) dst(%arg14 : memref<128xf32, #tpu.memory_space<vmem>>)
      %dma_start3A_181 = arith.constant 0 : i32
      %dma_start3A_182 = tpu.memref_slice %arg8[%add3A_140, %dma_start3A_181] : memref<160x128xi32, #tpu.memory_space<vmem>> -> memref<1x128xi32, #tpu.memory_space<vmem>>
      %dma_start3A_183 = tpu.memref_squeeze %dma_start3A_182 : memref<1x128xi32, #tpu.memory_space<vmem>> -> memref<128xi32, #tpu.memory_space<vmem>>
      %dma_start3A_184 = arith.constant 0 : i32
      %dma_start3A_185 = tpu.memref_slice %arg28[%dma_start3A_184] : memref<10240xf32, #tpu.memory_space<vmem_shared>> -> memref<10240xf32, #tpu.memory_space<vmem_shared>>
      tpu.enqueue_indirect_dma source(%arg14 : memref<128xf32, #tpu.memory_space<vmem>>) target(%dma_start3A_185 : memref<10240xf32, #tpu.memory_space<vmem_shared>>) offsets(%dma_start3A_183 : memref<128xi32, #tpu.memory_space<vmem>>) semaphore(%arg24 : memref<!tpu.dma_semaphore, #tpu.memory_space<semaphore_mem>>) {add = true}
      %dma_wait3A_186 = arith.constant 0 : i32
      %dma_wait3A_187 = tpu.memref_slice %arg9[%mul3A_139, %dma_wait3A_186] : memref<160x128xi32, #tpu.memory_space<vmem>> -> memref<1x128xi32, #tpu.memory_space<vmem>>
      %dma_wait3A_188 = tpu.memref_squeeze %dma_wait3A_187 : memref<1x128xi32, #tpu.memory_space<vmem>> -> memref<128xi32, #tpu.memory_space<vmem>>
      %dma_wait3A_189 = arith.constant 0 : i32
      %dma_wait3A_190 = arith.constant 0 : i32
      %dma_wait3A_191 = tpu.memref_slice %arg25[%dma_wait3A_189, %dma_wait3A_190] : memref<10240x64xbf16, #tpu.memory_space<vmem_shared>> -> memref<10240x64xbf16, #tpu.memory_space<vmem_shared>>
      tpu.wait_indirect_dma semaphore(%arg20 : memref<!tpu.dma_semaphore, #tpu.memory_space<semaphore_mem>>) src(%arg10 : memref<128x64xbf16, #tpu.memory_space<vmem>>) dst(%dma_wait3A_191 : memref<10240x64xbf16, #tpu.memory_space<vmem_shared>>)
      %lt3A = arith.constant 39 : i32
      %lt3A_192 = arith.cmpi slt, %scan3A_137, %lt3A : i32
      %convert_element_type3A_193 = arith.extui %lt3A_192 : i1 to i32
      %cond3A_194 = arith.constant 0 : i32
      %cond3A_195 = arith.cmpi ne, %convert_element_type3A_193, %cond3A_194 : i32
      scf.if %cond3A_195 {
        %add3A_288 = arith.constant 4 : i32
        %add3A_289 = arith.addi %mul3A_139, %add3A_288 : i32
        %dma_start3A_290 = arith.constant 0 : i32
        %dma_start3A_291 = tpu.memref_slice %arg8[%add3A_289, %dma_start3A_290] : memref<160x128xi32, #tpu.memory_space<vmem>> -> memref<1x128xi32, #tpu.memory_space<vmem>>
        %dma_start3A_292 = tpu.memref_squeeze %dma_start3A_291 : memref<1x128xi32, #tpu.memory_space<vmem>> -> memref<128xi32, #tpu.memory_space<vmem>>
        %dma_start3A_293 = arith.constant 0 : i32
        %dma_start3A_294 = arith.constant 0 : i32
        %dma_start3A_295 = tpu.memref_slice %arg27[%dma_start3A_293, %dma_start3A_294] : memref<10240x64xbf16, #tpu.memory_space<vmem_shared>> -> memref<10240x64xbf16, #tpu.memory_space<vmem_shared>>
        tpu.enqueue_indirect_dma source(%dma_start3A_295 : memref<10240x64xbf16, #tpu.memory_space<vmem_shared>>) target(%arg10 : memref<128x64xbf16, #tpu.memory_space<vmem>>) offsets(%dma_start3A_292 : memref<128xi32, #tpu.memory_space<vmem>>) semaphore(%arg16 : memref<!tpu.dma_semaphore, #tpu.memory_space<semaphore_mem>>)
      } else {
      }
      %add3A_196 = arith.constant 2 : i32
      %add3A_197 = arith.addi %mul3A_139, %add3A_196 : i32
      %dma_wait3A_198 = arith.constant 0 : i32
      %dma_wait3A_199 = tpu.memref_slice %arg8[%add3A_197, %dma_wait3A_198] : memref<160x128xi32, #tpu.memory_space<vmem>> -> memref<1x128xi32, #tpu.memory_space<vmem>>
      %dma_wait3A_200 = tpu.memref_squeeze %dma_wait3A_199 : memref<1x128xi32, #tpu.memory_space<vmem>> -> memref<128xi32, #tpu.memory_space<vmem>>
      %dma_wait3A_201 = arith.constant 0 : i32
      %dma_wait3A_202 = arith.constant 0 : i32
      %dma_wait3A_203 = tpu.memref_slice %arg27[%dma_wait3A_201, %dma_wait3A_202] : memref<10240x64xbf16, #tpu.memory_space<vmem_shared>> -> memref<10240x64xbf16, #tpu.memory_space<vmem_shared>>
      tpu.wait_indirect_dma semaphore(%arg18 : memref<!tpu.dma_semaphore, #tpu.memory_space<semaphore_mem>>) src(%dma_wait3A_203 : memref<10240x64xbf16, #tpu.memory_space<vmem_shared>>) dst(%arg12 : memref<128x64xbf16, #tpu.memory_space<vmem>>)
      %add3A_204 = arith.constant 2 : i32
      %add3A_205 = arith.addi %mul3A_139, %add3A_204 : i32
      %dma_start3A_206 = arith.constant 0 : i32
      %dma_start3A_207 = tpu.memref_slice %arg9[%add3A_205, %dma_start3A_206] : memref<160x128xi32, #tpu.memory_space<vmem>> -> memref<1x128xi32, #tpu.memory_space<vmem>>
      %dma_start3A_208 = tpu.memref_squeeze %dma_start3A_207 : memref<1x128xi32, #tpu.memory_space<vmem>> -> memref<128xi32, #tpu.memory_space<vmem>>
      %dma_start3A_209 = arith.constant 0 : i32
      %dma_start3A_210 = arith.constant 0 : i32
      %dma_start3A_211 = tpu.memref_slice %arg25[%dma_start3A_209, %dma_start3A_210] : memref<10240x64xbf16, #tpu.memory_space<vmem_shared>> -> memref<10240x64xbf16, #tpu.memory_space<vmem_shared>>
      tpu.enqueue_indirect_dma source(%arg12 : memref<128x64xbf16, #tpu.memory_space<vmem>>) target(%dma_start3A_211 : memref<10240x64xbf16, #tpu.memory_space<vmem_shared>>) offsets(%dma_start3A_208 : memref<128xi32, #tpu.memory_space<vmem>>) semaphore(%arg20 : memref<!tpu.dma_semaphore, #tpu.memory_space<semaphore_mem>>) {add = true}
      %add3A_212 = arith.constant 1 : i32
      %add3A_213 = arith.addi %mul3A_139, %add3A_212 : i32
      %dma_wait3A_214 = arith.constant 0 : i32
      %dma_wait3A_215 = tpu.memref_slice %arg9[%add3A_213, %dma_wait3A_214] : memref<160x128xi32, #tpu.memory_space<vmem>> -> memref<1x128xi32, #tpu.memory_space<vmem>>
      %dma_wait3A_216 = tpu.memref_squeeze %dma_wait3A_215 : memref<1x128xi32, #tpu.memory_space<vmem>> -> memref<128xi32, #tpu.memory_space<vmem>>
      %dma_wait3A_217 = arith.constant 0 : i32
      %dma_wait3A_218 = arith.constant 0 : i32
      %dma_wait3A_219 = tpu.memref_slice %arg26[%dma_wait3A_217, %dma_wait3A_218] : memref<10240x64xbf16, #tpu.memory_space<vmem_shared>> -> memref<10240x64xbf16, #tpu.memory_space<vmem_shared>>
      tpu.wait_indirect_dma semaphore(%arg21 : memref<!tpu.dma_semaphore, #tpu.memory_space<semaphore_mem>>) src(%arg11 : memref<128x64xbf16, #tpu.memory_space<vmem>>) dst(%dma_wait3A_219 : memref<10240x64xbf16, #tpu.memory_space<vmem_shared>>)
      %lt3A_220 = arith.constant 39 : i32
      %lt3A_221 = arith.cmpi slt, %scan3A_137, %lt3A_220 : i32
      %convert_element_type3A_222 = arith.extui %lt3A_221 : i1 to i32
      %cond3A_223 = arith.constant 0 : i32
      %cond3A_224 = arith.cmpi ne, %convert_element_type3A_222, %cond3A_223 : i32
      scf.if %cond3A_224 {
        %add3A_288 = arith.constant 5 : i32
        %add3A_289 = arith.addi %mul3A_139, %add3A_288 : i32
        %dma_start3A_290 = arith.constant 0 : i32
        %dma_start3A_291 = tpu.memref_slice %arg8[%add3A_289, %dma_start3A_290] : memref<160x128xi32, #tpu.memory_space<vmem>> -> memref<1x128xi32, #tpu.memory_space<vmem>>
        %dma_start3A_292 = tpu.memref_squeeze %dma_start3A_291 : memref<1x128xi32, #tpu.memory_space<vmem>> -> memref<128xi32, #tpu.memory_space<vmem>>
        %dma_start3A_293 = arith.constant 0 : i32
        %dma_start3A_294 = arith.constant 0 : i32
        %dma_start3A_295 = tpu.memref_slice %arg27[%dma_start3A_293, %dma_start3A_294] : memref<10240x64xbf16, #tpu.memory_space<vmem_shared>> -> memref<10240x64xbf16, #tpu.memory_space<vmem_shared>>
        tpu.enqueue_indirect_dma source(%dma_start3A_295 : memref<10240x64xbf16, #tpu.memory_space<vmem_shared>>) target(%arg11 : memref<128x64xbf16, #tpu.memory_space<vmem>>) offsets(%dma_start3A_292 : memref<128xi32, #tpu.memory_space<vmem>>) semaphore(%arg17 : memref<!tpu.dma_semaphore, #tpu.memory_space<semaphore_mem>>)
      } else {
      }
      %add3A_225 = arith.constant 3 : i32
      %add3A_226 = arith.addi %mul3A_139, %add3A_225 : i32
      %dma_wait3A_227 = arith.constant 0 : i32
      %dma_wait3A_228 = tpu.memref_slice %arg8[%add3A_226, %dma_wait3A_227] : memref<160x128xi32, #tpu.memory_space<vmem>> -> memref<1x128xi32, #tpu.memory_space<vmem>>
      %dma_wait3A_229 = tpu.memref_squeeze %dma_wait3A_228 : memref<1x128xi32, #tpu.memory_space<vmem>> -> memref<128xi32, #tpu.memory_space<vmem>>
      %dma_wait3A_230 = arith.constant 0 : i32
      %dma_wait3A_231 = arith.constant 0 : i32
      %dma_wait3A_232 = tpu.memref_slice %arg27[%dma_wait3A_230, %dma_wait3A_231] : memref<10240x64xbf16, #tpu.memory_space<vmem_shared>> -> memref<10240x64xbf16, #tpu.memory_space<vmem_shared>>
      tpu.wait_indirect_dma semaphore(%arg19 : memref<!tpu.dma_semaphore, #tpu.memory_space<semaphore_mem>>) src(%dma_wait3A_232 : memref<10240x64xbf16, #tpu.memory_space<vmem_shared>>) dst(%arg13 : memref<128x64xbf16, #tpu.memory_space<vmem>>)
      %add3A_233 = arith.constant 3 : i32
      %add3A_234 = arith.addi %mul3A_139, %add3A_233 : i32
      %dma_start3A_235 = arith.constant 0 : i32
      %dma_start3A_236 = tpu.memref_slice %arg9[%add3A_234, %dma_start3A_235] : memref<160x128xi32, #tpu.memory_space<vmem>> -> memref<1x128xi32, #tpu.memory_space<vmem>>
      %dma_start3A_237 = tpu.memref_squeeze %dma_start3A_236 : memref<1x128xi32, #tpu.memory_space<vmem>> -> memref<128xi32, #tpu.memory_space<vmem>>
      %dma_start3A_238 = arith.constant 0 : i32
      %dma_start3A_239 = arith.constant 0 : i32
      %dma_start3A_240 = tpu.memref_slice %arg26[%dma_start3A_238, %dma_start3A_239] : memref<10240x64xbf16, #tpu.memory_space<vmem_shared>> -> memref<10240x64xbf16, #tpu.memory_space<vmem_shared>>
      tpu.enqueue_indirect_dma source(%arg13 : memref<128x64xbf16, #tpu.memory_space<vmem>>) target(%dma_start3A_240 : memref<10240x64xbf16, #tpu.memory_space<vmem_shared>>) offsets(%dma_start3A_237 : memref<128xi32, #tpu.memory_space<vmem>>) semaphore(%arg21 : memref<!tpu.dma_semaphore, #tpu.memory_space<semaphore_mem>>) {add = true}
      %dma_wait3A_241 = arith.constant 0 : i32
      %dma_wait3A_242 = arith.constant 0 : i32
      %dma_wait3A_243 = tpu.memref_slice %arg8[%dma_wait3A_241, %dma_wait3A_242] : memref<160x128xi32, #tpu.memory_space<vmem>> -> memref<1x128xi32, #tpu.memory_space<vmem>>
      %dma_wait3A_244 = tpu.memref_squeeze %dma_wait3A_243 : memref<1x128xi32, #tpu.memory_space<vmem>> -> memref<128xi32, #tpu.memory_space<vmem>>
      %dma_wait3A_245 = arith.constant 0 : i32
      %dma_wait3A_246 = tpu.memref_slice %arg28[%dma_wait3A_245] : memref<10240xf32, #tpu.memory_space<vmem_shared>> -> memref<10240xf32, #tpu.memory_space<vmem_shared>>
      tpu.wait_indirect_dma semaphore(%arg24 : memref<!tpu.dma_semaphore, #tpu.memory_space<semaphore_mem>>) src(%arg14 : memref<128xf32, #tpu.memory_space<vmem>>) dst(%dma_wait3A_246 : memref<10240xf32, #tpu.memory_space<vmem_shared>>)
      %lt3A_247 = arith.constant 39 : i32
      %lt3A_248 = arith.cmpi slt, %scan3A_137, %lt3A_247 : i32
      %convert_element_type3A_249 = arith.extui %lt3A_248 : i1 to i32
      %cond3A_250 = arith.constant 0 : i32
      %cond3A_251 = arith.cmpi ne, %convert_element_type3A_249, %cond3A_250 : i32
      scf.if %cond3A_251 {
        %add3A_288 = arith.constant 4 : i32
        %add3A_289 = arith.addi %add3A_140, %add3A_288 : i32
        %dma_start3A_290 = arith.constant 0 : i32
        %dma_start3A_291 = tpu.memref_slice %arg9[%add3A_289, %dma_start3A_290] : memref<160x128xi32, #tpu.memory_space<vmem>> -> memref<1x128xi32, #tpu.memory_space<vmem>>
        %dma_start3A_292 = tpu.memref_squeeze %dma_start3A_291 : memref<1x128xi32, #tpu.memory_space<vmem>> -> memref<128xi32, #tpu.memory_space<vmem>>
        %dma_start3A_293 = arith.constant 0 : i32
        %dma_start3A_294 = tpu.memref_slice %arg4[%dma_start3A_293] : memref<10240xf32, #tpu.memory_space<hbm>> -> memref<10240xf32, #tpu.memory_space<hbm>>
        tpu.enqueue_indirect_dma source(%dma_start3A_294 : memref<10240xf32, #tpu.memory_space<hbm>>) target(%arg14 : memref<128xf32, #tpu.memory_space<vmem>>) offsets(%dma_start3A_292 : memref<128xi32, #tpu.memory_space<vmem>>) semaphore(%arg22 : memref<!tpu.dma_semaphore, #tpu.memory_space<semaphore_mem>>)
      } else {
      }
      %dma_wait3A_252 = arith.constant 0 : i32
      %dma_wait3A_253 = tpu.memref_slice %arg9[%add3A_143, %dma_wait3A_252] : memref<160x128xi32, #tpu.memory_space<vmem>> -> memref<1x128xi32, #tpu.memory_space<vmem>>
      %dma_wait3A_254 = tpu.memref_squeeze %dma_wait3A_253 : memref<1x128xi32, #tpu.memory_space<vmem>> -> memref<128xi32, #tpu.memory_space<vmem>>
      %dma_wait3A_255 = arith.constant 0 : i32
      %dma_wait3A_256 = tpu.memref_slice %arg4[%dma_wait3A_255] : memref<10240xf32, #tpu.memory_space<hbm>> -> memref<10240xf32, #tpu.memory_space<hbm>>
      tpu.wait_indirect_dma semaphore(%arg23 : memref<!tpu.dma_semaphore, #tpu.memory_space<semaphore_mem>>) src(%dma_wait3A_256 : memref<10240xf32, #tpu.memory_space<hbm>>) dst(%arg15 : memref<128xf32, #tpu.memory_space<vmem>>)
      %dma_start3A_257 = arith.constant 0 : i32
      %dma_start3A_258 = tpu.memref_slice %arg8[%add3A_143, %dma_start3A_257] : memref<160x128xi32, #tpu.memory_space<vmem>> -> memref<1x128xi32, #tpu.memory_space<vmem>>
      %dma_start3A_259 = tpu.memref_squeeze %dma_start3A_258 : memref<1x128xi32, #tpu.memory_space<vmem>> -> memref<128xi32, #tpu.memory_space<vmem>>
      %dma_start3A_260 = arith.constant 0 : i32
      %dma_start3A_261 = tpu.memref_slice %arg28[%dma_start3A_260] : memref<10240xf32, #tpu.memory_space<vmem_shared>> -> memref<10240xf32, #tpu.memory_space<vmem_shared>>
      tpu.enqueue_indirect_dma source(%arg15 : memref<128xf32, #tpu.memory_space<vmem>>) target(%dma_start3A_261 : memref<10240xf32, #tpu.memory_space<vmem_shared>>) offsets(%dma_start3A_259 : memref<128xi32, #tpu.memory_space<vmem>>) semaphore(%arg24 : memref<!tpu.dma_semaphore, #tpu.memory_space<semaphore_mem>>) {add = true}
      %add3A_262 = arith.constant 2 : i32
      %add3A_263 = arith.addi %mul3A_139, %add3A_262 : i32
      %dma_wait3A_264 = arith.constant 0 : i32
      %dma_wait3A_265 = tpu.memref_slice %arg9[%add3A_263, %dma_wait3A_264] : memref<160x128xi32, #tpu.memory_space<vmem>> -> memref<1x128xi32, #tpu.memory_space<vmem>>
      %dma_wait3A_266 = tpu.memref_squeeze %dma_wait3A_265 : memref<1x128xi32, #tpu.memory_space<vmem>> -> memref<128xi32, #tpu.memory_space<vmem>>
      %dma_wait3A_267 = arith.constant 0 : i32
      %dma_wait3A_268 = arith.constant 0 : i32
      %dma_wait3A_269 = tpu.memref_slice %arg25[%dma_wait3A_267, %dma_wait3A_268] : memref<10240x64xbf16, #tpu.memory_space<vmem_shared>> -> memref<10240x64xbf16, #tpu.memory_space<vmem_shared>>
      tpu.wait_indirect_dma semaphore(%arg20 : memref<!tpu.dma_semaphore, #tpu.memory_space<semaphore_mem>>) src(%arg12 : memref<128x64xbf16, #tpu.memory_space<vmem>>) dst(%dma_wait3A_269 : memref<10240x64xbf16, #tpu.memory_space<vmem_shared>>)
      %lt3A_270 = arith.constant 39 : i32
      %lt3A_271 = arith.cmpi slt, %scan3A_137, %lt3A_270 : i32
      %convert_element_type3A_272 = arith.extui %lt3A_271 : i1 to i32
      %cond3A_273 = arith.constant 0 : i32
      %cond3A_274 = arith.cmpi ne, %convert_element_type3A_272, %cond3A_273 : i32
      scf.if %cond3A_274 {
        %add3A_288 = arith.constant 6 : i32
        %add3A_289 = arith.addi %mul3A_139, %add3A_288 : i32
        %dma_start3A_290 = arith.constant 0 : i32
        %dma_start3A_291 = tpu.memref_slice %arg8[%add3A_289, %dma_start3A_290] : memref<160x128xi32, #tpu.memory_space<vmem>> -> memref<1x128xi32, #tpu.memory_space<vmem>>
        %dma_start3A_292 = tpu.memref_squeeze %dma_start3A_291 : memref<1x128xi32, #tpu.memory_space<vmem>> -> memref<128xi32, #tpu.memory_space<vmem>>
        %dma_start3A_293 = arith.constant 0 : i32
        %dma_start3A_294 = arith.constant 0 : i32
        %dma_start3A_295 = tpu.memref_slice %arg27[%dma_start3A_293, %dma_start3A_294] : memref<10240x64xbf16, #tpu.memory_space<vmem_shared>> -> memref<10240x64xbf16, #tpu.memory_space<vmem_shared>>
        tpu.enqueue_indirect_dma source(%dma_start3A_295 : memref<10240x64xbf16, #tpu.memory_space<vmem_shared>>) target(%arg12 : memref<128x64xbf16, #tpu.memory_space<vmem>>) offsets(%dma_start3A_292 : memref<128xi32, #tpu.memory_space<vmem>>) semaphore(%arg18 : memref<!tpu.dma_semaphore, #tpu.memory_space<semaphore_mem>>)
      } else {
      }
      %add3A_275 = arith.constant 3 : i32
      %add3A_276 = arith.addi %mul3A_139, %add3A_275 : i32
      %dma_wait3A_277 = arith.constant 0 : i32
      %dma_wait3A_278 = tpu.memref_slice %arg9[%add3A_276, %dma_wait3A_277] : memref<160x128xi32, #tpu.memory_space<vmem>> -> memref<1x128xi32, #tpu.memory_space<vmem>>
      %dma_wait3A_279 = tpu.memref_squeeze %dma_wait3A_278 : memref<1x128xi32, #tpu.memory_space<vmem>> -> memref<128xi32, #tpu.memory_space<vmem>>
      %dma_wait3A_280 = arith.constant 0 : i32
      %dma_wait3A_281 = arith.constant 0 : i32
      %dma_wait3A_282 = tpu.memref_slice %arg26[%dma_wait3A_280, %dma_wait3A_281] : memref<10240x64xbf16, #tpu.memory_space<vmem_shared>> -> memref<10240x64xbf16, #tpu.memory_space<vmem_shared>>
      tpu.wait_indirect_dma semaphore(%arg21 : memref<!tpu.dma_semaphore, #tpu.memory_space<semaphore_mem>>) src(%arg13 : memref<128x64xbf16, #tpu.memory_space<vmem>>) dst(%dma_wait3A_282 : memref<10240x64xbf16, #tpu.memory_space<vmem_shared>>)
      %lt3A_283 = arith.constant 39 : i32
      %lt3A_284 = arith.cmpi slt, %scan3A_137, %lt3A_283 : i32
      %convert_element_type3A_285 = arith.extui %lt3A_284 : i1 to i32
      %cond3A_286 = arith.constant 0 : i32
      %cond3A_287 = arith.cmpi ne, %convert_element_type3A_285, %cond3A_286 : i32
      scf.if %cond3A_287 {
        %add3A_288 = arith.constant 7 : i32
        %add3A_289 = arith.addi %mul3A_139, %add3A_288 : i32
        %dma_start3A_290 = arith.constant 0 : i32
        %dma_start3A_291 = tpu.memref_slice %arg8[%add3A_289, %dma_start3A_290] : memref<160x128xi32, #tpu.memory_space<vmem>> -> memref<1x128xi32, #tpu.memory_space<vmem>>
        %dma_start3A_292 = tpu.memref_squeeze %dma_start3A_291 : memref<1x128xi32, #tpu.memory_space<vmem>> -> memref<128xi32, #tpu.memory_space<vmem>>
        %dma_start3A_293 = arith.constant 0 : i32
        %dma_start3A_294 = arith.constant 0 : i32
        %dma_start3A_295 = tpu.memref_slice %arg27[%dma_start3A_293, %dma_start3A_294] : memref<10240x64xbf16, #tpu.memory_space<vmem_shared>> -> memref<10240x64xbf16, #tpu.memory_space<vmem_shared>>
        tpu.enqueue_indirect_dma source(%dma_start3A_295 : memref<10240x64xbf16, #tpu.memory_space<vmem_shared>>) target(%arg13 : memref<128x64xbf16, #tpu.memory_space<vmem>>) offsets(%dma_start3A_292 : memref<128xi32, #tpu.memory_space<vmem>>) semaphore(%arg19 : memref<!tpu.dma_semaphore, #tpu.memory_space<semaphore_mem>>)
      } else {
      }
    }
    %scan3A_127 = arith.constant 40 : i32
    %dma_wait3A = arith.constant 0 : i32
    %dma_wait3A_128 = arith.constant 0 : i32
    %dma_wait3A_129 = tpu.memref_slice %arg8[%dma_wait3A, %dma_wait3A_128] : memref<160x128xi32, #tpu.memory_space<vmem>> -> memref<1x128xi32, #tpu.memory_space<vmem>>
    %dma_wait3A_130 = tpu.memref_squeeze %dma_wait3A_129 : memref<1x128xi32, #tpu.memory_space<vmem>> -> memref<128xi32, #tpu.memory_space<vmem>>
    %dma_wait3A_131 = arith.constant 0 : i32
    %dma_wait3A_132 = tpu.memref_slice %arg28[%dma_wait3A_131] : memref<10240xf32, #tpu.memory_space<vmem_shared>> -> memref<10240xf32, #tpu.memory_space<vmem_shared>>
    tpu.wait_indirect_dma semaphore(%arg24 : memref<!tpu.dma_semaphore, #tpu.memory_space<semaphore_mem>>) src(%arg15 : memref<128xf32, #tpu.memory_space<vmem>>) dst(%dma_wait3A_132 : memref<10240xf32, #tpu.memory_space<vmem_shared>>)
    %barrier3A_133 = arith.constant 0 : index
    tpu.barrier barrier_id(%barrier3A_133)
    %run_scoped3A = arith.constant 0 : i32
    "tpu.region"() ({
      %run_scoped3A_137 = tpu.sem_alloc : memref<!tpu.dma_semaphore, #tpu.memory_space<semaphore_mem>>
      %dma_start3A_138 = arith.constant 0 : i32
      %dma_start3A_139 = arith.constant 0 : i32
      %dma_start3A_140 = tpu.memref_slice %arg6[%arg0, %run_scoped3A, %dma_start3A_138, %dma_start3A_139] : memref<2x2x10240x64xbf16, #tpu.memory_space<hbm>> -> memref<1x1x10240x64xbf16, #tpu.memory_space<hbm>>
      %dma_start3A_141 = tpu.memref_squeeze %dma_start3A_140 : memref<1x1x10240x64xbf16, #tpu.memory_space<hbm>> -> memref<10240x64xbf16, #tpu.memory_space<hbm>>
      %dma_start3A_142 = arith.constant 0 : i32
      %dma_start3A_143 = tpu.memref_slice %dma_start3A_141[%mul3A_62, %dma_start3A_142] : memref<10240x64xbf16, #tpu.memory_space<hbm>> -> memref<640x64xbf16, #tpu.memory_space<hbm>>
      %dma_start3A_144 = arith.constant 0 : i32
      %dma_start3A_145 = tpu.memref_slice %arg25[%mul3A_62, %dma_start3A_144] : memref<10240x64xbf16, #tpu.memory_space<vmem_shared>> -> memref<640x64xbf16, #tpu.memory_space<vmem_shared>>
      tpu.enqueue_dma source(%dma_start3A_145 : memref<640x64xbf16, #tpu.memory_space<vmem_shared>>) target(%dma_start3A_143 : memref<640x64xbf16, #tpu.memory_space<hbm>>) target_semaphore(%run_scoped3A_137 : memref<!tpu.dma_semaphore, #tpu.memory_space<semaphore_mem>>)
      %dma_wait3A_146 = arith.constant 0 : i32
      %dma_wait3A_147 = arith.constant 0 : i32
      %dma_wait3A_148 = tpu.memref_slice %arg6[%arg0, %run_scoped3A, %dma_wait3A_146, %dma_wait3A_147] : memref<2x2x10240x64xbf16, #tpu.memory_space<hbm>> -> memref<1x1x10240x64xbf16, #tpu.memory_space<hbm>>
      %dma_wait3A_149 = tpu.memref_squeeze %dma_wait3A_148 : memref<1x1x10240x64xbf16, #tpu.memory_space<hbm>> -> memref<10240x64xbf16, #tpu.memory_space<hbm>>
      %dma_wait3A_150 = arith.constant 0 : i32
      %dma_wait3A_151 = tpu.memref_slice %dma_wait3A_149[%mul3A_62, %dma_wait3A_150] : memref<10240x64xbf16, #tpu.memory_space<hbm>> -> memref<640x64xbf16, #tpu.memory_space<hbm>>
      %dma_wait3A_152 = arith.constant 0 : i32
      %dma_wait3A_153 = tpu.memref_slice %arg25[%mul3A_62, %dma_wait3A_152] : memref<10240x64xbf16, #tpu.memory_space<vmem_shared>> -> memref<640x64xbf16, #tpu.memory_space<vmem_shared>>
      tpu.wait_dma2 semaphore(%run_scoped3A_137 : memref<!tpu.dma_semaphore, #tpu.memory_space<semaphore_mem>>) src(%dma_wait3A_153 : memref<640x64xbf16, #tpu.memory_space<vmem_shared>>) dst(%dma_wait3A_151 : memref<640x64xbf16, #tpu.memory_space<hbm>>)
      tpu.yield
    }) : () -> ()
    %run_scoped3A_134 = arith.constant 1 : i32
    "tpu.region"() ({
      %run_scoped3A_137 = tpu.sem_alloc : memref<!tpu.dma_semaphore, #tpu.memory_space<semaphore_mem>>
      %dma_start3A_138 = arith.constant 0 : i32
      %dma_start3A_139 = arith.constant 0 : i32
      %dma_start3A_140 = tpu.memref_slice %arg6[%arg0, %run_scoped3A_134, %dma_start3A_138, %dma_start3A_139] : memref<2x2x10240x64xbf16, #tpu.memory_space<hbm>> -> memref<1x1x10240x64xbf16, #tpu.memory_space<hbm>>
      %dma_start3A_141 = tpu.memref_squeeze %dma_start3A_140 : memref<1x1x10240x64xbf16, #tpu.memory_space<hbm>> -> memref<10240x64xbf16, #tpu.memory_space<hbm>>
      %dma_start3A_142 = arith.constant 0 : i32
      %dma_start3A_143 = tpu.memref_slice %dma_start3A_141[%mul3A_62, %dma_start3A_142] : memref<10240x64xbf16, #tpu.memory_space<hbm>> -> memref<640x64xbf16, #tpu.memory_space<hbm>>
      %dma_start3A_144 = arith.constant 0 : i32
      %dma_start3A_145 = tpu.memref_slice %arg26[%mul3A_62, %dma_start3A_144] : memref<10240x64xbf16, #tpu.memory_space<vmem_shared>> -> memref<640x64xbf16, #tpu.memory_space<vmem_shared>>
      tpu.enqueue_dma source(%dma_start3A_145 : memref<640x64xbf16, #tpu.memory_space<vmem_shared>>) target(%dma_start3A_143 : memref<640x64xbf16, #tpu.memory_space<hbm>>) target_semaphore(%run_scoped3A_137 : memref<!tpu.dma_semaphore, #tpu.memory_space<semaphore_mem>>)
      %dma_wait3A_146 = arith.constant 0 : i32
      %dma_wait3A_147 = arith.constant 0 : i32
      %dma_wait3A_148 = tpu.memref_slice %arg6[%arg0, %run_scoped3A_134, %dma_wait3A_146, %dma_wait3A_147] : memref<2x2x10240x64xbf16, #tpu.memory_space<hbm>> -> memref<1x1x10240x64xbf16, #tpu.memory_space<hbm>>
      %dma_wait3A_149 = tpu.memref_squeeze %dma_wait3A_148 : memref<1x1x10240x64xbf16, #tpu.memory_space<hbm>> -> memref<10240x64xbf16, #tpu.memory_space<hbm>>
      %dma_wait3A_150 = arith.constant 0 : i32
      %dma_wait3A_151 = tpu.memref_slice %dma_wait3A_149[%mul3A_62, %dma_wait3A_150] : memref<10240x64xbf16, #tpu.memory_space<hbm>> -> memref<640x64xbf16, #tpu.memory_space<hbm>>
      %dma_wait3A_152 = arith.constant 0 : i32
      %dma_wait3A_153 = tpu.memref_slice %arg26[%mul3A_62, %dma_wait3A_152] : memref<10240x64xbf16, #tpu.memory_space<vmem_shared>> -> memref<640x64xbf16, #tpu.memory_space<vmem_shared>>
      tpu.wait_dma2 semaphore(%run_scoped3A_137 : memref<!tpu.dma_semaphore, #tpu.memory_space<semaphore_mem>>) src(%dma_wait3A_153 : memref<640x64xbf16, #tpu.memory_space<vmem_shared>>) dst(%dma_wait3A_151 : memref<640x64xbf16, #tpu.memory_space<hbm>>)
      tpu.yield
    }) : () -> ()
    %eq3A = arith.constant 0 : i32
    %eq3A_135 = arith.cmpi eq, %arg1, %eq3A : i32
    %convert_element_type3A = arith.extui %eq3A_135 : i1 to i32
    %cond3A = arith.constant 0 : i32
    %cond3A_136 = arith.cmpi ne, %convert_element_type3A, %cond3A : i32
    scf.if %cond3A_136 {
      "tpu.region"() ({
        %run_scoped3A_137 = tpu.sem_alloc : memref<!tpu.dma_semaphore, #tpu.memory_space<semaphore_mem>>
        %dma_start3A_138 = arith.constant 0 : i32
        %dma_start3A_139 = tpu.memref_slice %arg7[%arg0, %dma_start3A_138] : memref<2x10240xf32, #tpu.memory_space<hbm>> -> memref<1x10240xf32, #tpu.memory_space<hbm>>
        %dma_start3A_140 = tpu.memref_squeeze %dma_start3A_139 : memref<1x10240xf32, #tpu.memory_space<hbm>> -> memref<10240xf32, #tpu.memory_space<hbm>>
        tpu.enqueue_dma source(%arg28 : memref<10240xf32, #tpu.memory_space<vmem_shared>>) target(%dma_start3A_140 : memref<10240xf32, #tpu.memory_space<hbm>>) target_semaphore(%run_scoped3A_137 : memref<!tpu.dma_semaphore, #tpu.memory_space<semaphore_mem>>)
        %dma_wait3A_141 = arith.constant 0 : i32
        %dma_wait3A_142 = tpu.memref_slice %arg7[%arg0, %dma_wait3A_141] : memref<2x10240xf32, #tpu.memory_space<hbm>> -> memref<1x10240xf32, #tpu.memory_space<hbm>>
        %dma_wait3A_143 = tpu.memref_squeeze %dma_wait3A_142 : memref<1x10240xf32, #tpu.memory_space<hbm>> -> memref<10240xf32, #tpu.memory_space<hbm>>
        tpu.wait_dma2 semaphore(%run_scoped3A_137 : memref<!tpu.dma_semaphore, #tpu.memory_space<semaphore_mem>>) src(%arg28 : memref<10240xf32, #tpu.memory_space<vmem_shared>>) dst(%dma_wait3A_143 : memref<10240xf32, #tpu.memory_space<hbm>>)
        tpu.yield
      }) : () -> ()
    } else {
    }
    return
  }
}

module attributes {stable_mosaic.version = 14 : i64} {
  func.func @_k2_body(%arg0: i32, %arg1: memref<1280x128xf32, #tpu.memory_space<vmem>>, %arg2: memref<128x128xf32, #tpu.memory_space<vmem>>, %arg3: memref<1280x8xf32, #tpu.memory_space<vmem>>, %arg4: memref<2x1280x64xbf16, #tpu.memory_space<vmem>>, %arg5: memref<1280x2xf32, #tpu.memory_space<vmem>>) attributes {dimension_semantics = [#tpu.dimension_semantics<arbitrary>], iteration_bounds = array<i64: 8>, scalar_prefetch = 0 : i64, scratch_operands = 0 : i64, tpu.core_type = #tpu.core_type<tc>, window_params = [{transform_indices = @transform_0, window_bounds = array<i64: 1280, 128>}, {pipeline_mode = #tpu.pipeline_mode<synchronous>, transform_indices = @transform_1, window_bounds = array<i64: 128, 128>}, {transform_indices = @transform_2, window_bounds = array<i64: 1280, 8>}, {transform_indices = @transform_3, window_bounds = array<i64: 2, 1280, 64>}, {transform_indices = @transform_4, window_bounds = array<i64: 1280, 2>}]} {
    %get3A = arith.constant 0 : index
    %get3A_0 = arith.constant 0 : index
    %get3A_1 = vector.load %arg3[%get3A, %get3A_0] : memref<1280x8xf32, #tpu.memory_space<vmem>>, vector<1280x8xf32>
    %slice3A = vector.extract_strided_slice %get3A_1 {offsets = [0, 0], sizes = [1280, 1], strides = [1, 1]} : vector<1280x8xf32> to vector<1280x1xf32>
    %slice3A_2 = vector.extract_strided_slice %get3A_1 {offsets = [0, 1], sizes = [1280, 1], strides = [1, 1]} : vector<1280x8xf32> to vector<1280x1xf32>
    %add3A = arith.addf %slice3A, %slice3A_2 : vector<1280x1xf32>
    %slice3A_3 = vector.extract_strided_slice %get3A_1 {offsets = [0, 4], sizes = [1280, 1], strides = [1, 1]} : vector<1280x8xf32> to vector<1280x1xf32>
    %add3A_4 = arith.addf %add3A, %slice3A_3 : vector<1280x1xf32>
    %slice3A_5 = vector.extract_strided_slice %get3A_1 {offsets = [0, 5], sizes = [1280, 1], strides = [1, 1]} : vector<1280x8xf32> to vector<1280x1xf32>
    %add3A_6 = arith.addf %add3A_4, %slice3A_5 : vector<1280x1xf32>
    %slice3A_7 = vector.extract_strided_slice %get3A_1 {offsets = [0, 2], sizes = [1280, 1], strides = [1, 1]} : vector<1280x8xf32> to vector<1280x1xf32>
    %slice3A_8 = vector.extract_strided_slice %get3A_1 {offsets = [0, 3], sizes = [1280, 1], strides = [1, 1]} : vector<1280x8xf32> to vector<1280x1xf32>
    %add3A_9 = arith.addf %slice3A_7, %slice3A_8 : vector<1280x1xf32>
    %slice3A_10 = vector.extract_strided_slice %get3A_1 {offsets = [0, 6], sizes = [1280, 1], strides = [1, 1]} : vector<1280x8xf32> to vector<1280x1xf32>
    %add3A_11 = arith.addf %add3A_9, %slice3A_10 : vector<1280x1xf32>
    %slice3A_12 = vector.extract_strided_slice %get3A_1 {offsets = [0, 7], sizes = [1280, 1], strides = [1, 1]} : vector<1280x8xf32> to vector<1280x1xf32>
    %add3A_13 = arith.addf %add3A_11, %slice3A_12 : vector<1280x1xf32>
    %max3A = arith.constant 1.000000e+00 : f32
    %max3A_14 = vector.broadcast %max3A : f32 to vector<1280x1xf32>
    %max3A_15 = arith.maximumf %add3A_6, %max3A_14 : vector<1280x1xf32>
    %rsqrt3A = math.rsqrt %max3A_15 : vector<1280x1xf32>
    %max3A_16 = arith.constant 1.000000e+00 : f32
    %max3A_17 = vector.broadcast %max3A_16 : f32 to vector<1280x1xf32>
    %max3A_18 = arith.maximumf %add3A_13, %max3A_17 : vector<1280x1xf32>
    %rsqrt3A_19 = math.rsqrt %max3A_18 : vector<1280x1xf32>
    %get3A_20 = arith.constant 0 : index
    %get3A_21 = arith.constant 0 : index
    %get3A_22 = vector.load %arg1[%get3A_20, %get3A_21] : memref<1280x128xf32, #tpu.memory_space<vmem>>, vector<1280x128xf32>
    %get3A_23 = arith.constant 0 : index
    %get3A_24 = arith.constant 0 : index
    %get3A_25 = vector.load %arg2[%get3A_23, %get3A_24] : memref<128x128xf32, #tpu.memory_space<vmem>>, vector<128x128xf32>
    %dot_general3A = arith.constant dense<0.000000e+00> : vector<1280x128xf32>
    %dot_general3A_26 = tpu.matmul %get3A_22, %get3A_25, %dot_general3A {dimension_numbers = #tpu.dot_dimension_numbers<[1], [0], [0], [1], [0, 0, 1, 1], [], []>, transpose_lhs_hint = false} : vector<1280x128xf32>, vector<128x128xf32>, vector<1280x128xf32> -> vector<1280x128xf32>
    %mul3A = vector.broadcast %rsqrt3A : vector<1280x1xf32> to vector<1280x128xf32>
    %mul3A_27 = arith.mulf %dot_general3A_26, %mul3A : vector<1280x128xf32>
    %convert_element_type3A = arith.truncf %mul3A_27 : vector<1280x128xf32> to vector<1280x128xbf16>
    %slice3A_28 = vector.extract_strided_slice %convert_element_type3A {offsets = [0, 0], sizes = [1280, 64], strides = [1, 1]} : vector<1280x128xbf16> to vector<1280x64xbf16>
    %swap3A = arith.constant 0 : index
    %swap3A_29 = arith.constant 0 : index
    %swap3A_30 = arith.constant 0 : index
    %swap3A_31 = vector.load %arg4[%swap3A, %swap3A_29, %swap3A_30] : memref<2x1280x64xbf16, #tpu.memory_space<vmem>>, vector<1x1280x64xbf16>
    %swap3A_32 = vector.shape_cast %swap3A_31 : vector<1x1280x64xbf16> to vector<1280x64xbf16>
    %swap3A_33 = vector.shape_cast %slice3A_28 : vector<1280x64xbf16> to vector<1x1280x64xbf16>
    tpu.vector_store %arg4[%swap3A, %swap3A_29, %swap3A_30], %swap3A_33 {strides = array<i32>} : memref<2x1280x64xbf16, #tpu.memory_space<vmem>>, vector<1x1280x64xbf16>,
    %slice3A_34 = vector.extract_strided_slice %convert_element_type3A {offsets = [0, 64], sizes = [1280, 64], strides = [1, 1]} : vector<1280x128xbf16> to vector<1280x64xbf16>
    %swap3A_35 = arith.constant 1 : index
    %swap3A_36 = arith.constant 0 : index
    %swap3A_37 = arith.constant 0 : index
    %swap3A_38 = vector.load %arg4[%swap3A_35, %swap3A_36, %swap3A_37] : memref<2x1280x64xbf16, #tpu.memory_space<vmem>>, vector<1x1280x64xbf16>
    %swap3A_39 = vector.shape_cast %swap3A_38 : vector<1x1280x64xbf16> to vector<1280x64xbf16>
    %swap3A_40 = vector.shape_cast %slice3A_34 : vector<1280x64xbf16> to vector<1x1280x64xbf16>
    tpu.vector_store %arg4[%swap3A_35, %swap3A_36, %swap3A_37], %swap3A_40 {strides = array<i32>} : memref<2x1280x64xbf16, #tpu.memory_space<vmem>>, vector<1x1280x64xbf16>,
    %concatenate3A = tpu.concatenate %rsqrt3A, %rsqrt3A_19 in 1 : vector<1280x1xf32>, vector<1280x1xf32> -> vector<1280x2xf32>
    %swap3A_41 = arith.constant 0 : index
    %swap3A_42 = arith.constant 0 : index
    %swap3A_43 = vector.load %arg5[%swap3A_41, %swap3A_42] : memref<1280x2xf32, #tpu.memory_space<vmem>>, vector<1280x2xf32>
    tpu.vector_store %arg5[%swap3A_41, %swap3A_42], %concatenate3A {strides = array<i32>} : memref<1280x2xf32, #tpu.memory_space<vmem>>, vector<1280x2xf32>,
    return
  }
  func.func @transform_0(%arg0: i32) -> (i32, i32) {
    %c0_i32 = arith.constant 0 : i32
    %c0_i32_0 = arith.constant 0 : i32
    return %arg0, %c0_i32 : i32, i32
  }
  func.func @transform_1(%arg0: i32) -> (i32, i32) {
    %c0_i32 = arith.constant 0 : i32
    %c0_i32_0 = arith.constant 0 : i32
    %c0_i32_1 = arith.constant 0 : i32
    return %c0_i32, %c0_i32_0 : i32, i32
  }
  func.func @transform_2(%arg0: i32) -> (i32, i32) {
    %c0_i32 = arith.constant 0 : i32
    %c0_i32_0 = arith.constant 0 : i32
    return %arg0, %c0_i32 : i32, i32
  }
  func.func @transform_3(%arg0: i32) -> (i32, i32, i32) {
    %c0_i32 = arith.constant 0 : i32
    %c0_i32_0 = arith.constant 0 : i32
    %c0_i32_1 = arith.constant 0 : i32
    return %c0_i32, %arg0, %c0_i32_0 : i32, i32, i32
  }
  func.func @transform_4(%arg0: i32) -> (i32, i32) {
    %c0_i32 = arith.constant 0 : i32
    %c0_i32_0 = arith.constant 0 : i32
    return %arg0, %c0_i32 : i32, i32
  }
}

module attributes {stable_mosaic.version = 14 : i64} {
  func.func @_k4_body(%arg0: i32, %arg1: memref<2x2x1280x64xbf16, #tpu.memory_space<vmem>>, %arg2: memref<1280x2xf32, #tpu.memory_space<vmem>>, %arg3: memref<1280x2xf32, #tpu.memory_space<vmem>>, %arg4: memref<1x128xf32, #tpu.memory_space<vmem>>, %arg5: memref<128x40xf32, #tpu.memory_space<vmem>>, %arg6: memref<1x40xf32, #tpu.memory_space<vmem>>, %arg7: memref<1x40xf32, #tpu.memory_space<vmem>>, %arg8: memref<1x128xf32, #tpu.memory_space<vmem>>) attributes {dimension_semantics = [#tpu.dimension_semantics<arbitrary>], iteration_bounds = array<i64: 8>, scalar_prefetch = 0 : i64, scratch_operands = 1 : i64, tpu.core_type = #tpu.core_type<tc>, window_params = [{transform_indices = @transform_0, window_bounds = array<i64: 2, 2, 1280, 64>}, {transform_indices = @transform_1, window_bounds = array<i64: 1280, 2>}, {transform_indices = @transform_2, window_bounds = array<i64: 1280, 2>}, {pipeline_mode = #tpu.pipeline_mode<synchronous>, transform_indices = @transform_3, window_bounds = array<i64: 1, 128>}, {pipeline_mode = #tpu.pipeline_mode<synchronous>, transform_indices = @transform_4, window_bounds = array<i64: 128, 40>}, {pipeline_mode = #tpu.pipeline_mode<synchronous>, transform_indices = @transform_5, window_bounds = array<i64: 1, 40>}, {pipeline_mode = #tpu.pipeline_mode<synchronous>, transform_indices = @transform_6, window_bounds = array<i64: 1, 40>}]} {
    %get3A = arith.constant 0 : index
    %get3A_0 = arith.constant 0 : index
    %get3A_1 = vector.load %arg3[%get3A, %get3A_0] : memref<1280x2xf32, #tpu.memory_space<vmem>>, vector<1280x2xf32>
    %slice3A = vector.extract_strided_slice %get3A_1 {offsets = [0, 0], sizes = [1280, 1], strides = [1, 1]} : vector<1280x2xf32> to vector<1280x1xf32>
    %slice3A_2 = vector.extract_strided_slice %get3A_1 {offsets = [0, 1], sizes = [1280, 1], strides = [1, 1]} : vector<1280x2xf32> to vector<1280x1xf32>
    %get3A_3 = arith.constant 0 : index
    %get3A_4 = arith.constant 0 : index
    %get3A_5 = arith.constant 0 : index
    %get3A_6 = arith.constant 0 : index
    %get3A_7 = vector.load %arg1[%get3A_3, %get3A_4, %get3A_5, %get3A_6] : memref<2x2x1280x64xbf16, #tpu.memory_space<vmem>>, vector<1x1x1280x64xbf16>
    %get3A_8 = vector.shape_cast %get3A_7 : vector<1x1x1280x64xbf16> to vector<1280x64xbf16>
    %convert_element_type3A = arith.extf %get3A_8 : vector<1280x64xbf16> to vector<1280x64xf32>
    %get3A_9 = arith.constant 0 : index
    %get3A_10 = arith.constant 1 : index
    %get3A_11 = arith.constant 0 : index
    %get3A_12 = arith.constant 0 : index
    %get3A_13 = vector.load %arg1[%get3A_9, %get3A_10, %get3A_11, %get3A_12] : memref<2x2x1280x64xbf16, #tpu.memory_space<vmem>>, vector<1x1x1280x64xbf16>
    %get3A_14 = vector.shape_cast %get3A_13 : vector<1x1x1280x64xbf16> to vector<1280x64xbf16>
    %convert_element_type3A_15 = arith.extf %get3A_14 : vector<1280x64xbf16> to vector<1280x64xf32>
    %add3A = arith.addf %convert_element_type3A, %convert_element_type3A_15 : vector<1280x64xf32>
    %get3A_16 = arith.constant 1 : index
    %get3A_17 = arith.constant 0 : index
    %get3A_18 = arith.constant 0 : index
    %get3A_19 = arith.constant 0 : index
    %get3A_20 = vector.load %arg1[%get3A_16, %get3A_17, %get3A_18, %get3A_19] : memref<2x2x1280x64xbf16, #tpu.memory_space<vmem>>, vector<1x1x1280x64xbf16>
    %get3A_21 = vector.shape_cast %get3A_20 : vector<1x1x1280x64xbf16> to vector<1280x64xbf16>
    %convert_element_type3A_22 = arith.extf %get3A_21 : vector<1280x64xbf16> to vector<1280x64xf32>
    %get3A_23 = arith.constant 1 : index
    %get3A_24 = arith.constant 1 : index
    %get3A_25 = arith.constant 0 : index
    %get3A_26 = arith.constant 0 : index
    %get3A_27 = vector.load %arg1[%get3A_23, %get3A_24, %get3A_25, %get3A_26] : memref<2x2x1280x64xbf16, #tpu.memory_space<vmem>>, vector<1x1x1280x64xbf16>
    %get3A_28 = vector.shape_cast %get3A_27 : vector<1x1x1280x64xbf16> to vector<1280x64xbf16>
    %convert_element_type3A_29 = arith.extf %get3A_28 : vector<1280x64xbf16> to vector<1280x64xf32>
    %add3A_30 = arith.addf %convert_element_type3A_22, %convert_element_type3A_29 : vector<1280x64xf32>
    %concatenate3A = tpu.concatenate %add3A, %add3A_30 in 1 : vector<1280x64xf32>, vector<1280x64xf32> -> vector<1280x128xf32>
    %get3A_31 = arith.constant 0 : index
    %get3A_32 = arith.constant 0 : index
    %get3A_33 = vector.load %arg2[%get3A_31, %get3A_32] : memref<1280x2xf32, #tpu.memory_space<vmem>>, vector<1280x2xf32>
    %slice3A_34 = vector.extract_strided_slice %get3A_33 {offsets = [0, 0], sizes = [1280, 1], strides = [1, 1]} : vector<1280x2xf32> to vector<1280x1xf32>
    %slice3A_35 = vector.extract_strided_slice %get3A_33 {offsets = [0, 1], sizes = [1280, 1], strides = [1, 1]} : vector<1280x2xf32> to vector<1280x1xf32>
    %add3A_36 = arith.addf %slice3A_34, %slice3A_35 : vector<1280x1xf32>
    %mul3A = vector.broadcast %slice3A_2 : vector<1280x1xf32> to vector<1280x128xf32>
    %mul3A_37 = arith.mulf %concatenate3A, %mul3A : vector<1280x128xf32>
    %get3A_38 = arith.constant 0 : index
    %get3A_39 = arith.constant 0 : index
    %get3A_40 = vector.load %arg4[%get3A_38, %get3A_39] : memref<1x128xf32, #tpu.memory_space<vmem>>, vector<1x128xf32>
    %add3A_41 = vector.broadcast %get3A_40 : vector<1x128xf32> to vector<1280x128xf32>
    %add3A_42 = arith.addf %mul3A_37, %add3A_41 : vector<1280x128xf32>
    %max3A = arith.constant 0.000000e+00 : f32
    %max3A_43 = vector.broadcast %max3A : f32 to vector<1280x128xf32>
    %max3A_44 = arith.maximumf %add3A_42, %max3A_43 : vector<1280x128xf32>
    %mul3A_45 = arith.mulf %add3A_36, %slice3A : vector<1280x1xf32>
    %iota3A = tpu.iota {dimensions = array<i32: 0>} : vector<1280x1xi32>
    %mul3A_46 = arith.constant 1280 : i32
    %mul3A_47 = arith.muli %arg0, %mul3A_46 : i32
    %add3A_48 = vector.broadcast %mul3A_47 : i32 to vector<1280x1xi32>
    %add3A_49 = arith.addi %iota3A, %add3A_48 : vector<1280x1xi32>
    %lt3A = arith.constant 10000 : i32
    %lt3A_50 = vector.broadcast %lt3A : i32 to vector<1280x1xi32>
    %lt3A_51 = arith.cmpi slt, %add3A_49, %lt3A_50 : vector<1280x1xi32>
    %jit3A = arith.constant 0.000000e+00 : f32
    %broadcast_in_dim3A = vector.broadcast %jit3A : f32 to vector<1280x1xf32>
    %select_n3A = arith.select %lt3A_51, %mul3A_45, %broadcast_in_dim3A : vector<1280x1xi1>, vector<1280x1xf32>
    %lt3A_52 = arith.constant 10000 : i32
    %lt3A_53 = vector.broadcast %lt3A_52 : i32 to vector<1280x1xi32>
    %lt3A_54 = arith.cmpi slt, %add3A_49, %lt3A_53 : vector<1280x1xi32>
    %jit3A_55 = arith.constant 0.000000e+00 : f32
    %broadcast_in_dim3A_56 = vector.shape_cast %lt3A_54 : vector<1280x1xi1> to vector<1280x1xi1>
    %broadcast_in_dim3A_57 = vector.broadcast %broadcast_in_dim3A_56 : vector<1280x1xi1> to vector<1280x128xi1>
    %broadcast_in_dim3A_58 = vector.broadcast %jit3A_55 : f32 to vector<1280x128xf32>
    %select_n3A_59 = arith.select %broadcast_in_dim3A_57, %max3A_44, %broadcast_in_dim3A_58 : vector<1280x128xi1>, vector<1280x128xf32>
    %dot_general3A = arith.constant dense<0.000000e+00> : vector<1x128xf32>
    %dot_general3A_60 = tpu.matmul %select_n3A, %select_n3A_59, %dot_general3A {dimension_numbers = #tpu.dot_dimension_numbers<[0], [0], [1], [1], [0, 1, 1, 1], [], []>, transpose_lhs_hint = false} : vector<1280x1xf32>, vector<1280x128xf32>, vector<1x128xf32> -> vector<1x128xf32>
    %eq3A = arith.constant 0 : i32
    %eq3A_61 = arith.cmpi eq, %arg0, %eq3A : i32
    %convert_element_type3A_62 = arith.extui %eq3A_61 : i1 to i32
    %cond3A = arith.constant 0 : i32
    %cond3A_63 = arith.cmpi ne, %convert_element_type3A_62, %cond3A : i32
    scf.if %cond3A_63 {
      %swap3A = arith.constant 0 : index
      %swap3A_73 = arith.constant 0 : index
      %swap3A_74 = vector.load %arg8[%swap3A, %swap3A_73] : memref<1x128xf32, #tpu.memory_space<vmem>>, vector<1x128xf32>
      tpu.vector_store %arg8[%swap3A, %swap3A_73], %dot_general3A_60 {strides = array<i32>} : memref<1x128xf32, #tpu.memory_space<vmem>>, vector<1x128xf32>,
    } else {
    }
    %gt3A = arith.constant 0 : i32
    %gt3A_64 = arith.cmpi sgt, %arg0, %gt3A : i32
    %convert_element_type3A_65 = arith.extui %gt3A_64 : i1 to i32
    %cond3A_66 = arith.constant 0 : i32
    %cond3A_67 = arith.cmpi ne, %convert_element_type3A_65, %cond3A_66 : i32
    scf.if %cond3A_67 {
      %get3A_73 = arith.constant 0 : index
      %get3A_74 = arith.constant 0 : index
      %get3A_75 = vector.load %arg8[%get3A_73, %get3A_74] : memref<1x128xf32, #tpu.memory_space<vmem>>, vector<1x128xf32>
      %add3A_76 = arith.addf %get3A_75, %dot_general3A_60 : vector<1x128xf32>
      %swap3A = arith.constant 0 : index
      %swap3A_77 = arith.constant 0 : index
      %swap3A_78 = vector.load %arg8[%swap3A, %swap3A_77] : memref<1x128xf32, #tpu.memory_space<vmem>>, vector<1x128xf32>
      tpu.vector_store %arg8[%swap3A, %swap3A_77], %add3A_76 {strides = array<i32>} : memref<1x128xf32, #tpu.memory_space<vmem>>, vector<1x128xf32>,
    } else {
    }
    %eq3A_68 = arith.constant 7 : i32
    %eq3A_69 = arith.cmpi eq, %arg0, %eq3A_68 : i32
    %convert_element_type3A_70 = arith.extui %eq3A_69 : i1 to i32
    %cond3A_71 = arith.constant 0 : i32
    %cond3A_72 = arith.cmpi ne, %convert_element_type3A_70, %cond3A_71 : i32
    scf.if %cond3A_72 {
      %get3A_73 = arith.constant 0 : index
      %get3A_74 = arith.constant 0 : index
      %get3A_75 = vector.load %arg8[%get3A_73, %get3A_74] : memref<1x128xf32, #tpu.memory_space<vmem>>, vector<1x128xf32>
      %mul3A_76 = arith.constant 9.99999974E-5 : f32
      %mul3A_77 = vector.broadcast %mul3A_76 : f32 to vector<1x128xf32>
      %mul3A_78 = arith.mulf %get3A_75, %mul3A_77 : vector<1x128xf32>
      %get3A_79 = arith.constant 0 : index
      %get3A_80 = arith.constant 0 : index
      %get3A_81 = vector.load %arg5[%get3A_79, %get3A_80] : memref<128x40xf32, #tpu.memory_space<vmem>>, vector<128x40xf32>
      %dot_general3A_82 = arith.constant dense<0.000000e+00> : vector<1x40xf32>
      %dot_general3A_83 = tpu.matmul %mul3A_78, %get3A_81, %dot_general3A_82 {dimension_numbers = #tpu.dot_dimension_numbers<[1], [0], [0], [1], [0, 0, 1, 1], [], []>, transpose_lhs_hint = false} : vector<1x128xf32>, vector<128x40xf32>, vector<1x40xf32> -> vector<1x40xf32>
      %get3A_84 = arith.constant 0 : index
      %get3A_85 = arith.constant 0 : index
      %get3A_86 = vector.load %arg6[%get3A_84, %get3A_85] : memref<1x40xf32, #tpu.memory_space<vmem>>, vector<1x40xf32>
      %add3A_87 = arith.addf %dot_general3A_83, %get3A_86 : vector<1x40xf32>
      %swap3A = arith.constant 0 : index
      %swap3A_88 = arith.constant 0 : index
      %swap3A_89 = vector.load %arg7[%swap3A, %swap3A_88] : memref<1x40xf32, #tpu.memory_space<vmem>>, vector<1x40xf32>
      tpu.vector_store %arg7[%swap3A, %swap3A_88], %add3A_87 {strides = array<i32>} : memref<1x40xf32, #tpu.memory_space<vmem>>, vector<1x40xf32>,
    } else {
    }
    return
  }
  func.func @transform_0(%arg0: i32) -> (i32, i32, i32, i32) {
    %c0_i32 = arith.constant 0 : i32
    %c0_i32_0 = arith.constant 0 : i32
    %c0_i32_1 = arith.constant 0 : i32
    %c0_i32_2 = arith.constant 0 : i32
    return %c0_i32, %c0_i32_0, %arg0, %c0_i32_1 : i32, i32, i32, i32
  }
  func.func @transform_1(%arg0: i32) -> (i32, i32) {
    %c0_i32 = arith.constant 0 : i32
    %c0_i32_0 = arith.constant 0 : i32
    return %arg0, %c0_i32 : i32, i32
  }
  func.func @transform_2(%arg0: i32) -> (i32, i32) {
    %c0_i32 = arith.constant 0 : i32
    %c0_i32_0 = arith.constant 0 : i32
    return %arg0, %c0_i32 : i32, i32
  }
  func.func @transform_3(%arg0: i32) -> (i32, i32) {
    %c0_i32 = arith.constant 0 : i32
    %c0_i32_0 = arith.constant 0 : i32
    %c0_i32_1 = arith.constant 0 : i32
    return %c0_i32, %c0_i32_0 : i32, i32
  }
  func.func @transform_4(%arg0: i32) -> (i32, i32) {
    %c0_i32 = arith.constant 0 : i32
    %c0_i32_0 = arith.constant 0 : i32
    %c0_i32_1 = arith.constant 0 : i32
    return %c0_i32, %c0_i32_0 : i32, i32
  }
  func.func @transform_5(%arg0: i32) -> (i32, i32) {
    %c0_i32 = arith.constant 0 : i32
    %c0_i32_0 = arith.constant 0 : i32
    %c0_i32_1 = arith.constant 0 : i32
    return %c0_i32, %c0_i32_0 : i32, i32
  }
  func.func @transform_6(%arg0: i32) -> (i32, i32) {
    %c0_i32 = arith.constant 0 : i32
    %c0_i32_0 = arith.constant 0 : i32
    %c0_i32_1 = arith.constant 0 : i32
    return %c0_i32, %c0_i32_0 : i32, i32
  }
}

</mosaic_0001>

<sc_bundles>
// kernel: kernel.6.cloned.1.call-start
scs
__scs_entry_jumppad:
0x0: {  	(pc) =	sbr.rel $0x88, $3  }
0x1: {  	(tag) =	ssettag $0x0;
	lr =	simm.s32 $0x1  }
0x2: {  	[smem:$0x3F9B] =	sst lr;
	_ =	strace $0xD0000000  }
0x3: {  	_ = 	snop  }
0x4: {  	_ = 	snop  }
0x5: {  	_ = 	snop  }
0x6: {  	_ = 	snop  }
0x7: {  	_ = 	snop  }
__scs_overlays_trampoline_lowered:
0x8: {  	[smem:$0x3FAA] =	sst s0  }
0x9: {  	[smem:$0x3FAB] =	sst s1  }
0xa: {  	[smem:$0x3FAC] =	sst s2  }
0xb: {  	[smem:$0x3FAD] =	sst s3  }
0xc: {  	[smem:$0x3FAE] =	sst s4  }
0xd: {  	[smem:$0x3FAF] =	sst s5  }
0xe: {  	[smem:$0x3FB0] =	sst s6  }
0xf: {  	[smem:$0x3FB1] =	sst s7  }
0x10: {  	[smem:$0x3FB2] =	sst s8  }
0x11: {  	[smem:$0x3FB3] =	sst s9;
	s0 =	simm.s32 @!p0 $0x0  }
0x12: {  	s1 =	sld [smem:$0x3F99];
	s0 =	simm.s32 @p0 $0x1  }
0x13: {  	[smem:$0x3FB4] =	sst s0;
	s0 =	simm.s32 @!p1 $0x0  }
0x14: {  	s2 =	sld [smem:$0x3F98];
	s0 =	simm.s32 @p1 $0x1  }
0x15: {  	[smem:$0x3FB5] =	sst s0;
	s0 =	simm.s32 @!p2 $0x0  }
0x16: {  	s3 =	sld [smem:$0x3FDB];
	s0 =	simm.s32 @p2 $0x1  }
0x17: {  	s4 =	simm.s32 $0x1BF5;
	[smem:$0x3FB7] =	sst s0  }
0x18: {  	s0 =	sld [smem:$0x3F9A];
	_ =	swait.ge [sflag:s4], $0x0  }
0x19: {  	s7 =	sld [smem:$0x3F9B]  }
0x1a: {  	s8 =	sadd.s32 $0xFFFFE003, lr  }
0x1b: {  	s9 =	sadd.s32 $0xFFFFFEF7, lr;
	s5 =	simm.s32 $0xFFFFFFFF;
	p2 =	slt.u32 s8, $0xFFFFF086  }
0x1c: {  	p1 =	slt.u32 s9, $0xF7A;
	s5 =	simm.s32 @!p2 $0x0  }
0x1d: {  	s5 =	simm.s32 @p1 $0x1;
	p0 =	seq.s32 s7, s2  }
0x1e: {  	s7 =	smul.u32 @!p0 $0xF7A, s2;
	p2 =	seq.s32 @!p0 s5, $0x0  }
0x1f: {  	s9 =	smul.u32 $0xF7A, s1;
	s8 =	simm.s32 @!p0 $0x1BF5;
	p2 =	por !p2, p0  }
0x20: {  	[sflag:s8] =	ssyncset.s32 @!p0 $0xFFFFF086;
	s6 =	sadd.s32 @!p0 s3, s7;
	s7 =	simm.s32 @!p0 $0x108  }
0x21: {  	s3 =	sadd.s32 s3, s9;
	s6 =	sadd.s32 @!p0 $0x88, s6;
	s7 =	simm.s32 @p2 $0x1082  }
0x22: {  	[simem:s7], [sflag:s8] =	dma.local @!p0 [hbm:s6], $0xF7A  }
0x23: {  	s9 =	sor.u32 $0xD0000000, s2;
	s6 =	simm.s32 $0x108;
	_ =	swait.ge @!p0 [sflag:s8], $0x0  }
0x24: {  	s3 =	sadd.s32 $0x88, s3;
	s6 =	simm.s32 @!p1 $0x1082;
	[sflag:s4] =	ssyncset.s32 $0xFFFFF086  }
0x25: {  	[simem:s6], [sflag:s4] =	dma.local [hbm:s3], $0xF7A  }
0x26: {  	[smem:$0x3F9B] =	sst s1;
	(tag) =	ssettag s2;
	_ =	strace s9  }
0x27: {  	s1 =	sld [smem:$0x3FAB]  }
0x28: {  	s2 =	sld [smem:$0x3FAC]  }
0x29: {  	s4 =	sld [smem:$0x3FAE]  }
0x2a: {  	p0 =	seq.s32 s5, $0x0;
	s5 =	sld [smem:$0x3FAF]  }
0x2b: {  	s6 =	sld [smem:$0x3FB0]  }
0x2c: {  	s7 =	sld [smem:$0x3FB1]  }
0x2d: {  	s3 =	simm.s32 $0x108;
	s8 =	sld [smem:$0x3FB2]  }
0x2e: {  	s3 =	simm.s32 @!p0 $0x1082;
	s9 =	sld [smem:$0x3FB3]  }
0x2f: {  	lr =	sadd.s32 s0, s3;
	s0 =	sld [smem:$0x3FAA]  }
0x30: {  	s3 =	sld [smem:$0x3FAD]  }
0x31: {  	[smem:$0x3FB6] =	sst s10  }
0x32: {  	s10 =	sld [smem:$0x3FB4];
	_ =	sdelay $0x3  }
0x33: {  	p0 =	seq.s32 s10, $0x1;
	s10 =	sld [smem:$0x3FB6];
	_ =	sdelay $0x3  }
0x34: {  	[smem:$0x3FB6] =	sst s10  }
0x35: {  	s10 =	sld [smem:$0x3FB5];
	_ =	sdelay $0x3  }
0x36: {  	p1 =	seq.s32 s10, $0x1;
	s10 =	sld [smem:$0x3FB6];
	_ =	sdelay $0x3  }
0x37: {  	[smem:$0x3FB6] =	sst s10  }
0x38: {  	s10 =	sld [smem:$0x3FB7]  }
0x39: {  	_ = 	snop;
	(pc) =	sbr.ind lr, $3  }
0x3a: {  	_ = 	snop  }
0x3b: {  	_ = 	snop  }
0x3c: {  	p2 =	seq.s32 s10, $0x1;
	s10 =	sld [smem:$0x3FB6]  }
0x3d: {  	_ =	shalt  }
0x3e: {  	_ =	shalt  }
0x3f: {  	_ =	shalt  }
0x40: {  	_ =	shalt  }
0x41: {  	_ =	shalt  }
0x42: {  	_ =	shalt  }
0x43: {  	_ =	shalt  }
0x44: {  	_ =	shalt  }
0x45: {  	_ =	shalt  }
0x46: {  	_ =	shalt  }
0x47: {  	_ =	shalt  }
0x48: {  	_ =	shalt  }
0x49: {  	_ =	shalt  }
0x4a: {  	_ =	shalt  }
0x4b: {  	_ =	shalt  }
0x4c: {  	_ =	shalt  }
0x4d: {  	_ =	shalt  }
0x4e: {  	_ =	shalt  }
0x4f: {  	_ =	shalt  }
0x50: {  	_ =	shalt  }
0x51: {  	_ =	shalt  }
0x52: {  	_ =	shalt  }
0x53: {  	_ =	shalt  }
0x54: {  	_ =	shalt  }
0x55: {  	_ =	shalt  }
0x56: {  	_ =	shalt  }
0x57: {  	_ =	shalt  }
0x58: {  	_ =	shalt  }
0x59: {  	_ =	shalt  }
0x5a: {  	_ =	shalt  }
0x5b: {  	_ =	shalt  }
0x5c: {  	_ =	shalt  }
0x5d: {  	_ =	shalt  }
0x5e: {  	_ =	shalt  }
0x5f: {  	_ =	shalt  }
0x60: {  	_ =	shalt  }
0x61: {  	_ =	shalt  }
0x62: {  	_ =	shalt  }
0x63: {  	_ =	shalt  }
0x64: {  	_ =	shalt  }
0x65: {  	_ =	shalt  }
0x66: {  	_ =	shalt  }
0x67: {  	_ =	shalt  }
0x68: {  	_ =	shalt  }
0x69: {  	_ =	shalt  }
0x6a: {  	_ =	shalt  }
0x6b: {  	_ =	shalt  }
0x6c: {  	_ =	shalt  }
0x6d: {  	_ =	shalt  }
0x6e: {  	_ =	shalt  }
0x6f: {  	_ =	shalt  }
0x70: {  	_ =	shalt  }
0x71: {  	_ =	shalt  }
0x72: {  	_ =	shalt  }
0x73: {  	_ =	shalt  }
0x74: {  	_ =	shalt  }
0x75: {  	_ =	shalt  }
0x76: {  	_ =	shalt  }
0x77: {  	_ =	shalt  }
0x78: {  	_ =	shalt  }
0x79: {  	_ =	shalt  }
0x7a: {  	_ =	shalt  }
0x7b: {  	_ =	shalt  }
0x7c: {  	_ =	shalt  }
0x7d: {  	_ =	shalt  }
0x7e: {  	_ =	shalt  }
0x7f: {  	_ =	shalt  }
0x80: {  	_ =	shalt  }
0x81: {  	_ =	shalt  }
0x82: {  	_ =	shalt  }
0x83: {  	_ =	shalt  }
0x84: {  	_ =	shalt  }
0x85: {  	_ =	shalt  }
0x86: {  	_ =	shalt  }
0x87: {  	_ =	shalt  }
.Lfunc_end0:
.L_simem_size_0:
called_computation_lowered:
.L_overlay_start_0:
0x88: {  	s2 =	sld [smem:$0x3FD9]  }
0x89: {  	s3 =	sld [smem:$0x3FFE];
	_ =	sdelay $0x1  }
0x8a: {  	s1 =	srdreg.scid  }
0x8b: {  	s0 =	sand.u32 $0x1, s1  }
0x8c: {  	s16 =	sshll.u32 s0, $0xA;
	s2 =	sadd.s32 s3, s2  }
0x8d: {  	s2 =	sadd.s32 s2, s16  }
0x8e: {  	[smem:$0x3FC2] =	sst s2  }
0x8f: {  	_ = 	snop  }
0x90: {  	(tm) =	ssettm $0x1  }
0x91: {  	s17 =	sld [smem:$0x3FFB];
	_ =	sdelay $0x3  }
0x92: {  	_ =	strace s17  }
0x93: {  	s2 =	sld [smem:$0x3FFC];
	_ =	sdelay $0x3  }
0x94: {  	_ =	strace s2  }
0x95: {  	s2 =	sld [smem:$0x3FFD];
	_ =	sdelay $0x3  }
0x96: {  	_ =	strace s2  }
0x97: {  	_ =	strace $0x8FFFFFFF  }
0x98: {  	s18 =	sld [smem:$0x3FDB];
	_ =	sdelay $0x1  }
0x99: {  	s19 =	simm.s32 $_scs_section_size  }
0x9a: {  	s4 =	simm.s32 $_size__tile_overlayer_lowered;
	s5 =	simm.s32 $_tile_overlayer_lowered  }
0x9b: {  	s22 =	simm.s32 $0x1BFF;
	s21 =	sshll.u32 s5, $0x1;
	s2 =	sadd.s32 s19, s18  }
0x9c: {  	s6 =	simm.s32 $0x0;
	s20 =	sshll.u32 s4, $0x1;
	s4 =	sadd.s32 s21, s2  }
0x9d: {  	[timem:s6], [sflag:s22] =	dma.local [hbm:s4], s20  }
0x9e: {  	_ =	swait.ge [sflag:s22], s20  }
0x9f: {  	s3 =	ssub.s32 $0x0, s20;
	[sflag:s22] =	ssyncset.done $0x0  }
0xa0: {  	[sflag:s22] =	ssyncadd.s32 s3;
	_ =	sdelay $0x1  }
0xa1: {  	s23 =	simm.s32 $0x1B8B  }
0xa2: {  	_ =	swait.ge [sflag:s23], $0x1  }
0xa3: {  	[sflag:s23] =	ssyncset.done $0x0  }
0xa4: {  	s25 =	simm.s32 $0x1B8E;
	s24 =	sld [smem:$0x3FFE];
	[sflag:s23] =	ssyncadd.s32 $0xFFFFFFFF  }
0xa5: {  	s26 =	simm.s32 $execute0_lowered;
	[smem:$0x3FD2] =	sst s25  }
0xa6: {  	s4 =	sshll.u32 s26, $0x1;
	_ =	strace $0x80000046;
	[dreg:$0x1] =	wrdreg $0xFFFFFFFF  }
0xa7: {  	s28 =	simm.s32 $_size_execute0_lowered;
	s2 =	sadd.s32 s2, s4;
	[dreg:$0x0] =	wrdreg $0x0  }
0xa8: {  	s4 =	sshll.u32 s28, $0x1;
	[dreg:$0x2] =	wrdreg s2  }
0xa9: {  	[dreg:$0x3] =	wrdreg s4  }
0xaa: {  	[dreg:$0x4] =	wrdreg $0xC0  }
0xab: {  	_ =	task [dreg:s6], $0x5FFFF  }
0xac: {  	[dreg:$0x1] =	wrdreg $0xFFFFFFFF  }
0xad: {  	[dreg:$0x0] =	wrdreg $0x60  }
0xae: {  	[dreg:$0x2] =	wrdreg s24  }
0xaf: {  	[dreg:$0x3] =	wrdreg $0x10800  }
0xb0: {  	[dreg:$0x4] =	wrdreg $0x13000  }
0xb1: {  	[dreg:$0x5] =	wrdreg $0x15800  }
0xb2: {  	[dreg:$0x6] =	wrdreg $0x18000  }
0xb3: {  	[dreg:$0x7] =	wrdreg $0x9  }
0xb4: {  	_ =	task.clear_ibuf [dreg:s6], $0x8FFFF;
	_ =	strace $0x90000046  }
0xb5: {  	s29 =	simm.s32 $0x9;
	_ =	strace $0x80000048  }
0xb6: {  	_ =	swait.ge [sflag:s29], $0x1  }
0xb7: {  	[sflag:s29] =	ssyncadd.s32 $0xFFFFFFFF  }
0xb8: {  	_ =	strace $0x90000048  }
0xb9: {  	_ =	sfence  }
0xba: {  	s30 =	sld [smem:$0x0];
	_ =	sdelay $0x2  }
0xbb: {  	s31 =	sshll.u32 s1, $0xD;
	s1 =	sshrl.u32 s1, $0x2  }
0xbc: {  	s3 =	sand.u32 $0x4000, s31;
	s1 =	sadd.s32 s1, s30  }
0xbd: {  	s0 =	sor.u32 s3, s0;
	s1 =	sshll.u32 s1, $0x11  }
0xbe: {  	s0 =	sor.u32 s1, s0  }
0xbf: {  	s0 =	sadd.s32 $0x8F2B, s0  }
0xc0: {  	[sflag:s0] =	ssyncadd.remote.s32 $0x1  }
0xc1: {  	_ =	sfence.sel $0xFFFF  }
0xc2: {  	[dreg:$0x0] =	wrdreg $0xFFFFFFFF;
	(pc) =	sbr.abs _section_cstart, $3  }
0xc3: {  	[dreg:$0x1] =	wrdreg $0xFFFFFFFF  }
0xc4: {  	_ =	task.clear_ibuf [dreg:s6], $0x2FFFF;
	_ =	strace $0x9FFFFFFF  }
0xc5: {  	(tm) =	ssettm $0x7FFFFFFF  }
tec
execute0_lowered:
.L_overlay_start_1:
0x0: {  	(tag) =	ssettag $0x1  }
0x1: {  	s6 =	rddreg [dreg:$0x0]  }
0x2: {  	s1 =	rddreg [dreg:$0x1]  }
0x3: {  	s2 =	rddreg [dreg:$0x2];
	s0 =	stileid.u32  }
0x4: {  	s3 =	rddreg [dreg:$0x3];
	s7 =	smul.u32 $0x280, s0  }
0x5: {  	s4 =	rddreg [dreg:$0x4];
	s23 =	simm.s32 $0x0  }
0x6: {  	[smem:$0x7FF] =	sst s23;
	s8 =	sadd.s32 s7, s1  }
0x7: {  	_ =	strace $0x80000047;
	s19 =	sadd.s32 s7, s2;
	[dreg:$0x6] =	wrdreg s8  }
0x8: {  	s25 =	sadd.s32 s7, s3;
	[dreg:$0xb] =	wrdreg s19  }
0x9: {  	s9 =	sadd.s32 $0x80, s7;
	s31 =	sadd.s32 s7, s4;
	[dreg:$0x10] =	wrdreg s25  }
0xa: {  	s10 =	sadd.s32 $0x100, s7;
	s15 =	sadd.s32 s9, s1;
	[dreg:$0x15] =	wrdreg s31  }
0xb: {  	s11 =	sadd.s32 $0x180, s7;
	s16 =	sadd.s32 s10, s1;
	[dreg:$0x7] =	wrdreg s15  }
0xc: {  	s12 =	sadd.s32 $0x200, s7;
	s17 =	sadd.s32 s11, s1;
	[dreg:$0x8] =	wrdreg s16  }
0xd: {  	s18 =	sadd.s32 s12, s1;
	[dreg:$0x9] =	wrdreg s17  }
0xe: {  	s20 =	sadd.s32 s9, s2;
	[dreg:$0xa] =	wrdreg s18  }
0xf: {  	s21 =	sadd.s32 s10, s2;
	[dreg:$0xc] =	wrdreg s20  }
0x10: {  	s22 =	sadd.s32 s11, s2;
	[dreg:$0xd] =	wrdreg s21  }
0x11: {  	s24 =	sadd.s32 s12, s2;
	[dreg:$0xe] =	wrdreg s22  }
0x12: {  	s26 =	sadd.s32 s9, s3;
	[dreg:$0xf] =	wrdreg s24  }
0x13: {  	s28 =	sadd.s32 s10, s3;
	[dreg:$0x11] =	wrdreg s26  }
0x14: {  	s14 =	srdreg.scid;
	s29 =	sadd.s32 s11, s3;
	[dreg:$0x12] =	wrdreg s28  }
0x15: {  	s13 =	smul.u32 $0xA00, s0;
	s30 =	sadd.s32 s12, s3;
	[dreg:$0x13] =	wrdreg s29  }
0x16: {  	s14 =	sand.u32 $0x1, s14;
	s8 =	sadd.s32 s9, s4;
	[dreg:$0x14] =	wrdreg s30  }
0x17: {  	s5 =	ssub.s32 $0x2, s14;
	[dreg:$0x16] =	wrdreg s8;
	s16 =	sadd.s32 s10, s4  }
0x18: {  	s13 =	sadd.s32 s13, s6;
	s17 =	sadd.s32 s11, s4;
	[dreg:$0x17] =	wrdreg s16  }
0x19: {  	s9 =	sshrl.u32 s5, $0x1;
	s18 =	sadd.s32 s12, s4;
	[dreg:$0x18] =	wrdreg s17  }
0x1a: {  	s19 =	smul.u32 $0x2800, s14;
	s20 =	sadd.s32 $0x16000, s13;
	[dreg:$0x19] =	wrdreg s18  }
0x1b: {  	s21 =	smul.u32 $0x500, s14;
	s22 =	sadd.s32 $0x2000, s13;
	[smem:$0x7F9] =	sst s20  }
0x1c: {  	s7 =	ssub.s32 s5, s9;
	[smem:$0x7FA] =	sst s22;
	s9 =	sshrl.u32 s19, $0x3  }
0x1d: {  	s15 =	smul.u32 $0xA000, s14;
	[dreg:$0x1e] =	wrdreg s21;
	s25 =	sadd.s32 $0x100, s9  }
0x1e: {  	p0 =	sne.s32 s0, $0x0;
	s28 =	sadd.s32 $0x200, s9;
	[dreg:$0x1f] =	wrdreg s25  }
0x1f: {  	s15 =	sshrl.u32 s15, $0x3;
	s30 =	sadd.s32 $0x300, s9;
	[smem:$0x7FB] =	sst s28  }
0x20: {  	s9 =	sadd.s32 $0x400, s9;
	s15 =	sadd.s32 s15, s6;
	[smem:$0x7FC] =	sst s30  }
0x21: {  	s14 =	simm.s32 $0x1000;
	[smem:$0x7FD] =	sst s9;
	s24 =	sadd.s32 $0x20000, s15  }
0x22: {  	s13 =	smax.u32 s7, $0x1;
	s26 =	sadd.s32 $0x20A00, s15;
	[dreg:$0x1a] =	wrdreg s24  }
0x23: {  	s17 =	simm.s32 $0x80;
	s29 =	sadd.s32 $0x20010, s15;
	[dreg:$0x1b] =	wrdreg s26  }
0x24: {  	s19 =	simm.s32 $0x1;
	s31 =	sadd.s32 $0x20A10, s15;
	[dreg:$0x1c] =	wrdreg s29  }
0x25: {  	v0 =	vimm.f32 $0.0e+00;
	v1 =	vimm.f32 $1.000000000e+00;
	s22 =	simm.s32 $0x2;
	s15 =	simm.s32 $0x3;
	[dreg:$0x1d] =	wrdreg s31  }
.LBB2_1:
0x26: {  	[tilespmem:$0x1000] =	vst v0  }
0x27: {  	[tilespmem:$0x1010] =	vst v0  }
0x28: {  	[tilespmem:$0x1020] =	vst v0  }
0x29: {  	[tilespmem:$0x1030] =	vst v0  }
0x2a: {  	[tilespmem:$0x1040] =	vst v0  }
0x2b: {  	[tilespmem:$0x1050] =	vst v0  }
0x2c: {  	[tilespmem:$0x1060] =	vst v0  }
0x2d: {  	s7 =	rddreg [dreg:$0x6];
	[tilespmem:$0x1070] =	vst v0  }
0x2e: {  	[spmem:s7] =	stream.linear.scatter [tilespmem:s14], [sflag:$0x3], $0x80, $0x38;
	[tilespmem:$0x1A80] =	vst v63  }
0x2f: {  	_ =	swait.ge [sflag:s15], $0x80  }
0x30: {  	[sflag:s15] =	ssyncset.done $0x0  }
0x31: {  	s25 =	rddreg [dreg:$0x7];
	[sflag:s15] =	ssyncadd.s32 $0xFFFFFF80  }
0x32: {  	[spmem:s25] =	stream.linear.scatter [tilespmem:s14], [sflag:$0x3], $0x80, $0x38;
	[tilespmem:$0x1A80] =	vst v63  }
0x33: {  	_ =	swait.ge [sflag:s15], $0x80  }
0x34: {  	[sflag:s15] =	ssyncset.done $0x0  }
0x35: {  	s26 =	rddreg [dreg:$0x8];
	[sflag:s15] =	ssyncadd.s32 $0xFFFFFF80  }
0x36: {  	[spmem:s26] =	stream.linear.scatter [tilespmem:s14], [sflag:$0x3], $0x80, $0x38;
	[tilespmem:$0x1A80] =	vst v63  }
0x37: {  	_ =	swait.ge [sflag:s15], $0x80  }
0x38: {  	[sflag:s15] =	ssyncset.done $0x0  }
0x39: {  	s28 =	rddreg [dreg:$0x9];
	[sflag:s15] =	ssyncadd.s32 $0xFFFFFF80  }
0x3a: {  	[spmem:s28] =	stream.linear.scatter [tilespmem:s14], [sflag:$0x3], $0x80, $0x38;
	[tilespmem:$0x1A80] =	vst v63  }
0x3b: {  	_ =	swait.ge [sflag:s15], $0x80  }
0x3c: {  	[sflag:s15] =	ssyncset.done $0x0  }
0x3d: {  	s29 =	rddreg [dreg:$0xa];
	[sflag:s15] =	ssyncadd.s32 $0xFFFFFF80  }
0x3e: {  	[spmem:s29] =	stream.linear.scatter [tilespmem:s14], [sflag:$0x3], $0x80, $0x38;
	[tilespmem:$0x1A80] =	vst v63  }
0x3f: {  	_ =	swait.ge [sflag:s15], $0x80  }
0x40: {  	[sflag:s15] =	ssyncset.done $0x0  }
0x41: {  	s30 =	rddreg [dreg:$0xb];
	[sflag:s15] =	ssyncadd.s32 $0xFFFFFF80  }
0x42: {  	[spmem:s30] =	stream.linear.scatter [tilespmem:s14], [sflag:$0x3], $0x80, $0x38;
	[tilespmem:$0x1A80] =	vst v63  }
0x43: {  	_ =	swait.ge [sflag:s15], $0x80  }
0x44: {  	[sflag:s15] =	ssyncset.done $0x0  }
0x45: {  	s31 =	rddreg [dreg:$0xc];
	[sflag:s15] =	ssyncadd.s32 $0xFFFFFF80  }
0x46: {  	[spmem:s31] =	stream.linear.scatter [tilespmem:s14], [sflag:$0x3], $0x80, $0x38;
	[tilespmem:$0x1A80] =	vst v63  }
0x47: {  	_ =	swait.ge [sflag:s15], $0x80  }
0x48: {  	[sflag:s15] =	ssyncset.done $0x0  }
0x49: {  	s0 =	rddreg [dreg:$0xd];
	[sflag:s15] =	ssyncadd.s32 $0xFFFFFF80  }
0x4a: {  	[spmem:s0] =	stream.linear.scatter [tilespmem:s14], [sflag:$0x3], $0x80, $0x38;
	[tilespmem:$0x1A80] =	vst v63  }
0x4b: {  	_ =	swait.ge [sflag:s15], $0x80  }
0x4c: {  	[sflag:s15] =	ssyncset.done $0x0  }
0x4d: {  	s5 =	rddreg [dreg:$0xe];
	[sflag:s15] =	ssyncadd.s32 $0xFFFFFF80  }
0x4e: {  	[spmem:s5] =	stream.linear.scatter [tilespmem:s14], [sflag:$0x3], $0x80, $0x38;
	[tilespmem:$0x1A80] =	vst v63  }
0x4f: {  	_ =	swait.ge [sflag:s15], $0x80  }
0x50: {  	[sflag:s15] =	ssyncset.done $0x0  }
0x51: {  	s6 =	rddreg [dreg:$0xf];
	[sflag:s15] =	ssyncadd.s32 $0xFFFFFF80  }
0x52: {  	[spmem:s6] =	stream.linear.scatter [tilespmem:s14], [sflag:$0x3], $0x80, $0x38;
	[tilespmem:$0x1A80] =	vst v63  }
0x53: {  	_ =	swait.ge [sflag:s15], $0x80  }
0x54: {  	[sflag:s15] =	ssyncset.done $0x0  }
0x55: {  	s8 =	rddreg [dreg:$0x10];
	[sflag:s15] =	ssyncadd.s32 $0xFFFFFF80  }
0x56: {  	[spmem:s8] =	stream.linear.scatter [tilespmem:s14], [sflag:$0x3], $0x80, $0x38;
	[tilespmem:$0x1A80] =	vst v63  }
0x57: {  	_ =	swait.ge [sflag:s15], $0x80  }
0x58: {  	[sflag:s15] =	ssyncset.done $0x0  }
0x59: {  	s9 =	rddreg [dreg:$0x11];
	[sflag:s15] =	ssyncadd.s32 $0xFFFFFF80  }
0x5a: {  	[spmem:s9] =	stream.linear.scatter [tilespmem:s14], [sflag:$0x3], $0x80, $0x38;
	[tilespmem:$0x1A80] =	vst v63  }
0x5b: {  	_ =	swait.ge [sflag:s15], $0x80  }
0x5c: {  	[sflag:s15] =	ssyncset.done $0x0  }
0x5d: {  	s10 =	rddreg [dreg:$0x12];
	[sflag:s15] =	ssyncadd.s32 $0xFFFFFF80  }
0x5e: {  	[spmem:s10] =	stream.linear.scatter [tilespmem:s14], [sflag:$0x3], $0x80, $0x38;
	[tilespmem:$0x1A80] =	vst v63  }
0x5f: {  	_ =	swait.ge [sflag:s15], $0x80  }
0x60: {  	[sflag:s15] =	ssyncset.done $0x0  }
0x61: {  	s11 =	rddreg [dreg:$0x13];
	[sflag:s15] =	ssyncadd.s32 $0xFFFFFF80  }
0x62: {  	[spmem:s11] =	stream.linear.scatter [tilespmem:s14], [sflag:$0x3], $0x80, $0x38;
	[tilespmem:$0x1A80] =	vst v63  }
0x63: {  	_ =	swait.ge [sflag:s15], $0x80  }
0x64: {  	[sflag:s15] =	ssyncset.done $0x0  }
0x65: {  	s12 =	rddreg [dreg:$0x14];
	[sflag:s15] =	ssyncadd.s32 $0xFFFFFF80  }
0x66: {  	[spmem:s12] =	stream.linear.scatter [tilespmem:s14], [sflag:$0x3], $0x80, $0x38;
	[tilespmem:$0x1A80] =	vst v63  }
0x67: {  	_ =	swait.ge [sflag:s15], $0x80  }
0x68: {  	[sflag:s15] =	ssyncset.done $0x0  }
0x69: {  	s16 =	rddreg [dreg:$0x15];
	[sflag:s15] =	ssyncadd.s32 $0xFFFFFF80  }
0x6a: {  	[spmem:s16] =	stream.linear.scatter [tilespmem:s14], [sflag:$0x3], $0x80, $0x38;
	[tilespmem:$0x1A80] =	vst v63  }
0x6b: {  	_ =	swait.ge [sflag:s15], $0x80  }
0x6c: {  	[sflag:s15] =	ssyncset.done $0x0  }
0x6d: {  	s18 =	rddreg [dreg:$0x16];
	[sflag:s15] =	ssyncadd.s32 $0xFFFFFF80  }
0x6e: {  	[spmem:s18] =	stream.linear.scatter [tilespmem:s14], [sflag:$0x3], $0x80, $0x38;
	[tilespmem:$0x1A80] =	vst v63  }
0x6f: {  	_ =	swait.ge [sflag:s15], $0x80  }
0x70: {  	[sflag:s15] =	ssyncset.done $0x0  }
0x71: {  	s20 =	rddreg [dreg:$0x17];
	[sflag:s15] =	ssyncadd.s32 $0xFFFFFF80  }
0x72: {  	[spmem:s20] =	stream.linear.scatter [tilespmem:s14], [sflag:$0x3], $0x80, $0x38;
	[tilespmem:$0x1A80] =	vst v63  }
0x73: {  	_ =	swait.ge [sflag:s15], $0x80  }
0x74: {  	[sflag:s15] =	ssyncset.done $0x0  }
0x75: {  	s21 =	rddreg [dreg:$0x18];
	[sflag:s15] =	ssyncadd.s32 $0xFFFFFF80  }
0x76: {  	[spmem:s21] =	stream.linear.scatter [tilespmem:s14], [sflag:$0x3], $0x80, $0x38;
	[tilespmem:$0x1A80] =	vst v63  }
0x77: {  	_ =	swait.ge [sflag:s15], $0x80  }
0x78: {  	[sflag:s15] =	ssyncset.done $0x0  }
0x79: {  	s24 =	rddreg [dreg:$0x19];
	[sflag:s15] =	ssyncadd.s32 $0xFFFFFF80  }
0x7a: {  	[spmem:s24] =	stream.linear.scatter [tilespmem:s14], [sflag:$0x3], $0x80, $0x38;
	[tilespmem:$0x1A80] =	vst v63  }
0x7b: {  	_ =	swait.ge [sflag:s15], $0x80  }
0x7c: {  	[sflag:s15] =	ssyncset.done $0x0  }
0x7d: {  	[sflag:s15] =	ssyncadd.s32 $0xFFFFFF80  }
0x7e: {  	[bflag:$0x0] =	sbarrier.arrive $0xFFFF  }
0x7f: {  	[tilespmem:$0x1000] =	vst v1  }
0x80: {  	[tilespmem:$0x1010] =	vst v1  }
0x81: {  	[tilespmem:$0x1020] =	vst v1  }
0x82: {  	[tilespmem:$0x1030] =	vst v1  }
0x83: {  	[tilespmem:$0x1040] =	vst v1;
	s8 =	sld [smem:$0x7F9]  }
0x84: {  	[tilespmem:$0x1050] =	vst v1  }
0x85: {  	[tilespmem:$0x1060] =	vst v1;
	s9 =	rddreg [dreg:$0x1e]  }
0x86: {  	[tilespmem:$0x1070] =	vst v1;
	s25 =	sadd.s32 s9, s8  }
0x87: {  	[tilespmem:s23], [sflag:$0x3] =	stream.linear.gather [hbm4b:s25+s23], $0x800, $0x38;
	[tilespmem:$0x1A80] =	vst v63  }
0x88: {  	_ =	swait.ge [sflag:s15], $0x800  }
0x89: {  	s16 =	sld [smem:$0x7FA];
	_ =	sdelay $0x1  }
0x8a: {  	[sflag:s15] =	ssyncset.done $0x0  }
0x8b: {  	s5 =	simm.s32 $0x800;
	[sflag:s15] =	ssyncadd.s32 $0xFFFFF800;
	s26 =	sadd.s32 s9, s16  }
0x8c: {  	[tilespmem:s5], [sflag:$0x3] =	stream.linear.gather [hbm4b:s26+s23], $0x800, $0x38;
	[tilespmem:$0x1A80] =	vst v63  }
0x8d: {  	_ =	swait.ge [sflag:s15], $0x800  }
0x8e: {  	[sflag:s15] =	ssyncset.done $0x0  }
0x8f: {  	[sflag:s15] =	ssyncadd.s32 $0xFFFFF800  }
0x90: {  	[spmem:s1] =	stream.indirect.scatter.add.f32 [tilespmem:s14], [sflag:$0x1], $0x1, s23, s17, $0xb8;
	[tilespmem:$0x1A80] =	vst v63  }
0x91: {  	_ = 	snop  }
0x92: {  	[spmem:s2] =	stream.indirect.scatter.add.f32 [tilespmem:s14], [sflag:$0x1], $0x1, s5, s17, $0xb8;
	[tilespmem:$0x1A80] =	vst v63  }
0x93: {  	_ = 	snop  }
0x94: {  	[spmem:s3] =	stream.indirect.scatter.add.f32 [tilespmem:s14], [sflag:$0x2], $0x1, s17, s17, $0xb8;
	[tilespmem:$0x1A80] =	vst v63  }
0x95: {  	s0 =	simm.s32 $0x880  }
0x96: {  	[spmem:s4] =	stream.indirect.scatter.add.f32 [tilespmem:s14], [sflag:$0x2], $0x1, s0, s17, $0xb8;
	[tilespmem:$0x1A80] =	vst v63  }
0x97: {  	_ =	swait.ge [sflag:s19], $0x80  }
0x98: {  	[sflag:s19] =	ssyncset.done $0x0  }
0x99: {  	[sflag:s19] =	ssyncadd.s32 $0xFFFFFF80  }
0x9a: {  	_ =	swait.ge [sflag:s19], $0x80  }
0x9b: {  	[sflag:s19] =	ssyncset.done $0x0  }
0x9c: {  	s28 =	simm.s32 $0x100;
	[sflag:s19] =	ssyncadd.s32 $0xFFFFFF80  }
0x9d: {  	[spmem:s1] =	stream.indirect.scatter.add.f32 [tilespmem:s14], [sflag:$0x1], $0x1, s28, s17, $0xb8;
	[tilespmem:$0x1A80] =	vst v63  }
0x9e: {  	s29 =	simm.s32 $0x900  }
0x9f: {  	[spmem:s2] =	stream.indirect.scatter.add.f32 [tilespmem:s14], [sflag:$0x1], $0x1, s29, s17, $0xb8;
	[tilespmem:$0x1A80] =	vst v63  }
0xa0: {  	_ =	swait.ge [sflag:s22], $0x80  }
0xa1: {  	[sflag:s22] =	ssyncset.done $0x0  }
0xa2: {  	[sflag:s22] =	ssyncadd.s32 $0xFFFFFF80  }
0xa3: {  	_ =	swait.ge [sflag:s22], $0x80  }
0xa4: {  	[sflag:s22] =	ssyncset.done $0x0  }
0xa5: {  	s30 =	simm.s32 $0x180;
	[sflag:s22] =	ssyncadd.s32 $0xFFFFFF80  }
0xa6: {  	[spmem:s3] =	stream.indirect.scatter.add.f32 [tilespmem:s14], [sflag:$0x2], $0x1, s30, s17, $0xb8;
	[tilespmem:$0x1A80] =	vst v63  }
0xa7: {  	s31 =	simm.s32 $0x980  }
0xa8: {  	[spmem:s4] =	stream.indirect.scatter.add.f32 [tilespmem:s14], [sflag:$0x2], $0x1, s31, s17, $0xb8;
	[tilespmem:$0x1A80] =	vst v63  }
0xa9: {  	_ =	swait.ge [sflag:s19], $0x80  }
0xaa: {  	[sflag:s19] =	ssyncset.done $0x0  }
0xab: {  	[sflag:s19] =	ssyncadd.s32 $0xFFFFFF80  }
0xac: {  	_ =	swait.ge [sflag:s19], $0x80  }
0xad: {  	[sflag:s19] =	ssyncset.done $0x0  }
0xae: {  	s7 =	simm.s32 $0x200;
	[sflag:s19] =	ssyncadd.s32 $0xFFFFFF80  }
0xaf: {  	[spmem:s1] =	stream.indirect.scatter.add.f32 [tilespmem:s14], [sflag:$0x1], $0x1, s7, s17, $0xb8;
	[tilespmem:$0x1A80] =	vst v63  }
0xb0: {  	s9 =	simm.s32 $0xA00  }
0xb1: {  	[spmem:s2] =	stream.indirect.scatter.add.f32 [tilespmem:s14], [sflag:$0x1], $0x1, s9, s17, $0xb8;
	[tilespmem:$0x1A80] =	vst v63  }
0xb2: {  	_ =	swait.ge [sflag:s22], $0x80  }
0xb3: {  	[sflag:s22] =	ssyncset.done $0x0  }
0xb4: {  	[sflag:s22] =	ssyncadd.s32 $0xFFFFFF80  }
0xb5: {  	_ =	swait.ge [sflag:s22], $0x80  }
0xb6: {  	[sflag:s22] =	ssyncset.done $0x0  }
0xb7: {  	s11 =	simm.s32 $0x280;
	[sflag:s22] =	ssyncadd.s32 $0xFFFFFF80  }
0xb8: {  	[spmem:s3] =	stream.indirect.scatter.add.f32 [tilespmem:s14], [sflag:$0x2], $0x1, s11, s17, $0xb8;
	[tilespmem:$0x1A80] =	vst v63  }
0xb9: {  	s12 =	simm.s32 $0xA80  }
0xba: {  	[spmem:s4] =	stream.indirect.scatter.add.f32 [tilespmem:s14], [sflag:$0x2], $0x1, s12, s17, $0xb8;
	[tilespmem:$0x1A80] =	vst v63  }
0xbb: {  	_ =	swait.ge [sflag:s19], $0x80  }
0xbc: {  	[sflag:s19] =	ssyncset.done $0x0  }
0xbd: {  	[sflag:s19] =	ssyncadd.s32 $0xFFFFFF80  }
0xbe: {  	_ =	swait.ge [sflag:s19], $0x80  }
0xbf: {  	[sflag:s19] =	ssyncset.done $0x0  }
0xc0: {  	s18 =	simm.s32 $0x300;
	[sflag:s19] =	ssyncadd.s32 $0xFFFFFF80  }
0xc1: {  	[spmem:s1] =	stream.indirect.scatter.add.f32 [tilespmem:s14], [sflag:$0x1], $0x1, s18, s17, $0xb8;
	[tilespmem:$0x1A80] =	vst v63  }
0xc2: {  	s20 =	simm.s32 $0xB00  }
0xc3: {  	[spmem:s2] =	stream.indirect.scatter.add.f32 [tilespmem:s14], [sflag:$0x1], $0x1, s20, s17, $0xb8;
	[tilespmem:$0x1A80] =	vst v63  }
0xc4: {  	_ =	swait.ge [sflag:s22], $0x80  }
0xc5: {  	[sflag:s22] =	ssyncset.done $0x0  }
0xc6: {  	[sflag:s22] =	ssyncadd.s32 $0xFFFFFF80  }
0xc7: {  	_ =	swait.ge [sflag:s22], $0x80  }
0xc8: {  	[sflag:s22] =	ssyncset.done $0x0  }
0xc9: {  	s21 =	simm.s32 $0x380;
	[sflag:s22] =	ssyncadd.s32 $0xFFFFFF80  }
0xca: {  	[spmem:s3] =	stream.indirect.scatter.add.f32 [tilespmem:s14], [sflag:$0x2], $0x1, s21, s17, $0xb8;
	[tilespmem:$0x1A80] =	vst v63  }
0xcb: {  	s24 =	simm.s32 $0xB80  }
0xcc: {  	[spmem:s4] =	stream.indirect.scatter.add.f32 [tilespmem:s14], [sflag:$0x2], $0x1, s24, s17, $0xb8;
	[tilespmem:$0x1A80] =	vst v63  }
0xcd: {  	_ =	swait.ge [sflag:s19], $0x80  }
0xce: {  	[sflag:s19] =	ssyncset.done $0x0  }
0xcf: {  	[sflag:s19] =	ssyncadd.s32 $0xFFFFFF80  }
0xd0: {  	_ =	swait.ge [sflag:s19], $0x80  }
0xd1: {  	[sflag:s19] =	ssyncset.done $0x0  }
0xd2: {  	s25 =	simm.s32 $0x400;
	[sflag:s19] =	ssyncadd.s32 $0xFFFFFF80  }
0xd3: {  	[spmem:s1] =	stream.indirect.scatter.add.f32 [tilespmem:s14], [sflag:$0x1], $0x1, s25, s17, $0xb8;
	[tilespmem:$0x1A80] =	vst v63  }
0xd4: {  	s26 =	simm.s32 $0xC00  }
0xd5: {  	[spmem:s2] =	stream.indirect.scatter.add.f32 [tilespmem:s14], [sflag:$0x1], $0x1, s26, s17, $0xb8;
	[tilespmem:$0x1A80] =	vst v63  }
0xd6: {  	_ =	swait.ge [sflag:s22], $0x80  }
0xd7: {  	[sflag:s22] =	ssyncset.done $0x0  }
0xd8: {  	[sflag:s22] =	ssyncadd.s32 $0xFFFFFF80  }
0xd9: {  	_ =	swait.ge [sflag:s22], $0x80  }
0xda: {  	[sflag:s22] =	ssyncset.done $0x0  }
0xdb: {  	s0 =	simm.s32 $0x480;
	[sflag:s22] =	ssyncadd.s32 $0xFFFFFF80  }
0xdc: {  	[spmem:s3] =	stream.indirect.scatter.add.f32 [tilespmem:s14], [sflag:$0x2], $0x1, s0, s17, $0xb8;
	[tilespmem:$0x1A80] =	vst v63  }
0xdd: {  	s9 =	simm.s32 $0xC80  }
0xde: {  	[spmem:s4] =	stream.indirect.scatter.add.f32 [tilespmem:s14], [sflag:$0x2], $0x1, s9, s17, $0xb8;
	[tilespmem:$0x1A80] =	vst v63  }
0xdf: {  	_ =	swait.ge [sflag:s19], $0x80  }
0xe0: {  	[sflag:s19] =	ssyncset.done $0x0  }
0xe1: {  	[sflag:s19] =	ssyncadd.s32 $0xFFFFFF80  }
0xe2: {  	_ =	swait.ge [sflag:s19], $0x80  }
0xe3: {  	[sflag:s19] =	ssyncset.done $0x0  }
0xe4: {  	s11 =	simm.s32 $0x500;
	[sflag:s19] =	ssyncadd.s32 $0xFFFFFF80  }
0xe5: {  	[spmem:s1] =	stream.indirect.scatter.add.f32 [tilespmem:s14], [sflag:$0x1], $0x1, s11, s17, $0xb8;
	[tilespmem:$0x1A80] =	vst v63  }
0xe6: {  	s12 =	simm.s32 $0xD00  }
0xe7: {  	[spmem:s2] =	stream.indirect.scatter.add.f32 [tilespmem:s14], [sflag:$0x1], $0x1, s12, s17, $0xb8;
	[tilespmem:$0x1A80] =	vst v63  }
0xe8: {  	_ =	swait.ge [sflag:s22], $0x80  }
0xe9: {  	[sflag:s22] =	ssyncset.done $0x0  }
0xea: {  	[sflag:s22] =	ssyncadd.s32 $0xFFFFFF80  }
0xeb: {  	_ =	swait.ge [sflag:s22], $0x80  }
0xec: {  	[sflag:s22] =	ssyncset.done $0x0  }
0xed: {  	s18 =	simm.s32 $0x580;
	[sflag:s22] =	ssyncadd.s32 $0xFFFFFF80  }
0xee: {  	[spmem:s3] =	stream.indirect.scatter.add.f32 [tilespmem:s14], [sflag:$0x2], $0x1, s18, s17, $0xb8;
	[tilespmem:$0x1A80] =	vst v63  }
0xef: {  	s20 =	simm.s32 $0xD80  }
0xf0: {  	[spmem:s4] =	stream.indirect.scatter.add.f32 [tilespmem:s14], [sflag:$0x2], $0x1, s20, s17, $0xb8;
	[tilespmem:$0x1A80] =	vst v63  }
0xf1: {  	_ =	swait.ge [sflag:s19], $0x80  }
0xf2: {  	[sflag:s19] =	ssyncset.done $0x0  }
0xf3: {  	[sflag:s19] =	ssyncadd.s32 $0xFFFFFF80  }
0xf4: {  	_ =	swait.ge [sflag:s19], $0x80  }
0xf5: {  	[sflag:s19] =	ssyncset.done $0x0  }
0xf6: {  	s21 =	simm.s32 $0x600;
	[sflag:s19] =	ssyncadd.s32 $0xFFFFFF80  }
0xf7: {  	[spmem:s1] =	stream.indirect.scatter.add.f32 [tilespmem:s14], [sflag:$0x1], $0x1, s21, s17, $0xb8;
	[tilespmem:$0x1A80] =	vst v63  }
0xf8: {  	s0 =	simm.s32 $0xE00  }
0xf9: {  	[spmem:s2] =	stream.indirect.scatter.add.f32 [tilespmem:s14], [sflag:$0x1], $0x1, s0, s17, $0xb8;
	[tilespmem:$0x1A80] =	vst v63  }
0xfa: {  	_ =	swait.ge [sflag:s22], $0x80  }
0xfb: {  	[sflag:s22] =	ssyncset.done $0x0  }
0xfc: {  	[sflag:s22] =	ssyncadd.s32 $0xFFFFFF80  }
0xfd: {  	_ =	swait.ge [sflag:s22], $0x80  }
0xfe: {  	[sflag:s22] =	ssyncset.done $0x0  }
0xff: {  	s9 =	simm.s32 $0x680;
	[sflag:s22] =	ssyncadd.s32 $0xFFFFFF80  }
0x100: {  	[spmem:s3] =	stream.indirect.scatter.add.f32 [tilespmem:s14], [sflag:$0x2], $0x1, s9, s17, $0xb8;
	[tilespmem:$0x1A80] =	vst v63  }
0x101: {  	s18 =	simm.s32 $0xE80  }
0x102: {  	[spmem:s4] =	stream.indirect.scatter.add.f32 [tilespmem:s14], [sflag:$0x2], $0x1, s18, s17, $0xb8;
	[tilespmem:$0x1A80] =	vst v63  }
0x103: {  	_ =	swait.ge [sflag:s19], $0x80  }
0x104: {  	[sflag:s19] =	ssyncset.done $0x0  }
0x105: {  	[sflag:s19] =	ssyncadd.s32 $0xFFFFFF80  }
0x106: {  	_ =	swait.ge [sflag:s19], $0x80  }
0x107: {  	[sflag:s19] =	ssyncset.done $0x0  }
0x108: {  	s20 =	simm.s32 $0x700;
	[sflag:s19] =	ssyncadd.s32 $0xFFFFFF80  }
0x109: {  	[spmem:s1] =	stream.indirect.scatter.add.f32 [tilespmem:s14], [sflag:$0x1], $0x1, s20, s17, $0xb8;
	[tilespmem:$0x1A80] =	vst v63  }
0x10a: {  	s21 =	simm.s32 $0xF00  }
0x10b: {  	[spmem:s2] =	stream.indirect.scatter.add.f32 [tilespmem:s14], [sflag:$0x1], $0x1, s21, s17, $0xb8;
	[tilespmem:$0x1A80] =	vst v63  }
0x10c: {  	_ =	swait.ge [sflag:s22], $0x80  }
0x10d: {  	[sflag:s22] =	ssyncset.done $0x0  }
0x10e: {  	[sflag:s22] =	ssyncadd.s32 $0xFFFFFF80  }
0x10f: {  	_ =	swait.ge [sflag:s22], $0x80  }
0x110: {  	[sflag:s22] =	ssyncset.done $0x0  }
0x111: {  	s0 =	simm.s32 $0x780;
	[sflag:s22] =	ssyncadd.s32 $0xFFFFFF80  }
0x112: {  	[spmem:s3] =	stream.indirect.scatter.add.f32 [tilespmem:s14], [sflag:$0x2], $0x1, s0, s17, $0xb8;
	[tilespmem:$0x1A80] =	vst v63  }
0x113: {  	s9 =	simm.s32 $0xF80  }
0x114: {  	[spmem:s4] =	stream.indirect.scatter.add.f32 [tilespmem:s14], [sflag:$0x2], $0x1, s9, s17, $0xb8;
	[tilespmem:$0x1A80] =	vst v63  }
0x115: {  	_ =	swait.ge [sflag:s19], $0x80  }
0x116: {  	[sflag:s19] =	ssyncset.done $0x0  }
0x117: {  	[sflag:s19] =	ssyncadd.s32 $0xFFFFFF80  }
0x118: {  	_ =	swait.ge [sflag:s19], $0x80  }
0x119: {  	[sflag:s19] =	ssyncset.done $0x0  }
0x11a: {  	[sflag:s19] =	ssyncadd.s32 $0xFFFFFF80  }
0x11b: {  	_ =	swait.ge [sflag:s22], $0x80  }
0x11c: {  	[sflag:s22] =	ssyncset.done $0x0  }
0x11d: {  	[sflag:s22] =	ssyncadd.s32 $0xFFFFFF80  }
0x11e: {  	_ =	swait.ge [sflag:s22], $0x80  }
0x11f: {  	[sflag:s22] =	ssyncset.done $0x0;
	s21 =	rddreg [dreg:$0x1f]  }
0x120: {  	[sflag:s22] =	ssyncadd.s32 $0xFFFFFF80;
	s0 =	sadd.s32 s21, s8  }
0x121: {  	[tilespmem:s23], [sflag:$0x3] =	stream.linear.gather [hbm4b:s0+s23], $0x800, $0x38;
	[tilespmem:$0x1A80] =	vst v63  }
0x122: {  	_ =	swait.ge [sflag:s15], $0x800  }
0x123: {  	[sflag:s15] =	ssyncset.done $0x0  }
0x124: {  	s21 =	sadd.s32 s21, s16;
	[sflag:s15] =	ssyncadd.s32 $0xFFFFF800  }
0x125: {  	[tilespmem:s5], [sflag:$0x3] =	stream.linear.gather [hbm4b:s21+s23], $0x800, $0x38;
	[tilespmem:$0x1A80] =	vst v63  }
0x126: {  	_ =	swait.ge [sflag:s15], $0x800  }
0x127: {  	[sflag:s15] =	ssyncset.done $0x0  }
0x128: {  	[sflag:s15] =	ssyncadd.s32 $0xFFFFF800  }
0x129: {  	[spmem:s1] =	stream.indirect.scatter.add.f32 [tilespmem:s14], [sflag:$0x1], $0x1, s23, s17, $0xb8;
	[tilespmem:$0x1A80] =	vst v63  }
0x12a: {  	_ = 	snop  }
0x12b: {  	[spmem:s2] =	stream.indirect.scatter.add.f32 [tilespmem:s14], [sflag:$0x1], $0x1, s5, s17, $0xb8;
	[tilespmem:$0x1A80] =	vst v63  }
0x12c: {  	_ = 	snop  }
0x12d: {  	[spmem:s3] =	stream.indirect.scatter.add.f32 [tilespmem:s14], [sflag:$0x2], $0x1, s17, s17, $0xb8;
	[tilespmem:$0x1A80] =	vst v63  }
0x12e: {  	s6 =	simm.s32 $0x880  }
0x12f: {  	[spmem:s4] =	stream.indirect.scatter.add.f32 [tilespmem:s14], [sflag:$0x2], $0x1, s6, s17, $0xb8;
	[tilespmem:$0x1A80] =	vst v63  }
0x130: {  	_ =	swait.ge [sflag:s19], $0x80  }
0x131: {  	[sflag:s19] =	ssyncset.done $0x0  }
0x132: {  	[sflag:s19] =	ssyncadd.s32 $0xFFFFFF80  }
0x133: {  	_ =	swait.ge [sflag:s19], $0x80  }
0x134: {  	[sflag:s19] =	ssyncset.done $0x0  }
0x135: {  	s28 =	simm.s32 $0x100;
	[sflag:s19] =	ssyncadd.s32 $0xFFFFFF80  }
0x136: {  	[spmem:s1] =	stream.indirect.scatter.add.f32 [tilespmem:s14], [sflag:$0x1], $0x1, s28, s17, $0xb8;
	[tilespmem:$0x1A80] =	vst v63  }
0x137: {  	s10 =	simm.s32 $0x900  }
0x138: {  	[spmem:s2] =	stream.indirect.scatter.add.f32 [tilespmem:s14], [sflag:$0x1], $0x1, s10, s17, $0xb8;
	[tilespmem:$0x1A80] =	vst v63  }
0x139: {  	_ =	swait.ge [sflag:s22], $0x80  }
0x13a: {  	[sflag:s22] =	ssyncset.done $0x0  }
0x13b: {  	[sflag:s22] =	ssyncadd.s32 $0xFFFFFF80  }
0x13c: {  	_ =	swait.ge [sflag:s22], $0x80  }
0x13d: {  	[sflag:s22] =	ssyncset.done $0x0  }
0x13e: {  	s29 =	simm.s32 $0x180;
	[sflag:s22] =	ssyncadd.s32 $0xFFFFFF80  }
0x13f: {  	[spmem:s3] =	stream.indirect.scatter.add.f32 [tilespmem:s14], [sflag:$0x2], $0x1, s29, s17, $0xb8;
	[tilespmem:$0x1A80] =	vst v63  }
0x140: {  	s21 =	simm.s32 $0x980  }
0x141: {  	[spmem:s4] =	stream.indirect.scatter.add.f32 [tilespmem:s14], [sflag:$0x2], $0x1, s21, s17, $0xb8;
	[tilespmem:$0x1A80] =	vst v63  }
0x142: {  	_ =	swait.ge [sflag:s19], $0x80  }
0x143: {  	[sflag:s19] =	ssyncset.done $0x0  }
0x144: {  	[sflag:s19] =	ssyncadd.s32 $0xFFFFFF80  }
0x145: {  	_ =	swait.ge [sflag:s19], $0x80  }
0x146: {  	[sflag:s19] =	ssyncset.done $0x0  }
0x147: {  	s28 =	simm.s32 $0x200;
	[sflag:s19] =	ssyncadd.s32 $0xFFFFFF80  }
0x148: {  	[spmem:s1] =	stream.indirect.scatter.add.f32 [tilespmem:s14], [sflag:$0x1], $0x1, s28, s17, $0xb8;
	[tilespmem:$0x1A80] =	vst v63  }
0x149: {  	s30 =	simm.s32 $0xA00  }
0x14a: {  	[spmem:s2] =	stream.indirect.scatter.add.f32 [tilespmem:s14], [sflag:$0x1], $0x1, s30, s17, $0xb8;
	[tilespmem:$0x1A80] =	vst v63  }
0x14b: {  	_ =	swait.ge [sflag:s22], $0x80  }
0x14c: {  	[sflag:s22] =	ssyncset.done $0x0  }
0x14d: {  	[sflag:s22] =	ssyncadd.s32 $0xFFFFFF80  }
0x14e: {  	_ =	swait.ge [sflag:s22], $0x80  }
0x14f: {  	[sflag:s22] =	ssyncset.done $0x0  }
0x150: {  	s29 =	simm.s32 $0x280;
	[sflag:s22] =	ssyncadd.s32 $0xFFFFFF80  }
0x151: {  	[spmem:s3] =	stream.indirect.scatter.add.f32 [tilespmem:s14], [sflag:$0x2], $0x1, s29, s17, $0xb8;
	[tilespmem:$0x1A80] =	vst v63  }
0x152: {  	s31 =	simm.s32 $0xA80  }
0x153: {  	[spmem:s4] =	stream.indirect.scatter.add.f32 [tilespmem:s14], [sflag:$0x2], $0x1, s31, s17, $0xb8;
	[tilespmem:$0x1A80] =	vst v63  }
0x154: {  	_ =	swait.ge [sflag:s19], $0x80  }
0x155: {  	[sflag:s19] =	ssyncset.done $0x0  }
0x156: {  	[sflag:s19] =	ssyncadd.s32 $0xFFFFFF80  }
0x157: {  	_ =	swait.ge [sflag:s19], $0x80  }
0x158: {  	[sflag:s19] =	ssyncset.done $0x0  }
0x159: {  	s30 =	simm.s32 $0x300;
	[sflag:s19] =	ssyncadd.s32 $0xFFFFFF80  }
0x15a: {  	[spmem:s1] =	stream.indirect.scatter.add.f32 [tilespmem:s14], [sflag:$0x1], $0x1, s30, s17, $0xb8;
	[tilespmem:$0x1A80] =	vst v63  }
0x15b: {  	s6 =	simm.s32 $0xB00  }
0x15c: {  	[spmem:s2] =	stream.indirect.scatter.add.f32 [tilespmem:s14], [sflag:$0x1], $0x1, s6, s17, $0xb8;
	[tilespmem:$0x1A80] =	vst v63  }
0x15d: {  	_ =	swait.ge [sflag:s22], $0x80  }
0x15e: {  	[sflag:s22] =	ssyncset.done $0x0  }
0x15f: {  	[sflag:s22] =	ssyncadd.s32 $0xFFFFFF80  }
0x160: {  	_ =	swait.ge [sflag:s22], $0x80  }
0x161: {  	[sflag:s22] =	ssyncset.done $0x0  }
0x162: {  	s31 =	simm.s32 $0x380;
	[sflag:s22] =	ssyncadd.s32 $0xFFFFFF80  }
0x163: {  	[spmem:s3] =	stream.indirect.scatter.add.f32 [tilespmem:s14], [sflag:$0x2], $0x1, s31, s17, $0xb8;
	[tilespmem:$0x1A80] =	vst v63  }
0x164: {  	s10 =	simm.s32 $0xB80  }
0x165: {  	[spmem:s4] =	stream.indirect.scatter.add.f32 [tilespmem:s14], [sflag:$0x2], $0x1, s10, s17, $0xb8;
	[tilespmem:$0x1A80] =	vst v63  }
0x166: {  	_ =	swait.ge [sflag:s19], $0x80  }
0x167: {  	[sflag:s19] =	ssyncset.done $0x0  }
0x168: {  	[sflag:s19] =	ssyncadd.s32 $0xFFFFFF80  }
0x169: {  	_ =	swait.ge [sflag:s19], $0x80  }
0x16a: {  	[sflag:s19] =	ssyncset.done $0x0  }
0x16b: {  	s0 =	simm.s32 $0x400;
	[sflag:s19] =	ssyncadd.s32 $0xFFFFFF80  }
0x16c: {  	[spmem:s1] =	stream.indirect.scatter.add.f32 [tilespmem:s14], [sflag:$0x1], $0x1, s0, s17, $0xb8;
	[tilespmem:$0x1A80] =	vst v63  }
0x16d: {  	s24 =	simm.s32 $0xC00  }
0x16e: {  	[spmem:s2] =	stream.indirect.scatter.add.f32 [tilespmem:s14], [sflag:$0x1], $0x1, s24, s17, $0xb8;
	[tilespmem:$0x1A80] =	vst v63  }
0x16f: {  	_ =	swait.ge [sflag:s22], $0x80  }
0x170: {  	[sflag:s22] =	ssyncset.done $0x0  }
0x171: {  	[sflag:s22] =	ssyncadd.s32 $0xFFFFFF80  }
0x172: {  	_ =	swait.ge [sflag:s22], $0x80  }
0x173: {  	[sflag:s22] =	ssyncset.done $0x0  }
0x174: {  	s24 =	simm.s32 $0x480;
	[sflag:s22] =	ssyncadd.s32 $0xFFFFFF80  }
0x175: {  	[spmem:s3] =	stream.indirect.scatter.add.f32 [tilespmem:s14], [sflag:$0x2], $0x1, s24, s17, $0xb8;
	[tilespmem:$0x1A80] =	vst v63  }
0x176: {  	s25 =	simm.s32 $0xC80  }
0x177: {  	[spmem:s4] =	stream.indirect.scatter.add.f32 [tilespmem:s14], [sflag:$0x2], $0x1, s25, s17, $0xb8;
	[tilespmem:$0x1A80] =	vst v63  }
0x178: {  	_ =	swait.ge [sflag:s19], $0x80  }
0x179: {  	[sflag:s19] =	ssyncset.done $0x0  }
0x17a: {  	[sflag:s19] =	ssyncadd.s32 $0xFFFFFF80  }
0x17b: {  	_ =	swait.ge [sflag:s19], $0x80  }
0x17c: {  	[sflag:s19] =	ssyncset.done $0x0  }
0x17d: {  	s25 =	simm.s32 $0x500;
	[sflag:s19] =	ssyncadd.s32 $0xFFFFFF80  }
0x17e: {  	[spmem:s1] =	stream.indirect.scatter.add.f32 [tilespmem:s14], [sflag:$0x1], $0x1, s25, s17, $0xb8;
	[tilespmem:$0x1A80] =	vst v63  }
0x17f: {  	s26 =	simm.s32 $0xD00  }
0x180: {  	[spmem:s2] =	stream.indirect.scatter.add.f32 [tilespmem:s14], [sflag:$0x1], $0x1, s26, s17, $0xb8;
	[tilespmem:$0x1A80] =	vst v63  }
0x181: {  	_ =	swait.ge [sflag:s22], $0x80  }
0x182: {  	[sflag:s22] =	ssyncset.done $0x0  }
0x183: {  	[sflag:s22] =	ssyncadd.s32 $0xFFFFFF80  }
0x184: {  	_ =	swait.ge [sflag:s22], $0x80  }
0x185: {  	[sflag:s22] =	ssyncset.done $0x0  }
0x186: {  	s9 =	simm.s32 $0x580;
	[sflag:s22] =	ssyncadd.s32 $0xFFFFFF80  }
0x187: {  	[spmem:s3] =	stream.indirect.scatter.add.f32 [tilespmem:s14], [sflag:$0x2], $0x1, s9, s17, $0xb8;
	[tilespmem:$0x1A80] =	vst v63  }
0x188: {  	s11 =	simm.s32 $0xD80  }
0x189: {  	[spmem:s4] =	stream.indirect.scatter.add.f32 [tilespmem:s14], [sflag:$0x2], $0x1, s11, s17, $0xb8;
	[tilespmem:$0x1A80] =	vst v63  }
0x18a: {  	_ =	swait.ge [sflag:s19], $0x80  }
0x18b: {  	[sflag:s19] =	ssyncset.done $0x0  }
0x18c: {  	[sflag:s19] =	ssyncadd.s32 $0xFFFFFF80  }
0x18d: {  	_ =	swait.ge [sflag:s19], $0x80  }
0x18e: {  	[sflag:s19] =	ssyncset.done $0x0  }
0x18f: {  	s11 =	simm.s32 $0x600;
	[sflag:s19] =	ssyncadd.s32 $0xFFFFFF80  }
0x190: {  	[spmem:s1] =	stream.indirect.scatter.add.f32 [tilespmem:s14], [sflag:$0x1], $0x1, s11, s17, $0xb8;
	[tilespmem:$0x1A80] =	vst v63  }
0x191: {  	s12 =	simm.s32 $0xE00  }
0x192: {  	[spmem:s2] =	stream.indirect.scatter.add.f32 [tilespmem:s14], [sflag:$0x1], $0x1, s12, s17, $0xb8;
	[tilespmem:$0x1A80] =	vst v63  }
0x193: {  	_ =	swait.ge [sflag:s22], $0x80  }
0x194: {  	[sflag:s22] =	ssyncset.done $0x0  }
0x195: {  	[sflag:s22] =	ssyncadd.s32 $0xFFFFFF80  }
0x196: {  	_ =	swait.ge [sflag:s22], $0x80  }
0x197: {  	[sflag:s22] =	ssyncset.done $0x0  }
0x198: {  	s12 =	simm.s32 $0x680;
	[sflag:s22] =	ssyncadd.s32 $0xFFFFFF80  }
0x199: {  	[spmem:s3] =	stream.indirect.scatter.add.f32 [tilespmem:s14], [sflag:$0x2], $0x1, s12, s17, $0xb8;
	[tilespmem:$0x1A80] =	vst v63  }
0x19a: {  	s18 =	simm.s32 $0xE80  }
0x19b: {  	[spmem:s4] =	stream.indirect.scatter.add.f32 [tilespmem:s14], [sflag:$0x2], $0x1, s18, s17, $0xb8;
	[tilespmem:$0x1A80] =	vst v63  }
0x19c: {  	_ =	swait.ge [sflag:s19], $0x80  }
0x19d: {  	[sflag:s19] =	ssyncset.done $0x0  }
0x19e: {  	[sflag:s19] =	ssyncadd.s32 $0xFFFFFF80  }
0x19f: {  	_ =	swait.ge [sflag:s19], $0x80  }
0x1a0: {  	[sflag:s19] =	ssyncset.done $0x0  }
0x1a1: {  	s18 =	simm.s32 $0x700;
	[sflag:s19] =	ssyncadd.s32 $0xFFFFFF80  }
0x1a2: {  	[spmem:s1] =	stream.indirect.scatter.add.f32 [tilespmem:s14], [sflag:$0x1], $0x1, s18, s17, $0xb8;
	[tilespmem:$0x1A80] =	vst v63  }
0x1a3: {  	s20 =	simm.s32 $0xF00  }
0x1a4: {  	[spmem:s2] =	stream.indirect.scatter.add.f32 [tilespmem:s14], [sflag:$0x1], $0x1, s20, s17, $0xb8;
	[tilespmem:$0x1A80] =	vst v63  }
0x1a5: {  	_ =	swait.ge [sflag:s22], $0x80  }
0x1a6: {  	[sflag:s22] =	ssyncset.done $0x0  }
0x1a7: {  	[sflag:s22] =	ssyncadd.s32 $0xFFFFFF80  }
0x1a8: {  	_ =	swait.ge [sflag:s22], $0x80  }
0x1a9: {  	[sflag:s22] =	ssyncset.done $0x0  }
0x1aa: {  	s20 =	simm.s32 $0x780;
	[sflag:s22] =	ssyncadd.s32 $0xFFFFFF80  }
0x1ab: {  	[spmem:s3] =	stream.indirect.scatter.add.f32 [tilespmem:s14], [sflag:$0x2], $0x1, s20, s17, $0xb8;
	[tilespmem:$0x1A80] =	vst v63  }
0x1ac: {  	s9 =	simm.s32 $0xF80  }
0x1ad: {  	[spmem:s4] =	stream.indirect.scatter.add.f32 [tilespmem:s14], [sflag:$0x2], $0x1, s9, s17, $0xb8;
	[tilespmem:$0x1A80] =	vst v63  }
0x1ae: {  	_ =	swait.ge [sflag:s19], $0x80  }
0x1af: {  	[sflag:s19] =	ssyncset.done $0x0  }
0x1b0: {  	[sflag:s19] =	ssyncadd.s32 $0xFFFFFF80  }
0x1b1: {  	_ =	swait.ge [sflag:s19], $0x80  }
0x1b2: {  	[sflag:s19] =	ssyncset.done $0x0  }
0x1b3: {  	[sflag:s19] =	ssyncadd.s32 $0xFFFFFF80  }
0x1b4: {  	_ =	swait.ge [sflag:s22], $0x80  }
0x1b5: {  	[sflag:s22] =	ssyncset.done $0x0  }
0x1b6: {  	[sflag:s22] =	ssyncadd.s32 $0xFFFFFF80  }
0x1b7: {  	_ =	swait.ge [sflag:s22], $0x80  }
0x1b8: {  	s9 =	sld [smem:$0x7FB];
	_ =	sdelay $0x1  }
0x1b9: {  	[sflag:s22] =	ssyncset.done $0x0  }
0x1ba: {  	[sflag:s22] =	ssyncadd.s32 $0xFFFFFF80;
	s7 =	sadd.s32 s9, s8  }
0x1bb: {  	[tilespmem:s23], [sflag:$0x3] =	stream.linear.gather [hbm4b:s7+s23], $0x800, $0x38;
	[tilespmem:$0x1A80] =	vst v63  }
0x1bc: {  	_ =	swait.ge [sflag:s15], $0x800  }
0x1bd: {  	[sflag:s15] =	ssyncset.done $0x0  }
0x1be: {  	s9 =	sadd.s32 s9, s16;
	[sflag:s15] =	ssyncadd.s32 $0xFFFFF800  }
0x1bf: {  	[tilespmem:s5], [sflag:$0x3] =	stream.linear.gather [hbm4b:s9+s23], $0x800, $0x38;
	[tilespmem:$0x1A80] =	vst v63  }
0x1c0: {  	_ =	swait.ge [sflag:s15], $0x800  }
0x1c1: {  	[sflag:s15] =	ssyncset.done $0x0  }
0x1c2: {  	[sflag:s15] =	ssyncadd.s32 $0xFFFFF800  }
0x1c3: {  	[spmem:s1] =	stream.indirect.scatter.add.f32 [tilespmem:s14], [sflag:$0x1], $0x1, s23, s17, $0xb8;
	[tilespmem:$0x1A80] =	vst v63  }
0x1c4: {  	_ = 	snop  }
0x1c5: {  	[spmem:s2] =	stream.indirect.scatter.add.f32 [tilespmem:s14], [sflag:$0x1], $0x1, s5, s17, $0xb8;
	[tilespmem:$0x1A80] =	vst v63  }
0x1c6: {  	_ = 	snop  }
0x1c7: {  	[spmem:s3] =	stream.indirect.scatter.add.f32 [tilespmem:s14], [sflag:$0x2], $0x1, s17, s17, $0xb8;
	[tilespmem:$0x1A80] =	vst v63  }
0x1c8: {  	s9 =	simm.s32 $0x880  }
0x1c9: {  	[spmem:s4] =	stream.indirect.scatter.add.f32 [tilespmem:s14], [sflag:$0x2], $0x1, s9, s17, $0xb8;
	[tilespmem:$0x1A80] =	vst v63  }
0x1ca: {  	_ =	swait.ge [sflag:s19], $0x80  }
0x1cb: {  	[sflag:s19] =	ssyncset.done $0x0  }
0x1cc: {  	[sflag:s19] =	ssyncadd.s32 $0xFFFFFF80  }
0x1cd: {  	_ =	swait.ge [sflag:s19], $0x80  }
0x1ce: {  	[sflag:s19] =	ssyncset.done $0x0  }
0x1cf: {  	s9 =	simm.s32 $0x100;
	[sflag:s19] =	ssyncadd.s32 $0xFFFFFF80  }
0x1d0: {  	[spmem:s1] =	stream.indirect.scatter.add.f32 [tilespmem:s14], [sflag:$0x1], $0x1, s9, s17, $0xb8;
	[tilespmem:$0x1A80] =	vst v63  }
0x1d1: {  	s9 =	simm.s32 $0x900  }
0x1d2: {  	[spmem:s2] =	stream.indirect.scatter.add.f32 [tilespmem:s14], [sflag:$0x1], $0x1, s9, s17, $0xb8;
	[tilespmem:$0x1A80] =	vst v63  }
0x1d3: {  	_ =	swait.ge [sflag:s22], $0x80  }
0x1d4: {  	[sflag:s22] =	ssyncset.done $0x0  }
0x1d5: {  	[sflag:s22] =	ssyncadd.s32 $0xFFFFFF80  }
0x1d6: {  	_ =	swait.ge [sflag:s22], $0x80  }
0x1d7: {  	[sflag:s22] =	ssyncset.done $0x0  }
0x1d8: {  	s9 =	simm.s32 $0x180;
	[sflag:s22] =	ssyncadd.s32 $0xFFFFFF80  }
0x1d9: {  	[spmem:s3] =	stream.indirect.scatter.add.f32 [tilespmem:s14], [sflag:$0x2], $0x1, s9, s17, $0xb8;
	[tilespmem:$0x1A80] =	vst v63  }
0x1da: {  	_ = 	snop  }
0x1db: {  	[spmem:s4] =	stream.indirect.scatter.add.f32 [tilespmem:s14], [sflag:$0x2], $0x1, s21, s17, $0xb8;
	[tilespmem:$0x1A80] =	vst v63  }
0x1dc: {  	_ =	swait.ge [sflag:s19], $0x80  }
0x1dd: {  	[sflag:s19] =	ssyncset.done $0x0  }
0x1de: {  	[sflag:s19] =	ssyncadd.s32 $0xFFFFFF80  }
0x1df: {  	_ =	swait.ge [sflag:s19], $0x80  }
0x1e0: {  	[sflag:s19] =	ssyncset.done $0x0  }
0x1e1: {  	[sflag:s19] =	ssyncadd.s32 $0xFFFFFF80  }
0x1e2: {  	[spmem:s1] =	stream.indirect.scatter.add.f32 [tilespmem:s14], [sflag:$0x1], $0x1, s28, s17, $0xb8;
	[tilespmem:$0x1A80] =	vst v63  }
0x1e3: {  	s9 =	simm.s32 $0xA00  }
0x1e4: {  	[spmem:s2] =	stream.indirect.scatter.add.f32 [tilespmem:s14], [sflag:$0x1], $0x1, s9, s17, $0xb8;
	[tilespmem:$0x1A80] =	vst v63  }
0x1e5: {  	_ =	swait.ge [sflag:s22], $0x80  }
0x1e6: {  	[sflag:s22] =	ssyncset.done $0x0  }
0x1e7: {  	[sflag:s22] =	ssyncadd.s32 $0xFFFFFF80  }
0x1e8: {  	_ =	swait.ge [sflag:s22], $0x80  }
0x1e9: {  	[sflag:s22] =	ssyncset.done $0x0  }
0x1ea: {  	[sflag:s22] =	ssyncadd.s32 $0xFFFFFF80  }
0x1eb: {  	[spmem:s3] =	stream.indirect.scatter.add.f32 [tilespmem:s14], [sflag:$0x2], $0x1, s29, s17, $0xb8;
	[tilespmem:$0x1A80] =	vst v63  }
0x1ec: {  	s28 =	simm.s32 $0xA80  }
0x1ed: {  	[spmem:s4] =	stream.indirect.scatter.add.f32 [tilespmem:s14], [sflag:$0x2], $0x1, s28, s17, $0xb8;
	[tilespmem:$0x1A80] =	vst v63  }
0x1ee: {  	_ =	swait.ge [sflag:s19], $0x80  }
0x1ef: {  	[sflag:s19] =	ssyncset.done $0x0  }
0x1f0: {  	[sflag:s19] =	ssyncadd.s32 $0xFFFFFF80  }
0x1f1: {  	_ =	swait.ge [sflag:s19], $0x80  }
0x1f2: {  	[sflag:s19] =	ssyncset.done $0x0  }
0x1f3: {  	[sflag:s19] =	ssyncadd.s32 $0xFFFFFF80  }
0x1f4: {  	[spmem:s1] =	stream.indirect.scatter.add.f32 [tilespmem:s14], [sflag:$0x1], $0x1, s30, s17, $0xb8;
	[tilespmem:$0x1A80] =	vst v63  }
0x1f5: {  	_ = 	snop  }
0x1f6: {  	[spmem:s2] =	stream.indirect.scatter.add.f32 [tilespmem:s14], [sflag:$0x1], $0x1, s6, s17, $0xb8;
	[tilespmem:$0x1A80] =	vst v63  }
0x1f7: {  	_ =	swait.ge [sflag:s22], $0x80  }
0x1f8: {  	[sflag:s22] =	ssyncset.done $0x0  }
0x1f9: {  	[sflag:s22] =	ssyncadd.s32 $0xFFFFFF80  }
0x1fa: {  	_ =	swait.ge [sflag:s22], $0x80  }
0x1fb: {  	[sflag:s22] =	ssyncset.done $0x0  }
0x1fc: {  	[sflag:s22] =	ssyncadd.s32 $0xFFFFFF80  }
0x1fd: {  	[spmem:s3] =	stream.indirect.scatter.add.f32 [tilespmem:s14], [sflag:$0x2], $0x1, s31, s17, $0xb8;
	[tilespmem:$0x1A80] =	vst v63  }
0x1fe: {  	_ = 	snop  }
0x1ff: {  	[spmem:s4] =	stream.indirect.scatter.add.f32 [tilespmem:s14], [sflag:$0x2], $0x1, s10, s17, $0xb8;
	[tilespmem:$0x1A80] =	vst v63  }
0x200: {  	_ =	swait.ge [sflag:s19], $0x80  }
0x201: {  	[sflag:s19] =	ssyncset.done $0x0  }
0x202: {  	[sflag:s19] =	ssyncadd.s32 $0xFFFFFF80  }
0x203: {  	_ =	swait.ge [sflag:s19], $0x80  }
0x204: {  	[sflag:s19] =	ssyncset.done $0x0  }
0x205: {  	[sflag:s19] =	ssyncadd.s32 $0xFFFFFF80  }
0x206: {  	[spmem:s1] =	stream.indirect.scatter.add.f32 [tilespmem:s14], [sflag:$0x1], $0x1, s0, s17, $0xb8;
	[tilespmem:$0x1A80] =	vst v63  }
0x207: {  	s7 =	simm.s32 $0xC00  }
0x208: {  	[spmem:s2] =	stream.indirect.scatter.add.f32 [tilespmem:s14], [sflag:$0x1], $0x1, s7, s17, $0xb8;
	[tilespmem:$0x1A80] =	vst v63  }
0x209: {  	_ =	swait.ge [sflag:s22], $0x80  }
0x20a: {  	[sflag:s22] =	ssyncset.done $0x0  }
0x20b: {  	[sflag:s22] =	ssyncadd.s32 $0xFFFFFF80  }
0x20c: {  	_ =	swait.ge [sflag:s22], $0x80  }
0x20d: {  	[sflag:s22] =	ssyncset.done $0x0  }
0x20e: {  	s24 =	simm.s32 $0x480;
	[sflag:s22] =	ssyncadd.s32 $0xFFFFFF80  }
0x20f: {  	[spmem:s3] =	stream.indirect.scatter.add.f32 [tilespmem:s14], [sflag:$0x2], $0x1, s24, s17, $0xb8;
	[tilespmem:$0x1A80] =	vst v63  }
0x210: {  	s9 =	simm.s32 $0xC80  }
0x211: {  	[spmem:s4] =	stream.indirect.scatter.add.f32 [tilespmem:s14], [sflag:$0x2], $0x1, s9, s17, $0xb8;
	[tilespmem:$0x1A80] =	vst v63  }
0x212: {  	_ =	swait.ge [sflag:s19], $0x80  }
0x213: {  	[sflag:s19] =	ssyncset.done $0x0  }
0x214: {  	[sflag:s19] =	ssyncadd.s32 $0xFFFFFF80  }
0x215: {  	_ =	swait.ge [sflag:s19], $0x80  }
0x216: {  	[sflag:s19] =	ssyncset.done $0x0  }
0x217: {  	s25 =	simm.s32 $0x500;
	[sflag:s19] =	ssyncadd.s32 $0xFFFFFF80  }
0x218: {  	[spmem:s1] =	stream.indirect.scatter.add.f32 [tilespmem:s14], [sflag:$0x1], $0x1, s25, s17, $0xb8;
	[tilespmem:$0x1A80] =	vst v63  }
0x219: {  	s7 =	simm.s32 $0xD00  }
0x21a: {  	[spmem:s2] =	stream.indirect.scatter.add.f32 [tilespmem:s14], [sflag:$0x1], $0x1, s7, s17, $0xb8;
	[tilespmem:$0x1A80] =	vst v63  }
0x21b: {  	_ =	swait.ge [sflag:s22], $0x80  }
0x21c: {  	[sflag:s22] =	ssyncset.done $0x0  }
0x21d: {  	[sflag:s22] =	ssyncadd.s32 $0xFFFFFF80  }
0x21e: {  	_ =	swait.ge [sflag:s22], $0x80  }
0x21f: {  	[sflag:s22] =	ssyncset.done $0x0  }
0x220: {  	s26 =	simm.s32 $0x580;
	[sflag:s22] =	ssyncadd.s32 $0xFFFFFF80  }
0x221: {  	[spmem:s3] =	stream.indirect.scatter.add.f32 [tilespmem:s14], [sflag:$0x2], $0x1, s26, s17, $0xb8;
	[tilespmem:$0x1A80] =	vst v63  }
0x222: {  	s9 =	simm.s32 $0xD80  }
0x223: {  	[spmem:s4] =	stream.indirect.scatter.add.f32 [tilespmem:s14], [sflag:$0x2], $0x1, s9, s17, $0xb8;
	[tilespmem:$0x1A80] =	vst v63  }
0x224: {  	_ =	swait.ge [sflag:s19], $0x80  }
0x225: {  	[sflag:s19] =	ssyncset.done $0x0  }
0x226: {  	[sflag:s19] =	ssyncadd.s32 $0xFFFFFF80  }
0x227: {  	_ =	swait.ge [sflag:s19], $0x80  }
0x228: {  	[sflag:s19] =	ssyncset.done $0x0  }
0x229: {  	s11 =	simm.s32 $0x600;
	[sflag:s19] =	ssyncadd.s32 $0xFFFFFF80  }
0x22a: {  	[spmem:s1] =	stream.indirect.scatter.add.f32 [tilespmem:s14], [sflag:$0x1], $0x1, s11, s17, $0xb8;
	[tilespmem:$0x1A80] =	vst v63  }
0x22b: {  	s11 =	simm.s32 $0xE00  }
0x22c: {  	[spmem:s2] =	stream.indirect.scatter.add.f32 [tilespmem:s14], [sflag:$0x1], $0x1, s11, s17, $0xb8;
	[tilespmem:$0x1A80] =	vst v63  }
0x22d: {  	_ =	swait.ge [sflag:s22], $0x80  }
0x22e: {  	[sflag:s22] =	ssyncset.done $0x0  }
0x22f: {  	[sflag:s22] =	ssyncadd.s32 $0xFFFFFF80  }
0x230: {  	_ =	swait.ge [sflag:s22], $0x80  }
0x231: {  	[sflag:s22] =	ssyncset.done $0x0  }
0x232: {  	s12 =	simm.s32 $0x680;
	[sflag:s22] =	ssyncadd.s32 $0xFFFFFF80  }
0x233: {  	[spmem:s3] =	stream.indirect.scatter.add.f32 [tilespmem:s14], [sflag:$0x2], $0x1, s12, s17, $0xb8;
	[tilespmem:$0x1A80] =	vst v63  }
0x234: {  	s7 =	simm.s32 $0xE80  }
0x235: {  	[spmem:s4] =	stream.indirect.scatter.add.f32 [tilespmem:s14], [sflag:$0x2], $0x1, s7, s17, $0xb8;
	[tilespmem:$0x1A80] =	vst v63  }
0x236: {  	_ =	swait.ge [sflag:s19], $0x80  }
0x237: {  	[sflag:s19] =	ssyncset.done $0x0  }
0x238: {  	[sflag:s19] =	ssyncadd.s32 $0xFFFFFF80  }
0x239: {  	_ =	swait.ge [sflag:s19], $0x80  }
0x23a: {  	[sflag:s19] =	ssyncset.done $0x0  }
0x23b: {  	s18 =	simm.s32 $0x700;
	[sflag:s19] =	ssyncadd.s32 $0xFFFFFF80  }
0x23c: {  	[spmem:s1] =	stream.indirect.scatter.add.f32 [tilespmem:s14], [sflag:$0x1], $0x1, s18, s17, $0xb8;
	[tilespmem:$0x1A80] =	vst v63  }
0x23d: {  	s9 =	simm.s32 $0xF00  }
0x23e: {  	[spmem:s2] =	stream.indirect.scatter.add.f32 [tilespmem:s14], [sflag:$0x1], $0x1, s9, s17, $0xb8;
	[tilespmem:$0x1A80] =	vst v63  }
0x23f: {  	_ =	swait.ge [sflag:s22], $0x80  }
0x240: {  	[sflag:s22] =	ssyncset.done $0x0  }
0x241: {  	[sflag:s22] =	ssyncadd.s32 $0xFFFFFF80  }
0x242: {  	_ =	swait.ge [sflag:s22], $0x80  }
0x243: {  	[sflag:s22] =	ssyncset.done $0x0  }
0x244: {  	s20 =	simm.s32 $0x780;
	[sflag:s22] =	ssyncadd.s32 $0xFFFFFF80  }
0x245: {  	[spmem:s3] =	stream.indirect.scatter.add.f32 [tilespmem:s14], [sflag:$0x2], $0x1, s20, s17, $0xb8;
	[tilespmem:$0x1A80] =	vst v63  }
0x246: {  	s11 =	simm.s32 $0xF80  }
0x247: {  	[spmem:s4] =	stream.indirect.scatter.add.f32 [tilespmem:s14], [sflag:$0x2], $0x1, s11, s17, $0xb8;
	[tilespmem:$0x1A80] =	vst v63  }
0x248: {  	_ =	swait.ge [sflag:s19], $0x80  }
0x249: {  	[sflag:s19] =	ssyncset.done $0x0  }
0x24a: {  	[sflag:s19] =	ssyncadd.s32 $0xFFFFFF80  }
0x24b: {  	_ =	swait.ge [sflag:s19], $0x80  }
0x24c: {  	[sflag:s19] =	ssyncset.done $0x0  }
0x24d: {  	[sflag:s19] =	ssyncadd.s32 $0xFFFFFF80  }
0x24e: {  	_ =	swait.ge [sflag:s22], $0x80  }
0x24f: {  	[sflag:s22] =	ssyncset.done $0x0  }
0x250: {  	[sflag:s22] =	ssyncadd.s32 $0xFFFFFF80  }
0x251: {  	_ =	swait.ge [sflag:s22], $0x80  }
0x252: {  	s12 =	sld [smem:$0x7FC];
	_ =	sdelay $0x1  }
0x253: {  	[sflag:s22] =	ssyncset.done $0x0  }
0x254: {  	[sflag:s22] =	ssyncadd.s32 $0xFFFFFF80;
	s0 =	sadd.s32 s12, s8  }
0x255: {  	[tilespmem:s23], [sflag:$0x3] =	stream.linear.gather [hbm4b:s0+s23], $0x800, $0x38;
	[tilespmem:$0x1A80] =	vst v63  }
0x256: {  	_ =	swait.ge [sflag:s15], $0x800  }
0x257: {  	[sflag:s15] =	ssyncset.done $0x0  }
0x258: {  	s11 =	sadd.s32 s12, s16;
	[sflag:s15] =	ssyncadd.s32 $0xFFFFF800  }
0x259: {  	[tilespmem:s5], [sflag:$0x3] =	stream.linear.gather [hbm4b:s11+s23], $0x800, $0x38;
	[tilespmem:$0x1A80] =	vst v63  }
0x25a: {  	_ =	swait.ge [sflag:s15], $0x800  }
0x25b: {  	[sflag:s15] =	ssyncset.done $0x0  }
0x25c: {  	[sflag:s15] =	ssyncadd.s32 $0xFFFFF800  }
0x25d: {  	[spmem:s1] =	stream.indirect.scatter.add.f32 [tilespmem:s14], [sflag:$0x1], $0x1, s23, s17, $0xb8;
	[tilespmem:$0x1A80] =	vst v63  }
0x25e: {  	_ = 	snop  }
0x25f: {  	[spmem:s2] =	stream.indirect.scatter.add.f32 [tilespmem:s14], [sflag:$0x1], $0x1, s5, s17, $0xb8;
	[tilespmem:$0x1A80] =	vst v63  }
0x260: {  	_ = 	snop  }
0x261: {  	[spmem:s3] =	stream.indirect.scatter.add.f32 [tilespmem:s14], [sflag:$0x2], $0x1, s17, s17, $0xb8;
	[tilespmem:$0x1A80] =	vst v63  }
0x262: {  	s12 =	simm.s32 $0x880  }
0x263: {  	[spmem:s4] =	stream.indirect.scatter.add.f32 [tilespmem:s14], [sflag:$0x2], $0x1, s12, s17, $0xb8;
	[tilespmem:$0x1A80] =	vst v63  }
0x264: {  	_ =	swait.ge [sflag:s19], $0x80  }
0x265: {  	[sflag:s19] =	ssyncset.done $0x0  }
0x266: {  	[sflag:s19] =	ssyncadd.s32 $0xFFFFFF80  }
0x267: {  	_ =	swait.ge [sflag:s19], $0x80  }
0x268: {  	[sflag:s19] =	ssyncset.done $0x0  }
0x269: {  	s7 =	simm.s32 $0x100;
	[sflag:s19] =	ssyncadd.s32 $0xFFFFFF80  }
0x26a: {  	[spmem:s1] =	stream.indirect.scatter.add.f32 [tilespmem:s14], [sflag:$0x1], $0x1, s7, s17, $0xb8;
	[tilespmem:$0x1A80] =	vst v63  }
0x26b: {  	s9 =	simm.s32 $0x900  }
0x26c: {  	[spmem:s2] =	stream.indirect.scatter.add.f32 [tilespmem:s14], [sflag:$0x1], $0x1, s9, s17, $0xb8;
	[tilespmem:$0x1A80] =	vst v63  }
0x26d: {  	_ =	swait.ge [sflag:s22], $0x80  }
0x26e: {  	[sflag:s22] =	ssyncset.done $0x0  }
0x26f: {  	[sflag:s22] =	ssyncadd.s32 $0xFFFFFF80  }
0x270: {  	_ =	swait.ge [sflag:s22], $0x80  }
0x271: {  	[sflag:s22] =	ssyncset.done $0x0  }
0x272: {  	s11 =	simm.s32 $0x180;
	[sflag:s22] =	ssyncadd.s32 $0xFFFFFF80  }
0x273: {  	[spmem:s3] =	stream.indirect.scatter.add.f32 [tilespmem:s14], [sflag:$0x2], $0x1, s11, s17, $0xb8;
	[tilespmem:$0x1A80] =	vst v63  }
0x274: {  	s12 =	simm.s32 $0x980  }
0x275: {  	[spmem:s4] =	stream.indirect.scatter.add.f32 [tilespmem:s14], [sflag:$0x2], $0x1, s12, s17, $0xb8;
	[tilespmem:$0x1A80] =	vst v63  }
0x276: {  	_ =	swait.ge [sflag:s19], $0x80  }
0x277: {  	[sflag:s19] =	ssyncset.done $0x0  }
0x278: {  	[sflag:s19] =	ssyncadd.s32 $0xFFFFFF80  }
0x279: {  	_ =	swait.ge [sflag:s19], $0x80  }
0x27a: {  	[sflag:s19] =	ssyncset.done $0x0  }
0x27b: {  	s21 =	simm.s32 $0x200;
	[sflag:s19] =	ssyncadd.s32 $0xFFFFFF80  }
0x27c: {  	[spmem:s1] =	stream.indirect.scatter.add.f32 [tilespmem:s14], [sflag:$0x1], $0x1, s21, s17, $0xb8;
	[tilespmem:$0x1A80] =	vst v63  }
0x27d: {  	s21 =	simm.s32 $0xA00  }
0x27e: {  	[spmem:s2] =	stream.indirect.scatter.add.f32 [tilespmem:s14], [sflag:$0x1], $0x1, s21, s17, $0xb8;
	[tilespmem:$0x1A80] =	vst v63  }
0x27f: {  	_ =	swait.ge [sflag:s22], $0x80  }
0x280: {  	[sflag:s22] =	ssyncset.done $0x0  }
0x281: {  	[sflag:s22] =	ssyncadd.s32 $0xFFFFFF80  }
0x282: {  	_ =	swait.ge [sflag:s22], $0x80  }
0x283: {  	[sflag:s22] =	ssyncset.done $0x0  }
0x284: {  	s29 =	simm.s32 $0x280;
	[sflag:s22] =	ssyncadd.s32 $0xFFFFFF80  }
0x285: {  	[spmem:s3] =	stream.indirect.scatter.add.f32 [tilespmem:s14], [sflag:$0x2], $0x1, s29, s17, $0xb8;
	[tilespmem:$0x1A80] =	vst v63  }
0x286: {  	s29 =	simm.s32 $0xA80  }
0x287: {  	[spmem:s4] =	stream.indirect.scatter.add.f32 [tilespmem:s14], [sflag:$0x2], $0x1, s29, s17, $0xb8;
	[tilespmem:$0x1A80] =	vst v63  }
0x288: {  	_ =	swait.ge [sflag:s19], $0x80  }
0x289: {  	[sflag:s19] =	ssyncset.done $0x0  }
0x28a: {  	[sflag:s19] =	ssyncadd.s32 $0xFFFFFF80  }
0x28b: {  	_ =	swait.ge [sflag:s19], $0x80  }
0x28c: {  	[sflag:s19] =	ssyncset.done $0x0  }
0x28d: {  	s30 =	simm.s32 $0x300;
	[sflag:s19] =	ssyncadd.s32 $0xFFFFFF80  }
0x28e: {  	[spmem:s1] =	stream.indirect.scatter.add.f32 [tilespmem:s14], [sflag:$0x1], $0x1, s30, s17, $0xb8;
	[tilespmem:$0x1A80] =	vst v63  }
0x28f: {  	s6 =	simm.s32 $0xB00  }
0x290: {  	[spmem:s2] =	stream.indirect.scatter.add.f32 [tilespmem:s14], [sflag:$0x1], $0x1, s6, s17, $0xb8;
	[tilespmem:$0x1A80] =	vst v63  }
0x291: {  	_ =	swait.ge [sflag:s22], $0x80  }
0x292: {  	[sflag:s22] =	ssyncset.done $0x0  }
0x293: {  	[sflag:s22] =	ssyncadd.s32 $0xFFFFFF80  }
0x294: {  	_ =	swait.ge [sflag:s22], $0x80  }
0x295: {  	[sflag:s22] =	ssyncset.done $0x0  }
0x296: {  	s31 =	simm.s32 $0x380;
	[sflag:s22] =	ssyncadd.s32 $0xFFFFFF80  }
0x297: {  	[spmem:s3] =	stream.indirect.scatter.add.f32 [tilespmem:s14], [sflag:$0x2], $0x1, s31, s17, $0xb8;
	[tilespmem:$0x1A80] =	vst v63  }
0x298: {  	s10 =	simm.s32 $0xB80  }
0x299: {  	[spmem:s4] =	stream.indirect.scatter.add.f32 [tilespmem:s14], [sflag:$0x2], $0x1, s10, s17, $0xb8;
	[tilespmem:$0x1A80] =	vst v63  }
0x29a: {  	_ =	swait.ge [sflag:s19], $0x80  }
0x29b: {  	[sflag:s19] =	ssyncset.done $0x0  }
0x29c: {  	[sflag:s19] =	ssyncadd.s32 $0xFFFFFF80  }
0x29d: {  	_ =	swait.ge [sflag:s19], $0x80  }
0x29e: {  	[sflag:s19] =	ssyncset.done $0x0  }
0x29f: {  	s28 =	simm.s32 $0x400;
	[sflag:s19] =	ssyncadd.s32 $0xFFFFFF80  }
0x2a0: {  	[spmem:s1] =	stream.indirect.scatter.add.f32 [tilespmem:s14], [sflag:$0x1], $0x1, s28, s17, $0xb8;
	[tilespmem:$0x1A80] =	vst v63  }
0x2a1: {  	s9 =	simm.s32 $0xC00  }
0x2a2: {  	[spmem:s2] =	stream.indirect.scatter.add.f32 [tilespmem:s14], [sflag:$0x1], $0x1, s9, s17, $0xb8;
	[tilespmem:$0x1A80] =	vst v63  }
0x2a3: {  	_ =	swait.ge [sflag:s22], $0x80  }
0x2a4: {  	[sflag:s22] =	ssyncset.done $0x0  }
0x2a5: {  	[sflag:s22] =	ssyncadd.s32 $0xFFFFFF80  }
0x2a6: {  	_ =	swait.ge [sflag:s22], $0x80  }
0x2a7: {  	[sflag:s22] =	ssyncset.done $0x0  }
0x2a8: {  	s24 =	simm.s32 $0x480;
	[sflag:s22] =	ssyncadd.s32 $0xFFFFFF80  }
0x2a9: {  	[spmem:s3] =	stream.indirect.scatter.add.f32 [tilespmem:s14], [sflag:$0x2], $0x1, s24, s17, $0xb8;
	[tilespmem:$0x1A80] =	vst v63  }
0x2aa: {  	s24 =	simm.s32 $0xC80  }
0x2ab: {  	[spmem:s4] =	stream.indirect.scatter.add.f32 [tilespmem:s14], [sflag:$0x2], $0x1, s24, s17, $0xb8;
	[tilespmem:$0x1A80] =	vst v63  }
0x2ac: {  	_ =	swait.ge [sflag:s19], $0x80  }
0x2ad: {  	[sflag:s19] =	ssyncset.done $0x0  }
0x2ae: {  	[sflag:s19] =	ssyncadd.s32 $0xFFFFFF80  }
0x2af: {  	_ =	swait.ge [sflag:s19], $0x80  }
0x2b0: {  	[sflag:s19] =	ssyncset.done $0x0  }
0x2b1: {  	s25 =	simm.s32 $0x500;
	[sflag:s19] =	ssyncadd.s32 $0xFFFFFF80  }
0x2b2: {  	[spmem:s1] =	stream.indirect.scatter.add.f32 [tilespmem:s14], [sflag:$0x1], $0x1, s25, s17, $0xb8;
	[tilespmem:$0x1A80] =	vst v63  }
0x2b3: {  	s25 =	simm.s32 $0xD00  }
0x2b4: {  	[spmem:s2] =	stream.indirect.scatter.add.f32 [tilespmem:s14], [sflag:$0x1], $0x1, s25, s17, $0xb8;
	[tilespmem:$0x1A80] =	vst v63  }
0x2b5: {  	_ =	swait.ge [sflag:s22], $0x80  }
0x2b6: {  	[sflag:s22] =	ssyncset.done $0x0  }
0x2b7: {  	[sflag:s22] =	ssyncadd.s32 $0xFFFFFF80  }
0x2b8: {  	_ =	swait.ge [sflag:s22], $0x80  }
0x2b9: {  	[sflag:s22] =	ssyncset.done $0x0  }
0x2ba: {  	s26 =	simm.s32 $0x580;
	[sflag:s22] =	ssyncadd.s32 $0xFFFFFF80  }
0x2bb: {  	[spmem:s3] =	stream.indirect.scatter.add.f32 [tilespmem:s14], [sflag:$0x2], $0x1, s26, s17, $0xb8;
	[tilespmem:$0x1A80] =	vst v63  }
0x2bc: {  	s26 =	simm.s32 $0xD80  }
0x2bd: {  	[spmem:s4] =	stream.indirect.scatter.add.f32 [tilespmem:s14], [sflag:$0x2], $0x1, s26, s17, $0xb8;
	[tilespmem:$0x1A80] =	vst v63  }
0x2be: {  	_ =	swait.ge [sflag:s19], $0x80  }
0x2bf: {  	[sflag:s19] =	ssyncset.done $0x0  }
0x2c0: {  	[sflag:s19] =	ssyncadd.s32 $0xFFFFFF80  }
0x2c1: {  	_ =	swait.ge [sflag:s19], $0x80  }
0x2c2: {  	[sflag:s19] =	ssyncset.done $0x0  }
0x2c3: {  	s31 =	simm.s32 $0x600;
	[sflag:s19] =	ssyncadd.s32 $0xFFFFFF80  }
0x2c4: {  	[spmem:s1] =	stream.indirect.scatter.add.f32 [tilespmem:s14], [sflag:$0x1], $0x1, s31, s17, $0xb8;
	[tilespmem:$0x1A80] =	vst v63  }
0x2c5: {  	s9 =	simm.s32 $0xE00  }
0x2c6: {  	[spmem:s2] =	stream.indirect.scatter.add.f32 [tilespmem:s14], [sflag:$0x1], $0x1, s9, s17, $0xb8;
	[tilespmem:$0x1A80] =	vst v63  }
0x2c7: {  	_ =	swait.ge [sflag:s22], $0x80  }
0x2c8: {  	[sflag:s22] =	ssyncset.done $0x0  }
0x2c9: {  	[sflag:s22] =	ssyncadd.s32 $0xFFFFFF80  }
0x2ca: {  	_ =	swait.ge [sflag:s22], $0x80  }
0x2cb: {  	[sflag:s22] =	ssyncset.done $0x0  }
0x2cc: {  	s31 =	simm.s32 $0x680;
	[sflag:s22] =	ssyncadd.s32 $0xFFFFFF80  }
0x2cd: {  	[spmem:s3] =	stream.indirect.scatter.add.f32 [tilespmem:s14], [sflag:$0x2], $0x1, s31, s17, $0xb8;
	[tilespmem:$0x1A80] =	vst v63  }
0x2ce: {  	s9 =	simm.s32 $0xE80  }
0x2cf: {  	[spmem:s4] =	stream.indirect.scatter.add.f32 [tilespmem:s14], [sflag:$0x2], $0x1, s9, s17, $0xb8;
	[tilespmem:$0x1A80] =	vst v63  }
0x2d0: {  	_ =	swait.ge [sflag:s19], $0x80  }
0x2d1: {  	[sflag:s19] =	ssyncset.done $0x0  }
0x2d2: {  	[sflag:s19] =	ssyncadd.s32 $0xFFFFFF80  }
0x2d3: {  	_ =	swait.ge [sflag:s19], $0x80  }
0x2d4: {  	[sflag:s19] =	ssyncset.done $0x0  }
0x2d5: {  	s18 =	simm.s32 $0x700;
	[sflag:s19] =	ssyncadd.s32 $0xFFFFFF80  }
0x2d6: {  	[spmem:s1] =	stream.indirect.scatter.add.f32 [tilespmem:s14], [sflag:$0x1], $0x1, s18, s17, $0xb8;
	[tilespmem:$0x1A80] =	vst v63  }
0x2d7: {  	s9 =	simm.s32 $0xF00  }
0x2d8: {  	[spmem:s2] =	stream.indirect.scatter.add.f32 [tilespmem:s14], [sflag:$0x1], $0x1, s9, s17, $0xb8;
	[tilespmem:$0x1A80] =	vst v63  }
0x2d9: {  	_ =	swait.ge [sflag:s22], $0x80  }
0x2da: {  	[sflag:s22] =	ssyncset.done $0x0  }
0x2db: {  	[sflag:s22] =	ssyncadd.s32 $0xFFFFFF80  }
0x2dc: {  	_ =	swait.ge [sflag:s22], $0x80  }
0x2dd: {  	[sflag:s22] =	ssyncset.done $0x0  }
0x2de: {  	s20 =	simm.s32 $0x780;
	[sflag:s22] =	ssyncadd.s32 $0xFFFFFF80  }
0x2df: {  	[spmem:s3] =	stream.indirect.scatter.add.f32 [tilespmem:s14], [sflag:$0x2], $0x1, s20, s17, $0xb8;
	[tilespmem:$0x1A80] =	vst v63  }
0x2e0: {  	s9 =	simm.s32 $0xF80  }
0x2e1: {  	[spmem:s4] =	stream.indirect.scatter.add.f32 [tilespmem:s14], [sflag:$0x2], $0x1, s9, s17, $0xb8;
	[tilespmem:$0x1A80] =	vst v63  }
0x2e2: {  	_ =	swait.ge [sflag:s19], $0x80  }
0x2e3: {  	[sflag:s19] =	ssyncset.done $0x0  }
0x2e4: {  	[sflag:s19] =	ssyncadd.s32 $0xFFFFFF80  }
0x2e5: {  	_ =	swait.ge [sflag:s19], $0x80  }
0x2e6: {  	[sflag:s19] =	ssyncset.done $0x0  }
0x2e7: {  	[sflag:s19] =	ssyncadd.s32 $0xFFFFFF80  }
0x2e8: {  	_ =	swait.ge [sflag:s22], $0x80  }
0x2e9: {  	[sflag:s22] =	ssyncset.done $0x0  }
0x2ea: {  	[sflag:s22] =	ssyncadd.s32 $0xFFFFFF80  }
0x2eb: {  	_ =	swait.ge [sflag:s22], $0x80  }
0x2ec: {  	s9 =	sld [smem:$0x7FD];
	_ =	sdelay $0x1  }
0x2ed: {  	[sflag:s22] =	ssyncset.done $0x0  }
0x2ee: {  	[sflag:s22] =	ssyncadd.s32 $0xFFFFFF80;
	s8 =	sadd.s32 s9, s8  }
0x2ef: {  	[tilespmem:s23], [sflag:$0x3] =	stream.linear.gather [hbm4b:s8+s23], $0x800, $0x38;
	[tilespmem:$0x1A80] =	vst v63  }
0x2f0: {  	_ =	swait.ge [sflag:s15], $0x800  }
0x2f1: {  	[sflag:s15] =	ssyncset.done $0x0  }
0x2f2: {  	s8 =	sadd.s32 s9, s16;
	[sflag:s15] =	ssyncadd.s32 $0xFFFFF800  }
0x2f3: {  	[tilespmem:s5], [sflag:$0x3] =	stream.linear.gather [hbm4b:s8+s23], $0x800, $0x38;
	[tilespmem:$0x1A80] =	vst v63  }
0x2f4: {  	_ =	swait.ge [sflag:s15], $0x800  }
0x2f5: {  	[sflag:s15] =	ssyncset.done $0x0  }
0x2f6: {  	[sflag:s15] =	ssyncadd.s32 $0xFFFFF800  }
0x2f7: {  	[spmem:s1] =	stream.indirect.scatter.add.f32 [tilespmem:s14], [sflag:$0x1], $0x1, s23, s17, $0xb8;
	[tilespmem:$0x1A80] =	vst v63  }
0x2f8: {  	_ = 	snop  }
0x2f9: {  	[spmem:s2] =	stream.indirect.scatter.add.f32 [tilespmem:s14], [sflag:$0x1], $0x1, s5, s17, $0xb8;
	[tilespmem:$0x1A80] =	vst v63  }
0x2fa: {  	_ = 	snop  }
0x2fb: {  	[spmem:s3] =	stream.indirect.scatter.add.f32 [tilespmem:s14], [sflag:$0x2], $0x1, s17, s17, $0xb8;
	[tilespmem:$0x1A80] =	vst v63  }
0x2fc: {  	s9 =	simm.s32 $0x880  }
0x2fd: {  	[spmem:s4] =	stream.indirect.scatter.add.f32 [tilespmem:s14], [sflag:$0x2], $0x1, s9, s17, $0xb8;
	[tilespmem:$0x1A80] =	vst v63  }
0x2fe: {  	_ =	swait.ge [sflag:s19], $0x80  }
0x2ff: {  	[sflag:s19] =	ssyncset.done $0x0  }
0x300: {  	[sflag:s19] =	ssyncadd.s32 $0xFFFFFF80  }
0x301: {  	_ =	swait.ge [sflag:s19], $0x80  }
0x302: {  	[sflag:s19] =	ssyncset.done $0x0  }
0x303: {  	s16 =	simm.s32 $0x100;
	[sflag:s19] =	ssyncadd.s32 $0xFFFFFF80  }
0x304: {  	[spmem:s1] =	stream.indirect.scatter.add.f32 [tilespmem:s14], [sflag:$0x1], $0x1, s16, s17, $0xb8;
	[tilespmem:$0x1A80] =	vst v63  }
0x305: {  	s7 =	simm.s32 $0x900  }
0x306: {  	[spmem:s2] =	stream.indirect.scatter.add.f32 [tilespmem:s14], [sflag:$0x1], $0x1, s7, s17, $0xb8;
	[tilespmem:$0x1A80] =	vst v63  }
0x307: {  	_ =	swait.ge [sflag:s22], $0x80  }
0x308: {  	[sflag:s22] =	ssyncset.done $0x0  }
0x309: {  	[sflag:s22] =	ssyncadd.s32 $0xFFFFFF80  }
0x30a: {  	_ =	swait.ge [sflag:s22], $0x80  }
0x30b: {  	[sflag:s22] =	ssyncset.done $0x0  }
0x30c: {  	s8 =	simm.s32 $0x180;
	[sflag:s22] =	ssyncadd.s32 $0xFFFFFF80  }
0x30d: {  	[spmem:s3] =	stream.indirect.scatter.add.f32 [tilespmem:s14], [sflag:$0x2], $0x1, s8, s17, $0xb8;
	[tilespmem:$0x1A80] =	vst v63  }
0x30e: {  	s12 =	simm.s32 $0x980  }
0x30f: {  	[spmem:s4] =	stream.indirect.scatter.add.f32 [tilespmem:s14], [sflag:$0x2], $0x1, s12, s17, $0xb8;
	[tilespmem:$0x1A80] =	vst v63  }
0x310: {  	_ =	swait.ge [sflag:s19], $0x80  }
0x311: {  	[sflag:s19] =	ssyncset.done $0x0  }
0x312: {  	[sflag:s19] =	ssyncadd.s32 $0xFFFFFF80  }
0x313: {  	_ =	swait.ge [sflag:s19], $0x80  }
0x314: {  	[sflag:s19] =	ssyncset.done $0x0  }
0x315: {  	s0 =	simm.s32 $0x200;
	[sflag:s19] =	ssyncadd.s32 $0xFFFFFF80  }
0x316: {  	[spmem:s1] =	stream.indirect.scatter.add.f32 [tilespmem:s14], [sflag:$0x1], $0x1, s0, s17, $0xb8;
	[tilespmem:$0x1A80] =	vst v63  }
0x317: {  	s9 =	simm.s32 $0xA00  }
0x318: {  	[spmem:s2] =	stream.indirect.scatter.add.f32 [tilespmem:s14], [sflag:$0x1], $0x1, s9, s17, $0xb8;
	[tilespmem:$0x1A80] =	vst v63  }
0x319: {  	_ =	swait.ge [sflag:s22], $0x80  }
0x31a: {  	[sflag:s22] =	ssyncset.done $0x0  }
0x31b: {  	[sflag:s22] =	ssyncadd.s32 $0xFFFFFF80  }
0x31c: {  	_ =	swait.ge [sflag:s22], $0x80  }
0x31d: {  	[sflag:s22] =	ssyncset.done $0x0  }
0x31e: {  	s11 =	simm.s32 $0x280;
	[sflag:s22] =	ssyncadd.s32 $0xFFFFFF80  }
0x31f: {  	[spmem:s3] =	stream.indirect.scatter.add.f32 [tilespmem:s14], [sflag:$0x2], $0x1, s11, s17, $0xb8;
	[tilespmem:$0x1A80] =	vst v63  }
0x320: {  	s12 =	simm.s32 $0xA80  }
0x321: {  	[spmem:s4] =	stream.indirect.scatter.add.f32 [tilespmem:s14], [sflag:$0x2], $0x1, s12, s17, $0xb8;
	[tilespmem:$0x1A80] =	vst v63  }
0x322: {  	_ =	swait.ge [sflag:s19], $0x80  }
0x323: {  	[sflag:s19] =	ssyncset.done $0x0  }
0x324: {  	[sflag:s19] =	ssyncadd.s32 $0xFFFFFF80  }
0x325: {  	_ =	swait.ge [sflag:s19], $0x80  }
0x326: {  	[sflag:s19] =	ssyncset.done $0x0  }
0x327: {  	s29 =	simm.s32 $0x300;
	[sflag:s19] =	ssyncadd.s32 $0xFFFFFF80  }
0x328: {  	[spmem:s1] =	stream.indirect.scatter.add.f32 [tilespmem:s14], [sflag:$0x1], $0x1, s29, s17, $0xb8;
	[tilespmem:$0x1A80] =	vst v63  }
0x329: {  	s21 =	simm.s32 $0xB00  }
0x32a: {  	[spmem:s2] =	stream.indirect.scatter.add.f32 [tilespmem:s14], [sflag:$0x1], $0x1, s21, s17, $0xb8;
	[tilespmem:$0x1A80] =	vst v63  }
0x32b: {  	_ =	swait.ge [sflag:s22], $0x80  }
0x32c: {  	[sflag:s22] =	ssyncset.done $0x0  }
0x32d: {  	[sflag:s22] =	ssyncadd.s32 $0xFFFFFF80  }
0x32e: {  	_ =	swait.ge [sflag:s22], $0x80  }
0x32f: {  	[sflag:s22] =	ssyncset.done $0x0  }
0x330: {  	s30 =	simm.s32 $0x380;
	[sflag:s22] =	ssyncadd.s32 $0xFFFFFF80  }
0x331: {  	[spmem:s3] =	stream.indirect.scatter.add.f32 [tilespmem:s14], [sflag:$0x2], $0x1, s30, s17, $0xb8;
	[tilespmem:$0x1A80] =	vst v63  }
0x332: {  	s6 =	simm.s32 $0xB80  }
0x333: {  	[spmem:s4] =	stream.indirect.scatter.add.f32 [tilespmem:s14], [sflag:$0x2], $0x1, s6, s17, $0xb8;
	[tilespmem:$0x1A80] =	vst v63  }
0x334: {  	_ =	swait.ge [sflag:s19], $0x80  }
0x335: {  	[sflag:s19] =	ssyncset.done $0x0  }
0x336: {  	[sflag:s19] =	ssyncadd.s32 $0xFFFFFF80  }
0x337: {  	_ =	swait.ge [sflag:s19], $0x80  }
0x338: {  	[sflag:s19] =	ssyncset.done $0x0  }
0x339: {  	s10 =	simm.s32 $0x400;
	[sflag:s19] =	ssyncadd.s32 $0xFFFFFF80  }
0x33a: {  	[spmem:s1] =	stream.indirect.scatter.add.f32 [tilespmem:s14], [sflag:$0x1], $0x1, s10, s17, $0xb8;
	[tilespmem:$0x1A80] =	vst v63  }
0x33b: {  	s16 =	simm.s32 $0xC00  }
0x33c: {  	[spmem:s2] =	stream.indirect.scatter.add.f32 [tilespmem:s14], [sflag:$0x1], $0x1, s16, s17, $0xb8;
	[tilespmem:$0x1A80] =	vst v63  }
0x33d: {  	_ =	swait.ge [sflag:s22], $0x80  }
0x33e: {  	[sflag:s22] =	ssyncset.done $0x0  }
0x33f: {  	[sflag:s22] =	ssyncadd.s32 $0xFFFFFF80  }
0x340: {  	_ =	swait.ge [sflag:s22], $0x80  }
0x341: {  	[sflag:s22] =	ssyncset.done $0x0  }
0x342: {  	s28 =	simm.s32 $0x480;
	[sflag:s22] =	ssyncadd.s32 $0xFFFFFF80  }
0x343: {  	[spmem:s3] =	stream.indirect.scatter.add.f32 [tilespmem:s14], [sflag:$0x2], $0x1, s28, s17, $0xb8;
	[tilespmem:$0x1A80] =	vst v63  }
0x344: {  	s21 =	simm.s32 $0xC80  }
0x345: {  	[spmem:s4] =	stream.indirect.scatter.add.f32 [tilespmem:s14], [sflag:$0x2], $0x1, s21, s17, $0xb8;
	[tilespmem:$0x1A80] =	vst v63  }
0x346: {  	_ =	swait.ge [sflag:s19], $0x80  }
0x347: {  	[sflag:s19] =	ssyncset.done $0x0  }
0x348: {  	[sflag:s19] =	ssyncadd.s32 $0xFFFFFF80  }
0x349: {  	_ =	swait.ge [sflag:s19], $0x80  }
0x34a: {  	[sflag:s19] =	ssyncset.done $0x0  }
0x34b: {  	s24 =	simm.s32 $0x500;
	[sflag:s19] =	ssyncadd.s32 $0xFFFFFF80  }
0x34c: {  	[spmem:s1] =	stream.indirect.scatter.add.f32 [tilespmem:s14], [sflag:$0x1], $0x1, s24, s17, $0xb8;
	[tilespmem:$0x1A80] =	vst v63  }
0x34d: {  	s24 =	simm.s32 $0xD00  }
0x34e: {  	[spmem:s2] =	stream.indirect.scatter.add.f32 [tilespmem:s14], [sflag:$0x1], $0x1, s24, s17, $0xb8;
	[tilespmem:$0x1A80] =	vst v63  }
0x34f: {  	_ =	swait.ge [sflag:s22], $0x80  }
0x350: {  	[sflag:s22] =	ssyncset.done $0x0  }
0x351: {  	[sflag:s22] =	ssyncadd.s32 $0xFFFFFF80  }
0x352: {  	_ =	swait.ge [sflag:s22], $0x80  }
0x353: {  	[sflag:s22] =	ssyncset.done $0x0  }
0x354: {  	s25 =	simm.s32 $0x580;
	[sflag:s22] =	ssyncadd.s32 $0xFFFFFF80  }
0x355: {  	[spmem:s3] =	stream.indirect.scatter.add.f32 [tilespmem:s14], [sflag:$0x2], $0x1, s25, s17, $0xb8;
	[tilespmem:$0x1A80] =	vst v63  }
0x356: {  	s25 =	simm.s32 $0xD80  }
0x357: {  	[spmem:s4] =	stream.indirect.scatter.add.f32 [tilespmem:s14], [sflag:$0x2], $0x1, s25, s17, $0xb8;
	[tilespmem:$0x1A80] =	vst v63  }
0x358: {  	_ =	swait.ge [sflag:s19], $0x80  }
0x359: {  	[sflag:s19] =	ssyncset.done $0x0  }
0x35a: {  	[sflag:s19] =	ssyncadd.s32 $0xFFFFFF80  }
0x35b: {  	_ =	swait.ge [sflag:s19], $0x80  }
0x35c: {  	[sflag:s19] =	ssyncset.done $0x0  }
0x35d: {  	s26 =	simm.s32 $0x600;
	[sflag:s19] =	ssyncadd.s32 $0xFFFFFF80  }
0x35e: {  	[spmem:s1] =	stream.indirect.scatter.add.f32 [tilespmem:s14], [sflag:$0x1], $0x1, s26, s17, $0xb8;
	[tilespmem:$0x1A80] =	vst v63  }
0x35f: {  	s28 =	simm.s32 $0xE00  }
0x360: {  	[spmem:s2] =	stream.indirect.scatter.add.f32 [tilespmem:s14], [sflag:$0x1], $0x1, s28, s17, $0xb8;
	[tilespmem:$0x1A80] =	vst v63  }
0x361: {  	_ =	swait.ge [sflag:s22], $0x80  }
0x362: {  	[sflag:s22] =	ssyncset.done $0x0  }
0x363: {  	[sflag:s22] =	ssyncadd.s32 $0xFFFFFF80  }
0x364: {  	_ =	swait.ge [sflag:s22], $0x80  }
0x365: {  	[sflag:s22] =	ssyncset.done $0x0  }
0x366: {  	s31 =	simm.s32 $0x680;
	[sflag:s22] =	ssyncadd.s32 $0xFFFFFF80  }
0x367: {  	[spmem:s3] =	stream.indirect.scatter.add.f32 [tilespmem:s14], [sflag:$0x2], $0x1, s31, s17, $0xb8;
	[tilespmem:$0x1A80] =	vst v63  }
0x368: {  	s29 =	simm.s32 $0xE80  }
0x369: {  	[spmem:s4] =	stream.indirect.scatter.add.f32 [tilespmem:s14], [sflag:$0x2], $0x1, s29, s17, $0xb8;
	[tilespmem:$0x1A80] =	vst v63  }
0x36a: {  	_ =	swait.ge [sflag:s19], $0x80  }
0x36b: {  	[sflag:s19] =	ssyncset.done $0x0  }
0x36c: {  	[sflag:s19] =	ssyncadd.s32 $0xFFFFFF80  }
0x36d: {  	_ =	swait.ge [sflag:s19], $0x80  }
0x36e: {  	[sflag:s19] =	ssyncset.done $0x0  }
0x36f: {  	s18 =	simm.s32 $0x700;
	[sflag:s19] =	ssyncadd.s32 $0xFFFFFF80  }
0x370: {  	[spmem:s1] =	stream.indirect.scatter.add.f32 [tilespmem:s14], [sflag:$0x1], $0x1, s18, s17, $0xb8;
	[tilespmem:$0x1A80] =	vst v63  }
0x371: {  	s30 =	simm.s32 $0xF00  }
0x372: {  	[spmem:s2] =	stream.indirect.scatter.add.f32 [tilespmem:s14], [sflag:$0x1], $0x1, s30, s17, $0xb8;
	[tilespmem:$0x1A80] =	vst v63  }
0x373: {  	_ =	swait.ge [sflag:s22], $0x80  }
0x374: {  	[sflag:s22] =	ssyncset.done $0x0  }
0x375: {  	[sflag:s22] =	ssyncadd.s32 $0xFFFFFF80  }
0x376: {  	_ =	swait.ge [sflag:s22], $0x80  }
0x377: {  	[sflag:s22] =	ssyncset.done $0x0  }
0x378: {  	s20 =	simm.s32 $0x780;
	[sflag:s22] =	ssyncadd.s32 $0xFFFFFF80  }
0x379: {  	[spmem:s3] =	stream.indirect.scatter.add.f32 [tilespmem:s14], [sflag:$0x2], $0x1, s20, s17, $0xb8;
	[tilespmem:$0x1A80] =	vst v63  }
0x37a: {  	s31 =	simm.s32 $0xF80  }
0x37b: {  	[spmem:s4] =	stream.indirect.scatter.add.f32 [tilespmem:s14], [sflag:$0x2], $0x1, s31, s17, $0xb8;
	[tilespmem:$0x1A80] =	vst v63  }
0x37c: {  	_ =	swait.ge [sflag:s19], $0x80  }
0x37d: {  	[sflag:s19] =	ssyncset.done $0x0  }
0x37e: {  	[sflag:s19] =	ssyncadd.s32 $0xFFFFFF80  }
0x37f: {  	_ =	swait.ge [sflag:s19], $0x80  }
0x380: {  	[sflag:s19] =	ssyncset.done $0x0  }
0x381: {  	[sflag:s19] =	ssyncadd.s32 $0xFFFFFF80  }
0x382: {  	_ =	swait.ge [sflag:s22], $0x80  }
0x383: {  	[sflag:s22] =	ssyncset.done $0x0  }
0x384: {  	[sflag:s22] =	ssyncadd.s32 $0xFFFFFF80  }
0x385: {  	_ =	swait.ge [sflag:s22], $0x80  }
0x386: {  	[sflag:s22] =	ssyncset.done $0x0  }
0x387: {  	s9 =	sshrl.u32 @!p0 s1, $0x3;
	[sflag:s22] =	ssyncadd.s32 $0xFFFFFF80  }
0x388: {  	s11 =	simm.s32 @!p0 $0x20;
	s12 =	simm.s32 @!p0 $0x10;
	[bflag:$0x0] =	sbarrier.arrive $0xFFFF  }
0x389: {  	s10 =	simm.s32 @!p0 $0x1;
	s18 =	simm.s32 @!p0 $0x1C03;
	s7 =	rddreg [dreg:$0x1a]  }
0x38a: {  	[hbm:s7@s11], [sflag:s18] =	dma.strided @!p0 [spmem:s9@s12], $0x500, s10, $0x10   }
0x38b: {  	s7 =	simm.s32 @!p0 $0x3  }
0x38c: {  	_ =	swait.ge @!p0 [sflag:s7], $0x500  }
0x38d: {  	[sflag:s7] =	ssyncset.done @!p0 $0x0  }
0x38e: {  	s20 =	sshrl.u32 @!p0 s2, $0x3;
	s9 =	rddreg [dreg:$0x1b];
	[sflag:s7] =	ssyncadd.s32 @!p0 $0xFFFFFB00  }
0x38f: {  	[hbm:s9@s11], [sflag:s18] =	dma.strided @!p0 [spmem:s20@s12], $0x500, s10, $0x10   }
0x390: {  	_ =	swait.ge @!p0 [sflag:s7], $0x500  }
0x391: {  	[sflag:s7] =	ssyncset.done @!p0 $0x0  }
0x392: {  	s20 =	sshrl.u32 @!p0 s3, $0x3;
	s9 =	rddreg [dreg:$0x1c];
	[sflag:s7] =	ssyncadd.s32 @!p0 $0xFFFFFB00  }
0x393: {  	[hbm:s9@s11], [sflag:s18] =	dma.strided @!p0 [spmem:s20@s12], $0x500, s10, $0x10   }
0x394: {  	s13 =	sadd.s32 $0xFFFFFFFF, s13;
	_ =	swait.ge @!p0 [sflag:s7], $0x500  }
0x395: {  	p1 =	sne.s32 s13, $0x0;
	s20 =	sshrl.u32 @!p0 s4, $0x3;
	[sflag:s7] =	ssyncset.done @!p0 $0x0  }
.Ltmp0:
0x396: {  	s9 =	rddreg [dreg:$0x1d];
	[sflag:s7] =	ssyncadd.s32 @!p0 $0xFFFFFB00;
	(pc) =	sbr.rel @p1 .LBB2_1-.Ltmp0, $4  }
0x397: {  	[hbm:s9@s11], [sflag:s18] =	dma.strided @!p0 [spmem:s20@s12], $0x500, s10, $0x10   }
0x398: {  	_ =	swait.ge @!p0 [sflag:s7], $0x500  }
0x399: {  	[sflag:s7] =	ssyncset.done @!p0 $0x0  }
0x39a: {  	[sflag:s7] =	ssyncadd.s32 @!p0 $0xFFFFFB00  }
0x39b: {  	_ =	sfence.sel $0x180000  }
0x39c: {  	[bflag:$0x0] =	sbarrier.arrive $0xFFFF  }
0x39d: {  	_ =	strace $0x90000047  }
0x39e: {  	[bflag:$0x2] =	sbarrier.arrive $0xFFFF  }
0x39f: {  	s0 =	rddreg [dreg:$0x5]  }
0x3a0: {  	s0 =	sadd.s32 @!p0 $0x100000, s0  }
0x3a1: {  	[sflag:s0] =	ssyncadd.tile.s32 @!p0 $0x1;
	_ =	shalt  }
.Lfunc_end2:
_tile_overlayer_lowered:
.L_overlay_start_2:
0x3a2: {  	(tag) =	ssettag $0x2  }
0x3a3: {  	s0 =	rddreg [dreg:$0x0];
	s2 =	stileid.u32  }
0x3a4: {  	s1 =	rddreg [dreg:$0x1];
	p0 =	sne.s32 s2, $0x0  }
0x3a5: {  	s3 =	rddreg [dreg:$0x2];
	[bflag:$0x3] =	sbarrier.arrive $0xFFFF;
	s2 =	simm.s32 @!p0 $0x1C03  }
0x3a6: {  	[timem:s3], [sflag:s2] =	dma.local @!p0 [hbm:s0], s1  }
0x3a7: {  	s0 =	simm.s32 @!p0 $0x3  }
0x3a8: {  	_ =	swait.ge @!p0 [sflag:s0], s1  }
0x3a9: {  	s1 =	ssub.s32 @!p0 $0x0, s1;
	[sflag:s0] =	ssyncset.done @!p0 $0x0  }
0x3aa: {  	[sflag:s0] =	ssyncadd.s32 @!p0 s1  }
0x3ab: {  	[bflag:$0x3] =	sbarrier.arrive $0xFFFF  }
0x3ac: {  	_ =	shalt  }

// kernel: kernel.9.cloned.1.call-start
scs
__scs_entry_jumppad:
0x0: {  	(pc) =	sbr.rel $0x88, $3  }
0x1: {  	(tag) =	ssettag $0x0;
	lr =	simm.s32 $0x1  }
0x2: {  	[smem:$0x3F9B] =	sst lr;
	_ =	strace $0xD0000000  }
0x3: {  	_ = 	snop  }
0x4: {  	_ = 	snop  }
0x5: {  	_ = 	snop  }
0x6: {  	_ = 	snop  }
0x7: {  	_ = 	snop  }
__scs_overlays_trampoline_lowered:
0x8: {  	[smem:$0x3FAA] =	sst s0  }
0x9: {  	[smem:$0x3FAB] =	sst s1  }
0xa: {  	[smem:$0x3FAC] =	sst s2  }
0xb: {  	[smem:$0x3FAD] =	sst s3  }
0xc: {  	[smem:$0x3FAE] =	sst s4  }
0xd: {  	[smem:$0x3FAF] =	sst s5  }
0xe: {  	[smem:$0x3FB0] =	sst s6  }
0xf: {  	[smem:$0x3FB1] =	sst s7  }
0x10: {  	[smem:$0x3FB2] =	sst s8  }
0x11: {  	[smem:$0x3FB3] =	sst s9;
	s0 =	simm.s32 @!p0 $0x0  }
0x12: {  	s1 =	sld [smem:$0x3F99];
	s0 =	simm.s32 @p0 $0x1  }
0x13: {  	[smem:$0x3FB4] =	sst s0;
	s0 =	simm.s32 @!p1 $0x0  }
0x14: {  	s2 =	sld [smem:$0x3F98];
	s0 =	simm.s32 @p1 $0x1  }
0x15: {  	[smem:$0x3FB5] =	sst s0;
	s0 =	simm.s32 @!p2 $0x0  }
0x16: {  	s3 =	sld [smem:$0x3FDB];
	s0 =	simm.s32 @p2 $0x1  }
0x17: {  	s4 =	simm.s32 $0x1BF5;
	[smem:$0x3FB7] =	sst s0  }
0x18: {  	s0 =	sld [smem:$0x3F9A];
	_ =	swait.ge [sflag:s4], $0x0  }
0x19: {  	s7 =	sld [smem:$0x3F9B]  }
0x1a: {  	s8 =	sadd.s32 $0xFFFFE003, lr  }
0x1b: {  	s9 =	sadd.s32 $0xFFFFFEF7, lr;
	s5 =	simm.s32 $0xFFFFFFFF;
	p2 =	slt.u32 s8, $0xFFFFF086  }
0x1c: {  	p1 =	slt.u32 s9, $0xF7A;
	s5 =	simm.s32 @!p2 $0x0  }
0x1d: {  	s5 =	simm.s32 @p1 $0x1;
	p0 =	seq.s32 s7, s2  }
0x1e: {  	s7 =	smul.u32 @!p0 $0xF7A, s2;
	p2 =	seq.s32 @!p0 s5, $0x0  }
0x1f: {  	s9 =	smul.u32 $0xF7A, s1;
	s8 =	simm.s32 @!p0 $0x1BF5;
	p2 =	por !p2, p0  }
0x20: {  	[sflag:s8] =	ssyncset.s32 @!p0 $0xFFFFF086;
	s6 =	sadd.s32 @!p0 s3, s7;
	s7 =	simm.s32 @!p0 $0x108  }
0x21: {  	s3 =	sadd.s32 s3, s9;
	s6 =	sadd.s32 @!p0 $0x88, s6;
	s7 =	simm.s32 @p2 $0x1082  }
0x22: {  	[simem:s7], [sflag:s8] =	dma.local @!p0 [hbm:s6], $0xF7A  }
0x23: {  	s9 =	sor.u32 $0xD0000000, s2;
	s6 =	simm.s32 $0x108;
	_ =	swait.ge @!p0 [sflag:s8], $0x0  }
0x24: {  	s3 =	sadd.s32 $0x88, s3;
	s6 =	simm.s32 @!p1 $0x1082;
	[sflag:s4] =	ssyncset.s32 $0xFFFFF086  }
0x25: {  	[simem:s6], [sflag:s4] =	dma.local [hbm:s3], $0xF7A  }
0x26: {  	[smem:$0x3F9B] =	sst s1;
	(tag) =	ssettag s2;
	_ =	strace s9  }
0x27: {  	s1 =	sld [smem:$0x3FAB]  }
0x28: {  	s2 =	sld [smem:$0x3FAC]  }
0x29: {  	s4 =	sld [smem:$0x3FAE]  }
0x2a: {  	p0 =	seq.s32 s5, $0x0;
	s5 =	sld [smem:$0x3FAF]  }
0x2b: {  	s6 =	sld [smem:$0x3FB0]  }
0x2c: {  	s7 =	sld [smem:$0x3FB1]  }
0x2d: {  	s3 =	simm.s32 $0x108;
	s8 =	sld [smem:$0x3FB2]  }
0x2e: {  	s3 =	simm.s32 @!p0 $0x1082;
	s9 =	sld [smem:$0x3FB3]  }
0x2f: {  	lr =	sadd.s32 s0, s3;
	s0 =	sld [smem:$0x3FAA]  }
0x30: {  	s3 =	sld [smem:$0x3FAD]  }
0x31: {  	[smem:$0x3FB6] =	sst s10  }
0x32: {  	s10 =	sld [smem:$0x3FB4];
	_ =	sdelay $0x3  }
0x33: {  	p0 =	seq.s32 s10, $0x1;
	s10 =	sld [smem:$0x3FB6];
	_ =	sdelay $0x3  }
0x34: {  	[smem:$0x3FB6] =	sst s10  }
0x35: {  	s10 =	sld [smem:$0x3FB5];
	_ =	sdelay $0x3  }
0x36: {  	p1 =	seq.s32 s10, $0x1;
	s10 =	sld [smem:$0x3FB6];
	_ =	sdelay $0x3  }
0x37: {  	[smem:$0x3FB6] =	sst s10  }
0x38: {  	s10 =	sld [smem:$0x3FB7]  }
0x39: {  	_ = 	snop;
	(pc) =	sbr.ind lr, $3  }
0x3a: {  	_ = 	snop  }
0x3b: {  	_ = 	snop  }
0x3c: {  	p2 =	seq.s32 s10, $0x1;
	s10 =	sld [smem:$0x3FB6]  }
0x3d: {  	_ =	shalt  }
0x3e: {  	_ =	shalt  }
0x3f: {  	_ =	shalt  }
0x40: {  	_ =	shalt  }
0x41: {  	_ =	shalt  }
0x42: {  	_ =	shalt  }
0x43: {  	_ =	shalt  }
0x44: {  	_ =	shalt  }
0x45: {  	_ =	shalt  }
0x46: {  	_ =	shalt  }
0x47: {  	_ =	shalt  }
0x48: {  	_ =	shalt  }
0x49: {  	_ =	shalt  }
0x4a: {  	_ =	shalt  }
0x4b: {  	_ =	shalt  }
0x4c: {  	_ =	shalt  }
0x4d: {  	_ =	shalt  }
0x4e: {  	_ =	shalt  }
0x4f: {  	_ =	shalt  }
0x50: {  	_ =	shalt  }
0x51: {  	_ =	shalt  }
0x52: {  	_ =	shalt  }
0x53: {  	_ =	shalt  }
0x54: {  	_ =	shalt  }
0x55: {  	_ =	shalt  }
0x56: {  	_ =	shalt  }
0x57: {  	_ =	shalt  }
0x58: {  	_ =	shalt  }
0x59: {  	_ =	shalt  }
0x5a: {  	_ =	shalt  }
0x5b: {  	_ =	shalt  }
0x5c: {  	_ =	shalt  }
0x5d: {  	_ =	shalt  }
0x5e: {  	_ =	shalt  }
0x5f: {  	_ =	shalt  }
0x60: {  	_ =	shalt  }
0x61: {  	_ =	shalt  }
0x62: {  	_ =	shalt  }
0x63: {  	_ =	shalt  }
0x64: {  	_ =	shalt  }
0x65: {  	_ =	shalt  }
0x66: {  	_ =	shalt  }
0x67: {  	_ =	shalt  }
0x68: {  	_ =	shalt  }
0x69: {  	_ =	shalt  }
0x6a: {  	_ =	shalt  }
0x6b: {  	_ =	shalt  }
0x6c: {  	_ =	shalt  }
0x6d: {  	_ =	shalt  }
0x6e: {  	_ =	shalt  }
0x6f: {  	_ =	shalt  }
0x70: {  	_ =	shalt  }
0x71: {  	_ =	shalt  }
0x72: {  	_ =	shalt  }
0x73: {  	_ =	shalt  }
0x74: {  	_ =	shalt  }
0x75: {  	_ =	shalt  }
0x76: {  	_ =	shalt  }
0x77: {  	_ =	shalt  }
0x78: {  	_ =	shalt  }
0x79: {  	_ =	shalt  }
0x7a: {  	_ =	shalt  }
0x7b: {  	_ =	shalt  }
0x7c: {  	_ =	shalt  }
0x7d: {  	_ =	shalt  }
0x7e: {  	_ =	shalt  }
0x7f: {  	_ =	shalt  }
0x80: {  	_ =	shalt  }
0x81: {  	_ =	shalt  }
0x82: {  	_ =	shalt  }
0x83: {  	_ =	shalt  }
0x84: {  	_ =	shalt  }
0x85: {  	_ =	shalt  }
0x86: {  	_ =	shalt  }
0x87: {  	_ =	shalt  }
.Lfunc_end0:
.L_simem_size_0:
called_computation.1_lowered:
.L_overlay_start_0:
0x88: {  	s2 =	sld [smem:$0x3FD9]  }
0x89: {  	s3 =	sld [smem:$0x3FFE];
	_ =	sdelay $0x1  }
0x8a: {  	s1 =	srdreg.scid  }
0x8b: {  	s0 =	sand.u32 $0x1, s1  }
0x8c: {  	s16 =	sshll.u32 s0, $0xA;
	s2 =	sadd.s32 s3, s2  }
0x8d: {  	s2 =	sadd.s32 s2, s16  }
0x8e: {  	[smem:$0x3FC2] =	sst s2  }
0x8f: {  	_ = 	snop  }
0x90: {  	(tm) =	ssettm $0x1  }
0x91: {  	s17 =	sld [smem:$0x3FFB];
	_ =	sdelay $0x3  }
0x92: {  	_ =	strace s17  }
0x93: {  	s2 =	sld [smem:$0x3FFC];
	_ =	sdelay $0x3  }
0x94: {  	_ =	strace s2  }
0x95: {  	s2 =	sld [smem:$0x3FFD];
	_ =	sdelay $0x3  }
0x96: {  	_ =	strace s2  }
0x97: {  	_ =	strace $0x8FFFFFFF  }
0x98: {  	s18 =	sld [smem:$0x3FDB];
	_ =	sdelay $0x1  }
0x99: {  	s19 =	simm.s32 $_scs_section_size  }
0x9a: {  	s4 =	simm.s32 $_size__tile_overlayer_lowered;
	s5 =	simm.s32 $_tile_overlayer_lowered  }
0x9b: {  	s22 =	simm.s32 $0x1BFF;
	s21 =	sshll.u32 s5, $0x1;
	s2 =	sadd.s32 s19, s18  }
0x9c: {  	s6 =	simm.s32 $0x0;
	s20 =	sshll.u32 s4, $0x1;
	s4 =	sadd.s32 s21, s2  }
0x9d: {  	[timem:s6], [sflag:s22] =	dma.local [hbm:s4], s20  }
0x9e: {  	_ =	swait.ge [sflag:s22], s20  }
0x9f: {  	s3 =	ssub.s32 $0x0, s20;
	[sflag:s22] =	ssyncset.done $0x0  }
0xa0: {  	[sflag:s22] =	ssyncadd.s32 s3;
	_ =	sdelay $0x1  }
0xa1: {  	s23 =	simm.s32 $0x1B8B  }
0xa2: {  	_ =	swait.ge [sflag:s23], $0x1  }
0xa3: {  	[sflag:s23] =	ssyncset.done $0x0  }
0xa4: {  	s25 =	simm.s32 $0x1B8E;
	s24 =	sld [smem:$0x3FFE];
	[sflag:s23] =	ssyncadd.s32 $0xFFFFFFFF  }
0xa5: {  	s26 =	simm.s32 $execute0_lowered;
	[smem:$0x3FD2] =	sst s25  }
0xa6: {  	s4 =	sshll.u32 s26, $0x1;
	_ =	strace $0x80000049;
	[dreg:$0x1] =	wrdreg $0xFFFFFFFF  }
0xa7: {  	s28 =	simm.s32 $_size_execute0_lowered;
	s2 =	sadd.s32 s2, s4;
	[dreg:$0x0] =	wrdreg $0x0  }
0xa8: {  	s4 =	sshll.u32 s28, $0x1;
	[dreg:$0x2] =	wrdreg s2  }
0xa9: {  	[dreg:$0x3] =	wrdreg s4  }
0xaa: {  	[dreg:$0x4] =	wrdreg $0xC0  }
0xab: {  	_ =	task [dreg:s6], $0x5FFFF  }
0xac: {  	[dreg:$0x1] =	wrdreg $0xFFFFFFFF  }
0xad: {  	[dreg:$0x0] =	wrdreg $0x60  }
0xae: {  	[dreg:$0x2] =	wrdreg s24  }
0xaf: {  	[dreg:$0x3] =	wrdreg $0x1D1000  }
0xb0: {  	[dreg:$0x4] =	wrdreg $0xE1000  }
0xb1: {  	[dreg:$0x5] =	wrdreg $0x131000  }
0xb2: {  	[dreg:$0x6] =	wrdreg $0x181000  }
0xb3: {  	[dreg:$0x7] =	wrdreg $0x9  }
0xb4: {  	_ =	task.clear_ibuf [dreg:s6], $0x8FFFF;
	_ =	strace $0x90000049  }
0xb5: {  	s29 =	simm.s32 $0x9;
	_ =	strace $0x8000004B  }
0xb6: {  	_ =	swait.ge [sflag:s29], $0x1  }
0xb7: {  	[sflag:s29] =	ssyncadd.s32 $0xFFFFFFFF  }
0xb8: {  	_ =	strace $0x9000004B  }
0xb9: {  	_ =	sfence  }
0xba: {  	s30 =	sld [smem:$0x0];
	_ =	sdelay $0x2  }
0xbb: {  	s31 =	sshll.u32 s1, $0xD;
	s1 =	sshrl.u32 s1, $0x2  }
0xbc: {  	s3 =	sand.u32 $0x4000, s31;
	s1 =	sadd.s32 s1, s30  }
0xbd: {  	s0 =	sor.u32 s3, s0;
	s1 =	sshll.u32 s1, $0x11  }
0xbe: {  	s0 =	sor.u32 s1, s0  }
0xbf: {  	s0 =	sadd.s32 $0x8F2B, s0  }
0xc0: {  	[sflag:s0] =	ssyncadd.remote.s32 $0x1  }
0xc1: {  	_ =	sfence.sel $0xFFFF  }
0xc2: {  	[dreg:$0x0] =	wrdreg $0xFFFFFFFF;
	(pc) =	sbr.abs _section_cstart, $3  }
0xc3: {  	[dreg:$0x1] =	wrdreg $0xFFFFFFFF  }
0xc4: {  	_ =	task.clear_ibuf [dreg:s6], $0x2FFFF;
	_ =	strace $0x9FFFFFFF  }
0xc5: {  	(tm) =	ssettm $0x7FFFFFFF  }
tec
execute0_lowered:
.L_overlay_start_1:
0x0: {  	(tag) =	ssettag $0x1  }
0x1: {  	s0 =	rddreg [dreg:$0x0]  }
0x2: {  	s1 =	rddreg [dreg:$0x1]  }
0x3: {  	s2 =	rddreg [dreg:$0x2]  }
0x4: {  	s3 =	rddreg [dreg:$0x3];
	s6 =	stileid.u32  }
0x5: {  	s4 =	rddreg [dreg:$0x4];
	s7 =	smul.u32 $0xA00, s6  }
0x6: {  	s5 =	srdreg.scid;
	s24 =	simm.s32 $0x0;
	s13 =	smul.u32 $0x280, s6  }
0x7: {  	s30 =	simm.s32 $0x4;
	s5 =	sand.u32 $0x1, s5;
	s16 =	smul.u32 $0xA000, s6  }
0x8: {  	s31 =	simm.s32 $0x9;
	[smem:$0x7FF] =	sst s24;
	s8 =	smul.u32 $0xA000, s5  }
0x9: {  	p0 =	sne.s32 s6, $0x0;
	_ =	strace $0x8000004A;
	s10 =	smul.u32 $0x140000, s5  }
0xa: {  	s11 =	smul.u32 $0x500, s5;
	s12 =	ssub.s32 $0x2, s5;
	s29 =	sshll.u32 s5, $0x7  }
0xb: {  	s9 =	sadd.s32 s7, s0;
	s7 =	sadd.s32 $0x2000, s0;
	s23 =	sshrl.u32 s12, $0x1  }
0xc: {  	s25 =	sadd.s32 s13, s1;
	s26 =	sadd.s32 $0x80, s13;
	s14 =	sadd.s32 $0x100, s13  }
0xd: {  	s15 =	sadd.s32 $0x180, s13;
	s8 =	sadd.s32 s8, s0;
	s10 =	sshrl.u32 s10, $0x4  }
0xe: {  	[dreg:$0x7] =	wrdreg s25;
	s17 =	sadd.s32 s26, s1;
	s28 =	sadd.s32 s14, s1  }
0xf: {  	s18 =	sadd.s32 s15, s1;
	s19 =	sshll.u32 s14, $0x5;
	[dreg:$0x8] =	wrdreg s17  }
0x10: {  	s10 =	sadd.s32 s10, s0;
	s0 =	sadd.s32 s11, s0;
	[dreg:$0x9] =	wrdreg s28  }
0x11: {  	s11 =	ssub.s32 s12, s23;
	[dreg:$0xa] =	wrdreg s18;
	s25 =	sadd.s32 s19, s2  }
0x12: {  	s12 =	sshll.u32 s26, $0x5;
	s26 =	sadd.s32 s19, s3;
	[dreg:$0x10] =	wrdreg s25  }
0x13: {  	s13 =	sadd.s32 $0x200, s13;
	s19 =	sadd.s32 $0xC000, s9;
	[dreg:$0x11] =	wrdreg s26  }
0x14: {  	s20 =	sshrl.u32 s16, $0x4;
	s18 =	sadd.s32 s12, s2;
	[dreg:$0x18] =	wrdreg s19  }
0x15: {  	s8 =	sadd.s32 $0x2C800, s8;
	s12 =	sadd.s32 s12, s3;
	[dreg:$0xb] =	wrdreg s18  }
0x16: {  	s28 =	sshll.u32 s15, $0x5;
	s8 =	sadd.s32 s20, s8;
	[dreg:$0xc] =	wrdreg s12  }
0x17: {  	s5 =	sor.u32 $0x5000, s29;
	s14 =	sadd.s32 s28, s2;
	[dreg:$0xd] =	wrdreg s8  }
0x18: {  	s17 =	sshrl.u32 s16, $0x1;
	s0 =	sadd.s32 $0x2600, s0;
	[dreg:$0x13] =	wrdreg s14  }
0x19: {  	s21 =	sadd.s32 $0x40800, s10;
	s25 =	sor.u32 $0x5200, s29;
	[dreg:$0x1b] =	wrdreg s0  }
0x1a: {  	s10 =	sadd.s32 $0x4A800, s10;
	s26 =	sadd.s32 s17, s3;
	[dreg:$0x1f] =	wrdreg s25  }
0x1b: {  	s19 =	simm.s32 $0xE080;
	s22 =	sadd.s32 s20, s21;
	[dreg:$0x1a] =	wrdreg s26  }
0x1c: {  	s23 =	sadd.s32 s20, s10;
	s12 =	sadd.s32 s13, s1;
	[dreg:$0xe] =	wrdreg s22  }
0x1d: {  	s13 =	sshll.u32 s13, $0x5;
	s8 =	sadd.s32 s28, s3;
	[dreg:$0xf] =	wrdreg s23  }
0x1e: {  	s18 =	sadd.s32 $0x22800, s9;
	s14 =	sadd.s32 s17, s2;
	[dreg:$0x12] =	wrdreg s12  }
0x1f: {  	s20 =	sadd.s32 s17, s4;
	s21 =	smax.u32 s11, $0x1;
	[dreg:$0x14] =	wrdreg s8  }
0x20: {  	s28 =	sor.u32 $0x100, s29;
	s11 =	simm.s32 $0xE000;
	[dreg:$0x17] =	wrdreg s18  }
0x21: {  	s17 =	simm.s32 $0xC000;
	s25 =	simm.s32 $0x6;
	[dreg:$0x1c] =	wrdreg s21  }
0x22: {  	s0 =	simm.s32 $0x8;
	s15 =	sadd.s32 s13, s2;
	[smem:$0x7FD] =	sst s28  }
0x23: {  	s16 =	sadd.s32 s13, s3;
	s22 =	sshrl.u32 s20, $0x3;
	[dreg:$0x19] =	wrdreg s14  }
.Ltmp0:
0x24: {  	s23 =	sor.u32 $0x5100, s29;
	[dreg:$0x15] =	wrdreg s15;
	(pc) =	sbr.rel .LBB2_1-.Ltmp0, $4  }
0x25: {  	s12 =	simm.s32 $0xA;
	s13 =	simm.s32 $0xA000;
	[dreg:$0x16] =	wrdreg s16  }
0x26: {  	s18 =	simm.s32 $0xD000;
	s20 =	simm.s32 $0x1;
	[dreg:$0x1d] =	wrdreg s22  }
0x27: {  	s21 =	simm.s32 $0x2;
	[dreg:$0x1e] =	wrdreg s23;
	s15 =	simm.s32 $0x80  }
0x28: {  	v0 =	vimm.f32 $0.0e+00;
	v1 =	vimm.bf16 $0.0e+00;
	s16 =	simm.s32 $0xB000;
	s22 =	simm.s32 $0x7;
	s23 =	simm.s32 $0x5  }
.LBB2_6:
0x29: {  	_ =	swait.ge [sflag:s0], $0x80  }
0x2a: {  	[sflag:s0] =	ssyncset.done $0x0  }
0x2b: {  	[sflag:s0] =	ssyncadd.s32 $0xFFFFFF80  }
0x2c: {  	[spmem:s1] =	stream.indirect.scatter.add.f32 [tilespmem:s19], [sflag:$0x9], $0x1, s24, s15, $0xb8;
	[tilespmem:$0x1D380] =	vst v63  }
0x2d: {  	_ =	swait.ge [sflag:s23], $0x1000  }
0x2e: {  	[sflag:s23] =	ssyncset.done $0x0  }
0x2f: {  	[sflag:s23] =	ssyncadd.s32 $0xFFFFF000  }
0x30: {  	_ =	swait.ge [sflag:s25], $0x1000  }
0x31: {  	[sflag:s25] =	ssyncset.done $0x0  }
0x32: {  	[sflag:s25] =	ssyncadd.s32 $0xFFFFF000  }
0x33: {  	_ =	swait.ge [sflag:s31], $0x80  }
0x34: {  	[sflag:s31] =	ssyncset.done $0x0  }
0x35: {  	[sflag:s31] =	ssyncadd.s32 $0xFFFFFF80  }
0x36: {  	[bflag:$0x0] =	sbarrier.arrive $0xFFFF  }
0x37: {  	s9 =	sld [smem:$0x7FC]  }
0x38: {  	s14 =	rddreg [dreg:$0x19]  }
0x39: {  	s8 =	rddreg [dreg:$0xe];
	s6 =	sshrl.u32 s14, $0x3  }
0x3a: {  	[hbm:s8], [sflag:s9] =	dma.local [spmem:s6], $0xA00  }
0x3b: {  	_ =	swait.ge [sflag:s12], $0xA00  }
0x3c: {  	[sflag:s12] =	ssyncset.done $0x0;
	s26 =	rddreg [dreg:$0x1a]  }
0x3d: {  	s28 =	rddreg [dreg:$0xf];
	[sflag:s12] =	ssyncadd.s32 $0xFFFFF600;
	s24 =	sshrl.u32 s26, $0x3  }
0x3e: {  	[hbm:s28], [sflag:s9] =	dma.local [spmem:s24], $0xA00  }
0x3f: {  	_ =	swait.ge [sflag:s12], $0xA00  }
0x40: {  	[sflag:s12] =	ssyncset.done $0x0  }
0x41: {  	s6 =	sshrl.u32 @!p0 s1, $0x3;
	s8 =	rddreg [dreg:$0x1b];
	[sflag:s12] =	ssyncadd.s32 $0xFFFFF600  }
0x42: {  	[hbm:s8], [sflag:s9] =	dma.local @!p0 [spmem:s6], $0x500  }
0x43: {  	s6 =	simm.s32 @!p0 $0xA  }
0x44: {  	_ =	swait.ge @!p0 [sflag:s6], $0x500  }
0x45: {  	s10 =	rddreg [dreg:$0x6]  }
0x46: {  	s28 =	rddreg [dreg:$0x1c];
	s24 =	sadd.s32 $0x1, s10  }
0x47: {  	p1 =	sne.s32 s24, s28  }
.Ltmp1:
0x48: {  	_ = 	snop;
	(pc) =	sbr.rel @!p1 .LBB2_7-.Ltmp1, $3  }
0x49: {  	_ =	sdelay $0x1  }
0x4a: {  	[sflag:s6] =	ssyncset.done @!p0 $0x0  }
0x4b: {  	[sflag:s6] =	ssyncadd.s32 @!p0 $0xFFFFFB00  }
.LBB2_1:
0x4c: {  	[tilespmem:$0xE000] =	vst v0  }
0x4d: {  	[tilespmem:$0xE010] =	vst v0  }
0x4e: {  	[tilespmem:$0xE020] =	vst v0  }
0x4f: {  	[tilespmem:$0xE030] =	vst v0  }
0x50: {  	[tilespmem:$0xE040] =	vst v0  }
0x51: {  	[tilespmem:$0xE050] =	vst v0  }
0x52: {  	[dreg:$0x6] =	wrdreg s24;
	[tilespmem:$0xE060] =	vst v0  }
0x53: {  	[tilespmem:$0xE070] =	vst v0;
	s6 =	rddreg [dreg:$0x7]  }
0x54: {  	[spmem:s6] =	stream.linear.scatter [tilespmem:s11], [sflag:$0xA], $0x80, $0x38;
	[tilespmem:$0x1D380] =	vst v63  }
0x55: {  	_ =	swait.ge [sflag:s12], $0x80  }
0x56: {  	[sflag:s12] =	ssyncset.done $0x0  }
0x57: {  	s9 =	rddreg [dreg:$0x8];
	[sflag:s12] =	ssyncadd.s32 $0xFFFFFF80  }
0x58: {  	[spmem:s9] =	stream.linear.scatter [tilespmem:s11], [sflag:$0xA], $0x80, $0x38;
	[tilespmem:$0x1D380] =	vst v63  }
0x59: {  	_ =	swait.ge [sflag:s12], $0x80  }
0x5a: {  	[sflag:s12] =	ssyncset.done $0x0  }
0x5b: {  	s10 =	rddreg [dreg:$0x9];
	[sflag:s12] =	ssyncadd.s32 $0xFFFFFF80  }
0x5c: {  	[spmem:s10] =	stream.linear.scatter [tilespmem:s11], [sflag:$0xA], $0x80, $0x38;
	[tilespmem:$0x1D380] =	vst v63  }
0x5d: {  	_ =	swait.ge [sflag:s12], $0x80  }
0x5e: {  	[sflag:s12] =	ssyncset.done $0x0  }
0x5f: {  	s24 =	rddreg [dreg:$0xa];
	[sflag:s12] =	ssyncadd.s32 $0xFFFFFF80  }
0x60: {  	[spmem:s24] =	stream.linear.scatter [tilespmem:s11], [sflag:$0xA], $0x80, $0x38;
	[tilespmem:$0x1D380] =	vst v63  }
0x61: {  	_ =	swait.ge [sflag:s12], $0x80  }
0x62: {  	[sflag:s12] =	ssyncset.done $0x0  }
0x63: {  	s28 =	rddreg [dreg:$0x12];
	[sflag:s12] =	ssyncadd.s32 $0xFFFFFF80  }
0x64: {  	[spmem:s28] =	stream.linear.scatter [tilespmem:s11], [sflag:$0xA], $0x80, $0x38;
	[tilespmem:$0x1D380] =	vst v63  }
0x65: {  	_ =	swait.ge [sflag:s12], $0x80  }
0x66: {  	[sflag:s12] =	ssyncset.done $0x0  }
0x67: {  	s8 =	simm.s32 $0x80;
	s9 =	simm.s32 $0x0;
	[sflag:s12] =	ssyncadd.s32 $0xFFFFFF80  }
.LBB2_2:
0x68: {  	p1 =	sne.s32 s8, $0x3F80;
	[tilespmem:s9+$0xA000] =	vst v1;
	s10 =	smov.u32 s8;
	s8 =	sadd.s32 $0x80, s8  }
.Ltmp2:
0x69: {  	[tilespmem:s9+$0xA010] =	vst v1;
	(pc) =	sbr.rel @p1 .LBB2_2-.Ltmp2, $2  }
0x6a: {  	_ =	sdelay $0x2  }
0x6b: {  	s9 =	sshra.s32 s10, $0x2  }
0x6c: {  	[tilespmem:s9+$0xA000] =	vst v1  }
0x6d: {  	[tilespmem:s9+$0xA010] =	vst v1  }
0x6e: {  	[spmem:s14] =	stream.linear.scatter [tilespmem:s13], [sflag:$0xA], $0x1000, $0x38;
	[tilespmem:$0x1D380] =	vst v63  }
0x6f: {  	_ =	swait.ge [sflag:s12], $0x1000  }
0x70: {  	[sflag:s12] =	ssyncset.done $0x0  }
0x71: {  	[sflag:s12] =	ssyncadd.s32 $0xFFFFF000  }
0x72: {  	[spmem:s26] =	stream.linear.scatter [tilespmem:s13], [sflag:$0xA], $0x1000, $0x38;
	[tilespmem:$0x1D380] =	vst v63  }
0x73: {  	_ =	swait.ge [sflag:s12], $0x1000  }
0x74: {  	[sflag:s12] =	ssyncset.done $0x0  }
0x75: {  	s6 =	rddreg [dreg:$0xb];
	[sflag:s12] =	ssyncadd.s32 $0xFFFFF000  }
0x76: {  	[spmem:s6] =	stream.linear.scatter [tilespmem:s13], [sflag:$0xA], $0x1000, $0x38;
	[tilespmem:$0x1D380] =	vst v63  }
0x77: {  	_ =	swait.ge [sflag:s12], $0x1000  }
0x78: {  	[sflag:s12] =	ssyncset.done $0x0  }
0x79: {  	s24 =	rddreg [dreg:$0xc];
	[sflag:s12] =	ssyncadd.s32 $0xFFFFF000  }
0x7a: {  	[spmem:s24] =	stream.linear.scatter [tilespmem:s13], [sflag:$0xA], $0x1000, $0x38;
	[tilespmem:$0x1D380] =	vst v63  }
0x7b: {  	_ =	swait.ge [sflag:s12], $0x1000  }
0x7c: {  	[sflag:s12] =	ssyncset.done $0x0  }
0x7d: {  	s26 =	rddreg [dreg:$0x10];
	[sflag:s12] =	ssyncadd.s32 $0xFFFFF000  }
0x7e: {  	[spmem:s26] =	stream.linear.scatter [tilespmem:s13], [sflag:$0xA], $0x1000, $0x38;
	[tilespmem:$0x1D380] =	vst v63  }
0x7f: {  	_ =	swait.ge [sflag:s12], $0x1000  }
0x80: {  	[sflag:s12] =	ssyncset.done $0x0  }
0x81: {  	s28 =	rddreg [dreg:$0x11];
	[sflag:s12] =	ssyncadd.s32 $0xFFFFF000  }
0x82: {  	[spmem:s28] =	stream.linear.scatter [tilespmem:s13], [sflag:$0xA], $0x1000, $0x38;
	[tilespmem:$0x1D380] =	vst v63  }
0x83: {  	_ =	swait.ge [sflag:s12], $0x1000  }
0x84: {  	[sflag:s12] =	ssyncset.done $0x0  }
0x85: {  	s8 =	rddreg [dreg:$0x13];
	[sflag:s12] =	ssyncadd.s32 $0xFFFFF000  }
0x86: {  	[spmem:s8] =	stream.linear.scatter [tilespmem:s13], [sflag:$0xA], $0x1000, $0x38;
	[tilespmem:$0x1D380] =	vst v63  }
0x87: {  	_ =	swait.ge [sflag:s12], $0x1000  }
0x88: {  	[sflag:s12] =	ssyncset.done $0x0  }
0x89: {  	s9 =	rddreg [dreg:$0x14];
	[sflag:s12] =	ssyncadd.s32 $0xFFFFF000  }
0x8a: {  	[spmem:s9] =	stream.linear.scatter [tilespmem:s13], [sflag:$0xA], $0x1000, $0x38;
	[tilespmem:$0x1D380] =	vst v63  }
0x8b: {  	_ =	swait.ge [sflag:s12], $0x1000  }
0x8c: {  	[sflag:s12] =	ssyncset.done $0x0  }
0x8d: {  	s10 =	rddreg [dreg:$0x15];
	[sflag:s12] =	ssyncadd.s32 $0xFFFFF000  }
0x8e: {  	[spmem:s10] =	stream.linear.scatter [tilespmem:s13], [sflag:$0xA], $0x1000, $0x38;
	[tilespmem:$0x1D380] =	vst v63  }
0x8f: {  	_ =	swait.ge [sflag:s12], $0x1000  }
0x90: {  	[sflag:s12] =	ssyncset.done $0x0  }
0x91: {  	s14 =	rddreg [dreg:$0x16];
	[sflag:s12] =	ssyncadd.s32 $0xFFFFF000  }
0x92: {  	[spmem:s14] =	stream.linear.scatter [tilespmem:s13], [sflag:$0xA], $0x1000, $0x38;
	[tilespmem:$0x1D380] =	vst v63  }
0x93: {  	_ =	swait.ge [sflag:s12], $0x1000  }
0x94: {  	[sflag:s12] =	ssyncset.done $0x0  }
0x95: {  	s14 =	simm.s32 $0x0;
	s24 =	rddreg [dreg:$0x17];
	[sflag:s12] =	ssyncadd.s32 $0xFFFFF000  }
0x96: {  	[tilespmem:s14], [sflag:$0xA] =	stream.linear.gather [hbm4b:s24+s14], $0x5000, $0x38;
	[tilespmem:$0x1D380] =	vst v63  }
0x97: {  	_ =	swait.ge [sflag:s12], $0x5000  }
0x98: {  	s28 =	stileid.u32;
	[sflag:s12] =	ssyncset.done $0x0  }
0x99: {  	s9 =	simm.s32 $0x5000;
	s26 =	rddreg [dreg:$0x18];
	[sflag:s12] =	ssyncadd.s32 $0xFFFFB000  }
0x9a: {  	[tilespmem:s9], [sflag:$0xA] =	stream.linear.gather [hbm4b:s26+s14], $0x5000, $0x38;
	[tilespmem:$0x1D380] =	vst v63  }
0x9b: {  	s8 =	sshll.u32 s28, $0x6;
	_ =	swait.ge [sflag:s12], $0x5000  }
0x9c: {  	s10 =	sor.u32 $0x1C0A, s8;
	s8 =	rddreg [dreg:$0xd]  }
0x9d: {  	[sflag:s12] =	ssyncset.done $0x0;
	s24 =	rddreg [dreg:$0x1d]  }
0x9e: {  	[smem:$0x7FC] =	sst s10;
	[sflag:s12] =	ssyncadd.s32 $0xFFFFB000  }
0x9f: {  	[spmem:s24], [sflag:s10] =	dma.local [hbm:s8], $0xA00  }
0xa0: {  	_ =	swait.ge [sflag:s12], $0xA00  }
0xa1: {  	[sflag:s12] =	ssyncset.done $0x0  }
0xa2: {  	[sflag:s12] =	ssyncadd.s32 $0xFFFFF600  }
0xa3: {  	[bflag:$0x0] =	sbarrier.arrive $0xFFFF  }
0xa4: {  	[tilespmem:s13], [sflag:$0x1] =	stream.indirect.gather [spmem:s4], $0x20, s14, s15, $0xb8;
	[tilespmem:$0x1D380] =	vst v63  }
0xa5: {  	_ = 	snop  }
0xa6: {  	[tilespmem:s16], [sflag:$0x2] =	stream.indirect.gather [spmem:s4], $0x20, s15, s15, $0xb8;
	[tilespmem:$0x1D380] =	vst v63  }
0xa7: {  	s26 =	simm.s32 $0x100  }
0xa8: {  	[tilespmem:s17], [sflag:$0x3] =	stream.indirect.gather [spmem:s4], $0x20, s26, s15, $0xb8;
	[tilespmem:$0x1D380] =	vst v63  }
0xa9: {  	s28 =	simm.s32 $0x180  }
0xaa: {  	[tilespmem:s18], [sflag:$0x4] =	stream.indirect.gather [spmem:s4], $0x20, s28, s15, $0xb8;
	[tilespmem:$0x1D380] =	vst v63  }
0xab: {  	_ = 	snop  }
0xac: {  	[tilespmem:s11], [sflag:$0x7] =	stream.indirect.gather [hbm4b:s7+s15], $0x1, s5, s15, $0xb8;
	[tilespmem:$0x1D380] =	vst v63  }
0xad: {  	s8 =	rddreg [dreg:$0x1e]  }
0xae: {  	[tilespmem:s19], [sflag:$0x8] =	stream.indirect.gather [hbm4b:s7+s15], $0x1, s8, s15, $0xb8;
	[tilespmem:$0x1D380] =	vst v63  }
0xaf: {  	_ =	swait.ge [sflag:s20], $0x1000  }
0xb0: {  	[sflag:s20] =	ssyncset.done $0x0  }
0xb1: {  	[sflag:s20] =	ssyncadd.s32 $0xFFFFF000  }
0xb2: {  	[spmem:s2] =	stream.indirect.scatter.add.bf16 [tilespmem:s13], [sflag:$0x5], $0x20, s9, s15, $0xb8;
	[tilespmem:$0x1D380] =	vst v63  }
0xb3: {  	_ =	swait.ge [sflag:s21], $0x1000  }
0xb4: {  	[sflag:s21] =	ssyncset.done $0x0  }
0xb5: {  	s10 =	simm.s32 $0x5080;
	[sflag:s21] =	ssyncadd.s32 $0xFFFFF000  }
0xb6: {  	[spmem:s3] =	stream.indirect.scatter.add.bf16 [tilespmem:s16], [sflag:$0x6], $0x20, s10, s15, $0xb8;
	[tilespmem:$0x1D380] =	vst v63  }
0xb7: {  	_ =	swait.ge [sflag:s22], $0x80  }
0xb8: {  	[sflag:s22] =	ssyncset.done $0x0  }
0xb9: {  	[sflag:s22] =	ssyncadd.s32 $0xFFFFFF80  }
0xba: {  	[spmem:s1] =	stream.indirect.scatter.add.f32 [tilespmem:s11], [sflag:$0x9], $0x1, s29, s15, $0xb8;
	[tilespmem:$0x1D380] =	vst v63  }
0xbb: {  	_ =	swait.ge [sflag:s23], $0x1000  }
0xbc: {  	[sflag:s23] =	ssyncset.done $0x0  }
0xbd: {  	s24 =	simm.s32 $0x200;
	s26 =	simm.s32 $0x3;
	[sflag:s23] =	ssyncadd.s32 $0xFFFFF000  }
0xbe: {  	[tilespmem:s13], [sflag:$0x1] =	stream.indirect.gather [spmem:s4], $0x20, s24, s15, $0xb8;
	[tilespmem:$0x1D380] =	vst v63  }
0xbf: {  	_ =	swait.ge [sflag:s26], $0x1000  }
0xc0: {  	[sflag:s26] =	ssyncset.done $0x0  }
0xc1: {  	s28 =	simm.s32 $0x5100;
	[sflag:s26] =	ssyncadd.s32 $0xFFFFF000  }
0xc2: {  	[spmem:s2] =	stream.indirect.scatter.add.bf16 [tilespmem:s17], [sflag:$0x5], $0x20, s28, s15, $0xb8;
	[tilespmem:$0x1D380] =	vst v63  }
0xc3: {  	_ =	swait.ge [sflag:s25], $0x1000  }
0xc4: {  	[sflag:s25] =	ssyncset.done $0x0  }
0xc5: {  	s8 =	simm.s32 $0x280;
	[sflag:s25] =	ssyncadd.s32 $0xFFFFF000  }
0xc6: {  	[tilespmem:s16], [sflag:$0x2] =	stream.indirect.gather [spmem:s4], $0x20, s8, s15, $0xb8;
	[tilespmem:$0x1D380] =	vst v63  }
0xc7: {  	_ =	swait.ge [sflag:s30], $0x1000  }
0xc8: {  	[sflag:s30] =	ssyncset.done $0x0  }
0xc9: {  	s9 =	simm.s32 $0x5180;
	[sflag:s30] =	ssyncadd.s32 $0xFFFFF000  }
0xca: {  	[spmem:s3] =	stream.indirect.scatter.add.bf16 [tilespmem:s18], [sflag:$0x6], $0x20, s9, s15, $0xb8;
	[tilespmem:$0x1D380] =	vst v63  }
0xcb: {  	_ =	swait.ge [sflag:s31], $0x80  }
0xcc: {  	[sflag:s31] =	ssyncset.done $0x0  }
0xcd: {  	s10 =	rddreg [dreg:$0x1f];
	[sflag:s31] =	ssyncadd.s32 $0xFFFFFF80  }
0xce: {  	[tilespmem:s11], [sflag:$0x7] =	stream.indirect.gather [hbm4b:s7+s15], $0x1, s10, s15, $0xb8;
	[tilespmem:$0x1D380] =	vst v63  }
0xcf: {  	_ =	swait.ge [sflag:s0], $0x80  }
0xd0: {  	s24 =	sld [smem:$0x7FD]  }
0xd1: {  	[sflag:s0] =	ssyncset.done $0x0  }
0xd2: {  	[sflag:s0] =	ssyncadd.s32 $0xFFFFFF80  }
0xd3: {  	[spmem:s1] =	stream.indirect.scatter.add.f32 [tilespmem:s19], [sflag:$0x9], $0x1, s24, s15, $0xb8;
	[tilespmem:$0x1D380] =	vst v63  }
0xd4: {  	_ =	swait.ge [sflag:s23], $0x1000  }
0xd5: {  	[sflag:s23] =	ssyncset.done $0x0  }
0xd6: {  	s26 =	simm.s32 $0x300;
	[sflag:s23] =	ssyncadd.s32 $0xFFFFF000  }
0xd7: {  	[tilespmem:s17], [sflag:$0x3] =	stream.indirect.gather [spmem:s4], $0x20, s26, s15, $0xb8;
	[tilespmem:$0x1D380] =	vst v63  }
0xd8: {  	_ =	swait.ge [sflag:s25], $0x1000  }
0xd9: {  	[sflag:s25] =	ssyncset.done $0x0  }
0xda: {  	s28 =	simm.s32 $0x380;
	[sflag:s25] =	ssyncadd.s32 $0xFFFFF000  }
0xdb: {  	[tilespmem:s18], [sflag:$0x4] =	stream.indirect.gather [spmem:s4], $0x20, s28, s15, $0xb8;
	[tilespmem:$0x1D380] =	vst v63  }
.LBB2_4:
0xdc: {  	_ =	swait.ge [sflag:s20], $0x1000  }
0xdd: {  	s9 =	sshra.s32 s14, $0x2;
	[sflag:s20] =	ssyncset.done $0x0  }
0xde: {  	s10 =	sadd.s32 $0x5200, s9;
	[sflag:s20] =	ssyncadd.s32 $0xFFFFF000  }
0xdf: {  	[spmem:s2] =	stream.indirect.scatter.add.bf16 [tilespmem:s13], [sflag:$0x5], $0x20, s10, s15, $0xb8;
	[tilespmem:$0x1D380] =	vst v63  }
0xe0: {  	_ =	swait.ge [sflag:s21], $0x1000  }
0xe1: {  	[sflag:s21] =	ssyncset.done $0x0  }
0xe2: {  	s26 =	sadd.s32 $0x5280, s9;
	[sflag:s21] =	ssyncadd.s32 $0xFFFFF000  }
0xe3: {  	[spmem:s3] =	stream.indirect.scatter.add.bf16 [tilespmem:s16], [sflag:$0x6], $0x20, s26, s15, $0xb8;
	[tilespmem:$0x1D380] =	vst v63  }
0xe4: {  	_ =	swait.ge [sflag:s31], $0x80  }
0xe5: {  	s10 =	sadd.s32 s9, s5;
	[sflag:s31] =	ssyncset.done $0x0  }
0xe6: {  	s24 =	sadd.s32 $0x300, s10;
	[sflag:s31] =	ssyncadd.s32 $0xFFFFFF80  }
0xe7: {  	[tilespmem:s19], [sflag:$0x8] =	stream.indirect.gather [hbm4b:s7+s15], $0x1, s24, s15, $0xb8;
	[tilespmem:$0x1D380] =	vst v63  }
0xe8: {  	_ =	swait.ge [sflag:s22], $0x80  }
0xe9: {  	s24 =	sadd.s32 s9, s29;
	[sflag:s22] =	ssyncset.done $0x0  }
0xea: {  	s26 =	sadd.s32 $0x200, s24;
	[sflag:s22] =	ssyncadd.s32 $0xFFFFFF80  }
0xeb: {  	[spmem:s1] =	stream.indirect.scatter.add.f32 [tilespmem:s11], [sflag:$0x9], $0x1, s26, s15, $0xb8;
	[tilespmem:$0x1D380] =	vst v63  }
0xec: {  	_ =	swait.ge [sflag:s23], $0x1000  }
0xed: {  	p1 =	seq.s32 s14, $0x13000;
	[sflag:s23] =	ssyncset.done $0x0  }
0xee: {  	s26 =	simm.s32 @p1 $0x3;
	[sflag:s23] =	ssyncadd.s32 $0xFFFFF000  }
0xef: {  	_ =	swait.ge @p1 [sflag:s26], $0x1000  }
0xf0: {  	s28 =	simm.s32 @p1 $0x9F00;
	[sflag:s26] =	ssyncset.done @p1 $0x0  }
0xf1: {  	s6 =	simm.s32 @p1 $0xC000;
	[sflag:s26] =	ssyncadd.s32 @p1 $0xFFFFF000;
	s26 =	simm.s32 @p1 $0x80  }
0xf2: {  	[spmem:s2] =	stream.indirect.scatter.add.bf16 @p1 [tilespmem:s6], [sflag:$0x5], $0x20, s28, s26, $0xb8;
	[tilespmem:$0x1D380] =	vst v63  }
0xf3: {  	s6 =	simm.s32 @p1 $0x6  }
0xf4: {  	_ =	swait.ge @p1 [sflag:s6], $0x1000  }
0xf5: {  	[sflag:s6] =	ssyncset.done @p1 $0x0  }
0xf6: {  	[sflag:s6] =	ssyncadd.s32 @p1 $0xFFFFF000;
	s6 =	sshra.s32 @!p1 s14, $0x2  }
0xf7: {  	s8 =	simm.s32 @!p1 $0xA000;
	s28 =	simm.s32 @!p1 $0x80;
	s26 =	sadd.s32 @!p1 $0x400, s6  }
0xf8: {  	[tilespmem:s8], [sflag:$0x1] =	stream.indirect.gather @!p1 [spmem:s4], $0x20, s26, s28, $0xb8;
	[tilespmem:$0x1D380] =	vst v63  }
0xf9: {  	s8 =	simm.s32 @!p1 $0x3  }
0xfa: {  	_ =	swait.ge @!p1 [sflag:s8], $0x1000  }
0xfb: {  	[sflag:s8] =	ssyncset.done @!p1 $0x0  }
0xfc: {  	s26 =	simm.s32 @!p1 $0xC000;
	[sflag:s8] =	ssyncadd.s32 @!p1 $0xFFFFF000;
	s8 =	sadd.s32 @!p1 $0x5300, s6  }
0xfd: {  	[spmem:s2] =	stream.indirect.scatter.add.bf16 @!p1 [tilespmem:s26], [sflag:$0x5], $0x20, s8, s28, $0xb8;
	[tilespmem:$0x1D380] =	vst v63  }
0xfe: {  	s8 =	simm.s32 @!p1 $0x6  }
0xff: {  	_ =	swait.ge @!p1 [sflag:s8], $0x1000  }
0x100: {  	[sflag:s8] =	ssyncset.done @!p1 $0x0  }
0x101: {  	s6 =	sadd.s32 @!p1 $0x480, s6;
	[sflag:s8] =	ssyncadd.s32 @!p1 $0xFFFFF000;
	s8 =	simm.s32 @!p1 $0xB000  }
0x102: {  	[tilespmem:s8], [sflag:$0x2] =	stream.indirect.gather @!p1 [spmem:s4], $0x20, s6, s28, $0xb8;
	[tilespmem:$0x1D380] =	vst v63  }
0x103: {  	_ =	swait.ge [sflag:s30], $0x1000  }
0x104: {  	[sflag:s30] =	ssyncset.done $0x0  }
.Ltmp3:
0x105: {  	s28 =	sadd.s32 $0x5380, s9;
	[sflag:s30] =	ssyncadd.s32 $0xFFFFF000;
	(pc) =	sbr.rel @p1 .LBB2_6-.Ltmp3, $4  }
0x106: {  	[spmem:s3] =	stream.indirect.scatter.add.bf16 [tilespmem:s18], [sflag:$0x6], $0x20, s28, s15, $0xb8;
	[tilespmem:$0x1D380] =	vst v63  }
0x107: {  	_ =	swait.ge [sflag:s31], $0x80  }
0x108: {  	[sflag:s31] =	ssyncset.done $0x0  }
0x109: {  	s24 =	sadd.s32 $0x300, s24;
	[sflag:s31] =	ssyncadd.s32 $0xFFFFFF80  }
0x10a: {  	s6 =	sadd.s32 $0x400, s10  }
0x10b: {  	[tilespmem:s11], [sflag:$0x7] =	stream.indirect.gather [hbm4b:s7+s15], $0x1, s6, s15, $0xb8;
	[tilespmem:$0x1D380] =	vst v63  }
0x10c: {  	_ =	swait.ge [sflag:s0], $0x80  }
0x10d: {  	[sflag:s0] =	ssyncset.done $0x0  }
0x10e: {  	[sflag:s0] =	ssyncadd.s32 $0xFFFFFF80  }
0x10f: {  	[spmem:s1] =	stream.indirect.scatter.add.f32 [tilespmem:s19], [sflag:$0x9], $0x1, s24, s15, $0xb8;
	[tilespmem:$0x1D380] =	vst v63  }
0x110: {  	_ =	swait.ge [sflag:s23], $0x1000  }
0x111: {  	[sflag:s23] =	ssyncset.done $0x0  }
0x112: {  	s26 =	sadd.s32 $0x500, s9;
	[sflag:s23] =	ssyncadd.s32 $0xFFFFF000  }
0x113: {  	[tilespmem:s17], [sflag:$0x3] =	stream.indirect.gather [spmem:s4], $0x20, s26, s15, $0xb8;
	[tilespmem:$0x1D380] =	vst v63  }
.Ltmp4:
0x114: {  	_ = 	snop;
	(pc) =	sbr.rel .LBB2_4-.Ltmp4, $4  }
0x115: {  	_ =	swait.ge [sflag:s25], $0x1000  }
0x116: {  	[sflag:s25] =	ssyncset.done $0x0  }
0x117: {  	s28 =	sadd.s32 $0x580, s9;
	s14 =	sadd.s32 $0x800, s14;
	[sflag:s25] =	ssyncadd.s32 $0xFFFFF000  }
0x118: {  	[tilespmem:s18], [sflag:$0x4] =	stream.indirect.gather [spmem:s4], $0x20, s28, s15, $0xb8;
	[tilespmem:$0x1D380] =	vst v63  }
.LBB2_7:
0x119: {  	_ =	sfence.sel $0x180000  }
0x11a: {  	[bflag:$0x0] =	sbarrier.arrive $0xFFFF  }
0x11b: {  	_ =	strace $0x9000004A  }
0x11c: {  	[bflag:$0x2] =	sbarrier.arrive $0xFFFF  }
0x11d: {  	s0 =	rddreg [dreg:$0x5]  }
0x11e: {  	s0 =	sadd.s32 @!p0 $0x100000, s0  }
0x11f: {  	[sflag:s0] =	ssyncadd.tile.s32 @!p0 $0x1;
	_ =	shalt  }
.Lfunc_end2:
_tile_overlayer_lowered:
.L_overlay_start_2:
0x120: {  	(tag) =	ssettag $0x2  }
0x121: {  	s0 =	rddreg [dreg:$0x0];
	s2 =	stileid.u32  }
0x122: {  	s1 =	rddreg [dreg:$0x1];
	p0 =	sne.s32 s2, $0x0  }
0x123: {  	s3 =	rddreg [dreg:$0x2];
	[bflag:$0x3] =	sbarrier.arrive $0xFFFF;
	s2 =	simm.s32 @!p0 $0x1C0A  }
0x124: {  	[timem:s3], [sflag:s2] =	dma.local @!p0 [hbm:s0], s1  }
0x125: {  	s0 =	simm.s32 @!p0 $0xA  }
0x126: {  	_ =	swait.ge @!p0 [sflag:s0], s1  }
0x127: {  	s1 =	ssub.s32 @!p0 $0x0, s1;
	[sflag:s0] =	ssyncset.done @!p0 $0x0  }
0x128: {  	[sflag:s0] =	ssyncadd.s32 @!p0 s1  }
0x129: {  	[bflag:$0x3] =	sbarrier.arrive $0xFFFF  }
0x12a: {  	_ =	shalt  }

</sc_bundles>
